<compile_context>
chip_gen: v7x
topology: tpu7x:2x2x1
jax: 0.10.2.dev20260603
libtpu: 0.0.44.dev20260713+nightly
codegen_flags: <defaults>
</compile_context>

<pallas_src>
import functools

import jax
import jax.numpy as jnp
from jax import lax
from jax.experimental import pallas as pl
from jax.experimental.pallas import tpu as pltpu
from jax.experimental.pallas import tpu_sc as plsc

N = 10000
NP = 10240
E = 320000
NC, NS = 2, 16
NW = NC * NS
K = 128
EW = 10240
E_PAD = EW * NW
CH = EW // K
EW2 = E_PAD // NS
CH2 = EW2 // K
RS = NP // NS
EPS = 1e-5

_mesh = plsc.VectorSubcoreMesh(core_axis_name="c", subcore_axis_name="s",
                               num_cores=NC, num_subcores=NS)
_sc_params = pltpu.CompilerParams(use_tc_tiling_on_sc=False)


_NB = 8
_NB16 = 8


_CHH = CH2 // 2


@functools.partial(
    pl.kernel,
    out_type=jax.ShapeDtypeStruct((NC, NP, 64), jnp.float32),
    mesh=_mesh,
    scratch_types=[
        pltpu.VMEM((_CHH, K), jnp.int32),
        pltpu.VMEM((_CHH, K), jnp.int32),
        pltpu.VMEM((_NB, K, 64), jnp.float32),
        pltpu.VMEM_SHARED((NP, 64), jnp.float32),
    ] + [pltpu.SemaphoreType.DMA] * (_NB + 1),
    compiler_params=_sc_params,
)
def _sc_spmm_half(hp, src, dst, out, src_v, dst_v, bufs, acc, *sems):
  gsems = sems[:_NB]
  ssem = sems[_NB]
  c = lax.axis_index("c")
  s = lax.axis_index("s")
  hph = hp.at[c]

  pltpu.sync_copy(hph.at[pl.ds(s * RS, RS)], acc.at[pl.ds(s * RS, RS)])
  plsc.subcore_barrier()

  def group(g, carry):
    i0 = g * _NB
    gd = [pltpu.async_copy(hph.at[src_v.at[i0 + b]], bufs.at[b], gsems[b])
          for b in range(_NB)]
    sd = []
    for b in range(_NB):
      gd[b].wait()
      sd.append(pltpu.async_copy(bufs.at[b], acc.at[dst_v.at[i0 + b]],
                                 ssem, add=True))
    for d in sd:
      d.wait()
    return carry

  for h in range(2):
    pltpu.sync_copy(src.at[pl.ds(s * CH2 + h * _CHH, _CHH)], src_v)
    pltpu.sync_copy(dst.at[pl.ds(s * CH2 + h * _CHH, _CHH)], dst_v)
    lax.fori_loop(0, _CHH // _NB, group, 0)

  plsc.subcore_barrier()
  pltpu.sync_copy(acc.at[pl.ds(s * RS, RS)], out.at[c, pl.ds(s * RS, RS)])


@functools.partial(
    pl.kernel,
    out_type=jax.ShapeDtypeStruct((NC, NP, 16), jnp.float32),
    mesh=_mesh,
    scratch_types=[
        pltpu.VMEM((CH, K), jnp.int32),
        pltpu.VMEM((CH, K), jnp.int32),
        pltpu.VMEM((_NB16, K, 16), jnp.float32),
        pltpu.VMEM_SHARED((NP, 16), jnp.float32),
    ] + [pltpu.SemaphoreType.DMA] * (2 * _NB16),
    compiler_params=_sc_params,
)
def _sc_spmm16(seed, src, dst, out, src_v, dst_v, bufs, acc, *sems):
  gsems = sems[:_NB16]
  ssems = sems[_NB16:]
  c = lax.axis_index("c")
  s = lax.axis_index("s")
  wid = s * NC + c
  hph = seed.at[0]

  pltpu.sync_copy(src.at[pl.ds(wid * CH, CH)], src_v)
  pltpu.sync_copy(dst.at[pl.ds(wid * CH, CH)], dst_v)
  pltpu.sync_copy(seed.at[c].at[pl.ds(s * RS, RS)], acc.at[pl.ds(s * RS, RS)])
  plsc.subcore_barrier()

  def group(g, carry):
    i0 = g * _NB16
    gd = [pltpu.async_copy(hph.at[src_v.at[i0 + b]], bufs.at[b], gsems[b])
          for b in range(_NB16)]
    sd = []
    for b in range(_NB16):
      gd[b].wait()
      sd.append(pltpu.async_copy(bufs.at[b], acc.at[dst_v.at[i0 + b]],
                                 ssems[b], add=True))
    for b in range(_NB16):
      sd[b].wait()
    return carry

  lax.fori_loop(0, CH // _NB16, group, 0)
  plsc.subcore_barrier()
  pltpu.sync_copy(acc.at[pl.ds(s * RS, RS)], out.at[c, pl.ds(s * RS, RS)])


@functools.partial(
    pl.kernel,
    out_type=jax.ShapeDtypeStruct((NC, NP, 16), jnp.float32),
    mesh=_mesh,
    scratch_types=[
        pltpu.VMEM((CH, K), jnp.int32),
        pltpu.VMEM((K, 16), jnp.float32),
        pltpu.VMEM_SHARED((NP, 16), jnp.float32),
        pltpu.SemaphoreType.DMA,
    ],
    compiler_params=_sc_params,
)
def _sc_deg(dst, e0, zrows, out, dst_v, e0_v, acc, ssem):
  c = lax.axis_index("c")
  s = lax.axis_index("s")
  wid = s * NC + c
  pltpu.sync_copy(dst.at[pl.ds(wid * CH, CH)], dst_v)
  pltpu.sync_copy(zrows, acc.at[pl.ds(s * RS, RS)])
  pltpu.sync_copy(e0, e0_v)
  plsc.subcore_barrier()

  def body(i, carry):
    d0 = pltpu.async_copy(e0_v, acc.at[dst_v.at[2 * i]], ssem, add=True)
    d1 = pltpu.async_copy(e0_v, acc.at[dst_v.at[2 * i + 1]], ssem, add=True)
    d0.wait()
    d1.wait()
    return carry

  lax.fori_loop(0, CH // 2, body, 0)
  plsc.subcore_barrier()
  pltpu.sync_copy(acc.at[pl.ds(s * RS, RS)], out.at[c, pl.ds(s * RS, RS)])



_BLK = 512
_GRID = NP // _BLK


def _split_store(hp_ref, y):
  hp_ref[0] = y[:, :64]
  hp_ref[1] = y[:, 64:]


_HP_SPEC = pl.BlockSpec((NC, _BLK, 64), lambda i: (0, i, 0))
_HP_SHAPE = jax.ShapeDtypeStruct((NC, NP, 64), jnp.float32)


def _mm_body(x_ref, w_ref, y_ref):
  y_ref[...] = jnp.dot(x_ref[...], w_ref[...],
                       preferred_element_type=jnp.float32,
                       precision=lax.Precision.HIGHEST)


def _tc_mm(x_p, w1):
  return pl.pallas_call(
      _mm_body,
      grid=(_GRID,),
      in_specs=[
          pl.BlockSpec((_BLK, 128), lambda i: (i, 0)),
          pl.BlockSpec((128, 128), lambda i: (0, 0)),
      ],
      out_specs=pl.BlockSpec((_BLK, 128), lambda i: (i, 0)),
      out_shape=jax.ShapeDtypeStruct((NP, 128), jnp.float32),
  )(x_p, w1)


def _scale_body(degp_ref, y_ref, dis_ref, hp_ref):
  deg = degp_ref[0, :, :1] + degp_ref[1, :, :1] + 1.0
  dis = lax.rsqrt(deg)
  dis_ref[...] = dis
  _split_store(hp_ref, dis * y_ref[...])


def _tc_scale(degp, y):
  return pl.pallas_call(
      _scale_body,
      grid=(_GRID,),
      in_specs=[
          pl.BlockSpec((NC, _BLK, 16), lambda i: (0, i, 0)),
          pl.BlockSpec((_BLK, 128), lambda i: (i, 0)),
      ],
      out_specs=[
          pl.BlockSpec((_BLK, 1), lambda i: (i, 0)),
          _HP_SPEC,
      ],
      out_shape=[
          jax.ShapeDtypeStruct((NP, 1), jnp.float32),
          _HP_SHAPE,
      ],
  )(degp, y)


def _mid_body(split_out, p_ref, dis_ref, b_ref, g_ref, be_ref, rm_ref, rv_ref,
              w_ref, hp_ref):
  dis = dis_ref[...]
  t = dis * jnp.concatenate([p_ref[0], p_ref[1]], axis=1) + b_ref[...]
  a = g_ref[...] * lax.rsqrt(rv_ref[...] + EPS)
  z = jnp.maximum(a * (t - rm_ref[...]) + be_ref[...], 0.0)
  y = dis * jnp.dot(z, w_ref[...],
                    preferred_element_type=jnp.float32,
                    precision=lax.Precision.HIGHEST)
  if split_out:
    _split_store(hp_ref, y)
  else:
    hp_ref[0] = y
    hp_ref[1] = jnp.zeros_like(y)


def _tc_mid(p, dis, b, g, be, rm, rv, w):
  dn = w.shape[1]
  split_out = dn == 128
  return pl.pallas_call(
      functools.partial(_mid_body, split_out),
      grid=(_GRID,),
      in_specs=[
          pl.BlockSpec((NC, _BLK, 64), lambda i: (0, i, 0)),
          pl.BlockSpec((_BLK, 1), lambda i: (i, 0)),
          pl.BlockSpec((1, 128), lambda i: (0, 0)),
          pl.BlockSpec((1, 128), lambda i: (0, 0)),
          pl.BlockSpec((1, 128), lambda i: (0, 0)),
          pl.BlockSpec((1, 128), lambda i: (0, 0)),
          pl.BlockSpec((1, 128), lambda i: (0, 0)),
          pl.BlockSpec((128, dn), lambda i: (0, 0)),
      ],
      out_specs=_HP_SPEC if split_out else pl.BlockSpec(
          (NC, _BLK, dn), lambda i: (0, i, 0)),
      out_shape=_HP_SHAPE if split_out else jax.ShapeDtypeStruct(
          (NC, NP, dn), jnp.float32),
  )(p, dis, b, g, be, rm, rv, w)


_FBLK = 400
_FGRID = N // _FBLK


def _final_body(p_ref, dis_ref, b_ref, out_ref):
  t = dis_ref[...] * (p_ref[0] + p_ref[1]) + b_ref[...]
  m = jnp.max(t, axis=1, keepdims=True)
  e = jnp.exp(t - m)
  out_ref[...] = t - m - jnp.log(jnp.sum(e, axis=1, keepdims=True))


def _tc_final(p, dis, b):
  return pl.pallas_call(
      _final_body,
      grid=(_FGRID,),
      in_specs=[
          pl.BlockSpec((NC, _FBLK, 16), lambda i: (0, i, 0)),
          pl.BlockSpec((_FBLK, 1), lambda i: (i, 0)),
          pl.BlockSpec((1, 16), lambda i: (0, 0)),
      ],
      out_specs=pl.BlockSpec((_FBLK, 16), lambda i: (i, 0)),
      out_shape=jax.ShapeDtypeStruct((N, 16), jnp.float32),
  )(p, dis, b)


def kernel(x, edge_index, W1, b1, gamma1, beta1, rm1, rv1,
           W2, b2, gamma2, beta2, rm2, rv2, W3, b3):
  src = edge_index[0]
  dst = edge_index[1]
  pad = E_PAD - E
  src_p = jnp.concatenate([src, jnp.zeros((pad,), jnp.int32)]).reshape(E_PAD // K, K)
  dst_p = jnp.concatenate([dst, jnp.full((pad,), N, jnp.int32)]).reshape(E_PAD // K, K)
  x_p = jnp.pad(x, ((0, NP - N), (0, 0)))
  z16 = jnp.zeros((RS, 16), jnp.float32)
  e0 = jnp.zeros((K, 16), jnp.float32).at[:, 0].set(1.0)

  b1r, g1r, be1r = b1.reshape(1, -1), gamma1.reshape(1, -1), beta1.reshape(1, -1)
  rm1r, rv1r = rm1.reshape(1, -1), rv1.reshape(1, -1)
  b2r, g2r, be2r = b2.reshape(1, -1), gamma2.reshape(1, -1), beta2.reshape(1, -1)
  rm2r, rv2r = rm2.reshape(1, -1), rv2.reshape(1, -1)
  b3r = b3.reshape(1, -1)

  xw1 = _tc_mm(x_p, W1)
  degp = _sc_deg(dst_p, e0, z16)
  dis, hp1 = _tc_scale(degp, xw1)
  p1 = _sc_spmm_half(hp1, src_p, dst_p)
  hp2 = _tc_mid(p1, dis, b1r, g1r, be1r, rm1r, rv1r, W2)
  p2 = _sc_spmm_half(hp2, src_p, dst_p)
  hp3 = _tc_mid(p2, dis, b2r, g2r, be2r, rm2r, rv2r, W3)
  p3 = _sc_spmm16(hp3, src_p, dst_p)
  return _tc_final(p3, dis, b3r)

# --- scband reference (transcript-rebuilt; emitter-appended) ---
"""Pipeline reference for scband-host-gcn-31714038513704 (READ-ONLY COPY).

The authoritative reference and input builder live on the scoring server;
editing this copy changes nothing except your own understanding.
"""

import jax, jax.numpy as jnp
import numpy as np

N_NODES = 10000
N_EDGES = 320000
D_IN = 128
D_HID = 128
D_OUT = 16


def setup_inputs(seed: int = 0) -> dict:
    key = jax.random.key(seed)
    ks = jax.random.split(key, 16)
    x = jax.random.normal(ks[0], (N_NODES, D_IN), dtype=jnp.float32)
    edge_index = jax.random.randint(ks[1], (2, N_EDGES), 0, N_NODES, dtype=jnp.int32)
    W1 = jax.random.normal(ks[2], (D_IN, D_HID), dtype=jnp.float32) * 0.05
    b1 = jnp.zeros((D_HID,), dtype=jnp.float32)
    gamma1 = jnp.ones((D_HID,), dtype=jnp.float32)
    beta1 = jnp.zeros((D_HID,), dtype=jnp.float32)
    rm1 = jnp.zeros((D_HID,), dtype=jnp.float32)
    rv1 = jnp.ones((D_HID,), dtype=jnp.float32)
    W2 = jax.random.normal(ks[3], (D_HID, D_HID), dtype=jnp.float32) * 0.05
    b2 = jnp.zeros((D_HID,), dtype=jnp.float32)
    gamma2 = jnp.ones((D_HID,), dtype=jnp.float32)
    beta2 = jnp.zeros((D_HID,), dtype=jnp.float32)
    rm2 = jnp.zeros((D_HID,), dtype=jnp.float32)
    rv2 = jnp.ones((D_HID,), dtype=jnp.float32)
    W3 = jax.random.normal(ks[4], (D_HID, D_OUT), dtype=jnp.float32) * 0.05
    b3 = jnp.zeros((D_OUT,), dtype=jnp.float32)
    return {"x": x, "edge_index": edge_index, "W1": W1, "b1": b1,
            "gamma1": gamma1, "beta1": beta1, "rm1": rm1, "rv1": rv1,
            "W2": W2, "b2": b2, "gamma2": gamma2, "beta2": beta2,
            "rm2": rm2, "rv2": rv2, "W3": W3, "b3": b3}


def reference(x, edge_index, W1, b1, gamma1, beta1, rm1, rv1,
              W2, b2, gamma2, beta2, rm2, rv2, W3, b3):
    # GCNConv (PyG semantics): add self-loops, symmetric normalization,
    # linear transform, scatter-add aggregation at target nodes, + bias.
    N = x.shape[0]
    src = edge_index[0]
    dst = edge_index[1]
    loops = jnp.arange(N, dtype=src.dtype)
    src2 = jnp.concatenate([src, loops])
    dst2 = jnp.concatenate([dst, loops])
    deg = jax.ops.segment_sum(jnp.ones_like(dst2, dtype=x.dtype), dst2, num_segments=N)
    safe_deg = jnp.where(deg > 0, deg, 1.0)
    deg_inv_sqrt = jnp.where(deg > 0, jax.lax.rsqrt(safe_deg), 0.0)
    norm = deg_inv_sqrt[src2] * deg_inv_sqrt[dst2]

    def gcn_conv(h, W, b):
        h = h @ W
        msgs = h[src2] * norm[:, None]
        agg = jax.ops.segment_sum(msgs, dst2, num_segments=N)
        return agg + b

    eps = 1e-5
    # layer 1
    h = gcn_conv(x, W1, b1)
    h = gamma1 * (h - rm1) / jnp.sqrt(rv1 + eps) + beta1  # BatchNorm1d (eval, running stats)
    h = jax.nn.relu(h)
    # dropout is identity in eval mode
    # layer 2
    h = gcn_conv(h, W2, b2)
    h = gamma2 * (h - rm2) / jnp.sqrt(rv2 + eps) + beta2
    h = jax.nn.relu(h)
    # layer 3 (output)
    h = gcn_conv(h, W3, b3)
    return jax.nn.log_softmax(h, axis=1)

if __name__ == "__main__":
    import jax
    _d = setup_inputs()
    print(jax.jit(kernel)(*tuple(_d.values())))

</pallas_src>

<mosaic_0001>
#map = affine_map<(d0, d1) -> (0, 0, 0)>
#map1 = affine_map<(d0, d1) -> (0, 0)>
module attributes {stable_mosaic.version = 14 : i64} {
  func.func @_sc_spmm_half(%arg0: i32, %arg1: i32, %arg2: memref<2x10240x64xf32, #tpu.memory_space<hbm>>, %arg3: memref<2560x128xi32, #tpu.memory_space<hbm>>, %arg4: memref<2560x128xi32, #tpu.memory_space<hbm>>, %arg5: memref<2x10240x64xf32, #tpu.memory_space<hbm>>, %arg6: memref<80x128xi32, #tpu.memory_space<vmem>>, %arg7: memref<80x128xi32, #tpu.memory_space<vmem>>, %arg8: memref<8x128x64xf32, #tpu.memory_space<vmem>>, %arg9: memref<10240x64xf32, #tpu.memory_space<vmem_shared>>, %arg10: memref<!tpu.dma_semaphore, #tpu.memory_space<semaphore_mem>>, %arg11: memref<!tpu.dma_semaphore, #tpu.memory_space<semaphore_mem>>, %arg12: memref<!tpu.dma_semaphore, #tpu.memory_space<semaphore_mem>>, %arg13: memref<!tpu.dma_semaphore, #tpu.memory_space<semaphore_mem>>, %arg14: memref<!tpu.dma_semaphore, #tpu.memory_space<semaphore_mem>>, %arg15: memref<!tpu.dma_semaphore, #tpu.memory_space<semaphore_mem>>, %arg16: memref<!tpu.dma_semaphore, #tpu.memory_space<semaphore_mem>>, %arg17: memref<!tpu.dma_semaphore, #tpu.memory_space<semaphore_mem>>, %arg18: memref<!tpu.dma_semaphore, #tpu.memory_space<semaphore_mem>>) attributes {dimension_semantics = [#tpu.dimension_semantics<core_parallel>, #tpu.dimension_semantics<subcore_parallel>], iteration_bounds = array<i64: 2, 16>, scalar_prefetch = 0 : i64, scratch_operands = 13 : i64, tpu.core_type = #tpu.core_type<sc_vector_subcore>, window_params = [{transform_indices = #map}, {transform_indices = #map1}, {transform_indices = #map1}, {transform_indices = #map}]} {
    %mul3A = arith.constant 640 : i32
    %mul3A_0 = arith.muli %arg1, %mul3A : i32
    %mul3A_1 = arith.constant 640 : i32
    %mul3A_2 = arith.muli %arg1, %mul3A_1 : i32
    "tpu.region"() ({
      %run_scoped3A = tpu.sem_alloc : memref<!tpu.dma_semaphore, #tpu.memory_space<semaphore_mem>>
      %dma_start3A = arith.constant 0 : i32
      %dma_start3A_34 = tpu.memref_slice %arg9[%mul3A_2, %dma_start3A] : memref<10240x64xf32, #tpu.memory_space<vmem_shared>> -> memref<640x64xf32, #tpu.memory_space<vmem_shared>>
      %dma_start3A_35 = arith.constant 0 : i32
      %dma_start3A_36 = arith.constant 0 : i32
      %dma_start3A_37 = tpu.memref_slice %arg2[%arg0, %dma_start3A_35, %dma_start3A_36] : memref<2x10240x64xf32, #tpu.memory_space<hbm>> -> memref<1x10240x64xf32, #tpu.memory_space<hbm>>
      %dma_start3A_38 = tpu.memref_squeeze %dma_start3A_37 : memref<1x10240x64xf32, #tpu.memory_space<hbm>> -> memref<10240x64xf32, #tpu.memory_space<hbm>>
      %dma_start3A_39 = arith.constant 0 : i32
      %dma_start3A_40 = tpu.memref_slice %dma_start3A_38[%mul3A_0, %dma_start3A_39] : memref<10240x64xf32, #tpu.memory_space<hbm>> -> memref<640x64xf32, #tpu.memory_space<hbm>>
      tpu.enqueue_dma source(%dma_start3A_40 : memref<640x64xf32, #tpu.memory_space<hbm>>) target(%dma_start3A_34 : memref<640x64xf32, #tpu.memory_space<vmem_shared>>) target_semaphore(%run_scoped3A : memref<!tpu.dma_semaphore, #tpu.memory_space<semaphore_mem>>)
      %dma_wait3A = arith.constant 0 : i32
      %dma_wait3A_41 = tpu.memref_slice %arg9[%mul3A_2, %dma_wait3A] : memref<10240x64xf32, #tpu.memory_space<vmem_shared>> -> memref<640x64xf32, #tpu.memory_space<vmem_shared>>
      %dma_wait3A_42 = arith.constant 0 : i32
      %dma_wait3A_43 = arith.constant 0 : i32
      %dma_wait3A_44 = tpu.memref_slice %arg2[%arg0, %dma_wait3A_42, %dma_wait3A_43] : memref<2x10240x64xf32, #tpu.memory_space<hbm>> -> memref<1x10240x64xf32, #tpu.memory_space<hbm>>
      %dma_wait3A_45 = tpu.memref_squeeze %dma_wait3A_44 : memref<1x10240x64xf32, #tpu.memory_space<hbm>> -> memref<10240x64xf32, #tpu.memory_space<hbm>>
      %dma_wait3A_46 = arith.constant 0 : i32
      %dma_wait3A_47 = tpu.memref_slice %dma_wait3A_45[%mul3A_0, %dma_wait3A_46] : memref<10240x64xf32, #tpu.memory_space<hbm>> -> memref<640x64xf32, #tpu.memory_space<hbm>>
      tpu.wait_dma2 semaphore(%run_scoped3A : memref<!tpu.dma_semaphore, #tpu.memory_space<semaphore_mem>>) src(%dma_wait3A_47 : memref<640x64xf32, #tpu.memory_space<hbm>>) dst(%dma_wait3A_41 : memref<640x64xf32, #tpu.memory_space<vmem_shared>>)
      tpu.yield
    }) : () -> ()
    %barrier3A = arith.constant 0 : index
    tpu.barrier barrier_id(%barrier3A)
    %mul3A_3 = arith.constant 160 : i32
    %mul3A_4 = arith.muli %arg1, %mul3A_3 : i32
    %add3A = arith.constant 0 : i32
    %add3A_5 = arith.addi %mul3A_4, %add3A : i32
    "tpu.region"() ({
      %run_scoped3A = tpu.sem_alloc : memref<!tpu.dma_semaphore, #tpu.memory_space<semaphore_mem>>
      %dma_start3A = arith.constant 0 : i32
      %dma_start3A_34 = tpu.memref_slice %arg3[%add3A_5, %dma_start3A] : memref<2560x128xi32, #tpu.memory_space<hbm>> -> memref<80x128xi32, #tpu.memory_space<hbm>>
      %dma_start3A_35 = arith.constant 0 : i32
      %dma_start3A_36 = tpu.memref_slice %arg3[%add3A_5, %dma_start3A_35] : memref<2560x128xi32, #tpu.memory_space<hbm>> -> memref<80x128xi32, #tpu.memory_space<hbm>>
      tpu.enqueue_dma source(%dma_start3A_36 : memref<80x128xi32, #tpu.memory_space<hbm>>) target(%arg6 : memref<80x128xi32, #tpu.memory_space<vmem>>) target_semaphore(%run_scoped3A : memref<!tpu.dma_semaphore, #tpu.memory_space<semaphore_mem>>)
      %dma_wait3A = arith.constant 0 : i32
      %dma_wait3A_37 = tpu.memref_slice %arg3[%add3A_5, %dma_wait3A] : memref<2560x128xi32, #tpu.memory_space<hbm>> -> memref<80x128xi32, #tpu.memory_space<hbm>>
      %dma_wait3A_38 = arith.constant 0 : i32
      %dma_wait3A_39 = tpu.memref_slice %arg3[%add3A_5, %dma_wait3A_38] : memref<2560x128xi32, #tpu.memory_space<hbm>> -> memref<80x128xi32, #tpu.memory_space<hbm>>
      tpu.wait_dma2 semaphore(%run_scoped3A : memref<!tpu.dma_semaphore, #tpu.memory_space<semaphore_mem>>) src(%dma_wait3A_39 : memref<80x128xi32, #tpu.memory_space<hbm>>) dst(%arg6 : memref<80x128xi32, #tpu.memory_space<vmem>>)
      tpu.yield
    }) : () -> ()
    %mul3A_6 = arith.constant 160 : i32
    %mul3A_7 = arith.muli %arg1, %mul3A_6 : i32
    %add3A_8 = arith.constant 0 : i32
    %add3A_9 = arith.addi %mul3A_7, %add3A_8 : i32
    "tpu.region"() ({
      %run_scoped3A = tpu.sem_alloc : memref<!tpu.dma_semaphore, #tpu.memory_space<semaphore_mem>>
      %dma_start3A = arith.constant 0 : i32
      %dma_start3A_34 = tpu.memref_slice %arg4[%add3A_9, %dma_start3A] : memref<2560x128xi32, #tpu.memory_space<hbm>> -> memref<80x128xi32, #tpu.memory_space<hbm>>
      %dma_start3A_35 = arith.constant 0 : i32
      %dma_start3A_36 = tpu.memref_slice %arg4[%add3A_9, %dma_start3A_35] : memref<2560x128xi32, #tpu.memory_space<hbm>> -> memref<80x128xi32, #tpu.memory_space<hbm>>
      tpu.enqueue_dma source(%dma_start3A_36 : memref<80x128xi32, #tpu.memory_space<hbm>>) target(%arg7 : memref<80x128xi32, #tpu.memory_space<vmem>>) target_semaphore(%run_scoped3A : memref<!tpu.dma_semaphore, #tpu.memory_space<semaphore_mem>>)
      %dma_wait3A = arith.constant 0 : i32
      %dma_wait3A_37 = tpu.memref_slice %arg4[%add3A_9, %dma_wait3A] : memref<2560x128xi32, #tpu.memory_space<hbm>> -> memref<80x128xi32, #tpu.memory_space<hbm>>
      %dma_wait3A_38 = arith.constant 0 : i32
      %dma_wait3A_39 = tpu.memref_slice %arg4[%add3A_9, %dma_wait3A_38] : memref<2560x128xi32, #tpu.memory_space<hbm>> -> memref<80x128xi32, #tpu.memory_space<hbm>>
      tpu.wait_dma2 semaphore(%run_scoped3A : memref<!tpu.dma_semaphore, #tpu.memory_space<semaphore_mem>>) src(%dma_wait3A_39 : memref<80x128xi32, #tpu.memory_space<hbm>>) dst(%arg7 : memref<80x128xi32, #tpu.memory_space<vmem>>)
      tpu.yield
    }) : () -> ()
    %scan3A = arith.constant 0 : i32
    %scan3A_10 = arith.constant 0 : i32
    %scan3A_11 = arith.constant 10 : i32
    %scan3A_12 = arith.addi %scan3A_10, %scan3A_11 : i32
    %scan3A_13 = arith.constant 1 : i32
    scf.for %scan3A_34 = %scan3A_10 to %scan3A_12 step %scan3A_13  : i32 {
      %mul3A_35 = arith.constant 8 : i32
      %mul3A_36 = arith.muli %scan3A_34, %mul3A_35 : i32
      %add3A_37 = arith.constant 0 : i32
      %add3A_38 = arith.addi %mul3A_36, %add3A_37 : i32
      %dma_start3A = arith.constant 0 : i32
      %dma_start3A_39 = arith.constant 0 : i32
      %dma_start3A_40 = arith.constant 0 : i32
      %dma_start3A_41 = tpu.memref_slice %arg8[%dma_start3A, %dma_start3A_39, %dma_start3A_40] : memref<8x128x64xf32, #tpu.memory_space<vmem>> -> memref<1x128x64xf32, #tpu.memory_space<vmem>>
      %dma_start3A_42 = tpu.memref_squeeze %dma_start3A_41 : memref<1x128x64xf32, #tpu.memory_space<vmem>> -> memref<128x64xf32, #tpu.memory_space<vmem>>
      %dma_start3A_43 = arith.constant 0 : i32
      %dma_start3A_44 = tpu.memref_slice %arg6[%add3A_38, %dma_start3A_43] : memref<80x128xi32, #tpu.memory_space<vmem>> -> memref<1x128xi32, #tpu.memory_space<vmem>>
      %dma_start3A_45 = tpu.memref_squeeze %dma_start3A_44 : memref<1x128xi32, #tpu.memory_space<vmem>> -> memref<128xi32, #tpu.memory_space<vmem>>
      %dma_start3A_46 = arith.constant 0 : i32
      %dma_start3A_47 = arith.constant 0 : i32
      %dma_start3A_48 = tpu.memref_slice %arg2[%arg0, %dma_start3A_46, %dma_start3A_47] : memref<2x10240x64xf32, #tpu.memory_space<hbm>> -> memref<1x10240x64xf32, #tpu.memory_space<hbm>>
      %dma_start3A_49 = tpu.memref_squeeze %dma_start3A_48 : memref<1x10240x64xf32, #tpu.memory_space<hbm>> -> memref<10240x64xf32, #tpu.memory_space<hbm>>
      %dma_start3A_50 = arith.constant 0 : i32
      %dma_start3A_51 = arith.constant 0 : i32
      %dma_start3A_52 = tpu.memref_slice %dma_start3A_49[%dma_start3A_50, %dma_start3A_51] : memref<10240x64xf32, #tpu.memory_space<hbm>> -> memref<10240x64xf32, #tpu.memory_space<hbm>>
      tpu.enqueue_indirect_dma source(%dma_start3A_52 : memref<10240x64xf32, #tpu.memory_space<hbm>>) target(%dma_start3A_42 : memref<128x64xf32, #tpu.memory_space<vmem>>) offsets(%dma_start3A_45 : memref<128xi32, #tpu.memory_space<vmem>>) semaphore(%arg10 : memref<!tpu.dma_semaphore, #tpu.memory_space<semaphore_mem>>)
      %add3A_53 = arith.constant 1 : i32
      %add3A_54 = arith.addi %mul3A_36, %add3A_53 : i32
      %dma_start3A_55 = arith.constant 1 : i32
      %dma_start3A_56 = arith.constant 0 : i32
      %dma_start3A_57 = arith.constant 0 : i32
      %dma_start3A_58 = tpu.memref_slice %arg8[%dma_start3A_55, %dma_start3A_56, %dma_start3A_57] : memref<8x128x64xf32, #tpu.memory_space<vmem>> -> memref<1x128x64xf32, #tpu.memory_space<vmem>>
      %dma_start3A_59 = tpu.memref_squeeze %dma_start3A_58 : memref<1x128x64xf32, #tpu.memory_space<vmem>> -> memref<128x64xf32, #tpu.memory_space<vmem>>
      %dma_start3A_60 = arith.constant 0 : i32
      %dma_start3A_61 = tpu.memref_slice %arg6[%add3A_54, %dma_start3A_60] : memref<80x128xi32, #tpu.memory_space<vmem>> -> memref<1x128xi32, #tpu.memory_space<vmem>>
      %dma_start3A_62 = tpu.memref_squeeze %dma_start3A_61 : memref<1x128xi32, #tpu.memory_space<vmem>> -> memref<128xi32, #tpu.memory_space<vmem>>
      %dma_start3A_63 = arith.constant 0 : i32
      %dma_start3A_64 = arith.constant 0 : i32
      %dma_start3A_65 = tpu.memref_slice %arg2[%arg0, %dma_start3A_63, %dma_start3A_64] : memref<2x10240x64xf32, #tpu.memory_space<hbm>> -> memref<1x10240x64xf32, #tpu.memory_space<hbm>>
      %dma_start3A_66 = tpu.memref_squeeze %dma_start3A_65 : memref<1x10240x64xf32, #tpu.memory_space<hbm>> -> memref<10240x64xf32, #tpu.memory_space<hbm>>
      %dma_start3A_67 = arith.constant 0 : i32
      %dma_start3A_68 = arith.constant 0 : i32
      %dma_start3A_69 = tpu.memref_slice %dma_start3A_66[%dma_start3A_67, %dma_start3A_68] : memref<10240x64xf32, #tpu.memory_space<hbm>> -> memref<10240x64xf32, #tpu.memory_space<hbm>>
      tpu.enqueue_indirect_dma source(%dma_start3A_69 : memref<10240x64xf32, #tpu.memory_space<hbm>>) target(%dma_start3A_59 : memref<128x64xf32, #tpu.memory_space<vmem>>) offsets(%dma_start3A_62 : memref<128xi32, #tpu.memory_space<vmem>>) semaphore(%arg11 : memref<!tpu.dma_semaphore, #tpu.memory_space<semaphore_mem>>)
      %add3A_70 = arith.constant 2 : i32
      %add3A_71 = arith.addi %mul3A_36, %add3A_70 : i32
      %dma_start3A_72 = arith.constant 2 : i32
      %dma_start3A_73 = arith.constant 0 : i32
      %dma_start3A_74 = arith.constant 0 : i32
      %dma_start3A_75 = tpu.memref_slice %arg8[%dma_start3A_72, %dma_start3A_73, %dma_start3A_74] : memref<8x128x64xf32, #tpu.memory_space<vmem>> -> memref<1x128x64xf32, #tpu.memory_space<vmem>>
      %dma_start3A_76 = tpu.memref_squeeze %dma_start3A_75 : memref<1x128x64xf32, #tpu.memory_space<vmem>> -> memref<128x64xf32, #tpu.memory_space<vmem>>
      %dma_start3A_77 = arith.constant 0 : i32
      %dma_start3A_78 = tpu.memref_slice %arg6[%add3A_71, %dma_start3A_77] : memref<80x128xi32, #tpu.memory_space<vmem>> -> memref<1x128xi32, #tpu.memory_space<vmem>>
      %dma_start3A_79 = tpu.memref_squeeze %dma_start3A_78 : memref<1x128xi32, #tpu.memory_space<vmem>> -> memref<128xi32, #tpu.memory_space<vmem>>
      %dma_start3A_80 = arith.constant 0 : i32
      %dma_start3A_81 = arith.constant 0 : i32
      %dma_start3A_82 = tpu.memref_slice %arg2[%arg0, %dma_start3A_80, %dma_start3A_81] : memref<2x10240x64xf32, #tpu.memory_space<hbm>> -> memref<1x10240x64xf32, #tpu.memory_space<hbm>>
      %dma_start3A_83 = tpu.memref_squeeze %dma_start3A_82 : memref<1x10240x64xf32, #tpu.memory_space<hbm>> -> memref<10240x64xf32, #tpu.memory_space<hbm>>
      %dma_start3A_84 = arith.constant 0 : i32
      %dma_start3A_85 = arith.constant 0 : i32
      %dma_start3A_86 = tpu.memref_slice %dma_start3A_83[%dma_start3A_84, %dma_start3A_85] : memref<10240x64xf32, #tpu.memory_space<hbm>> -> memref<10240x64xf32, #tpu.memory_space<hbm>>
      tpu.enqueue_indirect_dma source(%dma_start3A_86 : memref<10240x64xf32, #tpu.memory_space<hbm>>) target(%dma_start3A_76 : memref<128x64xf32, #tpu.memory_space<vmem>>) offsets(%dma_start3A_79 : memref<128xi32, #tpu.memory_space<vmem>>) semaphore(%arg12 : memref<!tpu.dma_semaphore, #tpu.memory_space<semaphore_mem>>)
      %add3A_87 = arith.constant 3 : i32
      %add3A_88 = arith.addi %mul3A_36, %add3A_87 : i32
      %dma_start3A_89 = arith.constant 3 : i32
      %dma_start3A_90 = arith.constant 0 : i32
      %dma_start3A_91 = arith.constant 0 : i32
      %dma_start3A_92 = tpu.memref_slice %arg8[%dma_start3A_89, %dma_start3A_90, %dma_start3A_91] : memref<8x128x64xf32, #tpu.memory_space<vmem>> -> memref<1x128x64xf32, #tpu.memory_space<vmem>>
      %dma_start3A_93 = tpu.memref_squeeze %dma_start3A_92 : memref<1x128x64xf32, #tpu.memory_space<vmem>> -> memref<128x64xf32, #tpu.memory_space<vmem>>
      %dma_start3A_94 = arith.constant 0 : i32
      %dma_start3A_95 = tpu.memref_slice %arg6[%add3A_88, %dma_start3A_94] : memref<80x128xi32, #tpu.memory_space<vmem>> -> memref<1x128xi32, #tpu.memory_space<vmem>>
      %dma_start3A_96 = tpu.memref_squeeze %dma_start3A_95 : memref<1x128xi32, #tpu.memory_space<vmem>> -> memref<128xi32, #tpu.memory_space<vmem>>
      %dma_start3A_97 = arith.constant 0 : i32
      %dma_start3A_98 = arith.constant 0 : i32
      %dma_start3A_99 = tpu.memref_slice %arg2[%arg0, %dma_start3A_97, %dma_start3A_98] : memref<2x10240x64xf32, #tpu.memory_space<hbm>> -> memref<1x10240x64xf32, #tpu.memory_space<hbm>>
      %dma_start3A_100 = tpu.memref_squeeze %dma_start3A_99 : memref<1x10240x64xf32, #tpu.memory_space<hbm>> -> memref<10240x64xf32, #tpu.memory_space<hbm>>
      %dma_start3A_101 = arith.constant 0 : i32
      %dma_start3A_102 = arith.constant 0 : i32
      %dma_start3A_103 = tpu.memref_slice %dma_start3A_100[%dma_start3A_101, %dma_start3A_102] : memref<10240x64xf32, #tpu.memory_space<hbm>> -> memref<10240x64xf32, #tpu.memory_space<hbm>>
      tpu.enqueue_indirect_dma source(%dma_start3A_103 : memref<10240x64xf32, #tpu.memory_space<hbm>>) target(%dma_start3A_93 : memref<128x64xf32, #tpu.memory_space<vmem>>) offsets(%dma_start3A_96 : memref<128xi32, #tpu.memory_space<vmem>>) semaphore(%arg13 : memref<!tpu.dma_semaphore, #tpu.memory_space<semaphore_mem>>)
      %add3A_104 = arith.constant 4 : i32
      %add3A_105 = arith.addi %mul3A_36, %add3A_104 : i32
      %dma_start3A_106 = arith.constant 4 : i32
      %dma_start3A_107 = arith.constant 0 : i32
      %dma_start3A_108 = arith.constant 0 : i32
      %dma_start3A_109 = tpu.memref_slice %arg8[%dma_start3A_106, %dma_start3A_107, %dma_start3A_108] : memref<8x128x64xf32, #tpu.memory_space<vmem>> -> memref<1x128x64xf32, #tpu.memory_space<vmem>>
      %dma_start3A_110 = tpu.memref_squeeze %dma_start3A_109 : memref<1x128x64xf32, #tpu.memory_space<vmem>> -> memref<128x64xf32, #tpu.memory_space<vmem>>
      %dma_start3A_111 = arith.constant 0 : i32
      %dma_start3A_112 = tpu.memref_slice %arg6[%add3A_105, %dma_start3A_111] : memref<80x128xi32, #tpu.memory_space<vmem>> -> memref<1x128xi32, #tpu.memory_space<vmem>>
      %dma_start3A_113 = tpu.memref_squeeze %dma_start3A_112 : memref<1x128xi32, #tpu.memory_space<vmem>> -> memref<128xi32, #tpu.memory_space<vmem>>
      %dma_start3A_114 = arith.constant 0 : i32
      %dma_start3A_115 = arith.constant 0 : i32
      %dma_start3A_116 = tpu.memref_slice %arg2[%arg0, %dma_start3A_114, %dma_start3A_115] : memref<2x10240x64xf32, #tpu.memory_space<hbm>> -> memref<1x10240x64xf32, #tpu.memory_space<hbm>>
      %dma_start3A_117 = tpu.memref_squeeze %dma_start3A_116 : memref<1x10240x64xf32, #tpu.memory_space<hbm>> -> memref<10240x64xf32, #tpu.memory_space<hbm>>
      %dma_start3A_118 = arith.constant 0 : i32
      %dma_start3A_119 = arith.constant 0 : i32
      %dma_start3A_120 = tpu.memref_slice %dma_start3A_117[%dma_start3A_118, %dma_start3A_119] : memref<10240x64xf32, #tpu.memory_space<hbm>> -> memref<10240x64xf32, #tpu.memory_space<hbm>>
      tpu.enqueue_indirect_dma source(%dma_start3A_120 : memref<10240x64xf32, #tpu.memory_space<hbm>>) target(%dma_start3A_110 : memref<128x64xf32, #tpu.memory_space<vmem>>) offsets(%dma_start3A_113 : memref<128xi32, #tpu.memory_space<vmem>>) semaphore(%arg14 : memref<!tpu.dma_semaphore, #tpu.memory_space<semaphore_mem>>)
      %add3A_121 = arith.constant 5 : i32
      %add3A_122 = arith.addi %mul3A_36, %add3A_121 : i32
      %dma_start3A_123 = arith.constant 5 : i32
      %dma_start3A_124 = arith.constant 0 : i32
      %dma_start3A_125 = arith.constant 0 : i32
      %dma_start3A_126 = tpu.memref_slice %arg8[%dma_start3A_123, %dma_start3A_124, %dma_start3A_125] : memref<8x128x64xf32, #tpu.memory_space<vmem>> -> memref<1x128x64xf32, #tpu.memory_space<vmem>>
      %dma_start3A_127 = tpu.memref_squeeze %dma_start3A_126 : memref<1x128x64xf32, #tpu.memory_space<vmem>> -> memref<128x64xf32, #tpu.memory_space<vmem>>
      %dma_start3A_128 = arith.constant 0 : i32
      %dma_start3A_129 = tpu.memref_slice %arg6[%add3A_122, %dma_start3A_128] : memref<80x128xi32, #tpu.memory_space<vmem>> -> memref<1x128xi32, #tpu.memory_space<vmem>>
      %dma_start3A_130 = tpu.memref_squeeze %dma_start3A_129 : memref<1x128xi32, #tpu.memory_space<vmem>> -> memref<128xi32, #tpu.memory_space<vmem>>
      %dma_start3A_131 = arith.constant 0 : i32
      %dma_start3A_132 = arith.constant 0 : i32
      %dma_start3A_133 = tpu.memref_slice %arg2[%arg0, %dma_start3A_131, %dma_start3A_132] : memref<2x10240x64xf32, #tpu.memory_space<hbm>> -> memref<1x10240x64xf32, #tpu.memory_space<hbm>>
      %dma_start3A_134 = tpu.memref_squeeze %dma_start3A_133 : memref<1x10240x64xf32, #tpu.memory_space<hbm>> -> memref<10240x64xf32, #tpu.memory_space<hbm>>
      %dma_start3A_135 = arith.constant 0 : i32
      %dma_start3A_136 = arith.constant 0 : i32
      %dma_start3A_137 = tpu.memref_slice %dma_start3A_134[%dma_start3A_135, %dma_start3A_136] : memref<10240x64xf32, #tpu.memory_space<hbm>> -> memref<10240x64xf32, #tpu.memory_space<hbm>>
      tpu.enqueue_indirect_dma source(%dma_start3A_137 : memref<10240x64xf32, #tpu.memory_space<hbm>>) target(%dma_start3A_127 : memref<128x64xf32, #tpu.memory_space<vmem>>) offsets(%dma_start3A_130 : memref<128xi32, #tpu.memory_space<vmem>>) semaphore(%arg15 : memref<!tpu.dma_semaphore, #tpu.memory_space<semaphore_mem>>)
      %add3A_138 = arith.constant 6 : i32
      %add3A_139 = arith.addi %mul3A_36, %add3A_138 : i32
      %dma_start3A_140 = arith.constant 6 : i32
      %dma_start3A_141 = arith.constant 0 : i32
      %dma_start3A_142 = arith.constant 0 : i32
      %dma_start3A_143 = tpu.memref_slice %arg8[%dma_start3A_140, %dma_start3A_141, %dma_start3A_142] : memref<8x128x64xf32, #tpu.memory_space<vmem>> -> memref<1x128x64xf32, #tpu.memory_space<vmem>>
      %dma_start3A_144 = tpu.memref_squeeze %dma_start3A_143 : memref<1x128x64xf32, #tpu.memory_space<vmem>> -> memref<128x64xf32, #tpu.memory_space<vmem>>
      %dma_start3A_145 = arith.constant 0 : i32
      %dma_start3A_146 = tpu.memref_slice %arg6[%add3A_139, %dma_start3A_145] : memref<80x128xi32, #tpu.memory_space<vmem>> -> memref<1x128xi32, #tpu.memory_space<vmem>>
      %dma_start3A_147 = tpu.memref_squeeze %dma_start3A_146 : memref<1x128xi32, #tpu.memory_space<vmem>> -> memref<128xi32, #tpu.memory_space<vmem>>
      %dma_start3A_148 = arith.constant 0 : i32
      %dma_start3A_149 = arith.constant 0 : i32
      %dma_start3A_150 = tpu.memref_slice %arg2[%arg0, %dma_start3A_148, %dma_start3A_149] : memref<2x10240x64xf32, #tpu.memory_space<hbm>> -> memref<1x10240x64xf32, #tpu.memory_space<hbm>>
      %dma_start3A_151 = tpu.memref_squeeze %dma_start3A_150 : memref<1x10240x64xf32, #tpu.memory_space<hbm>> -> memref<10240x64xf32, #tpu.memory_space<hbm>>
      %dma_start3A_152 = arith.constant 0 : i32
      %dma_start3A_153 = arith.constant 0 : i32
      %dma_start3A_154 = tpu.memref_slice %dma_start3A_151[%dma_start3A_152, %dma_start3A_153] : memref<10240x64xf32, #tpu.memory_space<hbm>> -> memref<10240x64xf32, #tpu.memory_space<hbm>>
      tpu.enqueue_indirect_dma source(%dma_start3A_154 : memref<10240x64xf32, #tpu.memory_space<hbm>>) target(%dma_start3A_144 : memref<128x64xf32, #tpu.memory_space<vmem>>) offsets(%dma_start3A_147 : memref<128xi32, #tpu.memory_space<vmem>>) semaphore(%arg16 : memref<!tpu.dma_semaphore, #tpu.memory_space<semaphore_mem>>)
      %add3A_155 = arith.constant 7 : i32
      %add3A_156 = arith.addi %mul3A_36, %add3A_155 : i32
      %dma_start3A_157 = arith.constant 7 : i32
      %dma_start3A_158 = arith.constant 0 : i32
      %dma_start3A_159 = arith.constant 0 : i32
      %dma_start3A_160 = tpu.memref_slice %arg8[%dma_start3A_157, %dma_start3A_158, %dma_start3A_159] : memref<8x128x64xf32, #tpu.memory_space<vmem>> -> memref<1x128x64xf32, #tpu.memory_space<vmem>>
      %dma_start3A_161 = tpu.memref_squeeze %dma_start3A_160 : memref<1x128x64xf32, #tpu.memory_space<vmem>> -> memref<128x64xf32, #tpu.memory_space<vmem>>
      %dma_start3A_162 = arith.constant 0 : i32
      %dma_start3A_163 = tpu.memref_slice %arg6[%add3A_156, %dma_start3A_162] : memref<80x128xi32, #tpu.memory_space<vmem>> -> memref<1x128xi32, #tpu.memory_space<vmem>>
      %dma_start3A_164 = tpu.memref_squeeze %dma_start3A_163 : memref<1x128xi32, #tpu.memory_space<vmem>> -> memref<128xi32, #tpu.memory_space<vmem>>
      %dma_start3A_165 = arith.constant 0 : i32
      %dma_start3A_166 = arith.constant 0 : i32
      %dma_start3A_167 = tpu.memref_slice %arg2[%arg0, %dma_start3A_165, %dma_start3A_166] : memref<2x10240x64xf32, #tpu.memory_space<hbm>> -> memref<1x10240x64xf32, #tpu.memory_space<hbm>>
      %dma_start3A_168 = tpu.memref_squeeze %dma_start3A_167 : memref<1x10240x64xf32, #tpu.memory_space<hbm>> -> memref<10240x64xf32, #tpu.memory_space<hbm>>
      %dma_start3A_169 = arith.constant 0 : i32
      %dma_start3A_170 = arith.constant 0 : i32
      %dma_start3A_171 = tpu.memref_slice %dma_start3A_168[%dma_start3A_169, %dma_start3A_170] : memref<10240x64xf32, #tpu.memory_space<hbm>> -> memref<10240x64xf32, #tpu.memory_space<hbm>>
      tpu.enqueue_indirect_dma source(%dma_start3A_171 : memref<10240x64xf32, #tpu.memory_space<hbm>>) target(%dma_start3A_161 : memref<128x64xf32, #tpu.memory_space<vmem>>) offsets(%dma_start3A_164 : memref<128xi32, #tpu.memory_space<vmem>>) semaphore(%arg17 : memref<!tpu.dma_semaphore, #tpu.memory_space<semaphore_mem>>)
      %dma_wait3A = arith.constant 0 : i32
      %dma_wait3A_172 = arith.constant 0 : i32
      %dma_wait3A_173 = arith.constant 0 : i32
      %dma_wait3A_174 = tpu.memref_slice %arg8[%dma_wait3A, %dma_wait3A_172, %dma_wait3A_173] : memref<8x128x64xf32, #tpu.memory_space<vmem>> -> memref<1x128x64xf32, #tpu.memory_space<vmem>>
      %dma_wait3A_175 = tpu.memref_squeeze %dma_wait3A_174 : memref<1x128x64xf32, #tpu.memory_space<vmem>> -> memref<128x64xf32, #tpu.memory_space<vmem>>
      %dma_wait3A_176 = arith.constant 0 : i32
      %dma_wait3A_177 = tpu.memref_slice %arg6[%add3A_38, %dma_wait3A_176] : memref<80x128xi32, #tpu.memory_space<vmem>> -> memref<1x128xi32, #tpu.memory_space<vmem>>
      %dma_wait3A_178 = tpu.memref_squeeze %dma_wait3A_177 : memref<1x128xi32, #tpu.memory_space<vmem>> -> memref<128xi32, #tpu.memory_space<vmem>>
      %dma_wait3A_179 = arith.constant 0 : i32
      %dma_wait3A_180 = arith.constant 0 : i32
      %dma_wait3A_181 = tpu.memref_slice %arg2[%arg0, %dma_wait3A_179, %dma_wait3A_180] : memref<2x10240x64xf32, #tpu.memory_space<hbm>> -> memref<1x10240x64xf32, #tpu.memory_space<hbm>>
      %dma_wait3A_182 = tpu.memref_squeeze %dma_wait3A_181 : memref<1x10240x64xf32, #tpu.memory_space<hbm>> -> memref<10240x64xf32, #tpu.memory_space<hbm>>
      %dma_wait3A_183 = arith.constant 0 : i32
      %dma_wait3A_184 = arith.constant 0 : i32
      %dma_wait3A_185 = tpu.memref_slice %dma_wait3A_182[%dma_wait3A_183, %dma_wait3A_184] : memref<10240x64xf32, #tpu.memory_space<hbm>> -> memref<10240x64xf32, #tpu.memory_space<hbm>>
      tpu.wait_indirect_dma semaphore(%arg10 : memref<!tpu.dma_semaphore, #tpu.memory_space<semaphore_mem>>) src(%dma_wait3A_185 : memref<10240x64xf32, #tpu.memory_space<hbm>>) dst(%dma_wait3A_175 : memref<128x64xf32, #tpu.memory_space<vmem>>)
      %add3A_186 = arith.constant 0 : i32
      %add3A_187 = arith.addi %mul3A_36, %add3A_186 : i32
      %dma_start3A_188 = arith.constant 0 : i32
      %dma_start3A_189 = arith.constant 0 : i32
      %dma_start3A_190 = arith.constant 0 : i32
      %dma_start3A_191 = tpu.memref_slice %arg8[%dma_start3A_188, %dma_start3A_189, %dma_start3A_190] : memref<8x128x64xf32, #tpu.memory_space<vmem>> -> memref<1x128x64xf32, #tpu.memory_space<vmem>>
      %dma_start3A_192 = tpu.memref_squeeze %dma_start3A_191 : memref<1x128x64xf32, #tpu.memory_space<vmem>> -> memref<128x64xf32, #tpu.memory_space<vmem>>
      %dma_start3A_193 = arith.constant 0 : i32
      %dma_start3A_194 = tpu.memref_slice %arg7[%add3A_187, %dma_start3A_193] : memref<80x128xi32, #tpu.memory_space<vmem>> -> memref<1x128xi32, #tpu.memory_space<vmem>>
      %dma_start3A_195 = tpu.memref_squeeze %dma_start3A_194 : memref<1x128xi32, #tpu.memory_space<vmem>> -> memref<128xi32, #tpu.memory_space<vmem>>
      %dma_start3A_196 = arith.constant 0 : i32
      %dma_start3A_197 = arith.constant 0 : i32
      %dma_start3A_198 = tpu.memref_slice %arg9[%dma_start3A_196, %dma_start3A_197] : memref<10240x64xf32, #tpu.memory_space<vmem_shared>> -> memref<10240x64xf32, #tpu.memory_space<vmem_shared>>
      tpu.enqueue_indirect_dma source(%dma_start3A_192 : memref<128x64xf32, #tpu.memory_space<vmem>>) target(%dma_start3A_198 : memref<10240x64xf32, #tpu.memory_space<vmem_shared>>) offsets(%dma_start3A_195 : memref<128xi32, #tpu.memory_space<vmem>>) semaphore(%arg18 : memref<!tpu.dma_semaphore, #tpu.memory_space<semaphore_mem>>) {add = true}
      %dma_wait3A_199 = arith.constant 1 : i32
      %dma_wait3A_200 = arith.constant 0 : i32
      %dma_wait3A_201 = arith.constant 0 : i32
      %dma_wait3A_202 = tpu.memref_slice %arg8[%dma_wait3A_199, %dma_wait3A_200, %dma_wait3A_201] : memref<8x128x64xf32, #tpu.memory_space<vmem>> -> memref<1x128x64xf32, #tpu.memory_space<vmem>>
      %dma_wait3A_203 = tpu.memref_squeeze %dma_wait3A_202 : memref<1x128x64xf32, #tpu.memory_space<vmem>> -> memref<128x64xf32, #tpu.memory_space<vmem>>
      %dma_wait3A_204 = arith.constant 0 : i32
      %dma_wait3A_205 = tpu.memref_slice %arg6[%add3A_54, %dma_wait3A_204] : memref<80x128xi32, #tpu.memory_space<vmem>> -> memref<1x128xi32, #tpu.memory_space<vmem>>
      %dma_wait3A_206 = tpu.memref_squeeze %dma_wait3A_205 : memref<1x128xi32, #tpu.memory_space<vmem>> -> memref<128xi32, #tpu.memory_space<vmem>>
      %dma_wait3A_207 = arith.constant 0 : i32
      %dma_wait3A_208 = arith.constant 0 : i32
      %dma_wait3A_209 = tpu.memref_slice %arg2[%arg0, %dma_wait3A_207, %dma_wait3A_208] : memref<2x10240x64xf32, #tpu.memory_space<hbm>> -> memref<1x10240x64xf32, #tpu.memory_space<hbm>>
      %dma_wait3A_210 = tpu.memref_squeeze %dma_wait3A_209 : memref<1x10240x64xf32, #tpu.memory_space<hbm>> -> memref<10240x64xf32, #tpu.memory_space<hbm>>
      %dma_wait3A_211 = arith.constant 0 : i32
      %dma_wait3A_212 = arith.constant 0 : i32
      %dma_wait3A_213 = tpu.memref_slice %dma_wait3A_210[%dma_wait3A_211, %dma_wait3A_212] : memref<10240x64xf32, #tpu.memory_space<hbm>> -> memref<10240x64xf32, #tpu.memory_space<hbm>>
      tpu.wait_indirect_dma semaphore(%arg11 : memref<!tpu.dma_semaphore, #tpu.memory_space<semaphore_mem>>) src(%dma_wait3A_213 : memref<10240x64xf32, #tpu.memory_space<hbm>>) dst(%dma_wait3A_203 : memref<128x64xf32, #tpu.memory_space<vmem>>)
      %add3A_214 = arith.constant 1 : i32
      %add3A_215 = arith.addi %mul3A_36, %add3A_214 : i32
      %dma_start3A_216 = arith.constant 1 : i32
      %dma_start3A_217 = arith.constant 0 : i32
      %dma_start3A_218 = arith.constant 0 : i32
      %dma_start3A_219 = tpu.memref_slice %arg8[%dma_start3A_216, %dma_start3A_217, %dma_start3A_218] : memref<8x128x64xf32, #tpu.memory_space<vmem>> -> memref<1x128x64xf32, #tpu.memory_space<vmem>>
      %dma_start3A_220 = tpu.memref_squeeze %dma_start3A_219 : memref<1x128x64xf32, #tpu.memory_space<vmem>> -> memref<128x64xf32, #tpu.memory_space<vmem>>
      %dma_start3A_221 = arith.constant 0 : i32
      %dma_start3A_222 = tpu.memref_slice %arg7[%add3A_215, %dma_start3A_221] : memref<80x128xi32, #tpu.memory_space<vmem>> -> memref<1x128xi32, #tpu.memory_space<vmem>>
      %dma_start3A_223 = tpu.memref_squeeze %dma_start3A_222 : memref<1x128xi32, #tpu.memory_space<vmem>> -> memref<128xi32, #tpu.memory_space<vmem>>
      %dma_start3A_224 = arith.constant 0 : i32
      %dma_start3A_225 = arith.constant 0 : i32
      %dma_start3A_226 = tpu.memref_slice %arg9[%dma_start3A_224, %dma_start3A_225] : memref<10240x64xf32, #tpu.memory_space<vmem_shared>> -> memref<10240x64xf32, #tpu.memory_space<vmem_shared>>
      tpu.enqueue_indirect_dma source(%dma_start3A_220 : memref<128x64xf32, #tpu.memory_space<vmem>>) target(%dma_start3A_226 : memref<10240x64xf32, #tpu.memory_space<vmem_shared>>) offsets(%dma_start3A_223 : memref<128xi32, #tpu.memory_space<vmem>>) semaphore(%arg18 : memref<!tpu.dma_semaphore, #tpu.memory_space<semaphore_mem>>) {add = true}
      %dma_wait3A_227 = arith.constant 2 : i32
      %dma_wait3A_228 = arith.constant 0 : i32
      %dma_wait3A_229 = arith.constant 0 : i32
      %dma_wait3A_230 = tpu.memref_slice %arg8[%dma_wait3A_227, %dma_wait3A_228, %dma_wait3A_229] : memref<8x128x64xf32, #tpu.memory_space<vmem>> -> memref<1x128x64xf32, #tpu.memory_space<vmem>>
      %dma_wait3A_231 = tpu.memref_squeeze %dma_wait3A_230 : memref<1x128x64xf32, #tpu.memory_space<vmem>> -> memref<128x64xf32, #tpu.memory_space<vmem>>
      %dma_wait3A_232 = arith.constant 0 : i32
      %dma_wait3A_233 = tpu.memref_slice %arg6[%add3A_71, %dma_wait3A_232] : memref<80x128xi32, #tpu.memory_space<vmem>> -> memref<1x128xi32, #tpu.memory_space<vmem>>
      %dma_wait3A_234 = tpu.memref_squeeze %dma_wait3A_233 : memref<1x128xi32, #tpu.memory_space<vmem>> -> memref<128xi32, #tpu.memory_space<vmem>>
      %dma_wait3A_235 = arith.constant 0 : i32
      %dma_wait3A_236 = arith.constant 0 : i32
      %dma_wait3A_237 = tpu.memref_slice %arg2[%arg0, %dma_wait3A_235, %dma_wait3A_236] : memref<2x10240x64xf32, #tpu.memory_space<hbm>> -> memref<1x10240x64xf32, #tpu.memory_space<hbm>>
      %dma_wait3A_238 = tpu.memref_squeeze %dma_wait3A_237 : memref<1x10240x64xf32, #tpu.memory_space<hbm>> -> memref<10240x64xf32, #tpu.memory_space<hbm>>
      %dma_wait3A_239 = arith.constant 0 : i32
      %dma_wait3A_240 = arith.constant 0 : i32
      %dma_wait3A_241 = tpu.memref_slice %dma_wait3A_238[%dma_wait3A_239, %dma_wait3A_240] : memref<10240x64xf32, #tpu.memory_space<hbm>> -> memref<10240x64xf32, #tpu.memory_space<hbm>>
      tpu.wait_indirect_dma semaphore(%arg12 : memref<!tpu.dma_semaphore, #tpu.memory_space<semaphore_mem>>) src(%dma_wait3A_241 : memref<10240x64xf32, #tpu.memory_space<hbm>>) dst(%dma_wait3A_231 : memref<128x64xf32, #tpu.memory_space<vmem>>)
      %add3A_242 = arith.constant 2 : i32
      %add3A_243 = arith.addi %mul3A_36, %add3A_242 : i32
      %dma_start3A_244 = arith.constant 2 : i32
      %dma_start3A_245 = arith.constant 0 : i32
      %dma_start3A_246 = arith.constant 0 : i32
      %dma_start3A_247 = tpu.memref_slice %arg8[%dma_start3A_244, %dma_start3A_245, %dma_start3A_246] : memref<8x128x64xf32, #tpu.memory_space<vmem>> -> memref<1x128x64xf32, #tpu.memory_space<vmem>>
      %dma_start3A_248 = tpu.memref_squeeze %dma_start3A_247 : memref<1x128x64xf32, #tpu.memory_space<vmem>> -> memref<128x64xf32, #tpu.memory_space<vmem>>
      %dma_start3A_249 = arith.constant 0 : i32
      %dma_start3A_250 = tpu.memref_slice %arg7[%add3A_243, %dma_start3A_249] : memref<80x128xi32, #tpu.memory_space<vmem>> -> memref<1x128xi32, #tpu.memory_space<vmem>>
      %dma_start3A_251 = tpu.memref_squeeze %dma_start3A_250 : memref<1x128xi32, #tpu.memory_space<vmem>> -> memref<128xi32, #tpu.memory_space<vmem>>
      %dma_start3A_252 = arith.constant 0 : i32
      %dma_start3A_253 = arith.constant 0 : i32
      %dma_start3A_254 = tpu.memref_slice %arg9[%dma_start3A_252, %dma_start3A_253] : memref<10240x64xf32, #tpu.memory_space<vmem_shared>> -> memref<10240x64xf32, #tpu.memory_space<vmem_shared>>
      tpu.enqueue_indirect_dma source(%dma_start3A_248 : memref<128x64xf32, #tpu.memory_space<vmem>>) target(%dma_start3A_254 : memref<10240x64xf32, #tpu.memory_space<vmem_shared>>) offsets(%dma_start3A_251 : memref<128xi32, #tpu.memory_space<vmem>>) semaphore(%arg18 : memref<!tpu.dma_semaphore, #tpu.memory_space<semaphore_mem>>) {add = true}
      %dma_wait3A_255 = arith.constant 3 : i32
      %dma_wait3A_256 = arith.constant 0 : i32
      %dma_wait3A_257 = arith.constant 0 : i32
      %dma_wait3A_258 = tpu.memref_slice %arg8[%dma_wait3A_255, %dma_wait3A_256, %dma_wait3A_257] : memref<8x128x64xf32, #tpu.memory_space<vmem>> -> memref<1x128x64xf32, #tpu.memory_space<vmem>>
      %dma_wait3A_259 = tpu.memref_squeeze %dma_wait3A_258 : memref<1x128x64xf32, #tpu.memory_space<vmem>> -> memref<128x64xf32, #tpu.memory_space<vmem>>
      %dma_wait3A_260 = arith.constant 0 : i32
      %dma_wait3A_261 = tpu.memref_slice %arg6[%add3A_88, %dma_wait3A_260] : memref<80x128xi32, #tpu.memory_space<vmem>> -> memref<1x128xi32, #tpu.memory_space<vmem>>
      %dma_wait3A_262 = tpu.memref_squeeze %dma_wait3A_261 : memref<1x128xi32, #tpu.memory_space<vmem>> -> memref<128xi32, #tpu.memory_space<vmem>>
      %dma_wait3A_263 = arith.constant 0 : i32
      %dma_wait3A_264 = arith.constant 0 : i32
      %dma_wait3A_265 = tpu.memref_slice %arg2[%arg0, %dma_wait3A_263, %dma_wait3A_264] : memref<2x10240x64xf32, #tpu.memory_space<hbm>> -> memref<1x10240x64xf32, #tpu.memory_space<hbm>>
      %dma_wait3A_266 = tpu.memref_squeeze %dma_wait3A_265 : memref<1x10240x64xf32, #tpu.memory_space<hbm>> -> memref<10240x64xf32, #tpu.memory_space<hbm>>
      %dma_wait3A_267 = arith.constant 0 : i32
      %dma_wait3A_268 = arith.constant 0 : i32
      %dma_wait3A_269 = tpu.memref_slice %dma_wait3A_266[%dma_wait3A_267, %dma_wait3A_268] : memref<10240x64xf32, #tpu.memory_space<hbm>> -> memref<10240x64xf32, #tpu.memory_space<hbm>>
      tpu.wait_indirect_dma semaphore(%arg13 : memref<!tpu.dma_semaphore, #tpu.memory_space<semaphore_mem>>) src(%dma_wait3A_269 : memref<10240x64xf32, #tpu.memory_space<hbm>>) dst(%dma_wait3A_259 : memref<128x64xf32, #tpu.memory_space<vmem>>)
      %add3A_270 = arith.constant 3 : i32
      %add3A_271 = arith.addi %mul3A_36, %add3A_270 : i32
      %dma_start3A_272 = arith.constant 3 : i32
      %dma_start3A_273 = arith.constant 0 : i32
      %dma_start3A_274 = arith.constant 0 : i32
      %dma_start3A_275 = tpu.memref_slice %arg8[%dma_start3A_272, %dma_start3A_273, %dma_start3A_274] : memref<8x128x64xf32, #tpu.memory_space<vmem>> -> memref<1x128x64xf32, #tpu.memory_space<vmem>>
      %dma_start3A_276 = tpu.memref_squeeze %dma_start3A_275 : memref<1x128x64xf32, #tpu.memory_space<vmem>> -> memref<128x64xf32, #tpu.memory_space<vmem>>
      %dma_start3A_277 = arith.constant 0 : i32
      %dma_start3A_278 = tpu.memref_slice %arg7[%add3A_271, %dma_start3A_277] : memref<80x128xi32, #tpu.memory_space<vmem>> -> memref<1x128xi32, #tpu.memory_space<vmem>>
      %dma_start3A_279 = tpu.memref_squeeze %dma_start3A_278 : memref<1x128xi32, #tpu.memory_space<vmem>> -> memref<128xi32, #tpu.memory_space<vmem>>
      %dma_start3A_280 = arith.constant 0 : i32
      %dma_start3A_281 = arith.constant 0 : i32
      %dma_start3A_282 = tpu.memref_slice %arg9[%dma_start3A_280, %dma_start3A_281] : memref<10240x64xf32, #tpu.memory_space<vmem_shared>> -> memref<10240x64xf32, #tpu.memory_space<vmem_shared>>
      tpu.enqueue_indirect_dma source(%dma_start3A_276 : memref<128x64xf32, #tpu.memory_space<vmem>>) target(%dma_start3A_282 : memref<10240x64xf32, #tpu.memory_space<vmem_shared>>) offsets(%dma_start3A_279 : memref<128xi32, #tpu.memory_space<vmem>>) semaphore(%arg18 : memref<!tpu.dma_semaphore, #tpu.memory_space<semaphore_mem>>) {add = true}
      %dma_wait3A_283 = arith.constant 4 : i32
      %dma_wait3A_284 = arith.constant 0 : i32
      %dma_wait3A_285 = arith.constant 0 : i32
      %dma_wait3A_286 = tpu.memref_slice %arg8[%dma_wait3A_283, %dma_wait3A_284, %dma_wait3A_285] : memref<8x128x64xf32, #tpu.memory_space<vmem>> -> memref<1x128x64xf32, #tpu.memory_space<vmem>>
      %dma_wait3A_287 = tpu.memref_squeeze %dma_wait3A_286 : memref<1x128x64xf32, #tpu.memory_space<vmem>> -> memref<128x64xf32, #tpu.memory_space<vmem>>
      %dma_wait3A_288 = arith.constant 0 : i32
      %dma_wait3A_289 = tpu.memref_slice %arg6[%add3A_105, %dma_wait3A_288] : memref<80x128xi32, #tpu.memory_space<vmem>> -> memref<1x128xi32, #tpu.memory_space<vmem>>
      %dma_wait3A_290 = tpu.memref_squeeze %dma_wait3A_289 : memref<1x128xi32, #tpu.memory_space<vmem>> -> memref<128xi32, #tpu.memory_space<vmem>>
      %dma_wait3A_291 = arith.constant 0 : i32
      %dma_wait3A_292 = arith.constant 0 : i32
      %dma_wait3A_293 = tpu.memref_slice %arg2[%arg0, %dma_wait3A_291, %dma_wait3A_292] : memref<2x10240x64xf32, #tpu.memory_space<hbm>> -> memref<1x10240x64xf32, #tpu.memory_space<hbm>>
      %dma_wait3A_294 = tpu.memref_squeeze %dma_wait3A_293 : memref<1x10240x64xf32, #tpu.memory_space<hbm>> -> memref<10240x64xf32, #tpu.memory_space<hbm>>
      %dma_wait3A_295 = arith.constant 0 : i32
      %dma_wait3A_296 = arith.constant 0 : i32
      %dma_wait3A_297 = tpu.memref_slice %dma_wait3A_294[%dma_wait3A_295, %dma_wait3A_296] : memref<10240x64xf32, #tpu.memory_space<hbm>> -> memref<10240x64xf32, #tpu.memory_space<hbm>>
      tpu.wait_indirect_dma semaphore(%arg14 : memref<!tpu.dma_semaphore, #tpu.memory_space<semaphore_mem>>) src(%dma_wait3A_297 : memref<10240x64xf32, #tpu.memory_space<hbm>>) dst(%dma_wait3A_287 : memref<128x64xf32, #tpu.memory_space<vmem>>)
      %add3A_298 = arith.constant 4 : i32
      %add3A_299 = arith.addi %mul3A_36, %add3A_298 : i32
      %dma_start3A_300 = arith.constant 4 : i32
      %dma_start3A_301 = arith.constant 0 : i32
      %dma_start3A_302 = arith.constant 0 : i32
      %dma_start3A_303 = tpu.memref_slice %arg8[%dma_start3A_300, %dma_start3A_301, %dma_start3A_302] : memref<8x128x64xf32, #tpu.memory_space<vmem>> -> memref<1x128x64xf32, #tpu.memory_space<vmem>>
      %dma_start3A_304 = tpu.memref_squeeze %dma_start3A_303 : memref<1x128x64xf32, #tpu.memory_space<vmem>> -> memref<128x64xf32, #tpu.memory_space<vmem>>
      %dma_start3A_305 = arith.constant 0 : i32
      %dma_start3A_306 = tpu.memref_slice %arg7[%add3A_299, %dma_start3A_305] : memref<80x128xi32, #tpu.memory_space<vmem>> -> memref<1x128xi32, #tpu.memory_space<vmem>>
      %dma_start3A_307 = tpu.memref_squeeze %dma_start3A_306 : memref<1x128xi32, #tpu.memory_space<vmem>> -> memref<128xi32, #tpu.memory_space<vmem>>
      %dma_start3A_308 = arith.constant 0 : i32
      %dma_start3A_309 = arith.constant 0 : i32
      %dma_start3A_310 = tpu.memref_slice %arg9[%dma_start3A_308, %dma_start3A_309] : memref<10240x64xf32, #tpu.memory_space<vmem_shared>> -> memref<10240x64xf32, #tpu.memory_space<vmem_shared>>
      tpu.enqueue_indirect_dma source(%dma_start3A_304 : memref<128x64xf32, #tpu.memory_space<vmem>>) target(%dma_start3A_310 : memref<10240x64xf32, #tpu.memory_space<vmem_shared>>) offsets(%dma_start3A_307 : memref<128xi32, #tpu.memory_space<vmem>>) semaphore(%arg18 : memref<!tpu.dma_semaphore, #tpu.memory_space<semaphore_mem>>) {add = true}
      %dma_wait3A_311 = arith.constant 5 : i32
      %dma_wait3A_312 = arith.constant 0 : i32
      %dma_wait3A_313 = arith.constant 0 : i32
      %dma_wait3A_314 = tpu.memref_slice %arg8[%dma_wait3A_311, %dma_wait3A_312, %dma_wait3A_313] : memref<8x128x64xf32, #tpu.memory_space<vmem>> -> memref<1x128x64xf32, #tpu.memory_space<vmem>>
      %dma_wait3A_315 = tpu.memref_squeeze %dma_wait3A_314 : memref<1x128x64xf32, #tpu.memory_space<vmem>> -> memref<128x64xf32, #tpu.memory_space<vmem>>
      %dma_wait3A_316 = arith.constant 0 : i32
      %dma_wait3A_317 = tpu.memref_slice %arg6[%add3A_122, %dma_wait3A_316] : memref<80x128xi32, #tpu.memory_space<vmem>> -> memref<1x128xi32, #tpu.memory_space<vmem>>
      %dma_wait3A_318 = tpu.memref_squeeze %dma_wait3A_317 : memref<1x128xi32, #tpu.memory_space<vmem>> -> memref<128xi32, #tpu.memory_space<vmem>>
      %dma_wait3A_319 = arith.constant 0 : i32
      %dma_wait3A_320 = arith.constant 0 : i32
      %dma_wait3A_321 = tpu.memref_slice %arg2[%arg0, %dma_wait3A_319, %dma_wait3A_320] : memref<2x10240x64xf32, #tpu.memory_space<hbm>> -> memref<1x10240x64xf32, #tpu.memory_space<hbm>>
      %dma_wait3A_322 = tpu.memref_squeeze %dma_wait3A_321 : memref<1x10240x64xf32, #tpu.memory_space<hbm>> -> memref<10240x64xf32, #tpu.memory_space<hbm>>
      %dma_wait3A_323 = arith.constant 0 : i32
      %dma_wait3A_324 = arith.constant 0 : i32
      %dma_wait3A_325 = tpu.memref_slice %dma_wait3A_322[%dma_wait3A_323, %dma_wait3A_324] : memref<10240x64xf32, #tpu.memory_space<hbm>> -> memref<10240x64xf32, #tpu.memory_space<hbm>>
      tpu.wait_indirect_dma semaphore(%arg15 : memref<!tpu.dma_semaphore, #tpu.memory_space<semaphore_mem>>) src(%dma_wait3A_325 : memref<10240x64xf32, #tpu.memory_space<hbm>>) dst(%dma_wait3A_315 : memref<128x64xf32, #tpu.memory_space<vmem>>)
      %add3A_326 = arith.constant 5 : i32
      %add3A_327 = arith.addi %mul3A_36, %add3A_326 : i32
      %dma_start3A_328 = arith.constant 5 : i32
      %dma_start3A_329 = arith.constant 0 : i32
      %dma_start3A_330 = arith.constant 0 : i32
      %dma_start3A_331 = tpu.memref_slice %arg8[%dma_start3A_328, %dma_start3A_329, %dma_start3A_330] : memref<8x128x64xf32, #tpu.memory_space<vmem>> -> memref<1x128x64xf32, #tpu.memory_space<vmem>>
      %dma_start3A_332 = tpu.memref_squeeze %dma_start3A_331 : memref<1x128x64xf32, #tpu.memory_space<vmem>> -> memref<128x64xf32, #tpu.memory_space<vmem>>
      %dma_start3A_333 = arith.constant 0 : i32
      %dma_start3A_334 = tpu.memref_slice %arg7[%add3A_327, %dma_start3A_333] : memref<80x128xi32, #tpu.memory_space<vmem>> -> memref<1x128xi32, #tpu.memory_space<vmem>>
      %dma_start3A_335 = tpu.memref_squeeze %dma_start3A_334 : memref<1x128xi32, #tpu.memory_space<vmem>> -> memref<128xi32, #tpu.memory_space<vmem>>
      %dma_start3A_336 = arith.constant 0 : i32
      %dma_start3A_337 = arith.constant 0 : i32
      %dma_start3A_338 = tpu.memref_slice %arg9[%dma_start3A_336, %dma_start3A_337] : memref<10240x64xf32, #tpu.memory_space<vmem_shared>> -> memref<10240x64xf32, #tpu.memory_space<vmem_shared>>
      tpu.enqueue_indirect_dma source(%dma_start3A_332 : memref<128x64xf32, #tpu.memory_space<vmem>>) target(%dma_start3A_338 : memref<10240x64xf32, #tpu.memory_space<vmem_shared>>) offsets(%dma_start3A_335 : memref<128xi32, #tpu.memory_space<vmem>>) semaphore(%arg18 : memref<!tpu.dma_semaphore, #tpu.memory_space<semaphore_mem>>) {add = true}
      %dma_wait3A_339 = arith.constant 6 : i32
      %dma_wait3A_340 = arith.constant 0 : i32
      %dma_wait3A_341 = arith.constant 0 : i32
      %dma_wait3A_342 = tpu.memref_slice %arg8[%dma_wait3A_339, %dma_wait3A_340, %dma_wait3A_341] : memref<8x128x64xf32, #tpu.memory_space<vmem>> -> memref<1x128x64xf32, #tpu.memory_space<vmem>>
      %dma_wait3A_343 = tpu.memref_squeeze %dma_wait3A_342 : memref<1x128x64xf32, #tpu.memory_space<vmem>> -> memref<128x64xf32, #tpu.memory_space<vmem>>
      %dma_wait3A_344 = arith.constant 0 : i32
      %dma_wait3A_345 = tpu.memref_slice %arg6[%add3A_139, %dma_wait3A_344] : memref<80x128xi32, #tpu.memory_space<vmem>> -> memref<1x128xi32, #tpu.memory_space<vmem>>
      %dma_wait3A_346 = tpu.memref_squeeze %dma_wait3A_345 : memref<1x128xi32, #tpu.memory_space<vmem>> -> memref<128xi32, #tpu.memory_space<vmem>>
      %dma_wait3A_347 = arith.constant 0 : i32
      %dma_wait3A_348 = arith.constant 0 : i32
      %dma_wait3A_349 = tpu.memref_slice %arg2[%arg0, %dma_wait3A_347, %dma_wait3A_348] : memref<2x10240x64xf32, #tpu.memory_space<hbm>> -> memref<1x10240x64xf32, #tpu.memory_space<hbm>>
      %dma_wait3A_350 = tpu.memref_squeeze %dma_wait3A_349 : memref<1x10240x64xf32, #tpu.memory_space<hbm>> -> memref<10240x64xf32, #tpu.memory_space<hbm>>
      %dma_wait3A_351 = arith.constant 0 : i32
      %dma_wait3A_352 = arith.constant 0 : i32
      %dma_wait3A_353 = tpu.memref_slice %dma_wait3A_350[%dma_wait3A_351, %dma_wait3A_352] : memref<10240x64xf32, #tpu.memory_space<hbm>> -> memref<10240x64xf32, #tpu.memory_space<hbm>>
      tpu.wait_indirect_dma semaphore(%arg16 : memref<!tpu.dma_semaphore, #tpu.memory_space<semaphore_mem>>) src(%dma_wait3A_353 : memref<10240x64xf32, #tpu.memory_space<hbm>>) dst(%dma_wait3A_343 : memref<128x64xf32, #tpu.memory_space<vmem>>)
      %add3A_354 = arith.constant 6 : i32
      %add3A_355 = arith.addi %mul3A_36, %add3A_354 : i32
      %dma_start3A_356 = arith.constant 6 : i32
      %dma_start3A_357 = arith.constant 0 : i32
      %dma_start3A_358 = arith.constant 0 : i32
      %dma_start3A_359 = tpu.memref_slice %arg8[%dma_start3A_356, %dma_start3A_357, %dma_start3A_358] : memref<8x128x64xf32, #tpu.memory_space<vmem>> -> memref<1x128x64xf32, #tpu.memory_space<vmem>>
      %dma_start3A_360 = tpu.memref_squeeze %dma_start3A_359 : memref<1x128x64xf32, #tpu.memory_space<vmem>> -> memref<128x64xf32, #tpu.memory_space<vmem>>
      %dma_start3A_361 = arith.constant 0 : i32
      %dma_start3A_362 = tpu.memref_slice %arg7[%add3A_355, %dma_start3A_361] : memref<80x128xi32, #tpu.memory_space<vmem>> -> memref<1x128xi32, #tpu.memory_space<vmem>>
      %dma_start3A_363 = tpu.memref_squeeze %dma_start3A_362 : memref<1x128xi32, #tpu.memory_space<vmem>> -> memref<128xi32, #tpu.memory_space<vmem>>
      %dma_start3A_364 = arith.constant 0 : i32
      %dma_start3A_365 = arith.constant 0 : i32
      %dma_start3A_366 = tpu.memref_slice %arg9[%dma_start3A_364, %dma_start3A_365] : memref<10240x64xf32, #tpu.memory_space<vmem_shared>> -> memref<10240x64xf32, #tpu.memory_space<vmem_shared>>
      tpu.enqueue_indirect_dma source(%dma_start3A_360 : memref<128x64xf32, #tpu.memory_space<vmem>>) target(%dma_start3A_366 : memref<10240x64xf32, #tpu.memory_space<vmem_shared>>) offsets(%dma_start3A_363 : memref<128xi32, #tpu.memory_space<vmem>>) semaphore(%arg18 : memref<!tpu.dma_semaphore, #tpu.memory_space<semaphore_mem>>) {add = true}
      %dma_wait3A_367 = arith.constant 7 : i32
      %dma_wait3A_368 = arith.constant 0 : i32
      %dma_wait3A_369 = arith.constant 0 : i32
      %dma_wait3A_370 = tpu.memref_slice %arg8[%dma_wait3A_367, %dma_wait3A_368, %dma_wait3A_369] : memref<8x128x64xf32, #tpu.memory_space<vmem>> -> memref<1x128x64xf32, #tpu.memory_space<vmem>>
      %dma_wait3A_371 = tpu.memref_squeeze %dma_wait3A_370 : memref<1x128x64xf32, #tpu.memory_space<vmem>> -> memref<128x64xf32, #tpu.memory_space<vmem>>
      %dma_wait3A_372 = arith.constant 0 : i32
      %dma_wait3A_373 = tpu.memref_slice %arg6[%add3A_156, %dma_wait3A_372] : memref<80x128xi32, #tpu.memory_space<vmem>> -> memref<1x128xi32, #tpu.memory_space<vmem>>
      %dma_wait3A_374 = tpu.memref_squeeze %dma_wait3A_373 : memref<1x128xi32, #tpu.memory_space<vmem>> -> memref<128xi32, #tpu.memory_space<vmem>>
      %dma_wait3A_375 = arith.constant 0 : i32
      %dma_wait3A_376 = arith.constant 0 : i32
      %dma_wait3A_377 = tpu.memref_slice %arg2[%arg0, %dma_wait3A_375, %dma_wait3A_376] : memref<2x10240x64xf32, #tpu.memory_space<hbm>> -> memref<1x10240x64xf32, #tpu.memory_space<hbm>>
      %dma_wait3A_378 = tpu.memref_squeeze %dma_wait3A_377 : memref<1x10240x64xf32, #tpu.memory_space<hbm>> -> memref<10240x64xf32, #tpu.memory_space<hbm>>
      %dma_wait3A_379 = arith.constant 0 : i32
      %dma_wait3A_380 = arith.constant 0 : i32
      %dma_wait3A_381 = tpu.memref_slice %dma_wait3A_378[%dma_wait3A_379, %dma_wait3A_380] : memref<10240x64xf32, #tpu.memory_space<hbm>> -> memref<10240x64xf32, #tpu.memory_space<hbm>>
      tpu.wait_indirect_dma semaphore(%arg17 : memref<!tpu.dma_semaphore, #tpu.memory_space<semaphore_mem>>) src(%dma_wait3A_381 : memref<10240x64xf32, #tpu.memory_space<hbm>>) dst(%dma_wait3A_371 : memref<128x64xf32, #tpu.memory_space<vmem>>)
      %add3A_382 = arith.constant 7 : i32
      %add3A_383 = arith.addi %mul3A_36, %add3A_382 : i32
      %dma_start3A_384 = arith.constant 7 : i32
      %dma_start3A_385 = arith.constant 0 : i32
      %dma_start3A_386 = arith.constant 0 : i32
      %dma_start3A_387 = tpu.memref_slice %arg8[%dma_start3A_384, %dma_start3A_385, %dma_start3A_386] : memref<8x128x64xf32, #tpu.memory_space<vmem>> -> memref<1x128x64xf32, #tpu.memory_space<vmem>>
      %dma_start3A_388 = tpu.memref_squeeze %dma_start3A_387 : memref<1x128x64xf32, #tpu.memory_space<vmem>> -> memref<128x64xf32, #tpu.memory_space<vmem>>
      %dma_start3A_389 = arith.constant 0 : i32
      %dma_start3A_390 = tpu.memref_slice %arg7[%add3A_383, %dma_start3A_389] : memref<80x128xi32, #tpu.memory_space<vmem>> -> memref<1x128xi32, #tpu.memory_space<vmem>>
      %dma_start3A_391 = tpu.memref_squeeze %dma_start3A_390 : memref<1x128xi32, #tpu.memory_space<vmem>> -> memref<128xi32, #tpu.memory_space<vmem>>
      %dma_start3A_392 = arith.constant 0 : i32
      %dma_start3A_393 = arith.constant 0 : i32
      %dma_start3A_394 = tpu.memref_slice %arg9[%dma_start3A_392, %dma_start3A_393] : memref<10240x64xf32, #tpu.memory_space<vmem_shared>> -> memref<10240x64xf32, #tpu.memory_space<vmem_shared>>
      tpu.enqueue_indirect_dma source(%dma_start3A_388 : memref<128x64xf32, #tpu.memory_space<vmem>>) target(%dma_start3A_394 : memref<10240x64xf32, #tpu.memory_space<vmem_shared>>) offsets(%dma_start3A_391 : memref<128xi32, #tpu.memory_space<vmem>>) semaphore(%arg18 : memref<!tpu.dma_semaphore, #tpu.memory_space<semaphore_mem>>) {add = true}
      %dma_wait3A_395 = arith.constant 0 : i32
      %dma_wait3A_396 = arith.constant 0 : i32
      %dma_wait3A_397 = arith.constant 0 : i32
      %dma_wait3A_398 = tpu.memref_slice %arg8[%dma_wait3A_395, %dma_wait3A_396, %dma_wait3A_397] : memref<8x128x64xf32, #tpu.memory_space<vmem>> -> memref<1x128x64xf32, #tpu.memory_space<vmem>>
      %dma_wait3A_399 = tpu.memref_squeeze %dma_wait3A_398 : memref<1x128x64xf32, #tpu.memory_space<vmem>> -> memref<128x64xf32, #tpu.memory_space<vmem>>
      %dma_wait3A_400 = arith.constant 0 : i32
      %dma_wait3A_401 = tpu.memref_slice %arg7[%add3A_187, %dma_wait3A_400] : memref<80x128xi32, #tpu.memory_space<vmem>> -> memref<1x128xi32, #tpu.memory_space<vmem>>
      %dma_wait3A_402 = tpu.memref_squeeze %dma_wait3A_401 : memref<1x128xi32, #tpu.memory_space<vmem>> -> memref<128xi32, #tpu.memory_space<vmem>>
      %dma_wait3A_403 = arith.constant 0 : i32
      %dma_wait3A_404 = arith.constant 0 : i32
      %dma_wait3A_405 = tpu.memref_slice %arg9[%dma_wait3A_403, %dma_wait3A_404] : memref<10240x64xf32, #tpu.memory_space<vmem_shared>> -> memref<10240x64xf32, #tpu.memory_space<vmem_shared>>
      tpu.wait_indirect_dma semaphore(%arg18 : memref<!tpu.dma_semaphore, #tpu.memory_space<semaphore_mem>>) src(%dma_wait3A_399 : memref<128x64xf32, #tpu.memory_space<vmem>>) dst(%dma_wait3A_405 : memref<10240x64xf32, #tpu.memory_space<vmem_shared>>)
      %dma_wait3A_406 = arith.constant 1 : i32
      %dma_wait3A_407 = arith.constant 0 : i32
      %dma_wait3A_408 = arith.constant 0 : i32
      %dma_wait3A_409 = tpu.memref_slice %arg8[%dma_wait3A_406, %dma_wait3A_407, %dma_wait3A_408] : memref<8x128x64xf32, #tpu.memory_space<vmem>> -> memref<1x128x64xf32, #tpu.memory_space<vmem>>
      %dma_wait3A_410 = tpu.memref_squeeze %dma_wait3A_409 : memref<1x128x64xf32, #tpu.memory_space<vmem>> -> memref<128x64xf32, #tpu.memory_space<vmem>>
      %dma_wait3A_411 = arith.constant 0 : i32
      %dma_wait3A_412 = tpu.memref_slice %arg7[%add3A_215, %dma_wait3A_411] : memref<80x128xi32, #tpu.memory_space<vmem>> -> memref<1x128xi32, #tpu.memory_space<vmem>>
      %dma_wait3A_413 = tpu.memref_squeeze %dma_wait3A_412 : memref<1x128xi32, #tpu.memory_space<vmem>> -> memref<128xi32, #tpu.memory_space<vmem>>
      %dma_wait3A_414 = arith.constant 0 : i32
      %dma_wait3A_415 = arith.constant 0 : i32
      %dma_wait3A_416 = tpu.memref_slice %arg9[%dma_wait3A_414, %dma_wait3A_415] : memref<10240x64xf32, #tpu.memory_space<vmem_shared>> -> memref<10240x64xf32, #tpu.memory_space<vmem_shared>>
      tpu.wait_indirect_dma semaphore(%arg18 : memref<!tpu.dma_semaphore, #tpu.memory_space<semaphore_mem>>) src(%dma_wait3A_410 : memref<128x64xf32, #tpu.memory_space<vmem>>) dst(%dma_wait3A_416 : memref<10240x64xf32, #tpu.memory_space<vmem_shared>>)
      %dma_wait3A_417 = arith.constant 2 : i32
      %dma_wait3A_418 = arith.constant 0 : i32
      %dma_wait3A_419 = arith.constant 0 : i32
      %dma_wait3A_420 = tpu.memref_slice %arg8[%dma_wait3A_417, %dma_wait3A_418, %dma_wait3A_419] : memref<8x128x64xf32, #tpu.memory_space<vmem>> -> memref<1x128x64xf32, #tpu.memory_space<vmem>>
      %dma_wait3A_421 = tpu.memref_squeeze %dma_wait3A_420 : memref<1x128x64xf32, #tpu.memory_space<vmem>> -> memref<128x64xf32, #tpu.memory_space<vmem>>
      %dma_wait3A_422 = arith.constant 0 : i32
      %dma_wait3A_423 = tpu.memref_slice %arg7[%add3A_243, %dma_wait3A_422] : memref<80x128xi32, #tpu.memory_space<vmem>> -> memref<1x128xi32, #tpu.memory_space<vmem>>
      %dma_wait3A_424 = tpu.memref_squeeze %dma_wait3A_423 : memref<1x128xi32, #tpu.memory_space<vmem>> -> memref<128xi32, #tpu.memory_space<vmem>>
      %dma_wait3A_425 = arith.constant 0 : i32
      %dma_wait3A_426 = arith.constant 0 : i32
      %dma_wait3A_427 = tpu.memref_slice %arg9[%dma_wait3A_425, %dma_wait3A_426] : memref<10240x64xf32, #tpu.memory_space<vmem_shared>> -> memref<10240x64xf32, #tpu.memory_space<vmem_shared>>
      tpu.wait_indirect_dma semaphore(%arg18 : memref<!tpu.dma_semaphore, #tpu.memory_space<semaphore_mem>>) src(%dma_wait3A_421 : memref<128x64xf32, #tpu.memory_space<vmem>>) dst(%dma_wait3A_427 : memref<10240x64xf32, #tpu.memory_space<vmem_shared>>)
      %dma_wait3A_428 = arith.constant 3 : i32
      %dma_wait3A_429 = arith.constant 0 : i32
      %dma_wait3A_430 = arith.constant 0 : i32
      %dma_wait3A_431 = tpu.memref_slice %arg8[%dma_wait3A_428, %dma_wait3A_429, %dma_wait3A_430] : memref<8x128x64xf32, #tpu.memory_space<vmem>> -> memref<1x128x64xf32, #tpu.memory_space<vmem>>
      %dma_wait3A_432 = tpu.memref_squeeze %dma_wait3A_431 : memref<1x128x64xf32, #tpu.memory_space<vmem>> -> memref<128x64xf32, #tpu.memory_space<vmem>>
      %dma_wait3A_433 = arith.constant 0 : i32
      %dma_wait3A_434 = tpu.memref_slice %arg7[%add3A_271, %dma_wait3A_433] : memref<80x128xi32, #tpu.memory_space<vmem>> -> memref<1x128xi32, #tpu.memory_space<vmem>>
      %dma_wait3A_435 = tpu.memref_squeeze %dma_wait3A_434 : memref<1x128xi32, #tpu.memory_space<vmem>> -> memref<128xi32, #tpu.memory_space<vmem>>
      %dma_wait3A_436 = arith.constant 0 : i32
      %dma_wait3A_437 = arith.constant 0 : i32
      %dma_wait3A_438 = tpu.memref_slice %arg9[%dma_wait3A_436, %dma_wait3A_437] : memref<10240x64xf32, #tpu.memory_space<vmem_shared>> -> memref<10240x64xf32, #tpu.memory_space<vmem_shared>>
      tpu.wait_indirect_dma semaphore(%arg18 : memref<!tpu.dma_semaphore, #tpu.memory_space<semaphore_mem>>) src(%dma_wait3A_432 : memref<128x64xf32, #tpu.memory_space<vmem>>) dst(%dma_wait3A_438 : memref<10240x64xf32, #tpu.memory_space<vmem_shared>>)
      %dma_wait3A_439 = arith.constant 4 : i32
      %dma_wait3A_440 = arith.constant 0 : i32
      %dma_wait3A_441 = arith.constant 0 : i32
      %dma_wait3A_442 = tpu.memref_slice %arg8[%dma_wait3A_439, %dma_wait3A_440, %dma_wait3A_441] : memref<8x128x64xf32, #tpu.memory_space<vmem>> -> memref<1x128x64xf32, #tpu.memory_space<vmem>>
      %dma_wait3A_443 = tpu.memref_squeeze %dma_wait3A_442 : memref<1x128x64xf32, #tpu.memory_space<vmem>> -> memref<128x64xf32, #tpu.memory_space<vmem>>
      %dma_wait3A_444 = arith.constant 0 : i32
      %dma_wait3A_445 = tpu.memref_slice %arg7[%add3A_299, %dma_wait3A_444] : memref<80x128xi32, #tpu.memory_space<vmem>> -> memref<1x128xi32, #tpu.memory_space<vmem>>
      %dma_wait3A_446 = tpu.memref_squeeze %dma_wait3A_445 : memref<1x128xi32, #tpu.memory_space<vmem>> -> memref<128xi32, #tpu.memory_space<vmem>>
      %dma_wait3A_447 = arith.constant 0 : i32
      %dma_wait3A_448 = arith.constant 0 : i32
      %dma_wait3A_449 = tpu.memref_slice %arg9[%dma_wait3A_447, %dma_wait3A_448] : memref<10240x64xf32, #tpu.memory_space<vmem_shared>> -> memref<10240x64xf32, #tpu.memory_space<vmem_shared>>
      tpu.wait_indirect_dma semaphore(%arg18 : memref<!tpu.dma_semaphore, #tpu.memory_space<semaphore_mem>>) src(%dma_wait3A_443 : memref<128x64xf32, #tpu.memory_space<vmem>>) dst(%dma_wait3A_449 : memref<10240x64xf32, #tpu.memory_space<vmem_shared>>)
      %dma_wait3A_450 = arith.constant 5 : i32
      %dma_wait3A_451 = arith.constant 0 : i32
      %dma_wait3A_452 = arith.constant 0 : i32
      %dma_wait3A_453 = tpu.memref_slice %arg8[%dma_wait3A_450, %dma_wait3A_451, %dma_wait3A_452] : memref<8x128x64xf32, #tpu.memory_space<vmem>> -> memref<1x128x64xf32, #tpu.memory_space<vmem>>
      %dma_wait3A_454 = tpu.memref_squeeze %dma_wait3A_453 : memref<1x128x64xf32, #tpu.memory_space<vmem>> -> memref<128x64xf32, #tpu.memory_space<vmem>>
      %dma_wait3A_455 = arith.constant 0 : i32
      %dma_wait3A_456 = tpu.memref_slice %arg7[%add3A_327, %dma_wait3A_455] : memref<80x128xi32, #tpu.memory_space<vmem>> -> memref<1x128xi32, #tpu.memory_space<vmem>>
      %dma_wait3A_457 = tpu.memref_squeeze %dma_wait3A_456 : memref<1x128xi32, #tpu.memory_space<vmem>> -> memref<128xi32, #tpu.memory_space<vmem>>
      %dma_wait3A_458 = arith.constant 0 : i32
      %dma_wait3A_459 = arith.constant 0 : i32
      %dma_wait3A_460 = tpu.memref_slice %arg9[%dma_wait3A_458, %dma_wait3A_459] : memref<10240x64xf32, #tpu.memory_space<vmem_shared>> -> memref<10240x64xf32, #tpu.memory_space<vmem_shared>>
      tpu.wait_indirect_dma semaphore(%arg18 : memref<!tpu.dma_semaphore, #tpu.memory_space<semaphore_mem>>) src(%dma_wait3A_454 : memref<128x64xf32, #tpu.memory_space<vmem>>) dst(%dma_wait3A_460 : memref<10240x64xf32, #tpu.memory_space<vmem_shared>>)
      %dma_wait3A_461 = arith.constant 6 : i32
      %dma_wait3A_462 = arith.constant 0 : i32
      %dma_wait3A_463 = arith.constant 0 : i32
      %dma_wait3A_464 = tpu.memref_slice %arg8[%dma_wait3A_461, %dma_wait3A_462, %dma_wait3A_463] : memref<8x128x64xf32, #tpu.memory_space<vmem>> -> memref<1x128x64xf32, #tpu.memory_space<vmem>>
      %dma_wait3A_465 = tpu.memref_squeeze %dma_wait3A_464 : memref<1x128x64xf32, #tpu.memory_space<vmem>> -> memref<128x64xf32, #tpu.memory_space<vmem>>
      %dma_wait3A_466 = arith.constant 0 : i32
      %dma_wait3A_467 = tpu.memref_slice %arg7[%add3A_355, %dma_wait3A_466] : memref<80x128xi32, #tpu.memory_space<vmem>> -> memref<1x128xi32, #tpu.memory_space<vmem>>
      %dma_wait3A_468 = tpu.memref_squeeze %dma_wait3A_467 : memref<1x128xi32, #tpu.memory_space<vmem>> -> memref<128xi32, #tpu.memory_space<vmem>>
      %dma_wait3A_469 = arith.constant 0 : i32
      %dma_wait3A_470 = arith.constant 0 : i32
      %dma_wait3A_471 = tpu.memref_slice %arg9[%dma_wait3A_469, %dma_wait3A_470] : memref<10240x64xf32, #tpu.memory_space<vmem_shared>> -> memref<10240x64xf32, #tpu.memory_space<vmem_shared>>
      tpu.wait_indirect_dma semaphore(%arg18 : memref<!tpu.dma_semaphore, #tpu.memory_space<semaphore_mem>>) src(%dma_wait3A_465 : memref<128x64xf32, #tpu.memory_space<vmem>>) dst(%dma_wait3A_471 : memref<10240x64xf32, #tpu.memory_space<vmem_shared>>)
      %dma_wait3A_472 = arith.constant 7 : i32
      %dma_wait3A_473 = arith.constant 0 : i32
      %dma_wait3A_474 = arith.constant 0 : i32
      %dma_wait3A_475 = tpu.memref_slice %arg8[%dma_wait3A_472, %dma_wait3A_473, %dma_wait3A_474] : memref<8x128x64xf32, #tpu.memory_space<vmem>> -> memref<1x128x64xf32, #tpu.memory_space<vmem>>
      %dma_wait3A_476 = tpu.memref_squeeze %dma_wait3A_475 : memref<1x128x64xf32, #tpu.memory_space<vmem>> -> memref<128x64xf32, #tpu.memory_space<vmem>>
      %dma_wait3A_477 = arith.constant 0 : i32
      %dma_wait3A_478 = tpu.memref_slice %arg7[%add3A_383, %dma_wait3A_477] : memref<80x128xi32, #tpu.memory_space<vmem>> -> memref<1x128xi32, #tpu.memory_space<vmem>>
      %dma_wait3A_479 = tpu.memref_squeeze %dma_wait3A_478 : memref<1x128xi32, #tpu.memory_space<vmem>> -> memref<128xi32, #tpu.memory_space<vmem>>
      %dma_wait3A_480 = arith.constant 0 : i32
      %dma_wait3A_481 = arith.constant 0 : i32
      %dma_wait3A_482 = tpu.memref_slice %arg9[%dma_wait3A_480, %dma_wait3A_481] : memref<10240x64xf32, #tpu.memory_space<vmem_shared>> -> memref<10240x64xf32, #tpu.memory_space<vmem_shared>>
      tpu.wait_indirect_dma semaphore(%arg18 : memref<!tpu.dma_semaphore, #tpu.memory_space<semaphore_mem>>) src(%dma_wait3A_476 : memref<128x64xf32, #tpu.memory_space<vmem>>) dst(%dma_wait3A_482 : memref<10240x64xf32, #tpu.memory_space<vmem_shared>>)
    }
    %scan3A_14 = arith.constant 10 : i32
    %mul3A_15 = arith.constant 160 : i32
    %mul3A_16 = arith.muli %arg1, %mul3A_15 : i32
    %add3A_17 = arith.constant 80 : i32
    %add3A_18 = arith.addi %mul3A_16, %add3A_17 : i32
    "tpu.region"() ({
      %run_scoped3A = tpu.sem_alloc : memref<!tpu.dma_semaphore, #tpu.memory_space<semaphore_mem>>
      %dma_start3A = arith.constant 0 : i32
      %dma_start3A_34 = tpu.memref_slice %arg3[%add3A_18, %dma_start3A] : memref<2560x128xi32, #tpu.memory_space<hbm>> -> memref<80x128xi32, #tpu.memory_space<hbm>>
      %dma_start3A_35 = arith.constant 0 : i32
      %dma_start3A_36 = tpu.memref_slice %arg3[%add3A_18, %dma_start3A_35] : memref<2560x128xi32, #tpu.memory_space<hbm>> -> memref<80x128xi32, #tpu.memory_space<hbm>>
      tpu.enqueue_dma source(%dma_start3A_36 : memref<80x128xi32, #tpu.memory_space<hbm>>) target(%arg6 : memref<80x128xi32, #tpu.memory_space<vmem>>) target_semaphore(%run_scoped3A : memref<!tpu.dma_semaphore, #tpu.memory_space<semaphore_mem>>)
      %dma_wait3A = arith.constant 0 : i32
      %dma_wait3A_37 = tpu.memref_slice %arg3[%add3A_18, %dma_wait3A] : memref<2560x128xi32, #tpu.memory_space<hbm>> -> memref<80x128xi32, #tpu.memory_space<hbm>>
      %dma_wait3A_38 = arith.constant 0 : i32
      %dma_wait3A_39 = tpu.memref_slice %arg3[%add3A_18, %dma_wait3A_38] : memref<2560x128xi32, #tpu.memory_space<hbm>> -> memref<80x128xi32, #tpu.memory_space<hbm>>
      tpu.wait_dma2 semaphore(%run_scoped3A : memref<!tpu.dma_semaphore, #tpu.memory_space<semaphore_mem>>) src(%dma_wait3A_39 : memref<80x128xi32, #tpu.memory_space<hbm>>) dst(%arg6 : memref<80x128xi32, #tpu.memory_space<vmem>>)
      tpu.yield
    }) : () -> ()
    %mul3A_19 = arith.constant 160 : i32
    %mul3A_20 = arith.muli %arg1, %mul3A_19 : i32
    %add3A_21 = arith.constant 80 : i32
    %add3A_22 = arith.addi %mul3A_20, %add3A_21 : i32
    "tpu.region"() ({
      %run_scoped3A = tpu.sem_alloc : memref<!tpu.dma_semaphore, #tpu.memory_space<semaphore_mem>>
      %dma_start3A = arith.constant 0 : i32
      %dma_start3A_34 = tpu.memref_slice %arg4[%add3A_22, %dma_start3A] : memref<2560x128xi32, #tpu.memory_space<hbm>> -> memref<80x128xi32, #tpu.memory_space<hbm>>
      %dma_start3A_35 = arith.constant 0 : i32
      %dma_start3A_36 = tpu.memref_slice %arg4[%add3A_22, %dma_start3A_35] : memref<2560x128xi32, #tpu.memory_space<hbm>> -> memref<80x128xi32, #tpu.memory_space<hbm>>
      tpu.enqueue_dma source(%dma_start3A_36 : memref<80x128xi32, #tpu.memory_space<hbm>>) target(%arg7 : memref<80x128xi32, #tpu.memory_space<vmem>>) target_semaphore(%run_scoped3A : memref<!tpu.dma_semaphore, #tpu.memory_space<semaphore_mem>>)
      %dma_wait3A = arith.constant 0 : i32
      %dma_wait3A_37 = tpu.memref_slice %arg4[%add3A_22, %dma_wait3A] : memref<2560x128xi32, #tpu.memory_space<hbm>> -> memref<80x128xi32, #tpu.memory_space<hbm>>
      %dma_wait3A_38 = arith.constant 0 : i32
      %dma_wait3A_39 = tpu.memref_slice %arg4[%add3A_22, %dma_wait3A_38] : memref<2560x128xi32, #tpu.memory_space<hbm>> -> memref<80x128xi32, #tpu.memory_space<hbm>>
      tpu.wait_dma2 semaphore(%run_scoped3A : memref<!tpu.dma_semaphore, #tpu.memory_space<semaphore_mem>>) src(%dma_wait3A_39 : memref<80x128xi32, #tpu.memory_space<hbm>>) dst(%arg7 : memref<80x128xi32, #tpu.memory_space<vmem>>)
      tpu.yield
    }) : () -> ()
    %scan3A_23 = arith.constant 0 : i32
    %scan3A_24 = arith.constant 0 : i32
    %scan3A_25 = arith.constant 10 : i32
    %scan3A_26 = arith.addi %scan3A_24, %scan3A_25 : i32
    %scan3A_27 = arith.constant 1 : i32
    scf.for %scan3A_34 = %scan3A_24 to %scan3A_26 step %scan3A_27  : i32 {
      %mul3A_35 = arith.constant 8 : i32
      %mul3A_36 = arith.muli %scan3A_34, %mul3A_35 : i32
      %add3A_37 = arith.constant 0 : i32
      %add3A_38 = arith.addi %mul3A_36, %add3A_37 : i32
      %dma_start3A = arith.constant 0 : i32
      %dma_start3A_39 = arith.constant 0 : i32
      %dma_start3A_40 = arith.constant 0 : i32
      %dma_start3A_41 = tpu.memref_slice %arg8[%dma_start3A, %dma_start3A_39, %dma_start3A_40] : memref<8x128x64xf32, #tpu.memory_space<vmem>> -> memref<1x128x64xf32, #tpu.memory_space<vmem>>
      %dma_start3A_42 = tpu.memref_squeeze %dma_start3A_41 : memref<1x128x64xf32, #tpu.memory_space<vmem>> -> memref<128x64xf32, #tpu.memory_space<vmem>>
      %dma_start3A_43 = arith.constant 0 : i32
      %dma_start3A_44 = tpu.memref_slice %arg6[%add3A_38, %dma_start3A_43] : memref<80x128xi32, #tpu.memory_space<vmem>> -> memref<1x128xi32, #tpu.memory_space<vmem>>
      %dma_start3A_45 = tpu.memref_squeeze %dma_start3A_44 : memref<1x128xi32, #tpu.memory_space<vmem>> -> memref<128xi32, #tpu.memory_space<vmem>>
      %dma_start3A_46 = arith.constant 0 : i32
      %dma_start3A_47 = arith.constant 0 : i32
      %dma_start3A_48 = tpu.memref_slice %arg2[%arg0, %dma_start3A_46, %dma_start3A_47] : memref<2x10240x64xf32, #tpu.memory_space<hbm>> -> memref<1x10240x64xf32, #tpu.memory_space<hbm>>
      %dma_start3A_49 = tpu.memref_squeeze %dma_start3A_48 : memref<1x10240x64xf32, #tpu.memory_space<hbm>> -> memref<10240x64xf32, #tpu.memory_space<hbm>>
      %dma_start3A_50 = arith.constant 0 : i32
      %dma_start3A_51 = arith.constant 0 : i32
      %dma_start3A_52 = tpu.memref_slice %dma_start3A_49[%dma_start3A_50, %dma_start3A_51] : memref<10240x64xf32, #tpu.memory_space<hbm>> -> memref<10240x64xf32, #tpu.memory_space<hbm>>
      tpu.enqueue_indirect_dma source(%dma_start3A_52 : memref<10240x64xf32, #tpu.memory_space<hbm>>) target(%dma_start3A_42 : memref<128x64xf32, #tpu.memory_space<vmem>>) offsets(%dma_start3A_45 : memref<128xi32, #tpu.memory_space<vmem>>) semaphore(%arg10 : memref<!tpu.dma_semaphore, #tpu.memory_space<semaphore_mem>>)
      %add3A_53 = arith.constant 1 : i32
      %add3A_54 = arith.addi %mul3A_36, %add3A_53 : i32
      %dma_start3A_55 = arith.constant 1 : i32
      %dma_start3A_56 = arith.constant 0 : i32
      %dma_start3A_57 = arith.constant 0 : i32
      %dma_start3A_58 = tpu.memref_slice %arg8[%dma_start3A_55, %dma_start3A_56, %dma_start3A_57] : memref<8x128x64xf32, #tpu.memory_space<vmem>> -> memref<1x128x64xf32, #tpu.memory_space<vmem>>
      %dma_start3A_59 = tpu.memref_squeeze %dma_start3A_58 : memref<1x128x64xf32, #tpu.memory_space<vmem>> -> memref<128x64xf32, #tpu.memory_space<vmem>>
      %dma_start3A_60 = arith.constant 0 : i32
      %dma_start3A_61 = tpu.memref_slice %arg6[%add3A_54, %dma_start3A_60] : memref<80x128xi32, #tpu.memory_space<vmem>> -> memref<1x128xi32, #tpu.memory_space<vmem>>
      %dma_start3A_62 = tpu.memref_squeeze %dma_start3A_61 : memref<1x128xi32, #tpu.memory_space<vmem>> -> memref<128xi32, #tpu.memory_space<vmem>>
      %dma_start3A_63 = arith.constant 0 : i32
      %dma_start3A_64 = arith.constant 0 : i32
      %dma_start3A_65 = tpu.memref_slice %arg2[%arg0, %dma_start3A_63, %dma_start3A_64] : memref<2x10240x64xf32, #tpu.memory_space<hbm>> -> memref<1x10240x64xf32, #tpu.memory_space<hbm>>
      %dma_start3A_66 = tpu.memref_squeeze %dma_start3A_65 : memref<1x10240x64xf32, #tpu.memory_space<hbm>> -> memref<10240x64xf32, #tpu.memory_space<hbm>>
      %dma_start3A_67 = arith.constant 0 : i32
      %dma_start3A_68 = arith.constant 0 : i32
      %dma_start3A_69 = tpu.memref_slice %dma_start3A_66[%dma_start3A_67, %dma_start3A_68] : memref<10240x64xf32, #tpu.memory_space<hbm>> -> memref<10240x64xf32, #tpu.memory_space<hbm>>
      tpu.enqueue_indirect_dma source(%dma_start3A_69 : memref<10240x64xf32, #tpu.memory_space<hbm>>) target(%dma_start3A_59 : memref<128x64xf32, #tpu.memory_space<vmem>>) offsets(%dma_start3A_62 : memref<128xi32, #tpu.memory_space<vmem>>) semaphore(%arg11 : memref<!tpu.dma_semaphore, #tpu.memory_space<semaphore_mem>>)
      %add3A_70 = arith.constant 2 : i32
      %add3A_71 = arith.addi %mul3A_36, %add3A_70 : i32
      %dma_start3A_72 = arith.constant 2 : i32
      %dma_start3A_73 = arith.constant 0 : i32
      %dma_start3A_74 = arith.constant 0 : i32
      %dma_start3A_75 = tpu.memref_slice %arg8[%dma_start3A_72, %dma_start3A_73, %dma_start3A_74] : memref<8x128x64xf32, #tpu.memory_space<vmem>> -> memref<1x128x64xf32, #tpu.memory_space<vmem>>
      %dma_start3A_76 = tpu.memref_squeeze %dma_start3A_75 : memref<1x128x64xf32, #tpu.memory_space<vmem>> -> memref<128x64xf32, #tpu.memory_space<vmem>>
      %dma_start3A_77 = arith.constant 0 : i32
      %dma_start3A_78 = tpu.memref_slice %arg6[%add3A_71, %dma_start3A_77] : memref<80x128xi32, #tpu.memory_space<vmem>> -> memref<1x128xi32, #tpu.memory_space<vmem>>
      %dma_start3A_79 = tpu.memref_squeeze %dma_start3A_78 : memref<1x128xi32, #tpu.memory_space<vmem>> -> memref<128xi32, #tpu.memory_space<vmem>>
      %dma_start3A_80 = arith.constant 0 : i32
      %dma_start3A_81 = arith.constant 0 : i32
      %dma_start3A_82 = tpu.memref_slice %arg2[%arg0, %dma_start3A_80, %dma_start3A_81] : memref<2x10240x64xf32, #tpu.memory_space<hbm>> -> memref<1x10240x64xf32, #tpu.memory_space<hbm>>
      %dma_start3A_83 = tpu.memref_squeeze %dma_start3A_82 : memref<1x10240x64xf32, #tpu.memory_space<hbm>> -> memref<10240x64xf32, #tpu.memory_space<hbm>>
      %dma_start3A_84 = arith.constant 0 : i32
      %dma_start3A_85 = arith.constant 0 : i32
      %dma_start3A_86 = tpu.memref_slice %dma_start3A_83[%dma_start3A_84, %dma_start3A_85] : memref<10240x64xf32, #tpu.memory_space<hbm>> -> memref<10240x64xf32, #tpu.memory_space<hbm>>
      tpu.enqueue_indirect_dma source(%dma_start3A_86 : memref<10240x64xf32, #tpu.memory_space<hbm>>) target(%dma_start3A_76 : memref<128x64xf32, #tpu.memory_space<vmem>>) offsets(%dma_start3A_79 : memref<128xi32, #tpu.memory_space<vmem>>) semaphore(%arg12 : memref<!tpu.dma_semaphore, #tpu.memory_space<semaphore_mem>>)
      %add3A_87 = arith.constant 3 : i32
      %add3A_88 = arith.addi %mul3A_36, %add3A_87 : i32
      %dma_start3A_89 = arith.constant 3 : i32
      %dma_start3A_90 = arith.constant 0 : i32
      %dma_start3A_91 = arith.constant 0 : i32
      %dma_start3A_92 = tpu.memref_slice %arg8[%dma_start3A_89, %dma_start3A_90, %dma_start3A_91] : memref<8x128x64xf32, #tpu.memory_space<vmem>> -> memref<1x128x64xf32, #tpu.memory_space<vmem>>
      %dma_start3A_93 = tpu.memref_squeeze %dma_start3A_92 : memref<1x128x64xf32, #tpu.memory_space<vmem>> -> memref<128x64xf32, #tpu.memory_space<vmem>>
      %dma_start3A_94 = arith.constant 0 : i32
      %dma_start3A_95 = tpu.memref_slice %arg6[%add3A_88, %dma_start3A_94] : memref<80x128xi32, #tpu.memory_space<vmem>> -> memref<1x128xi32, #tpu.memory_space<vmem>>
      %dma_start3A_96 = tpu.memref_squeeze %dma_start3A_95 : memref<1x128xi32, #tpu.memory_space<vmem>> -> memref<128xi32, #tpu.memory_space<vmem>>
      %dma_start3A_97 = arith.constant 0 : i32
      %dma_start3A_98 = arith.constant 0 : i32
      %dma_start3A_99 = tpu.memref_slice %arg2[%arg0, %dma_start3A_97, %dma_start3A_98] : memref<2x10240x64xf32, #tpu.memory_space<hbm>> -> memref<1x10240x64xf32, #tpu.memory_space<hbm>>
      %dma_start3A_100 = tpu.memref_squeeze %dma_start3A_99 : memref<1x10240x64xf32, #tpu.memory_space<hbm>> -> memref<10240x64xf32, #tpu.memory_space<hbm>>
      %dma_start3A_101 = arith.constant 0 : i32
      %dma_start3A_102 = arith.constant 0 : i32
      %dma_start3A_103 = tpu.memref_slice %dma_start3A_100[%dma_start3A_101, %dma_start3A_102] : memref<10240x64xf32, #tpu.memory_space<hbm>> -> memref<10240x64xf32, #tpu.memory_space<hbm>>
      tpu.enqueue_indirect_dma source(%dma_start3A_103 : memref<10240x64xf32, #tpu.memory_space<hbm>>) target(%dma_start3A_93 : memref<128x64xf32, #tpu.memory_space<vmem>>) offsets(%dma_start3A_96 : memref<128xi32, #tpu.memory_space<vmem>>) semaphore(%arg13 : memref<!tpu.dma_semaphore, #tpu.memory_space<semaphore_mem>>)
      %add3A_104 = arith.constant 4 : i32
      %add3A_105 = arith.addi %mul3A_36, %add3A_104 : i32
      %dma_start3A_106 = arith.constant 4 : i32
      %dma_start3A_107 = arith.constant 0 : i32
      %dma_start3A_108 = arith.constant 0 : i32
      %dma_start3A_109 = tpu.memref_slice %arg8[%dma_start3A_106, %dma_start3A_107, %dma_start3A_108] : memref<8x128x64xf32, #tpu.memory_space<vmem>> -> memref<1x128x64xf32, #tpu.memory_space<vmem>>
      %dma_start3A_110 = tpu.memref_squeeze %dma_start3A_109 : memref<1x128x64xf32, #tpu.memory_space<vmem>> -> memref<128x64xf32, #tpu.memory_space<vmem>>
      %dma_start3A_111 = arith.constant 0 : i32
      %dma_start3A_112 = tpu.memref_slice %arg6[%add3A_105, %dma_start3A_111] : memref<80x128xi32, #tpu.memory_space<vmem>> -> memref<1x128xi32, #tpu.memory_space<vmem>>
      %dma_start3A_113 = tpu.memref_squeeze %dma_start3A_112 : memref<1x128xi32, #tpu.memory_space<vmem>> -> memref<128xi32, #tpu.memory_space<vmem>>
      %dma_start3A_114 = arith.constant 0 : i32
      %dma_start3A_115 = arith.constant 0 : i32
      %dma_start3A_116 = tpu.memref_slice %arg2[%arg0, %dma_start3A_114, %dma_start3A_115] : memref<2x10240x64xf32, #tpu.memory_space<hbm>> -> memref<1x10240x64xf32, #tpu.memory_space<hbm>>
      %dma_start3A_117 = tpu.memref_squeeze %dma_start3A_116 : memref<1x10240x64xf32, #tpu.memory_space<hbm>> -> memref<10240x64xf32, #tpu.memory_space<hbm>>
      %dma_start3A_118 = arith.constant 0 : i32
      %dma_start3A_119 = arith.constant 0 : i32
      %dma_start3A_120 = tpu.memref_slice %dma_start3A_117[%dma_start3A_118, %dma_start3A_119] : memref<10240x64xf32, #tpu.memory_space<hbm>> -> memref<10240x64xf32, #tpu.memory_space<hbm>>
      tpu.enqueue_indirect_dma source(%dma_start3A_120 : memref<10240x64xf32, #tpu.memory_space<hbm>>) target(%dma_start3A_110 : memref<128x64xf32, #tpu.memory_space<vmem>>) offsets(%dma_start3A_113 : memref<128xi32, #tpu.memory_space<vmem>>) semaphore(%arg14 : memref<!tpu.dma_semaphore, #tpu.memory_space<semaphore_mem>>)
      %add3A_121 = arith.constant 5 : i32
      %add3A_122 = arith.addi %mul3A_36, %add3A_121 : i32
      %dma_start3A_123 = arith.constant 5 : i32
      %dma_start3A_124 = arith.constant 0 : i32
      %dma_start3A_125 = arith.constant 0 : i32
      %dma_start3A_126 = tpu.memref_slice %arg8[%dma_start3A_123, %dma_start3A_124, %dma_start3A_125] : memref<8x128x64xf32, #tpu.memory_space<vmem>> -> memref<1x128x64xf32, #tpu.memory_space<vmem>>
      %dma_start3A_127 = tpu.memref_squeeze %dma_start3A_126 : memref<1x128x64xf32, #tpu.memory_space<vmem>> -> memref<128x64xf32, #tpu.memory_space<vmem>>
      %dma_start3A_128 = arith.constant 0 : i32
      %dma_start3A_129 = tpu.memref_slice %arg6[%add3A_122, %dma_start3A_128] : memref<80x128xi32, #tpu.memory_space<vmem>> -> memref<1x128xi32, #tpu.memory_space<vmem>>
      %dma_start3A_130 = tpu.memref_squeeze %dma_start3A_129 : memref<1x128xi32, #tpu.memory_space<vmem>> -> memref<128xi32, #tpu.memory_space<vmem>>
      %dma_start3A_131 = arith.constant 0 : i32
      %dma_start3A_132 = arith.constant 0 : i32
      %dma_start3A_133 = tpu.memref_slice %arg2[%arg0, %dma_start3A_131, %dma_start3A_132] : memref<2x10240x64xf32, #tpu.memory_space<hbm>> -> memref<1x10240x64xf32, #tpu.memory_space<hbm>>
      %dma_start3A_134 = tpu.memref_squeeze %dma_start3A_133 : memref<1x10240x64xf32, #tpu.memory_space<hbm>> -> memref<10240x64xf32, #tpu.memory_space<hbm>>
      %dma_start3A_135 = arith.constant 0 : i32
      %dma_start3A_136 = arith.constant 0 : i32
      %dma_start3A_137 = tpu.memref_slice %dma_start3A_134[%dma_start3A_135, %dma_start3A_136] : memref<10240x64xf32, #tpu.memory_space<hbm>> -> memref<10240x64xf32, #tpu.memory_space<hbm>>
      tpu.enqueue_indirect_dma source(%dma_start3A_137 : memref<10240x64xf32, #tpu.memory_space<hbm>>) target(%dma_start3A_127 : memref<128x64xf32, #tpu.memory_space<vmem>>) offsets(%dma_start3A_130 : memref<128xi32, #tpu.memory_space<vmem>>) semaphore(%arg15 : memref<!tpu.dma_semaphore, #tpu.memory_space<semaphore_mem>>)
      %add3A_138 = arith.constant 6 : i32
      %add3A_139 = arith.addi %mul3A_36, %add3A_138 : i32
      %dma_start3A_140 = arith.constant 6 : i32
      %dma_start3A_141 = arith.constant 0 : i32
      %dma_start3A_142 = arith.constant 0 : i32
      %dma_start3A_143 = tpu.memref_slice %arg8[%dma_start3A_140, %dma_start3A_141, %dma_start3A_142] : memref<8x128x64xf32, #tpu.memory_space<vmem>> -> memref<1x128x64xf32, #tpu.memory_space<vmem>>
      %dma_start3A_144 = tpu.memref_squeeze %dma_start3A_143 : memref<1x128x64xf32, #tpu.memory_space<vmem>> -> memref<128x64xf32, #tpu.memory_space<vmem>>
      %dma_start3A_145 = arith.constant 0 : i32
      %dma_start3A_146 = tpu.memref_slice %arg6[%add3A_139, %dma_start3A_145] : memref<80x128xi32, #tpu.memory_space<vmem>> -> memref<1x128xi32, #tpu.memory_space<vmem>>
      %dma_start3A_147 = tpu.memref_squeeze %dma_start3A_146 : memref<1x128xi32, #tpu.memory_space<vmem>> -> memref<128xi32, #tpu.memory_space<vmem>>
      %dma_start3A_148 = arith.constant 0 : i32
      %dma_start3A_149 = arith.constant 0 : i32
      %dma_start3A_150 = tpu.memref_slice %arg2[%arg0, %dma_start3A_148, %dma_start3A_149] : memref<2x10240x64xf32, #tpu.memory_space<hbm>> -> memref<1x10240x64xf32, #tpu.memory_space<hbm>>
      %dma_start3A_151 = tpu.memref_squeeze %dma_start3A_150 : memref<1x10240x64xf32, #tpu.memory_space<hbm>> -> memref<10240x64xf32, #tpu.memory_space<hbm>>
      %dma_start3A_152 = arith.constant 0 : i32
      %dma_start3A_153 = arith.constant 0 : i32
      %dma_start3A_154 = tpu.memref_slice %dma_start3A_151[%dma_start3A_152, %dma_start3A_153] : memref<10240x64xf32, #tpu.memory_space<hbm>> -> memref<10240x64xf32, #tpu.memory_space<hbm>>
      tpu.enqueue_indirect_dma source(%dma_start3A_154 : memref<10240x64xf32, #tpu.memory_space<hbm>>) target(%dma_start3A_144 : memref<128x64xf32, #tpu.memory_space<vmem>>) offsets(%dma_start3A_147 : memref<128xi32, #tpu.memory_space<vmem>>) semaphore(%arg16 : memref<!tpu.dma_semaphore, #tpu.memory_space<semaphore_mem>>)
      %add3A_155 = arith.constant 7 : i32
      %add3A_156 = arith.addi %mul3A_36, %add3A_155 : i32
      %dma_start3A_157 = arith.constant 7 : i32
      %dma_start3A_158 = arith.constant 0 : i32
      %dma_start3A_159 = arith.constant 0 : i32
      %dma_start3A_160 = tpu.memref_slice %arg8[%dma_start3A_157, %dma_start3A_158, %dma_start3A_159] : memref<8x128x64xf32, #tpu.memory_space<vmem>> -> memref<1x128x64xf32, #tpu.memory_space<vmem>>
      %dma_start3A_161 = tpu.memref_squeeze %dma_start3A_160 : memref<1x128x64xf32, #tpu.memory_space<vmem>> -> memref<128x64xf32, #tpu.memory_space<vmem>>
      %dma_start3A_162 = arith.constant 0 : i32
      %dma_start3A_163 = tpu.memref_slice %arg6[%add3A_156, %dma_start3A_162] : memref<80x128xi32, #tpu.memory_space<vmem>> -> memref<1x128xi32, #tpu.memory_space<vmem>>
      %dma_start3A_164 = tpu.memref_squeeze %dma_start3A_163 : memref<1x128xi32, #tpu.memory_space<vmem>> -> memref<128xi32, #tpu.memory_space<vmem>>
      %dma_start3A_165 = arith.constant 0 : i32
      %dma_start3A_166 = arith.constant 0 : i32
      %dma_start3A_167 = tpu.memref_slice %arg2[%arg0, %dma_start3A_165, %dma_start3A_166] : memref<2x10240x64xf32, #tpu.memory_space<hbm>> -> memref<1x10240x64xf32, #tpu.memory_space<hbm>>
      %dma_start3A_168 = tpu.memref_squeeze %dma_start3A_167 : memref<1x10240x64xf32, #tpu.memory_space<hbm>> -> memref<10240x64xf32, #tpu.memory_space<hbm>>
      %dma_start3A_169 = arith.constant 0 : i32
      %dma_start3A_170 = arith.constant 0 : i32
      %dma_start3A_171 = tpu.memref_slice %dma_start3A_168[%dma_start3A_169, %dma_start3A_170] : memref<10240x64xf32, #tpu.memory_space<hbm>> -> memref<10240x64xf32, #tpu.memory_space<hbm>>
      tpu.enqueue_indirect_dma source(%dma_start3A_171 : memref<10240x64xf32, #tpu.memory_space<hbm>>) target(%dma_start3A_161 : memref<128x64xf32, #tpu.memory_space<vmem>>) offsets(%dma_start3A_164 : memref<128xi32, #tpu.memory_space<vmem>>) semaphore(%arg17 : memref<!tpu.dma_semaphore, #tpu.memory_space<semaphore_mem>>)
      %dma_wait3A = arith.constant 0 : i32
      %dma_wait3A_172 = arith.constant 0 : i32
      %dma_wait3A_173 = arith.constant 0 : i32
      %dma_wait3A_174 = tpu.memref_slice %arg8[%dma_wait3A, %dma_wait3A_172, %dma_wait3A_173] : memref<8x128x64xf32, #tpu.memory_space<vmem>> -> memref<1x128x64xf32, #tpu.memory_space<vmem>>
      %dma_wait3A_175 = tpu.memref_squeeze %dma_wait3A_174 : memref<1x128x64xf32, #tpu.memory_space<vmem>> -> memref<128x64xf32, #tpu.memory_space<vmem>>
      %dma_wait3A_176 = arith.constant 0 : i32
      %dma_wait3A_177 = tpu.memref_slice %arg6[%add3A_38, %dma_wait3A_176] : memref<80x128xi32, #tpu.memory_space<vmem>> -> memref<1x128xi32, #tpu.memory_space<vmem>>
      %dma_wait3A_178 = tpu.memref_squeeze %dma_wait3A_177 : memref<1x128xi32, #tpu.memory_space<vmem>> -> memref<128xi32, #tpu.memory_space<vmem>>
      %dma_wait3A_179 = arith.constant 0 : i32
      %dma_wait3A_180 = arith.constant 0 : i32
      %dma_wait3A_181 = tpu.memref_slice %arg2[%arg0, %dma_wait3A_179, %dma_wait3A_180] : memref<2x10240x64xf32, #tpu.memory_space<hbm>> -> memref<1x10240x64xf32, #tpu.memory_space<hbm>>
      %dma_wait3A_182 = tpu.memref_squeeze %dma_wait3A_181 : memref<1x10240x64xf32, #tpu.memory_space<hbm>> -> memref<10240x64xf32, #tpu.memory_space<hbm>>
      %dma_wait3A_183 = arith.constant 0 : i32
      %dma_wait3A_184 = arith.constant 0 : i32
      %dma_wait3A_185 = tpu.memref_slice %dma_wait3A_182[%dma_wait3A_183, %dma_wait3A_184] : memref<10240x64xf32, #tpu.memory_space<hbm>> -> memref<10240x64xf32, #tpu.memory_space<hbm>>
      tpu.wait_indirect_dma semaphore(%arg10 : memref<!tpu.dma_semaphore, #tpu.memory_space<semaphore_mem>>) src(%dma_wait3A_185 : memref<10240x64xf32, #tpu.memory_space<hbm>>) dst(%dma_wait3A_175 : memref<128x64xf32, #tpu.memory_space<vmem>>)
      %add3A_186 = arith.constant 0 : i32
      %add3A_187 = arith.addi %mul3A_36, %add3A_186 : i32
      %dma_start3A_188 = arith.constant 0 : i32
      %dma_start3A_189 = arith.constant 0 : i32
      %dma_start3A_190 = arith.constant 0 : i32
      %dma_start3A_191 = tpu.memref_slice %arg8[%dma_start3A_188, %dma_start3A_189, %dma_start3A_190] : memref<8x128x64xf32, #tpu.memory_space<vmem>> -> memref<1x128x64xf32, #tpu.memory_space<vmem>>
      %dma_start3A_192 = tpu.memref_squeeze %dma_start3A_191 : memref<1x128x64xf32, #tpu.memory_space<vmem>> -> memref<128x64xf32, #tpu.memory_space<vmem>>
      %dma_start3A_193 = arith.constant 0 : i32
      %dma_start3A_194 = tpu.memref_slice %arg7[%add3A_187, %dma_start3A_193] : memref<80x128xi32, #tpu.memory_space<vmem>> -> memref<1x128xi32, #tpu.memory_space<vmem>>
      %dma_start3A_195 = tpu.memref_squeeze %dma_start3A_194 : memref<1x128xi32, #tpu.memory_space<vmem>> -> memref<128xi32, #tpu.memory_space<vmem>>
      %dma_start3A_196 = arith.constant 0 : i32
      %dma_start3A_197 = arith.constant 0 : i32
      %dma_start3A_198 = tpu.memref_slice %arg9[%dma_start3A_196, %dma_start3A_197] : memref<10240x64xf32, #tpu.memory_space<vmem_shared>> -> memref<10240x64xf32, #tpu.memory_space<vmem_shared>>
      tpu.enqueue_indirect_dma source(%dma_start3A_192 : memref<128x64xf32, #tpu.memory_space<vmem>>) target(%dma_start3A_198 : memref<10240x64xf32, #tpu.memory_space<vmem_shared>>) offsets(%dma_start3A_195 : memref<128xi32, #tpu.memory_space<vmem>>) semaphore(%arg18 : memref<!tpu.dma_semaphore, #tpu.memory_space<semaphore_mem>>) {add = true}
      %dma_wait3A_199 = arith.constant 1 : i32
      %dma_wait3A_200 = arith.constant 0 : i32
      %dma_wait3A_201 = arith.constant 0 : i32
      %dma_wait3A_202 = tpu.memref_slice %arg8[%dma_wait3A_199, %dma_wait3A_200, %dma_wait3A_201] : memref<8x128x64xf32, #tpu.memory_space<vmem>> -> memref<1x128x64xf32, #tpu.memory_space<vmem>>
      %dma_wait3A_203 = tpu.memref_squeeze %dma_wait3A_202 : memref<1x128x64xf32, #tpu.memory_space<vmem>> -> memref<128x64xf32, #tpu.memory_space<vmem>>
      %dma_wait3A_204 = arith.constant 0 : i32
      %dma_wait3A_205 = tpu.memref_slice %arg6[%add3A_54, %dma_wait3A_204] : memref<80x128xi32, #tpu.memory_space<vmem>> -> memref<1x128xi32, #tpu.memory_space<vmem>>
      %dma_wait3A_206 = tpu.memref_squeeze %dma_wait3A_205 : memref<1x128xi32, #tpu.memory_space<vmem>> -> memref<128xi32, #tpu.memory_space<vmem>>
      %dma_wait3A_207 = arith.constant 0 : i32
      %dma_wait3A_208 = arith.constant 0 : i32
      %dma_wait3A_209 = tpu.memref_slice %arg2[%arg0, %dma_wait3A_207, %dma_wait3A_208] : memref<2x10240x64xf32, #tpu.memory_space<hbm>> -> memref<1x10240x64xf32, #tpu.memory_space<hbm>>
      %dma_wait3A_210 = tpu.memref_squeeze %dma_wait3A_209 : memref<1x10240x64xf32, #tpu.memory_space<hbm>> -> memref<10240x64xf32, #tpu.memory_space<hbm>>
      %dma_wait3A_211 = arith.constant 0 : i32
      %dma_wait3A_212 = arith.constant 0 : i32
      %dma_wait3A_213 = tpu.memref_slice %dma_wait3A_210[%dma_wait3A_211, %dma_wait3A_212] : memref<10240x64xf32, #tpu.memory_space<hbm>> -> memref<10240x64xf32, #tpu.memory_space<hbm>>
      tpu.wait_indirect_dma semaphore(%arg11 : memref<!tpu.dma_semaphore, #tpu.memory_space<semaphore_mem>>) src(%dma_wait3A_213 : memref<10240x64xf32, #tpu.memory_space<hbm>>) dst(%dma_wait3A_203 : memref<128x64xf32, #tpu.memory_space<vmem>>)
      %add3A_214 = arith.constant 1 : i32
      %add3A_215 = arith.addi %mul3A_36, %add3A_214 : i32
      %dma_start3A_216 = arith.constant 1 : i32
      %dma_start3A_217 = arith.constant 0 : i32
      %dma_start3A_218 = arith.constant 0 : i32
      %dma_start3A_219 = tpu.memref_slice %arg8[%dma_start3A_216, %dma_start3A_217, %dma_start3A_218] : memref<8x128x64xf32, #tpu.memory_space<vmem>> -> memref<1x128x64xf32, #tpu.memory_space<vmem>>
      %dma_start3A_220 = tpu.memref_squeeze %dma_start3A_219 : memref<1x128x64xf32, #tpu.memory_space<vmem>> -> memref<128x64xf32, #tpu.memory_space<vmem>>
      %dma_start3A_221 = arith.constant 0 : i32
      %dma_start3A_222 = tpu.memref_slice %arg7[%add3A_215, %dma_start3A_221] : memref<80x128xi32, #tpu.memory_space<vmem>> -> memref<1x128xi32, #tpu.memory_space<vmem>>
      %dma_start3A_223 = tpu.memref_squeeze %dma_start3A_222 : memref<1x128xi32, #tpu.memory_space<vmem>> -> memref<128xi32, #tpu.memory_space<vmem>>
      %dma_start3A_224 = arith.constant 0 : i32
      %dma_start3A_225 = arith.constant 0 : i32
      %dma_start3A_226 = tpu.memref_slice %arg9[%dma_start3A_224, %dma_start3A_225] : memref<10240x64xf32, #tpu.memory_space<vmem_shared>> -> memref<10240x64xf32, #tpu.memory_space<vmem_shared>>
      tpu.enqueue_indirect_dma source(%dma_start3A_220 : memref<128x64xf32, #tpu.memory_space<vmem>>) target(%dma_start3A_226 : memref<10240x64xf32, #tpu.memory_space<vmem_shared>>) offsets(%dma_start3A_223 : memref<128xi32, #tpu.memory_space<vmem>>) semaphore(%arg18 : memref<!tpu.dma_semaphore, #tpu.memory_space<semaphore_mem>>) {add = true}
      %dma_wait3A_227 = arith.constant 2 : i32
      %dma_wait3A_228 = arith.constant 0 : i32
      %dma_wait3A_229 = arith.constant 0 : i32
      %dma_wait3A_230 = tpu.memref_slice %arg8[%dma_wait3A_227, %dma_wait3A_228, %dma_wait3A_229] : memref<8x128x64xf32, #tpu.memory_space<vmem>> -> memref<1x128x64xf32, #tpu.memory_space<vmem>>
      %dma_wait3A_231 = tpu.memref_squeeze %dma_wait3A_230 : memref<1x128x64xf32, #tpu.memory_space<vmem>> -> memref<128x64xf32, #tpu.memory_space<vmem>>
      %dma_wait3A_232 = arith.constant 0 : i32
      %dma_wait3A_233 = tpu.memref_slice %arg6[%add3A_71, %dma_wait3A_232] : memref<80x128xi32, #tpu.memory_space<vmem>> -> memref<1x128xi32, #tpu.memory_space<vmem>>
      %dma_wait3A_234 = tpu.memref_squeeze %dma_wait3A_233 : memref<1x128xi32, #tpu.memory_space<vmem>> -> memref<128xi32, #tpu.memory_space<vmem>>
      %dma_wait3A_235 = arith.constant 0 : i32
      %dma_wait3A_236 = arith.constant 0 : i32
      %dma_wait3A_237 = tpu.memref_slice %arg2[%arg0, %dma_wait3A_235, %dma_wait3A_236] : memref<2x10240x64xf32, #tpu.memory_space<hbm>> -> memref<1x10240x64xf32, #tpu.memory_space<hbm>>
      %dma_wait3A_238 = tpu.memref_squeeze %dma_wait3A_237 : memref<1x10240x64xf32, #tpu.memory_space<hbm>> -> memref<10240x64xf32, #tpu.memory_space<hbm>>
      %dma_wait3A_239 = arith.constant 0 : i32
      %dma_wait3A_240 = arith.constant 0 : i32
      %dma_wait3A_241 = tpu.memref_slice %dma_wait3A_238[%dma_wait3A_239, %dma_wait3A_240] : memref<10240x64xf32, #tpu.memory_space<hbm>> -> memref<10240x64xf32, #tpu.memory_space<hbm>>
      tpu.wait_indirect_dma semaphore(%arg12 : memref<!tpu.dma_semaphore, #tpu.memory_space<semaphore_mem>>) src(%dma_wait3A_241 : memref<10240x64xf32, #tpu.memory_space<hbm>>) dst(%dma_wait3A_231 : memref<128x64xf32, #tpu.memory_space<vmem>>)
      %add3A_242 = arith.constant 2 : i32
      %add3A_243 = arith.addi %mul3A_36, %add3A_242 : i32
      %dma_start3A_244 = arith.constant 2 : i32
      %dma_start3A_245 = arith.constant 0 : i32
      %dma_start3A_246 = arith.constant 0 : i32
      %dma_start3A_247 = tpu.memref_slice %arg8[%dma_start3A_244, %dma_start3A_245, %dma_start3A_246] : memref<8x128x64xf32, #tpu.memory_space<vmem>> -> memref<1x128x64xf32, #tpu.memory_space<vmem>>
      %dma_start3A_248 = tpu.memref_squeeze %dma_start3A_247 : memref<1x128x64xf32, #tpu.memory_space<vmem>> -> memref<128x64xf32, #tpu.memory_space<vmem>>
      %dma_start3A_249 = arith.constant 0 : i32
      %dma_start3A_250 = tpu.memref_slice %arg7[%add3A_243, %dma_start3A_249] : memref<80x128xi32, #tpu.memory_space<vmem>> -> memref<1x128xi32, #tpu.memory_space<vmem>>
      %dma_start3A_251 = tpu.memref_squeeze %dma_start3A_250 : memref<1x128xi32, #tpu.memory_space<vmem>> -> memref<128xi32, #tpu.memory_space<vmem>>
      %dma_start3A_252 = arith.constant 0 : i32
      %dma_start3A_253 = arith.constant 0 : i32
      %dma_start3A_254 = tpu.memref_slice %arg9[%dma_start3A_252, %dma_start3A_253] : memref<10240x64xf32, #tpu.memory_space<vmem_shared>> -> memref<10240x64xf32, #tpu.memory_space<vmem_shared>>
      tpu.enqueue_indirect_dma source(%dma_start3A_248 : memref<128x64xf32, #tpu.memory_space<vmem>>) target(%dma_start3A_254 : memref<10240x64xf32, #tpu.memory_space<vmem_shared>>) offsets(%dma_start3A_251 : memref<128xi32, #tpu.memory_space<vmem>>) semaphore(%arg18 : memref<!tpu.dma_semaphore, #tpu.memory_space<semaphore_mem>>) {add = true}
      %dma_wait3A_255 = arith.constant 3 : i32
      %dma_wait3A_256 = arith.constant 0 : i32
      %dma_wait3A_257 = arith.constant 0 : i32
      %dma_wait3A_258 = tpu.memref_slice %arg8[%dma_wait3A_255, %dma_wait3A_256, %dma_wait3A_257] : memref<8x128x64xf32, #tpu.memory_space<vmem>> -> memref<1x128x64xf32, #tpu.memory_space<vmem>>
      %dma_wait3A_259 = tpu.memref_squeeze %dma_wait3A_258 : memref<1x128x64xf32, #tpu.memory_space<vmem>> -> memref<128x64xf32, #tpu.memory_space<vmem>>
      %dma_wait3A_260 = arith.constant 0 : i32
      %dma_wait3A_261 = tpu.memref_slice %arg6[%add3A_88, %dma_wait3A_260] : memref<80x128xi32, #tpu.memory_space<vmem>> -> memref<1x128xi32, #tpu.memory_space<vmem>>
      %dma_wait3A_262 = tpu.memref_squeeze %dma_wait3A_261 : memref<1x128xi32, #tpu.memory_space<vmem>> -> memref<128xi32, #tpu.memory_space<vmem>>
      %dma_wait3A_263 = arith.constant 0 : i32
      %dma_wait3A_264 = arith.constant 0 : i32
      %dma_wait3A_265 = tpu.memref_slice %arg2[%arg0, %dma_wait3A_263, %dma_wait3A_264] : memref<2x10240x64xf32, #tpu.memory_space<hbm>> -> memref<1x10240x64xf32, #tpu.memory_space<hbm>>
      %dma_wait3A_266 = tpu.memref_squeeze %dma_wait3A_265 : memref<1x10240x64xf32, #tpu.memory_space<hbm>> -> memref<10240x64xf32, #tpu.memory_space<hbm>>
      %dma_wait3A_267 = arith.constant 0 : i32
      %dma_wait3A_268 = arith.constant 0 : i32
      %dma_wait3A_269 = tpu.memref_slice %dma_wait3A_266[%dma_wait3A_267, %dma_wait3A_268] : memref<10240x64xf32, #tpu.memory_space<hbm>> -> memref<10240x64xf32, #tpu.memory_space<hbm>>
      tpu.wait_indirect_dma semaphore(%arg13 : memref<!tpu.dma_semaphore, #tpu.memory_space<semaphore_mem>>) src(%dma_wait3A_269 : memref<10240x64xf32, #tpu.memory_space<hbm>>) dst(%dma_wait3A_259 : memref<128x64xf32, #tpu.memory_space<vmem>>)
      %add3A_270 = arith.constant 3 : i32
      %add3A_271 = arith.addi %mul3A_36, %add3A_270 : i32
      %dma_start3A_272 = arith.constant 3 : i32
      %dma_start3A_273 = arith.constant 0 : i32
      %dma_start3A_274 = arith.constant 0 : i32
      %dma_start3A_275 = tpu.memref_slice %arg8[%dma_start3A_272, %dma_start3A_273, %dma_start3A_274] : memref<8x128x64xf32, #tpu.memory_space<vmem>> -> memref<1x128x64xf32, #tpu.memory_space<vmem>>
      %dma_start3A_276 = tpu.memref_squeeze %dma_start3A_275 : memref<1x128x64xf32, #tpu.memory_space<vmem>> -> memref<128x64xf32, #tpu.memory_space<vmem>>
      %dma_start3A_277 = arith.constant 0 : i32
      %dma_start3A_278 = tpu.memref_slice %arg7[%add3A_271, %dma_start3A_277] : memref<80x128xi32, #tpu.memory_space<vmem>> -> memref<1x128xi32, #tpu.memory_space<vmem>>
      %dma_start3A_279 = tpu.memref_squeeze %dma_start3A_278 : memref<1x128xi32, #tpu.memory_space<vmem>> -> memref<128xi32, #tpu.memory_space<vmem>>
      %dma_start3A_280 = arith.constant 0 : i32
      %dma_start3A_281 = arith.constant 0 : i32
      %dma_start3A_282 = tpu.memref_slice %arg9[%dma_start3A_280, %dma_start3A_281] : memref<10240x64xf32, #tpu.memory_space<vmem_shared>> -> memref<10240x64xf32, #tpu.memory_space<vmem_shared>>
      tpu.enqueue_indirect_dma source(%dma_start3A_276 : memref<128x64xf32, #tpu.memory_space<vmem>>) target(%dma_start3A_282 : memref<10240x64xf32, #tpu.memory_space<vmem_shared>>) offsets(%dma_start3A_279 : memref<128xi32, #tpu.memory_space<vmem>>) semaphore(%arg18 : memref<!tpu.dma_semaphore, #tpu.memory_space<semaphore_mem>>) {add = true}
      %dma_wait3A_283 = arith.constant 4 : i32
      %dma_wait3A_284 = arith.constant 0 : i32
      %dma_wait3A_285 = arith.constant 0 : i32
      %dma_wait3A_286 = tpu.memref_slice %arg8[%dma_wait3A_283, %dma_wait3A_284, %dma_wait3A_285] : memref<8x128x64xf32, #tpu.memory_space<vmem>> -> memref<1x128x64xf32, #tpu.memory_space<vmem>>
      %dma_wait3A_287 = tpu.memref_squeeze %dma_wait3A_286 : memref<1x128x64xf32, #tpu.memory_space<vmem>> -> memref<128x64xf32, #tpu.memory_space<vmem>>
      %dma_wait3A_288 = arith.constant 0 : i32
      %dma_wait3A_289 = tpu.memref_slice %arg6[%add3A_105, %dma_wait3A_288] : memref<80x128xi32, #tpu.memory_space<vmem>> -> memref<1x128xi32, #tpu.memory_space<vmem>>
      %dma_wait3A_290 = tpu.memref_squeeze %dma_wait3A_289 : memref<1x128xi32, #tpu.memory_space<vmem>> -> memref<128xi32, #tpu.memory_space<vmem>>
      %dma_wait3A_291 = arith.constant 0 : i32
      %dma_wait3A_292 = arith.constant 0 : i32
      %dma_wait3A_293 = tpu.memref_slice %arg2[%arg0, %dma_wait3A_291, %dma_wait3A_292] : memref<2x10240x64xf32, #tpu.memory_space<hbm>> -> memref<1x10240x64xf32, #tpu.memory_space<hbm>>
      %dma_wait3A_294 = tpu.memref_squeeze %dma_wait3A_293 : memref<1x10240x64xf32, #tpu.memory_space<hbm>> -> memref<10240x64xf32, #tpu.memory_space<hbm>>
      %dma_wait3A_295 = arith.constant 0 : i32
      %dma_wait3A_296 = arith.constant 0 : i32
      %dma_wait3A_297 = tpu.memref_slice %dma_wait3A_294[%dma_wait3A_295, %dma_wait3A_296] : memref<10240x64xf32, #tpu.memory_space<hbm>> -> memref<10240x64xf32, #tpu.memory_space<hbm>>
      tpu.wait_indirect_dma semaphore(%arg14 : memref<!tpu.dma_semaphore, #tpu.memory_space<semaphore_mem>>) src(%dma_wait3A_297 : memref<10240x64xf32, #tpu.memory_space<hbm>>) dst(%dma_wait3A_287 : memref<128x64xf32, #tpu.memory_space<vmem>>)
      %add3A_298 = arith.constant 4 : i32
      %add3A_299 = arith.addi %mul3A_36, %add3A_298 : i32
      %dma_start3A_300 = arith.constant 4 : i32
      %dma_start3A_301 = arith.constant 0 : i32
      %dma_start3A_302 = arith.constant 0 : i32
      %dma_start3A_303 = tpu.memref_slice %arg8[%dma_start3A_300, %dma_start3A_301, %dma_start3A_302] : memref<8x128x64xf32, #tpu.memory_space<vmem>> -> memref<1x128x64xf32, #tpu.memory_space<vmem>>
      %dma_start3A_304 = tpu.memref_squeeze %dma_start3A_303 : memref<1x128x64xf32, #tpu.memory_space<vmem>> -> memref<128x64xf32, #tpu.memory_space<vmem>>
      %dma_start3A_305 = arith.constant 0 : i32
      %dma_start3A_306 = tpu.memref_slice %arg7[%add3A_299, %dma_start3A_305] : memref<80x128xi32, #tpu.memory_space<vmem>> -> memref<1x128xi32, #tpu.memory_space<vmem>>
      %dma_start3A_307 = tpu.memref_squeeze %dma_start3A_306 : memref<1x128xi32, #tpu.memory_space<vmem>> -> memref<128xi32, #tpu.memory_space<vmem>>
      %dma_start3A_308 = arith.constant 0 : i32
      %dma_start3A_309 = arith.constant 0 : i32
      %dma_start3A_310 = tpu.memref_slice %arg9[%dma_start3A_308, %dma_start3A_309] : memref<10240x64xf32, #tpu.memory_space<vmem_shared>> -> memref<10240x64xf32, #tpu.memory_space<vmem_shared>>
      tpu.enqueue_indirect_dma source(%dma_start3A_304 : memref<128x64xf32, #tpu.memory_space<vmem>>) target(%dma_start3A_310 : memref<10240x64xf32, #tpu.memory_space<vmem_shared>>) offsets(%dma_start3A_307 : memref<128xi32, #tpu.memory_space<vmem>>) semaphore(%arg18 : memref<!tpu.dma_semaphore, #tpu.memory_space<semaphore_mem>>) {add = true}
      %dma_wait3A_311 = arith.constant 5 : i32
      %dma_wait3A_312 = arith.constant 0 : i32
      %dma_wait3A_313 = arith.constant 0 : i32
      %dma_wait3A_314 = tpu.memref_slice %arg8[%dma_wait3A_311, %dma_wait3A_312, %dma_wait3A_313] : memref<8x128x64xf32, #tpu.memory_space<vmem>> -> memref<1x128x64xf32, #tpu.memory_space<vmem>>
      %dma_wait3A_315 = tpu.memref_squeeze %dma_wait3A_314 : memref<1x128x64xf32, #tpu.memory_space<vmem>> -> memref<128x64xf32, #tpu.memory_space<vmem>>
      %dma_wait3A_316 = arith.constant 0 : i32
      %dma_wait3A_317 = tpu.memref_slice %arg6[%add3A_122, %dma_wait3A_316] : memref<80x128xi32, #tpu.memory_space<vmem>> -> memref<1x128xi32, #tpu.memory_space<vmem>>
      %dma_wait3A_318 = tpu.memref_squeeze %dma_wait3A_317 : memref<1x128xi32, #tpu.memory_space<vmem>> -> memref<128xi32, #tpu.memory_space<vmem>>
      %dma_wait3A_319 = arith.constant 0 : i32
      %dma_wait3A_320 = arith.constant 0 : i32
      %dma_wait3A_321 = tpu.memref_slice %arg2[%arg0, %dma_wait3A_319, %dma_wait3A_320] : memref<2x10240x64xf32, #tpu.memory_space<hbm>> -> memref<1x10240x64xf32, #tpu.memory_space<hbm>>
      %dma_wait3A_322 = tpu.memref_squeeze %dma_wait3A_321 : memref<1x10240x64xf32, #tpu.memory_space<hbm>> -> memref<10240x64xf32, #tpu.memory_space<hbm>>
      %dma_wait3A_323 = arith.constant 0 : i32
      %dma_wait3A_324 = arith.constant 0 : i32
      %dma_wait3A_325 = tpu.memref_slice %dma_wait3A_322[%dma_wait3A_323, %dma_wait3A_324] : memref<10240x64xf32, #tpu.memory_space<hbm>> -> memref<10240x64xf32, #tpu.memory_space<hbm>>
      tpu.wait_indirect_dma semaphore(%arg15 : memref<!tpu.dma_semaphore, #tpu.memory_space<semaphore_mem>>) src(%dma_wait3A_325 : memref<10240x64xf32, #tpu.memory_space<hbm>>) dst(%dma_wait3A_315 : memref<128x64xf32, #tpu.memory_space<vmem>>)
      %add3A_326 = arith.constant 5 : i32
      %add3A_327 = arith.addi %mul3A_36, %add3A_326 : i32
      %dma_start3A_328 = arith.constant 5 : i32
      %dma_start3A_329 = arith.constant 0 : i32
      %dma_start3A_330 = arith.constant 0 : i32
      %dma_start3A_331 = tpu.memref_slice %arg8[%dma_start3A_328, %dma_start3A_329, %dma_start3A_330] : memref<8x128x64xf32, #tpu.memory_space<vmem>> -> memref<1x128x64xf32, #tpu.memory_space<vmem>>
      %dma_start3A_332 = tpu.memref_squeeze %dma_start3A_331 : memref<1x128x64xf32, #tpu.memory_space<vmem>> -> memref<128x64xf32, #tpu.memory_space<vmem>>
      %dma_start3A_333 = arith.constant 0 : i32
      %dma_start3A_334 = tpu.memref_slice %arg7[%add3A_327, %dma_start3A_333] : memref<80x128xi32, #tpu.memory_space<vmem>> -> memref<1x128xi32, #tpu.memory_space<vmem>>
      %dma_start3A_335 = tpu.memref_squeeze %dma_start3A_334 : memref<1x128xi32, #tpu.memory_space<vmem>> -> memref<128xi32, #tpu.memory_space<vmem>>
      %dma_start3A_336 = arith.constant 0 : i32
      %dma_start3A_337 = arith.constant 0 : i32
      %dma_start3A_338 = tpu.memref_slice %arg9[%dma_start3A_336, %dma_start3A_337] : memref<10240x64xf32, #tpu.memory_space<vmem_shared>> -> memref<10240x64xf32, #tpu.memory_space<vmem_shared>>
      tpu.enqueue_indirect_dma source(%dma_start3A_332 : memref<128x64xf32, #tpu.memory_space<vmem>>) target(%dma_start3A_338 : memref<10240x64xf32, #tpu.memory_space<vmem_shared>>) offsets(%dma_start3A_335 : memref<128xi32, #tpu.memory_space<vmem>>) semaphore(%arg18 : memref<!tpu.dma_semaphore, #tpu.memory_space<semaphore_mem>>) {add = true}
      %dma_wait3A_339 = arith.constant 6 : i32
      %dma_wait3A_340 = arith.constant 0 : i32
      %dma_wait3A_341 = arith.constant 0 : i32
      %dma_wait3A_342 = tpu.memref_slice %arg8[%dma_wait3A_339, %dma_wait3A_340, %dma_wait3A_341] : memref<8x128x64xf32, #tpu.memory_space<vmem>> -> memref<1x128x64xf32, #tpu.memory_space<vmem>>
      %dma_wait3A_343 = tpu.memref_squeeze %dma_wait3A_342 : memref<1x128x64xf32, #tpu.memory_space<vmem>> -> memref<128x64xf32, #tpu.memory_space<vmem>>
      %dma_wait3A_344 = arith.constant 0 : i32
      %dma_wait3A_345 = tpu.memref_slice %arg6[%add3A_139, %dma_wait3A_344] : memref<80x128xi32, #tpu.memory_space<vmem>> -> memref<1x128xi32, #tpu.memory_space<vmem>>
      %dma_wait3A_346 = tpu.memref_squeeze %dma_wait3A_345 : memref<1x128xi32, #tpu.memory_space<vmem>> -> memref<128xi32, #tpu.memory_space<vmem>>
      %dma_wait3A_347 = arith.constant 0 : i32
      %dma_wait3A_348 = arith.constant 0 : i32
      %dma_wait3A_349 = tpu.memref_slice %arg2[%arg0, %dma_wait3A_347, %dma_wait3A_348] : memref<2x10240x64xf32, #tpu.memory_space<hbm>> -> memref<1x10240x64xf32, #tpu.memory_space<hbm>>
      %dma_wait3A_350 = tpu.memref_squeeze %dma_wait3A_349 : memref<1x10240x64xf32, #tpu.memory_space<hbm>> -> memref<10240x64xf32, #tpu.memory_space<hbm>>
      %dma_wait3A_351 = arith.constant 0 : i32
      %dma_wait3A_352 = arith.constant 0 : i32
      %dma_wait3A_353 = tpu.memref_slice %dma_wait3A_350[%dma_wait3A_351, %dma_wait3A_352] : memref<10240x64xf32, #tpu.memory_space<hbm>> -> memref<10240x64xf32, #tpu.memory_space<hbm>>
      tpu.wait_indirect_dma semaphore(%arg16 : memref<!tpu.dma_semaphore, #tpu.memory_space<semaphore_mem>>) src(%dma_wait3A_353 : memref<10240x64xf32, #tpu.memory_space<hbm>>) dst(%dma_wait3A_343 : memref<128x64xf32, #tpu.memory_space<vmem>>)
      %add3A_354 = arith.constant 6 : i32
      %add3A_355 = arith.addi %mul3A_36, %add3A_354 : i32
      %dma_start3A_356 = arith.constant 6 : i32
      %dma_start3A_357 = arith.constant 0 : i32
      %dma_start3A_358 = arith.constant 0 : i32
      %dma_start3A_359 = tpu.memref_slice %arg8[%dma_start3A_356, %dma_start3A_357, %dma_start3A_358] : memref<8x128x64xf32, #tpu.memory_space<vmem>> -> memref<1x128x64xf32, #tpu.memory_space<vmem>>
      %dma_start3A_360 = tpu.memref_squeeze %dma_start3A_359 : memref<1x128x64xf32, #tpu.memory_space<vmem>> -> memref<128x64xf32, #tpu.memory_space<vmem>>
      %dma_start3A_361 = arith.constant 0 : i32
      %dma_start3A_362 = tpu.memref_slice %arg7[%add3A_355, %dma_start3A_361] : memref<80x128xi32, #tpu.memory_space<vmem>> -> memref<1x128xi32, #tpu.memory_space<vmem>>
      %dma_start3A_363 = tpu.memref_squeeze %dma_start3A_362 : memref<1x128xi32, #tpu.memory_space<vmem>> -> memref<128xi32, #tpu.memory_space<vmem>>
      %dma_start3A_364 = arith.constant 0 : i32
      %dma_start3A_365 = arith.constant 0 : i32
      %dma_start3A_366 = tpu.memref_slice %arg9[%dma_start3A_364, %dma_start3A_365] : memref<10240x64xf32, #tpu.memory_space<vmem_shared>> -> memref<10240x64xf32, #tpu.memory_space<vmem_shared>>
      tpu.enqueue_indirect_dma source(%dma_start3A_360 : memref<128x64xf32, #tpu.memory_space<vmem>>) target(%dma_start3A_366 : memref<10240x64xf32, #tpu.memory_space<vmem_shared>>) offsets(%dma_start3A_363 : memref<128xi32, #tpu.memory_space<vmem>>) semaphore(%arg18 : memref<!tpu.dma_semaphore, #tpu.memory_space<semaphore_mem>>) {add = true}
      %dma_wait3A_367 = arith.constant 7 : i32
      %dma_wait3A_368 = arith.constant 0 : i32
      %dma_wait3A_369 = arith.constant 0 : i32
      %dma_wait3A_370 = tpu.memref_slice %arg8[%dma_wait3A_367, %dma_wait3A_368, %dma_wait3A_369] : memref<8x128x64xf32, #tpu.memory_space<vmem>> -> memref<1x128x64xf32, #tpu.memory_space<vmem>>
      %dma_wait3A_371 = tpu.memref_squeeze %dma_wait3A_370 : memref<1x128x64xf32, #tpu.memory_space<vmem>> -> memref<128x64xf32, #tpu.memory_space<vmem>>
      %dma_wait3A_372 = arith.constant 0 : i32
      %dma_wait3A_373 = tpu.memref_slice %arg6[%add3A_156, %dma_wait3A_372] : memref<80x128xi32, #tpu.memory_space<vmem>> -> memref<1x128xi32, #tpu.memory_space<vmem>>
      %dma_wait3A_374 = tpu.memref_squeeze %dma_wait3A_373 : memref<1x128xi32, #tpu.memory_space<vmem>> -> memref<128xi32, #tpu.memory_space<vmem>>
      %dma_wait3A_375 = arith.constant 0 : i32
      %dma_wait3A_376 = arith.constant 0 : i32
      %dma_wait3A_377 = tpu.memref_slice %arg2[%arg0, %dma_wait3A_375, %dma_wait3A_376] : memref<2x10240x64xf32, #tpu.memory_space<hbm>> -> memref<1x10240x64xf32, #tpu.memory_space<hbm>>
      %dma_wait3A_378 = tpu.memref_squeeze %dma_wait3A_377 : memref<1x10240x64xf32, #tpu.memory_space<hbm>> -> memref<10240x64xf32, #tpu.memory_space<hbm>>
      %dma_wait3A_379 = arith.constant 0 : i32
      %dma_wait3A_380 = arith.constant 0 : i32
      %dma_wait3A_381 = tpu.memref_slice %dma_wait3A_378[%dma_wait3A_379, %dma_wait3A_380] : memref<10240x64xf32, #tpu.memory_space<hbm>> -> memref<10240x64xf32, #tpu.memory_space<hbm>>
      tpu.wait_indirect_dma semaphore(%arg17 : memref<!tpu.dma_semaphore, #tpu.memory_space<semaphore_mem>>) src(%dma_wait3A_381 : memref<10240x64xf32, #tpu.memory_space<hbm>>) dst(%dma_wait3A_371 : memref<128x64xf32, #tpu.memory_space<vmem>>)
      %add3A_382 = arith.constant 7 : i32
      %add3A_383 = arith.addi %mul3A_36, %add3A_382 : i32
      %dma_start3A_384 = arith.constant 7 : i32
      %dma_start3A_385 = arith.constant 0 : i32
      %dma_start3A_386 = arith.constant 0 : i32
      %dma_start3A_387 = tpu.memref_slice %arg8[%dma_start3A_384, %dma_start3A_385, %dma_start3A_386] : memref<8x128x64xf32, #tpu.memory_space<vmem>> -> memref<1x128x64xf32, #tpu.memory_space<vmem>>
      %dma_start3A_388 = tpu.memref_squeeze %dma_start3A_387 : memref<1x128x64xf32, #tpu.memory_space<vmem>> -> memref<128x64xf32, #tpu.memory_space<vmem>>
      %dma_start3A_389 = arith.constant 0 : i32
      %dma_start3A_390 = tpu.memref_slice %arg7[%add3A_383, %dma_start3A_389] : memref<80x128xi32, #tpu.memory_space<vmem>> -> memref<1x128xi32, #tpu.memory_space<vmem>>
      %dma_start3A_391 = tpu.memref_squeeze %dma_start3A_390 : memref<1x128xi32, #tpu.memory_space<vmem>> -> memref<128xi32, #tpu.memory_space<vmem>>
      %dma_start3A_392 = arith.constant 0 : i32
      %dma_start3A_393 = arith.constant 0 : i32
      %dma_start3A_394 = tpu.memref_slice %arg9[%dma_start3A_392, %dma_start3A_393] : memref<10240x64xf32, #tpu.memory_space<vmem_shared>> -> memref<10240x64xf32, #tpu.memory_space<vmem_shared>>
      tpu.enqueue_indirect_dma source(%dma_start3A_388 : memref<128x64xf32, #tpu.memory_space<vmem>>) target(%dma_start3A_394 : memref<10240x64xf32, #tpu.memory_space<vmem_shared>>) offsets(%dma_start3A_391 : memref<128xi32, #tpu.memory_space<vmem>>) semaphore(%arg18 : memref<!tpu.dma_semaphore, #tpu.memory_space<semaphore_mem>>) {add = true}
      %dma_wait3A_395 = arith.constant 0 : i32
      %dma_wait3A_396 = arith.constant 0 : i32
      %dma_wait3A_397 = arith.constant 0 : i32
      %dma_wait3A_398 = tpu.memref_slice %arg8[%dma_wait3A_395, %dma_wait3A_396, %dma_wait3A_397] : memref<8x128x64xf32, #tpu.memory_space<vmem>> -> memref<1x128x64xf32, #tpu.memory_space<vmem>>
      %dma_wait3A_399 = tpu.memref_squeeze %dma_wait3A_398 : memref<1x128x64xf32, #tpu.memory_space<vmem>> -> memref<128x64xf32, #tpu.memory_space<vmem>>
      %dma_wait3A_400 = arith.constant 0 : i32
      %dma_wait3A_401 = tpu.memref_slice %arg7[%add3A_187, %dma_wait3A_400] : memref<80x128xi32, #tpu.memory_space<vmem>> -> memref<1x128xi32, #tpu.memory_space<vmem>>
      %dma_wait3A_402 = tpu.memref_squeeze %dma_wait3A_401 : memref<1x128xi32, #tpu.memory_space<vmem>> -> memref<128xi32, #tpu.memory_space<vmem>>
      %dma_wait3A_403 = arith.constant 0 : i32
      %dma_wait3A_404 = arith.constant 0 : i32
      %dma_wait3A_405 = tpu.memref_slice %arg9[%dma_wait3A_403, %dma_wait3A_404] : memref<10240x64xf32, #tpu.memory_space<vmem_shared>> -> memref<10240x64xf32, #tpu.memory_space<vmem_shared>>
      tpu.wait_indirect_dma semaphore(%arg18 : memref<!tpu.dma_semaphore, #tpu.memory_space<semaphore_mem>>) src(%dma_wait3A_399 : memref<128x64xf32, #tpu.memory_space<vmem>>) dst(%dma_wait3A_405 : memref<10240x64xf32, #tpu.memory_space<vmem_shared>>)
      %dma_wait3A_406 = arith.constant 1 : i32
      %dma_wait3A_407 = arith.constant 0 : i32
      %dma_wait3A_408 = arith.constant 0 : i32
      %dma_wait3A_409 = tpu.memref_slice %arg8[%dma_wait3A_406, %dma_wait3A_407, %dma_wait3A_408] : memref<8x128x64xf32, #tpu.memory_space<vmem>> -> memref<1x128x64xf32, #tpu.memory_space<vmem>>
      %dma_wait3A_410 = tpu.memref_squeeze %dma_wait3A_409 : memref<1x128x64xf32, #tpu.memory_space<vmem>> -> memref<128x64xf32, #tpu.memory_space<vmem>>
      %dma_wait3A_411 = arith.constant 0 : i32
      %dma_wait3A_412 = tpu.memref_slice %arg7[%add3A_215, %dma_wait3A_411] : memref<80x128xi32, #tpu.memory_space<vmem>> -> memref<1x128xi32, #tpu.memory_space<vmem>>
      %dma_wait3A_413 = tpu.memref_squeeze %dma_wait3A_412 : memref<1x128xi32, #tpu.memory_space<vmem>> -> memref<128xi32, #tpu.memory_space<vmem>>
      %dma_wait3A_414 = arith.constant 0 : i32
      %dma_wait3A_415 = arith.constant 0 : i32
      %dma_wait3A_416 = tpu.memref_slice %arg9[%dma_wait3A_414, %dma_wait3A_415] : memref<10240x64xf32, #tpu.memory_space<vmem_shared>> -> memref<10240x64xf32, #tpu.memory_space<vmem_shared>>
      tpu.wait_indirect_dma semaphore(%arg18 : memref<!tpu.dma_semaphore, #tpu.memory_space<semaphore_mem>>) src(%dma_wait3A_410 : memref<128x64xf32, #tpu.memory_space<vmem>>) dst(%dma_wait3A_416 : memref<10240x64xf32, #tpu.memory_space<vmem_shared>>)
      %dma_wait3A_417 = arith.constant 2 : i32
      %dma_wait3A_418 = arith.constant 0 : i32
      %dma_wait3A_419 = arith.constant 0 : i32
      %dma_wait3A_420 = tpu.memref_slice %arg8[%dma_wait3A_417, %dma_wait3A_418, %dma_wait3A_419] : memref<8x128x64xf32, #tpu.memory_space<vmem>> -> memref<1x128x64xf32, #tpu.memory_space<vmem>>
      %dma_wait3A_421 = tpu.memref_squeeze %dma_wait3A_420 : memref<1x128x64xf32, #tpu.memory_space<vmem>> -> memref<128x64xf32, #tpu.memory_space<vmem>>
      %dma_wait3A_422 = arith.constant 0 : i32
      %dma_wait3A_423 = tpu.memref_slice %arg7[%add3A_243, %dma_wait3A_422] : memref<80x128xi32, #tpu.memory_space<vmem>> -> memref<1x128xi32, #tpu.memory_space<vmem>>
      %dma_wait3A_424 = tpu.memref_squeeze %dma_wait3A_423 : memref<1x128xi32, #tpu.memory_space<vmem>> -> memref<128xi32, #tpu.memory_space<vmem>>
      %dma_wait3A_425 = arith.constant 0 : i32
      %dma_wait3A_426 = arith.constant 0 : i32
      %dma_wait3A_427 = tpu.memref_slice %arg9[%dma_wait3A_425, %dma_wait3A_426] : memref<10240x64xf32, #tpu.memory_space<vmem_shared>> -> memref<10240x64xf32, #tpu.memory_space<vmem_shared>>
      tpu.wait_indirect_dma semaphore(%arg18 : memref<!tpu.dma_semaphore, #tpu.memory_space<semaphore_mem>>) src(%dma_wait3A_421 : memref<128x64xf32, #tpu.memory_space<vmem>>) dst(%dma_wait3A_427 : memref<10240x64xf32, #tpu.memory_space<vmem_shared>>)
      %dma_wait3A_428 = arith.constant 3 : i32
      %dma_wait3A_429 = arith.constant 0 : i32
      %dma_wait3A_430 = arith.constant 0 : i32
      %dma_wait3A_431 = tpu.memref_slice %arg8[%dma_wait3A_428, %dma_wait3A_429, %dma_wait3A_430] : memref<8x128x64xf32, #tpu.memory_space<vmem>> -> memref<1x128x64xf32, #tpu.memory_space<vmem>>
      %dma_wait3A_432 = tpu.memref_squeeze %dma_wait3A_431 : memref<1x128x64xf32, #tpu.memory_space<vmem>> -> memref<128x64xf32, #tpu.memory_space<vmem>>
      %dma_wait3A_433 = arith.constant 0 : i32
      %dma_wait3A_434 = tpu.memref_slice %arg7[%add3A_271, %dma_wait3A_433] : memref<80x128xi32, #tpu.memory_space<vmem>> -> memref<1x128xi32, #tpu.memory_space<vmem>>
      %dma_wait3A_435 = tpu.memref_squeeze %dma_wait3A_434 : memref<1x128xi32, #tpu.memory_space<vmem>> -> memref<128xi32, #tpu.memory_space<vmem>>
      %dma_wait3A_436 = arith.constant 0 : i32
      %dma_wait3A_437 = arith.constant 0 : i32
      %dma_wait3A_438 = tpu.memref_slice %arg9[%dma_wait3A_436, %dma_wait3A_437] : memref<10240x64xf32, #tpu.memory_space<vmem_shared>> -> memref<10240x64xf32, #tpu.memory_space<vmem_shared>>
      tpu.wait_indirect_dma semaphore(%arg18 : memref<!tpu.dma_semaphore, #tpu.memory_space<semaphore_mem>>) src(%dma_wait3A_432 : memref<128x64xf32, #tpu.memory_space<vmem>>) dst(%dma_wait3A_438 : memref<10240x64xf32, #tpu.memory_space<vmem_shared>>)
      %dma_wait3A_439 = arith.constant 4 : i32
      %dma_wait3A_440 = arith.constant 0 : i32
      %dma_wait3A_441 = arith.constant 0 : i32
      %dma_wait3A_442 = tpu.memref_slice %arg8[%dma_wait3A_439, %dma_wait3A_440, %dma_wait3A_441] : memref<8x128x64xf32, #tpu.memory_space<vmem>> -> memref<1x128x64xf32, #tpu.memory_space<vmem>>
      %dma_wait3A_443 = tpu.memref_squeeze %dma_wait3A_442 : memref<1x128x64xf32, #tpu.memory_space<vmem>> -> memref<128x64xf32, #tpu.memory_space<vmem>>
      %dma_wait3A_444 = arith.constant 0 : i32
      %dma_wait3A_445 = tpu.memref_slice %arg7[%add3A_299, %dma_wait3A_444] : memref<80x128xi32, #tpu.memory_space<vmem>> -> memref<1x128xi32, #tpu.memory_space<vmem>>
      %dma_wait3A_446 = tpu.memref_squeeze %dma_wait3A_445 : memref<1x128xi32, #tpu.memory_space<vmem>> -> memref<128xi32, #tpu.memory_space<vmem>>
      %dma_wait3A_447 = arith.constant 0 : i32
      %dma_wait3A_448 = arith.constant 0 : i32
      %dma_wait3A_449 = tpu.memref_slice %arg9[%dma_wait3A_447, %dma_wait3A_448] : memref<10240x64xf32, #tpu.memory_space<vmem_shared>> -> memref<10240x64xf32, #tpu.memory_space<vmem_shared>>
      tpu.wait_indirect_dma semaphore(%arg18 : memref<!tpu.dma_semaphore, #tpu.memory_space<semaphore_mem>>) src(%dma_wait3A_443 : memref<128x64xf32, #tpu.memory_space<vmem>>) dst(%dma_wait3A_449 : memref<10240x64xf32, #tpu.memory_space<vmem_shared>>)
      %dma_wait3A_450 = arith.constant 5 : i32
      %dma_wait3A_451 = arith.constant 0 : i32
      %dma_wait3A_452 = arith.constant 0 : i32
      %dma_wait3A_453 = tpu.memref_slice %arg8[%dma_wait3A_450, %dma_wait3A_451, %dma_wait3A_452] : memref<8x128x64xf32, #tpu.memory_space<vmem>> -> memref<1x128x64xf32, #tpu.memory_space<vmem>>
      %dma_wait3A_454 = tpu.memref_squeeze %dma_wait3A_453 : memref<1x128x64xf32, #tpu.memory_space<vmem>> -> memref<128x64xf32, #tpu.memory_space<vmem>>
      %dma_wait3A_455 = arith.constant 0 : i32
      %dma_wait3A_456 = tpu.memref_slice %arg7[%add3A_327, %dma_wait3A_455] : memref<80x128xi32, #tpu.memory_space<vmem>> -> memref<1x128xi32, #tpu.memory_space<vmem>>
      %dma_wait3A_457 = tpu.memref_squeeze %dma_wait3A_456 : memref<1x128xi32, #tpu.memory_space<vmem>> -> memref<128xi32, #tpu.memory_space<vmem>>
      %dma_wait3A_458 = arith.constant 0 : i32
      %dma_wait3A_459 = arith.constant 0 : i32
      %dma_wait3A_460 = tpu.memref_slice %arg9[%dma_wait3A_458, %dma_wait3A_459] : memref<10240x64xf32, #tpu.memory_space<vmem_shared>> -> memref<10240x64xf32, #tpu.memory_space<vmem_shared>>
      tpu.wait_indirect_dma semaphore(%arg18 : memref<!tpu.dma_semaphore, #tpu.memory_space<semaphore_mem>>) src(%dma_wait3A_454 : memref<128x64xf32, #tpu.memory_space<vmem>>) dst(%dma_wait3A_460 : memref<10240x64xf32, #tpu.memory_space<vmem_shared>>)
      %dma_wait3A_461 = arith.constant 6 : i32
      %dma_wait3A_462 = arith.constant 0 : i32
      %dma_wait3A_463 = arith.constant 0 : i32
      %dma_wait3A_464 = tpu.memref_slice %arg8[%dma_wait3A_461, %dma_wait3A_462, %dma_wait3A_463] : memref<8x128x64xf32, #tpu.memory_space<vmem>> -> memref<1x128x64xf32, #tpu.memory_space<vmem>>
      %dma_wait3A_465 = tpu.memref_squeeze %dma_wait3A_464 : memref<1x128x64xf32, #tpu.memory_space<vmem>> -> memref<128x64xf32, #tpu.memory_space<vmem>>
      %dma_wait3A_466 = arith.constant 0 : i32
      %dma_wait3A_467 = tpu.memref_slice %arg7[%add3A_355, %dma_wait3A_466] : memref<80x128xi32, #tpu.memory_space<vmem>> -> memref<1x128xi32, #tpu.memory_space<vmem>>
      %dma_wait3A_468 = tpu.memref_squeeze %dma_wait3A_467 : memref<1x128xi32, #tpu.memory_space<vmem>> -> memref<128xi32, #tpu.memory_space<vmem>>
      %dma_wait3A_469 = arith.constant 0 : i32
      %dma_wait3A_470 = arith.constant 0 : i32
      %dma_wait3A_471 = tpu.memref_slice %arg9[%dma_wait3A_469, %dma_wait3A_470] : memref<10240x64xf32, #tpu.memory_space<vmem_shared>> -> memref<10240x64xf32, #tpu.memory_space<vmem_shared>>
      tpu.wait_indirect_dma semaphore(%arg18 : memref<!tpu.dma_semaphore, #tpu.memory_space<semaphore_mem>>) src(%dma_wait3A_465 : memref<128x64xf32, #tpu.memory_space<vmem>>) dst(%dma_wait3A_471 : memref<10240x64xf32, #tpu.memory_space<vmem_shared>>)
      %dma_wait3A_472 = arith.constant 7 : i32
      %dma_wait3A_473 = arith.constant 0 : i32
      %dma_wait3A_474 = arith.constant 0 : i32
      %dma_wait3A_475 = tpu.memref_slice %arg8[%dma_wait3A_472, %dma_wait3A_473, %dma_wait3A_474] : memref<8x128x64xf32, #tpu.memory_space<vmem>> -> memref<1x128x64xf32, #tpu.memory_space<vmem>>
      %dma_wait3A_476 = tpu.memref_squeeze %dma_wait3A_475 : memref<1x128x64xf32, #tpu.memory_space<vmem>> -> memref<128x64xf32, #tpu.memory_space<vmem>>
      %dma_wait3A_477 = arith.constant 0 : i32
      %dma_wait3A_478 = tpu.memref_slice %arg7[%add3A_383, %dma_wait3A_477] : memref<80x128xi32, #tpu.memory_space<vmem>> -> memref<1x128xi32, #tpu.memory_space<vmem>>
      %dma_wait3A_479 = tpu.memref_squeeze %dma_wait3A_478 : memref<1x128xi32, #tpu.memory_space<vmem>> -> memref<128xi32, #tpu.memory_space<vmem>>
      %dma_wait3A_480 = arith.constant 0 : i32
      %dma_wait3A_481 = arith.constant 0 : i32
      %dma_wait3A_482 = tpu.memref_slice %arg9[%dma_wait3A_480, %dma_wait3A_481] : memref<10240x64xf32, #tpu.memory_space<vmem_shared>> -> memref<10240x64xf32, #tpu.memory_space<vmem_shared>>
      tpu.wait_indirect_dma semaphore(%arg18 : memref<!tpu.dma_semaphore, #tpu.memory_space<semaphore_mem>>) src(%dma_wait3A_476 : memref<128x64xf32, #tpu.memory_space<vmem>>) dst(%dma_wait3A_482 : memref<10240x64xf32, #tpu.memory_space<vmem_shared>>)
    }
    %scan3A_28 = arith.constant 10 : i32
    %barrier3A_29 = arith.constant 0 : index
    tpu.barrier barrier_id(%barrier3A_29)
    %mul3A_30 = arith.constant 640 : i32
    %mul3A_31 = arith.muli %arg1, %mul3A_30 : i32
    %mul3A_32 = arith.constant 640 : i32
    %mul3A_33 = arith.muli %arg1, %mul3A_32 : i32
    "tpu.region"() ({
      %run_scoped3A = tpu.sem_alloc : memref<!tpu.dma_semaphore, #tpu.memory_space<semaphore_mem>>
      %dma_start3A = arith.constant 0 : i32
      %dma_start3A_34 = tpu.memref_slice %arg5[%arg0, %mul3A_33, %dma_start3A] : memref<2x10240x64xf32, #tpu.memory_space<hbm>> -> memref<1x640x64xf32, #tpu.memory_space<hbm>>
      %dma_start3A_35 = tpu.memref_squeeze %dma_start3A_34 : memref<1x640x64xf32, #tpu.memory_space<hbm>> -> memref<640x64xf32, #tpu.memory_space<hbm>>
      %dma_start3A_36 = arith.constant 0 : i32
      %dma_start3A_37 = tpu.memref_slice %arg9[%mul3A_31, %dma_start3A_36] : memref<10240x64xf32, #tpu.memory_space<vmem_shared>> -> memref<640x64xf32, #tpu.memory_space<vmem_shared>>
      tpu.enqueue_dma source(%dma_start3A_37 : memref<640x64xf32, #tpu.memory_space<vmem_shared>>) target(%dma_start3A_35 : memref<640x64xf32, #tpu.memory_space<hbm>>) target_semaphore(%run_scoped3A : memref<!tpu.dma_semaphore, #tpu.memory_space<semaphore_mem>>)
      %dma_wait3A = arith.constant 0 : i32
      %dma_wait3A_38 = tpu.memref_slice %arg5[%arg0, %mul3A_33, %dma_wait3A] : memref<2x10240x64xf32, #tpu.memory_space<hbm>> -> memref<1x640x64xf32, #tpu.memory_space<hbm>>
      %dma_wait3A_39 = tpu.memref_squeeze %dma_wait3A_38 : memref<1x640x64xf32, #tpu.memory_space<hbm>> -> memref<640x64xf32, #tpu.memory_space<hbm>>
      %dma_wait3A_40 = arith.constant 0 : i32
      %dma_wait3A_41 = tpu.memref_slice %arg9[%mul3A_31, %dma_wait3A_40] : memref<10240x64xf32, #tpu.memory_space<vmem_shared>> -> memref<640x64xf32, #tpu.memory_space<vmem_shared>>
      tpu.wait_dma2 semaphore(%run_scoped3A : memref<!tpu.dma_semaphore, #tpu.memory_space<semaphore_mem>>) src(%dma_wait3A_41 : memref<640x64xf32, #tpu.memory_space<vmem_shared>>) dst(%dma_wait3A_39 : memref<640x64xf32, #tpu.memory_space<hbm>>)
      tpu.yield
    }) : () -> ()
    return
  }
}

#map = affine_map<(d0, d1) -> (0, 0)>
#map1 = affine_map<(d0, d1) -> (0, 0, 0)>
module attributes {stable_mosaic.version = 14 : i64} {
  func.func @_sc_deg(%arg0: i32, %arg1: i32, %arg2: memref<2560x128xi32, #tpu.memory_space<hbm>>, %arg3: memref<128x16xf32, #tpu.memory_space<hbm>>, %arg4: memref<640x16xf32, #tpu.memory_space<hbm>>, %arg5: memref<2x10240x16xf32, #tpu.memory_space<hbm>>, %arg6: memref<80x128xi32, #tpu.memory_space<vmem>>, %arg7: memref<128x16xf32, #tpu.memory_space<vmem>>, %arg8: memref<10240x16xf32, #tpu.memory_space<vmem_shared>>, %arg9: memref<!tpu.dma_semaphore, #tpu.memory_space<semaphore_mem>>) attributes {dimension_semantics = [#tpu.dimension_semantics<core_parallel>, #tpu.dimension_semantics<subcore_parallel>], iteration_bounds = array<i64: 2, 16>, scalar_prefetch = 0 : i64, scratch_operands = 4 : i64, tpu.core_type = #tpu.core_type<sc_vector_subcore>, window_params = [{transform_indices = #map}, {transform_indices = #map}, {transform_indices = #map}, {transform_indices = #map1}]} {
    %mul3A = arith.constant 2 : i32
    %mul3A_0 = arith.muli %arg1, %mul3A : i32
    %add3A = arith.addi %mul3A_0, %arg0 : i32
    %mul3A_1 = arith.constant 80 : i32
    %mul3A_2 = arith.muli %add3A, %mul3A_1 : i32
    "tpu.region"() ({
      %run_scoped3A = tpu.sem_alloc : memref<!tpu.dma_semaphore, #tpu.memory_space<semaphore_mem>>
      %dma_start3A = arith.constant 0 : i32
      %dma_start3A_15 = tpu.memref_slice %arg2[%mul3A_2, %dma_start3A] : memref<2560x128xi32, #tpu.memory_space<hbm>> -> memref<80x128xi32, #tpu.memory_space<hbm>>
      %dma_start3A_16 = arith.constant 0 : i32
      %dma_start3A_17 = tpu.memref_slice %arg2[%mul3A_2, %dma_start3A_16] : memref<2560x128xi32, #tpu.memory_space<hbm>> -> memref<80x128xi32, #tpu.memory_space<hbm>>
      tpu.enqueue_dma source(%dma_start3A_17 : memref<80x128xi32, #tpu.memory_space<hbm>>) target(%arg6 : memref<80x128xi32, #tpu.memory_space<vmem>>) target_semaphore(%run_scoped3A : memref<!tpu.dma_semaphore, #tpu.memory_space<semaphore_mem>>)
      %dma_wait3A = arith.constant 0 : i32
      %dma_wait3A_18 = tpu.memref_slice %arg2[%mul3A_2, %dma_wait3A] : memref<2560x128xi32, #tpu.memory_space<hbm>> -> memref<80x128xi32, #tpu.memory_space<hbm>>
      %dma_wait3A_19 = arith.constant 0 : i32
      %dma_wait3A_20 = tpu.memref_slice %arg2[%mul3A_2, %dma_wait3A_19] : memref<2560x128xi32, #tpu.memory_space<hbm>> -> memref<80x128xi32, #tpu.memory_space<hbm>>
      tpu.wait_dma2 semaphore(%run_scoped3A : memref<!tpu.dma_semaphore, #tpu.memory_space<semaphore_mem>>) src(%dma_wait3A_20 : memref<80x128xi32, #tpu.memory_space<hbm>>) dst(%arg6 : memref<80x128xi32, #tpu.memory_space<vmem>>)
      tpu.yield
    }) : () -> ()
    %mul3A_3 = arith.constant 640 : i32
    %mul3A_4 = arith.muli %arg1, %mul3A_3 : i32
    "tpu.region"() ({
      %run_scoped3A = tpu.sem_alloc : memref<!tpu.dma_semaphore, #tpu.memory_space<semaphore_mem>>
      %dma_start3A = arith.constant 0 : i32
      %dma_start3A_15 = tpu.memref_slice %arg8[%mul3A_4, %dma_start3A] : memref<10240x16xf32, #tpu.memory_space<vmem_shared>> -> memref<640x16xf32, #tpu.memory_space<vmem_shared>>
      tpu.enqueue_dma source(%arg4 : memref<640x16xf32, #tpu.memory_space<hbm>>) target(%dma_start3A_15 : memref<640x16xf32, #tpu.memory_space<vmem_shared>>) target_semaphore(%run_scoped3A : memref<!tpu.dma_semaphore, #tpu.memory_space<semaphore_mem>>)
      %dma_wait3A = arith.constant 0 : i32
      %dma_wait3A_16 = tpu.memref_slice %arg8[%mul3A_4, %dma_wait3A] : memref<10240x16xf32, #tpu.memory_space<vmem_shared>> -> memref<640x16xf32, #tpu.memory_space<vmem_shared>>
      tpu.wait_dma2 semaphore(%run_scoped3A : memref<!tpu.dma_semaphore, #tpu.memory_space<semaphore_mem>>) src(%arg4 : memref<640x16xf32, #tpu.memory_space<hbm>>) dst(%dma_wait3A_16 : memref<640x16xf32, #tpu.memory_space<vmem_shared>>)
      tpu.yield
    }) : () -> ()
    "tpu.region"() ({
      %run_scoped3A = tpu.sem_alloc : memref<!tpu.dma_semaphore, #tpu.memory_space<semaphore_mem>>
      tpu.enqueue_dma source(%arg3 : memref<128x16xf32, #tpu.memory_space<hbm>>) target(%arg7 : memref<128x16xf32, #tpu.memory_space<vmem>>) target_semaphore(%run_scoped3A : memref<!tpu.dma_semaphore, #tpu.memory_space<semaphore_mem>>)
      tpu.wait_dma2 semaphore(%run_scoped3A : memref<!tpu.dma_semaphore, #tpu.memory_space<semaphore_mem>>) src(%arg3 : memref<128x16xf32, #tpu.memory_space<hbm>>) dst(%arg7 : memref<128x16xf32, #tpu.memory_space<vmem>>)
      tpu.yield
    }) : () -> ()
    %barrier3A = arith.constant 0 : index
    tpu.barrier barrier_id(%barrier3A)
    %scan3A = arith.constant 0 : i32
    %scan3A_5 = arith.constant 0 : i32
    %scan3A_6 = arith.constant 40 : i32
    %scan3A_7 = arith.addi %scan3A_5, %scan3A_6 : i32
    %scan3A_8 = arith.constant 1 : i32
    scf.for %scan3A_15 = %scan3A_5 to %scan3A_7 step %scan3A_8  : i32 {
      %mul3A_16 = arith.constant 2 : i32
      %mul3A_17 = arith.muli %mul3A_16, %scan3A_15 : i32
      %dma_start3A = arith.constant 0 : i32
      %dma_start3A_18 = tpu.memref_slice %arg6[%mul3A_17, %dma_start3A] : memref<80x128xi32, #tpu.memory_space<vmem>> -> memref<1x128xi32, #tpu.memory_space<vmem>>
      %dma_start3A_19 = tpu.memref_squeeze %dma_start3A_18 : memref<1x128xi32, #tpu.memory_space<vmem>> -> memref<128xi32, #tpu.memory_space<vmem>>
      %dma_start3A_20 = arith.constant 0 : i32
      %dma_start3A_21 = arith.constant 0 : i32
      %dma_start3A_22 = tpu.memref_slice %arg8[%dma_start3A_20, %dma_start3A_21] : memref<10240x16xf32, #tpu.memory_space<vmem_shared>> -> memref<10240x16xf32, #tpu.memory_space<vmem_shared>>
      tpu.enqueue_indirect_dma source(%arg7 : memref<128x16xf32, #tpu.memory_space<vmem>>) target(%dma_start3A_22 : memref<10240x16xf32, #tpu.memory_space<vmem_shared>>) offsets(%dma_start3A_19 : memref<128xi32, #tpu.memory_space<vmem>>) semaphore(%arg9 : memref<!tpu.dma_semaphore, #tpu.memory_space<semaphore_mem>>) {add = true}
      %mul3A_23 = arith.constant 2 : i32
      %mul3A_24 = arith.muli %mul3A_23, %scan3A_15 : i32
      %add3A_25 = arith.constant 1 : i32
      %add3A_26 = arith.addi %mul3A_24, %add3A_25 : i32
      %dma_start3A_27 = arith.constant 0 : i32
      %dma_start3A_28 = tpu.memref_slice %arg6[%add3A_26, %dma_start3A_27] : memref<80x128xi32, #tpu.memory_space<vmem>> -> memref<1x128xi32, #tpu.memory_space<vmem>>
      %dma_start3A_29 = tpu.memref_squeeze %dma_start3A_28 : memref<1x128xi32, #tpu.memory_space<vmem>> -> memref<128xi32, #tpu.memory_space<vmem>>
      %dma_start3A_30 = arith.constant 0 : i32
      %dma_start3A_31 = arith.constant 0 : i32
      %dma_start3A_32 = tpu.memref_slice %arg8[%dma_start3A_30, %dma_start3A_31] : memref<10240x16xf32, #tpu.memory_space<vmem_shared>> -> memref<10240x16xf32, #tpu.memory_space<vmem_shared>>
      tpu.enqueue_indirect_dma source(%arg7 : memref<128x16xf32, #tpu.memory_space<vmem>>) target(%dma_start3A_32 : memref<10240x16xf32, #tpu.memory_space<vmem_shared>>) offsets(%dma_start3A_29 : memref<128xi32, #tpu.memory_space<vmem>>) semaphore(%arg9 : memref<!tpu.dma_semaphore, #tpu.memory_space<semaphore_mem>>) {add = true}
      %dma_wait3A = arith.constant 0 : i32
      %dma_wait3A_33 = tpu.memref_slice %arg6[%mul3A_17, %dma_wait3A] : memref<80x128xi32, #tpu.memory_space<vmem>> -> memref<1x128xi32, #tpu.memory_space<vmem>>
      %dma_wait3A_34 = tpu.memref_squeeze %dma_wait3A_33 : memref<1x128xi32, #tpu.memory_space<vmem>> -> memref<128xi32, #tpu.memory_space<vmem>>
      %dma_wait3A_35 = arith.constant 0 : i32
      %dma_wait3A_36 = arith.constant 0 : i32
      %dma_wait3A_37 = tpu.memref_slice %arg8[%dma_wait3A_35, %dma_wait3A_36] : memref<10240x16xf32, #tpu.memory_space<vmem_shared>> -> memref<10240x16xf32, #tpu.memory_space<vmem_shared>>
      tpu.wait_indirect_dma semaphore(%arg9 : memref<!tpu.dma_semaphore, #tpu.memory_space<semaphore_mem>>) src(%arg7 : memref<128x16xf32, #tpu.memory_space<vmem>>) dst(%dma_wait3A_37 : memref<10240x16xf32, #tpu.memory_space<vmem_shared>>)
      %dma_wait3A_38 = arith.constant 0 : i32
      %dma_wait3A_39 = tpu.memref_slice %arg6[%add3A_26, %dma_wait3A_38] : memref<80x128xi32, #tpu.memory_space<vmem>> -> memref<1x128xi32, #tpu.memory_space<vmem>>
      %dma_wait3A_40 = tpu.memref_squeeze %dma_wait3A_39 : memref<1x128xi32, #tpu.memory_space<vmem>> -> memref<128xi32, #tpu.memory_space<vmem>>
      %dma_wait3A_41 = arith.constant 0 : i32
      %dma_wait3A_42 = arith.constant 0 : i32
      %dma_wait3A_43 = tpu.memref_slice %arg8[%dma_wait3A_41, %dma_wait3A_42] : memref<10240x16xf32, #tpu.memory_space<vmem_shared>> -> memref<10240x16xf32, #tpu.memory_space<vmem_shared>>
      tpu.wait_indirect_dma semaphore(%arg9 : memref<!tpu.dma_semaphore, #tpu.memory_space<semaphore_mem>>) src(%arg7 : memref<128x16xf32, #tpu.memory_space<vmem>>) dst(%dma_wait3A_43 : memref<10240x16xf32, #tpu.memory_space<vmem_shared>>)
    }
    %scan3A_9 = arith.constant 40 : i32
    %barrier3A_10 = arith.constant 0 : index
    tpu.barrier barrier_id(%barrier3A_10)
    %mul3A_11 = arith.constant 640 : i32
    %mul3A_12 = arith.muli %arg1, %mul3A_11 : i32
    %mul3A_13 = arith.constant 640 : i32
    %mul3A_14 = arith.muli %arg1, %mul3A_13 : i32
    "tpu.region"() ({
      %run_scoped3A = tpu.sem_alloc : memref<!tpu.dma_semaphore, #tpu.memory_space<semaphore_mem>>
      %dma_start3A = arith.constant 0 : i32
      %dma_start3A_15 = tpu.memref_slice %arg5[%arg0, %mul3A_14, %dma_start3A] : memref<2x10240x16xf32, #tpu.memory_space<hbm>> -> memref<1x640x16xf32, #tpu.memory_space<hbm>>
      %dma_start3A_16 = tpu.memref_squeeze %dma_start3A_15 : memref<1x640x16xf32, #tpu.memory_space<hbm>> -> memref<640x16xf32, #tpu.memory_space<hbm>>
      %dma_start3A_17 = arith.constant 0 : i32
      %dma_start3A_18 = tpu.memref_slice %arg8[%mul3A_12, %dma_start3A_17] : memref<10240x16xf32, #tpu.memory_space<vmem_shared>> -> memref<640x16xf32, #tpu.memory_space<vmem_shared>>
      tpu.enqueue_dma source(%dma_start3A_18 : memref<640x16xf32, #tpu.memory_space<vmem_shared>>) target(%dma_start3A_16 : memref<640x16xf32, #tpu.memory_space<hbm>>) target_semaphore(%run_scoped3A : memref<!tpu.dma_semaphore, #tpu.memory_space<semaphore_mem>>)
      %dma_wait3A = arith.constant 0 : i32
      %dma_wait3A_19 = tpu.memref_slice %arg5[%arg0, %mul3A_14, %dma_wait3A] : memref<2x10240x16xf32, #tpu.memory_space<hbm>> -> memref<1x640x16xf32, #tpu.memory_space<hbm>>
      %dma_wait3A_20 = tpu.memref_squeeze %dma_wait3A_19 : memref<1x640x16xf32, #tpu.memory_space<hbm>> -> memref<640x16xf32, #tpu.memory_space<hbm>>
      %dma_wait3A_21 = arith.constant 0 : i32
      %dma_wait3A_22 = tpu.memref_slice %arg8[%mul3A_12, %dma_wait3A_21] : memref<10240x16xf32, #tpu.memory_space<vmem_shared>> -> memref<640x16xf32, #tpu.memory_space<vmem_shared>>
      tpu.wait_dma2 semaphore(%run_scoped3A : memref<!tpu.dma_semaphore, #tpu.memory_space<semaphore_mem>>) src(%dma_wait3A_22 : memref<640x16xf32, #tpu.memory_space<vmem_shared>>) dst(%dma_wait3A_20 : memref<640x16xf32, #tpu.memory_space<hbm>>)
      tpu.yield
    }) : () -> ()
    return
  }
}

#map = affine_map<(d0, d1) -> (0, 0, 0)>
#map1 = affine_map<(d0, d1) -> (0, 0)>
module attributes {stable_mosaic.version = 14 : i64} {
  func.func @_sc_spmm16(%arg0: i32, %arg1: i32, %arg2: memref<2x10240x16xf32, #tpu.memory_space<hbm>>, %arg3: memref<2560x128xi32, #tpu.memory_space<hbm>>, %arg4: memref<2560x128xi32, #tpu.memory_space<hbm>>, %arg5: memref<2x10240x16xf32, #tpu.memory_space<hbm>>, %arg6: memref<80x128xi32, #tpu.memory_space<vmem>>, %arg7: memref<80x128xi32, #tpu.memory_space<vmem>>, %arg8: memref<8x128x16xf32, #tpu.memory_space<vmem>>, %arg9: memref<10240x16xf32, #tpu.memory_space<vmem_shared>>, %arg10: memref<!tpu.dma_semaphore, #tpu.memory_space<semaphore_mem>>, %arg11: memref<!tpu.dma_semaphore, #tpu.memory_space<semaphore_mem>>, %arg12: memref<!tpu.dma_semaphore, #tpu.memory_space<semaphore_mem>>, %arg13: memref<!tpu.dma_semaphore, #tpu.memory_space<semaphore_mem>>, %arg14: memref<!tpu.dma_semaphore, #tpu.memory_space<semaphore_mem>>, %arg15: memref<!tpu.dma_semaphore, #tpu.memory_space<semaphore_mem>>, %arg16: memref<!tpu.dma_semaphore, #tpu.memory_space<semaphore_mem>>, %arg17: memref<!tpu.dma_semaphore, #tpu.memory_space<semaphore_mem>>, %arg18: memref<!tpu.dma_semaphore, #tpu.memory_space<semaphore_mem>>, %arg19: memref<!tpu.dma_semaphore, #tpu.memory_space<semaphore_mem>>, %arg20: memref<!tpu.dma_semaphore, #tpu.memory_space<semaphore_mem>>, %arg21: memref<!tpu.dma_semaphore, #tpu.memory_space<semaphore_mem>>, %arg22: memref<!tpu.dma_semaphore, #tpu.memory_space<semaphore_mem>>, %arg23: memref<!tpu.dma_semaphore, #tpu.memory_space<semaphore_mem>>, %arg24: memref<!tpu.dma_semaphore, #tpu.memory_space<semaphore_mem>>, %arg25: memref<!tpu.dma_semaphore, #tpu.memory_space<semaphore_mem>>) attributes {dimension_semantics = [#tpu.dimension_semantics<core_parallel>, #tpu.dimension_semantics<subcore_parallel>], iteration_bounds = array<i64: 2, 16>, scalar_prefetch = 0 : i64, scratch_operands = 20 : i64, tpu.core_type = #tpu.core_type<sc_vector_subcore>, window_params = [{transform_indices = #map}, {transform_indices = #map1}, {transform_indices = #map1}, {transform_indices = #map}]} {
    %mul3A = arith.constant 2 : i32
    %mul3A_0 = arith.muli %arg1, %mul3A : i32
    %add3A = arith.addi %mul3A_0, %arg0 : i32
    %mul3A_1 = arith.constant 80 : i32
    %mul3A_2 = arith.muli %add3A, %mul3A_1 : i32
    "tpu.region"() ({
      %run_scoped3A = tpu.sem_alloc : memref<!tpu.dma_semaphore, #tpu.memory_space<semaphore_mem>>
      %dma_start3A = arith.constant 0 : i32
      %dma_start3A_20 = tpu.memref_slice %arg3[%mul3A_2, %dma_start3A] : memref<2560x128xi32, #tpu.memory_space<hbm>> -> memref<80x128xi32, #tpu.memory_space<hbm>>
      %dma_start3A_21 = arith.constant 0 : i32
      %dma_start3A_22 = tpu.memref_slice %arg3[%mul3A_2, %dma_start3A_21] : memref<2560x128xi32, #tpu.memory_space<hbm>> -> memref<80x128xi32, #tpu.memory_space<hbm>>
      tpu.enqueue_dma source(%dma_start3A_22 : memref<80x128xi32, #tpu.memory_space<hbm>>) target(%arg6 : memref<80x128xi32, #tpu.memory_space<vmem>>) target_semaphore(%run_scoped3A : memref<!tpu.dma_semaphore, #tpu.memory_space<semaphore_mem>>)
      %dma_wait3A = arith.constant 0 : i32
      %dma_wait3A_23 = tpu.memref_slice %arg3[%mul3A_2, %dma_wait3A] : memref<2560x128xi32, #tpu.memory_space<hbm>> -> memref<80x128xi32, #tpu.memory_space<hbm>>
      %dma_wait3A_24 = arith.constant 0 : i32
      %dma_wait3A_25 = tpu.memref_slice %arg3[%mul3A_2, %dma_wait3A_24] : memref<2560x128xi32, #tpu.memory_space<hbm>> -> memref<80x128xi32, #tpu.memory_space<hbm>>
      tpu.wait_dma2 semaphore(%run_scoped3A : memref<!tpu.dma_semaphore, #tpu.memory_space<semaphore_mem>>) src(%dma_wait3A_25 : memref<80x128xi32, #tpu.memory_space<hbm>>) dst(%arg6 : memref<80x128xi32, #tpu.memory_space<vmem>>)
      tpu.yield
    }) : () -> ()
    %mul3A_3 = arith.constant 80 : i32
    %mul3A_4 = arith.muli %add3A, %mul3A_3 : i32
    "tpu.region"() ({
      %run_scoped3A = tpu.sem_alloc : memref<!tpu.dma_semaphore, #tpu.memory_space<semaphore_mem>>
      %dma_start3A = arith.constant 0 : i32
      %dma_start3A_20 = tpu.memref_slice %arg4[%mul3A_4, %dma_start3A] : memref<2560x128xi32, #tpu.memory_space<hbm>> -> memref<80x128xi32, #tpu.memory_space<hbm>>
      %dma_start3A_21 = arith.constant 0 : i32
      %dma_start3A_22 = tpu.memref_slice %arg4[%mul3A_4, %dma_start3A_21] : memref<2560x128xi32, #tpu.memory_space<hbm>> -> memref<80x128xi32, #tpu.memory_space<hbm>>
      tpu.enqueue_dma source(%dma_start3A_22 : memref<80x128xi32, #tpu.memory_space<hbm>>) target(%arg7 : memref<80x128xi32, #tpu.memory_space<vmem>>) target_semaphore(%run_scoped3A : memref<!tpu.dma_semaphore, #tpu.memory_space<semaphore_mem>>)
      %dma_wait3A = arith.constant 0 : i32
      %dma_wait3A_23 = tpu.memref_slice %arg4[%mul3A_4, %dma_wait3A] : memref<2560x128xi32, #tpu.memory_space<hbm>> -> memref<80x128xi32, #tpu.memory_space<hbm>>
      %dma_wait3A_24 = arith.constant 0 : i32
      %dma_wait3A_25 = tpu.memref_slice %arg4[%mul3A_4, %dma_wait3A_24] : memref<2560x128xi32, #tpu.memory_space<hbm>> -> memref<80x128xi32, #tpu.memory_space<hbm>>
      tpu.wait_dma2 semaphore(%run_scoped3A : memref<!tpu.dma_semaphore, #tpu.memory_space<semaphore_mem>>) src(%dma_wait3A_25 : memref<80x128xi32, #tpu.memory_space<hbm>>) dst(%arg7 : memref<80x128xi32, #tpu.memory_space<vmem>>)
      tpu.yield
    }) : () -> ()
    %mul3A_5 = arith.constant 640 : i32
    %mul3A_6 = arith.muli %arg1, %mul3A_5 : i32
    %mul3A_7 = arith.constant 640 : i32
    %mul3A_8 = arith.muli %arg1, %mul3A_7 : i32
    "tpu.region"() ({
      %run_scoped3A = tpu.sem_alloc : memref<!tpu.dma_semaphore, #tpu.memory_space<semaphore_mem>>
      %dma_start3A = arith.constant 0 : i32
      %dma_start3A_20 = tpu.memref_slice %arg9[%mul3A_8, %dma_start3A] : memref<10240x16xf32, #tpu.memory_space<vmem_shared>> -> memref<640x16xf32, #tpu.memory_space<vmem_shared>>
      %dma_start3A_21 = arith.constant 0 : i32
      %dma_start3A_22 = arith.constant 0 : i32
      %dma_start3A_23 = tpu.memref_slice %arg2[%arg0, %dma_start3A_21, %dma_start3A_22] : memref<2x10240x16xf32, #tpu.memory_space<hbm>> -> memref<1x10240x16xf32, #tpu.memory_space<hbm>>
      %dma_start3A_24 = tpu.memref_squeeze %dma_start3A_23 : memref<1x10240x16xf32, #tpu.memory_space<hbm>> -> memref<10240x16xf32, #tpu.memory_space<hbm>>
      %dma_start3A_25 = arith.constant 0 : i32
      %dma_start3A_26 = tpu.memref_slice %dma_start3A_24[%mul3A_6, %dma_start3A_25] : memref<10240x16xf32, #tpu.memory_space<hbm>> -> memref<640x16xf32, #tpu.memory_space<hbm>>
      tpu.enqueue_dma source(%dma_start3A_26 : memref<640x16xf32, #tpu.memory_space<hbm>>) target(%dma_start3A_20 : memref<640x16xf32, #tpu.memory_space<vmem_shared>>) target_semaphore(%run_scoped3A : memref<!tpu.dma_semaphore, #tpu.memory_space<semaphore_mem>>)
      %dma_wait3A = arith.constant 0 : i32
      %dma_wait3A_27 = tpu.memref_slice %arg9[%mul3A_8, %dma_wait3A] : memref<10240x16xf32, #tpu.memory_space<vmem_shared>> -> memref<640x16xf32, #tpu.memory_space<vmem_shared>>
      %dma_wait3A_28 = arith.constant 0 : i32
      %dma_wait3A_29 = arith.constant 0 : i32
      %dma_wait3A_30 = tpu.memref_slice %arg2[%arg0, %dma_wait3A_28, %dma_wait3A_29] : memref<2x10240x16xf32, #tpu.memory_space<hbm>> -> memref<1x10240x16xf32, #tpu.memory_space<hbm>>
      %dma_wait3A_31 = tpu.memref_squeeze %dma_wait3A_30 : memref<1x10240x16xf32, #tpu.memory_space<hbm>> -> memref<10240x16xf32, #tpu.memory_space<hbm>>
      %dma_wait3A_32 = arith.constant 0 : i32
      %dma_wait3A_33 = tpu.memref_slice %dma_wait3A_31[%mul3A_6, %dma_wait3A_32] : memref<10240x16xf32, #tpu.memory_space<hbm>> -> memref<640x16xf32, #tpu.memory_space<hbm>>
      tpu.wait_dma2 semaphore(%run_scoped3A : memref<!tpu.dma_semaphore, #tpu.memory_space<semaphore_mem>>) src(%dma_wait3A_33 : memref<640x16xf32, #tpu.memory_space<hbm>>) dst(%dma_wait3A_27 : memref<640x16xf32, #tpu.memory_space<vmem_shared>>)
      tpu.yield
    }) : () -> ()
    %barrier3A = arith.constant 0 : index
    tpu.barrier barrier_id(%barrier3A)
    %scan3A = arith.constant 0 : i32
    %scan3A_9 = arith.constant 0 : i32
    %scan3A_10 = arith.constant 0 : i32
    %scan3A_11 = arith.constant 10 : i32
    %scan3A_12 = arith.addi %scan3A_10, %scan3A_11 : i32
    %scan3A_13 = arith.constant 1 : i32
    scf.for %scan3A_20 = %scan3A_10 to %scan3A_12 step %scan3A_13  : i32 {
      %mul3A_21 = arith.constant 8 : i32
      %mul3A_22 = arith.muli %scan3A_20, %mul3A_21 : i32
      %add3A_23 = arith.constant 0 : i32
      %add3A_24 = arith.addi %mul3A_22, %add3A_23 : i32
      %dma_start3A = arith.constant 0 : i32
      %dma_start3A_25 = arith.constant 0 : i32
      %dma_start3A_26 = arith.constant 0 : i32
      %dma_start3A_27 = tpu.memref_slice %arg8[%dma_start3A, %dma_start3A_25, %dma_start3A_26] : memref<8x128x16xf32, #tpu.memory_space<vmem>> -> memref<1x128x16xf32, #tpu.memory_space<vmem>>
      %dma_start3A_28 = tpu.memref_squeeze %dma_start3A_27 : memref<1x128x16xf32, #tpu.memory_space<vmem>> -> memref<128x16xf32, #tpu.memory_space<vmem>>
      %dma_start3A_29 = arith.constant 0 : i32
      %dma_start3A_30 = tpu.memref_slice %arg6[%add3A_24, %dma_start3A_29] : memref<80x128xi32, #tpu.memory_space<vmem>> -> memref<1x128xi32, #tpu.memory_space<vmem>>
      %dma_start3A_31 = tpu.memref_squeeze %dma_start3A_30 : memref<1x128xi32, #tpu.memory_space<vmem>> -> memref<128xi32, #tpu.memory_space<vmem>>
      %dma_start3A_32 = arith.constant 0 : i32
      %dma_start3A_33 = arith.constant 0 : i32
      %dma_start3A_34 = tpu.memref_slice %arg2[%scan3A_9, %dma_start3A_32, %dma_start3A_33] : memref<2x10240x16xf32, #tpu.memory_space<hbm>> -> memref<1x10240x16xf32, #tpu.memory_space<hbm>>
      %dma_start3A_35 = tpu.memref_squeeze %dma_start3A_34 : memref<1x10240x16xf32, #tpu.memory_space<hbm>> -> memref<10240x16xf32, #tpu.memory_space<hbm>>
      %dma_start3A_36 = arith.constant 0 : i32
      %dma_start3A_37 = arith.constant 0 : i32
      %dma_start3A_38 = tpu.memref_slice %dma_start3A_35[%dma_start3A_36, %dma_start3A_37] : memref<10240x16xf32, #tpu.memory_space<hbm>> -> memref<10240x16xf32, #tpu.memory_space<hbm>>
      tpu.enqueue_indirect_dma source(%dma_start3A_38 : memref<10240x16xf32, #tpu.memory_space<hbm>>) target(%dma_start3A_28 : memref<128x16xf32, #tpu.memory_space<vmem>>) offsets(%dma_start3A_31 : memref<128xi32, #tpu.memory_space<vmem>>) semaphore(%arg10 : memref<!tpu.dma_semaphore, #tpu.memory_space<semaphore_mem>>)
      %add3A_39 = arith.constant 1 : i32
      %add3A_40 = arith.addi %mul3A_22, %add3A_39 : i32
      %dma_start3A_41 = arith.constant 1 : i32
      %dma_start3A_42 = arith.constant 0 : i32
      %dma_start3A_43 = arith.constant 0 : i32
      %dma_start3A_44 = tpu.memref_slice %arg8[%dma_start3A_41, %dma_start3A_42, %dma_start3A_43] : memref<8x128x16xf32, #tpu.memory_space<vmem>> -> memref<1x128x16xf32, #tpu.memory_space<vmem>>
      %dma_start3A_45 = tpu.memref_squeeze %dma_start3A_44 : memref<1x128x16xf32, #tpu.memory_space<vmem>> -> memref<128x16xf32, #tpu.memory_space<vmem>>
      %dma_start3A_46 = arith.constant 0 : i32
      %dma_start3A_47 = tpu.memref_slice %arg6[%add3A_40, %dma_start3A_46] : memref<80x128xi32, #tpu.memory_space<vmem>> -> memref<1x128xi32, #tpu.memory_space<vmem>>
      %dma_start3A_48 = tpu.memref_squeeze %dma_start3A_47 : memref<1x128xi32, #tpu.memory_space<vmem>> -> memref<128xi32, #tpu.memory_space<vmem>>
      %dma_start3A_49 = arith.constant 0 : i32
      %dma_start3A_50 = arith.constant 0 : i32
      %dma_start3A_51 = tpu.memref_slice %arg2[%scan3A_9, %dma_start3A_49, %dma_start3A_50] : memref<2x10240x16xf32, #tpu.memory_space<hbm>> -> memref<1x10240x16xf32, #tpu.memory_space<hbm>>
      %dma_start3A_52 = tpu.memref_squeeze %dma_start3A_51 : memref<1x10240x16xf32, #tpu.memory_space<hbm>> -> memref<10240x16xf32, #tpu.memory_space<hbm>>
      %dma_start3A_53 = arith.constant 0 : i32
      %dma_start3A_54 = arith.constant 0 : i32
      %dma_start3A_55 = tpu.memref_slice %dma_start3A_52[%dma_start3A_53, %dma_start3A_54] : memref<10240x16xf32, #tpu.memory_space<hbm>> -> memref<10240x16xf32, #tpu.memory_space<hbm>>
      tpu.enqueue_indirect_dma source(%dma_start3A_55 : memref<10240x16xf32, #tpu.memory_space<hbm>>) target(%dma_start3A_45 : memref<128x16xf32, #tpu.memory_space<vmem>>) offsets(%dma_start3A_48 : memref<128xi32, #tpu.memory_space<vmem>>) semaphore(%arg11 : memref<!tpu.dma_semaphore, #tpu.memory_space<semaphore_mem>>)
      %add3A_56 = arith.constant 2 : i32
      %add3A_57 = arith.addi %mul3A_22, %add3A_56 : i32
      %dma_start3A_58 = arith.constant 2 : i32
      %dma_start3A_59 = arith.constant 0 : i32
      %dma_start3A_60 = arith.constant 0 : i32
      %dma_start3A_61 = tpu.memref_slice %arg8[%dma_start3A_58, %dma_start3A_59, %dma_start3A_60] : memref<8x128x16xf32, #tpu.memory_space<vmem>> -> memref<1x128x16xf32, #tpu.memory_space<vmem>>
      %dma_start3A_62 = tpu.memref_squeeze %dma_start3A_61 : memref<1x128x16xf32, #tpu.memory_space<vmem>> -> memref<128x16xf32, #tpu.memory_space<vmem>>
      %dma_start3A_63 = arith.constant 0 : i32
      %dma_start3A_64 = tpu.memref_slice %arg6[%add3A_57, %dma_start3A_63] : memref<80x128xi32, #tpu.memory_space<vmem>> -> memref<1x128xi32, #tpu.memory_space<vmem>>
      %dma_start3A_65 = tpu.memref_squeeze %dma_start3A_64 : memref<1x128xi32, #tpu.memory_space<vmem>> -> memref<128xi32, #tpu.memory_space<vmem>>
      %dma_start3A_66 = arith.constant 0 : i32
      %dma_start3A_67 = arith.constant 0 : i32
      %dma_start3A_68 = tpu.memref_slice %arg2[%scan3A_9, %dma_start3A_66, %dma_start3A_67] : memref<2x10240x16xf32, #tpu.memory_space<hbm>> -> memref<1x10240x16xf32, #tpu.memory_space<hbm>>
      %dma_start3A_69 = tpu.memref_squeeze %dma_start3A_68 : memref<1x10240x16xf32, #tpu.memory_space<hbm>> -> memref<10240x16xf32, #tpu.memory_space<hbm>>
      %dma_start3A_70 = arith.constant 0 : i32
      %dma_start3A_71 = arith.constant 0 : i32
      %dma_start3A_72 = tpu.memref_slice %dma_start3A_69[%dma_start3A_70, %dma_start3A_71] : memref<10240x16xf32, #tpu.memory_space<hbm>> -> memref<10240x16xf32, #tpu.memory_space<hbm>>
      tpu.enqueue_indirect_dma source(%dma_start3A_72 : memref<10240x16xf32, #tpu.memory_space<hbm>>) target(%dma_start3A_62 : memref<128x16xf32, #tpu.memory_space<vmem>>) offsets(%dma_start3A_65 : memref<128xi32, #tpu.memory_space<vmem>>) semaphore(%arg12 : memref<!tpu.dma_semaphore, #tpu.memory_space<semaphore_mem>>)
      %add3A_73 = arith.constant 3 : i32
      %add3A_74 = arith.addi %mul3A_22, %add3A_73 : i32
      %dma_start3A_75 = arith.constant 3 : i32
      %dma_start3A_76 = arith.constant 0 : i32
      %dma_start3A_77 = arith.constant 0 : i32
      %dma_start3A_78 = tpu.memref_slice %arg8[%dma_start3A_75, %dma_start3A_76, %dma_start3A_77] : memref<8x128x16xf32, #tpu.memory_space<vmem>> -> memref<1x128x16xf32, #tpu.memory_space<vmem>>
      %dma_start3A_79 = tpu.memref_squeeze %dma_start3A_78 : memref<1x128x16xf32, #tpu.memory_space<vmem>> -> memref<128x16xf32, #tpu.memory_space<vmem>>
      %dma_start3A_80 = arith.constant 0 : i32
      %dma_start3A_81 = tpu.memref_slice %arg6[%add3A_74, %dma_start3A_80] : memref<80x128xi32, #tpu.memory_space<vmem>> -> memref<1x128xi32, #tpu.memory_space<vmem>>
      %dma_start3A_82 = tpu.memref_squeeze %dma_start3A_81 : memref<1x128xi32, #tpu.memory_space<vmem>> -> memref<128xi32, #tpu.memory_space<vmem>>
      %dma_start3A_83 = arith.constant 0 : i32
      %dma_start3A_84 = arith.constant 0 : i32
      %dma_start3A_85 = tpu.memref_slice %arg2[%scan3A_9, %dma_start3A_83, %dma_start3A_84] : memref<2x10240x16xf32, #tpu.memory_space<hbm>> -> memref<1x10240x16xf32, #tpu.memory_space<hbm>>
      %dma_start3A_86 = tpu.memref_squeeze %dma_start3A_85 : memref<1x10240x16xf32, #tpu.memory_space<hbm>> -> memref<10240x16xf32, #tpu.memory_space<hbm>>
      %dma_start3A_87 = arith.constant 0 : i32
      %dma_start3A_88 = arith.constant 0 : i32
      %dma_start3A_89 = tpu.memref_slice %dma_start3A_86[%dma_start3A_87, %dma_start3A_88] : memref<10240x16xf32, #tpu.memory_space<hbm>> -> memref<10240x16xf32, #tpu.memory_space<hbm>>
      tpu.enqueue_indirect_dma source(%dma_start3A_89 : memref<10240x16xf32, #tpu.memory_space<hbm>>) target(%dma_start3A_79 : memref<128x16xf32, #tpu.memory_space<vmem>>) offsets(%dma_start3A_82 : memref<128xi32, #tpu.memory_space<vmem>>) semaphore(%arg13 : memref<!tpu.dma_semaphore, #tpu.memory_space<semaphore_mem>>)
      %add3A_90 = arith.constant 4 : i32
      %add3A_91 = arith.addi %mul3A_22, %add3A_90 : i32
      %dma_start3A_92 = arith.constant 4 : i32
      %dma_start3A_93 = arith.constant 0 : i32
      %dma_start3A_94 = arith.constant 0 : i32
      %dma_start3A_95 = tpu.memref_slice %arg8[%dma_start3A_92, %dma_start3A_93, %dma_start3A_94] : memref<8x128x16xf32, #tpu.memory_space<vmem>> -> memref<1x128x16xf32, #tpu.memory_space<vmem>>
      %dma_start3A_96 = tpu.memref_squeeze %dma_start3A_95 : memref<1x128x16xf32, #tpu.memory_space<vmem>> -> memref<128x16xf32, #tpu.memory_space<vmem>>
      %dma_start3A_97 = arith.constant 0 : i32
      %dma_start3A_98 = tpu.memref_slice %arg6[%add3A_91, %dma_start3A_97] : memref<80x128xi32, #tpu.memory_space<vmem>> -> memref<1x128xi32, #tpu.memory_space<vmem>>
      %dma_start3A_99 = tpu.memref_squeeze %dma_start3A_98 : memref<1x128xi32, #tpu.memory_space<vmem>> -> memref<128xi32, #tpu.memory_space<vmem>>
      %dma_start3A_100 = arith.constant 0 : i32
      %dma_start3A_101 = arith.constant 0 : i32
      %dma_start3A_102 = tpu.memref_slice %arg2[%scan3A_9, %dma_start3A_100, %dma_start3A_101] : memref<2x10240x16xf32, #tpu.memory_space<hbm>> -> memref<1x10240x16xf32, #tpu.memory_space<hbm>>
      %dma_start3A_103 = tpu.memref_squeeze %dma_start3A_102 : memref<1x10240x16xf32, #tpu.memory_space<hbm>> -> memref<10240x16xf32, #tpu.memory_space<hbm>>
      %dma_start3A_104 = arith.constant 0 : i32
      %dma_start3A_105 = arith.constant 0 : i32
      %dma_start3A_106 = tpu.memref_slice %dma_start3A_103[%dma_start3A_104, %dma_start3A_105] : memref<10240x16xf32, #tpu.memory_space<hbm>> -> memref<10240x16xf32, #tpu.memory_space<hbm>>
      tpu.enqueue_indirect_dma source(%dma_start3A_106 : memref<10240x16xf32, #tpu.memory_space<hbm>>) target(%dma_start3A_96 : memref<128x16xf32, #tpu.memory_space<vmem>>) offsets(%dma_start3A_99 : memref<128xi32, #tpu.memory_space<vmem>>) semaphore(%arg14 : memref<!tpu.dma_semaphore, #tpu.memory_space<semaphore_mem>>)
      %add3A_107 = arith.constant 5 : i32
      %add3A_108 = arith.addi %mul3A_22, %add3A_107 : i32
      %dma_start3A_109 = arith.constant 5 : i32
      %dma_start3A_110 = arith.constant 0 : i32
      %dma_start3A_111 = arith.constant 0 : i32
      %dma_start3A_112 = tpu.memref_slice %arg8[%dma_start3A_109, %dma_start3A_110, %dma_start3A_111] : memref<8x128x16xf32, #tpu.memory_space<vmem>> -> memref<1x128x16xf32, #tpu.memory_space<vmem>>
      %dma_start3A_113 = tpu.memref_squeeze %dma_start3A_112 : memref<1x128x16xf32, #tpu.memory_space<vmem>> -> memref<128x16xf32, #tpu.memory_space<vmem>>
      %dma_start3A_114 = arith.constant 0 : i32
      %dma_start3A_115 = tpu.memref_slice %arg6[%add3A_108, %dma_start3A_114] : memref<80x128xi32, #tpu.memory_space<vmem>> -> memref<1x128xi32, #tpu.memory_space<vmem>>
      %dma_start3A_116 = tpu.memref_squeeze %dma_start3A_115 : memref<1x128xi32, #tpu.memory_space<vmem>> -> memref<128xi32, #tpu.memory_space<vmem>>
      %dma_start3A_117 = arith.constant 0 : i32
      %dma_start3A_118 = arith.constant 0 : i32
      %dma_start3A_119 = tpu.memref_slice %arg2[%scan3A_9, %dma_start3A_117, %dma_start3A_118] : memref<2x10240x16xf32, #tpu.memory_space<hbm>> -> memref<1x10240x16xf32, #tpu.memory_space<hbm>>
      %dma_start3A_120 = tpu.memref_squeeze %dma_start3A_119 : memref<1x10240x16xf32, #tpu.memory_space<hbm>> -> memref<10240x16xf32, #tpu.memory_space<hbm>>
      %dma_start3A_121 = arith.constant 0 : i32
      %dma_start3A_122 = arith.constant 0 : i32
      %dma_start3A_123 = tpu.memref_slice %dma_start3A_120[%dma_start3A_121, %dma_start3A_122] : memref<10240x16xf32, #tpu.memory_space<hbm>> -> memref<10240x16xf32, #tpu.memory_space<hbm>>
      tpu.enqueue_indirect_dma source(%dma_start3A_123 : memref<10240x16xf32, #tpu.memory_space<hbm>>) target(%dma_start3A_113 : memref<128x16xf32, #tpu.memory_space<vmem>>) offsets(%dma_start3A_116 : memref<128xi32, #tpu.memory_space<vmem>>) semaphore(%arg15 : memref<!tpu.dma_semaphore, #tpu.memory_space<semaphore_mem>>)
      %add3A_124 = arith.constant 6 : i32
      %add3A_125 = arith.addi %mul3A_22, %add3A_124 : i32
      %dma_start3A_126 = arith.constant 6 : i32
      %dma_start3A_127 = arith.constant 0 : i32
      %dma_start3A_128 = arith.constant 0 : i32
      %dma_start3A_129 = tpu.memref_slice %arg8[%dma_start3A_126, %dma_start3A_127, %dma_start3A_128] : memref<8x128x16xf32, #tpu.memory_space<vmem>> -> memref<1x128x16xf32, #tpu.memory_space<vmem>>
      %dma_start3A_130 = tpu.memref_squeeze %dma_start3A_129 : memref<1x128x16xf32, #tpu.memory_space<vmem>> -> memref<128x16xf32, #tpu.memory_space<vmem>>
      %dma_start3A_131 = arith.constant 0 : i32
      %dma_start3A_132 = tpu.memref_slice %arg6[%add3A_125, %dma_start3A_131] : memref<80x128xi32, #tpu.memory_space<vmem>> -> memref<1x128xi32, #tpu.memory_space<vmem>>
      %dma_start3A_133 = tpu.memref_squeeze %dma_start3A_132 : memref<1x128xi32, #tpu.memory_space<vmem>> -> memref<128xi32, #tpu.memory_space<vmem>>
      %dma_start3A_134 = arith.constant 0 : i32
      %dma_start3A_135 = arith.constant 0 : i32
      %dma_start3A_136 = tpu.memref_slice %arg2[%scan3A_9, %dma_start3A_134, %dma_start3A_135] : memref<2x10240x16xf32, #tpu.memory_space<hbm>> -> memref<1x10240x16xf32, #tpu.memory_space<hbm>>
      %dma_start3A_137 = tpu.memref_squeeze %dma_start3A_136 : memref<1x10240x16xf32, #tpu.memory_space<hbm>> -> memref<10240x16xf32, #tpu.memory_space<hbm>>
      %dma_start3A_138 = arith.constant 0 : i32
      %dma_start3A_139 = arith.constant 0 : i32
      %dma_start3A_140 = tpu.memref_slice %dma_start3A_137[%dma_start3A_138, %dma_start3A_139] : memref<10240x16xf32, #tpu.memory_space<hbm>> -> memref<10240x16xf32, #tpu.memory_space<hbm>>
      tpu.enqueue_indirect_dma source(%dma_start3A_140 : memref<10240x16xf32, #tpu.memory_space<hbm>>) target(%dma_start3A_130 : memref<128x16xf32, #tpu.memory_space<vmem>>) offsets(%dma_start3A_133 : memref<128xi32, #tpu.memory_space<vmem>>) semaphore(%arg16 : memref<!tpu.dma_semaphore, #tpu.memory_space<semaphore_mem>>)
      %add3A_141 = arith.constant 7 : i32
      %add3A_142 = arith.addi %mul3A_22, %add3A_141 : i32
      %dma_start3A_143 = arith.constant 7 : i32
      %dma_start3A_144 = arith.constant 0 : i32
      %dma_start3A_145 = arith.constant 0 : i32
      %dma_start3A_146 = tpu.memref_slice %arg8[%dma_start3A_143, %dma_start3A_144, %dma_start3A_145] : memref<8x128x16xf32, #tpu.memory_space<vmem>> -> memref<1x128x16xf32, #tpu.memory_space<vmem>>
      %dma_start3A_147 = tpu.memref_squeeze %dma_start3A_146 : memref<1x128x16xf32, #tpu.memory_space<vmem>> -> memref<128x16xf32, #tpu.memory_space<vmem>>
      %dma_start3A_148 = arith.constant 0 : i32
      %dma_start3A_149 = tpu.memref_slice %arg6[%add3A_142, %dma_start3A_148] : memref<80x128xi32, #tpu.memory_space<vmem>> -> memref<1x128xi32, #tpu.memory_space<vmem>>
      %dma_start3A_150 = tpu.memref_squeeze %dma_start3A_149 : memref<1x128xi32, #tpu.memory_space<vmem>> -> memref<128xi32, #tpu.memory_space<vmem>>
      %dma_start3A_151 = arith.constant 0 : i32
      %dma_start3A_152 = arith.constant 0 : i32
      %dma_start3A_153 = tpu.memref_slice %arg2[%scan3A_9, %dma_start3A_151, %dma_start3A_152] : memref<2x10240x16xf32, #tpu.memory_space<hbm>> -> memref<1x10240x16xf32, #tpu.memory_space<hbm>>
      %dma_start3A_154 = tpu.memref_squeeze %dma_start3A_153 : memref<1x10240x16xf32, #tpu.memory_space<hbm>> -> memref<10240x16xf32, #tpu.memory_space<hbm>>
      %dma_start3A_155 = arith.constant 0 : i32
      %dma_start3A_156 = arith.constant 0 : i32
      %dma_start3A_157 = tpu.memref_slice %dma_start3A_154[%dma_start3A_155, %dma_start3A_156] : memref<10240x16xf32, #tpu.memory_space<hbm>> -> memref<10240x16xf32, #tpu.memory_space<hbm>>
      tpu.enqueue_indirect_dma source(%dma_start3A_157 : memref<10240x16xf32, #tpu.memory_space<hbm>>) target(%dma_start3A_147 : memref<128x16xf32, #tpu.memory_space<vmem>>) offsets(%dma_start3A_150 : memref<128xi32, #tpu.memory_space<vmem>>) semaphore(%arg17 : memref<!tpu.dma_semaphore, #tpu.memory_space<semaphore_mem>>)
      %dma_wait3A = arith.constant 0 : i32
      %dma_wait3A_158 = arith.constant 0 : i32
      %dma_wait3A_159 = arith.constant 0 : i32
      %dma_wait3A_160 = tpu.memref_slice %arg8[%dma_wait3A, %dma_wait3A_158, %dma_wait3A_159] : memref<8x128x16xf32, #tpu.memory_space<vmem>> -> memref<1x128x16xf32, #tpu.memory_space<vmem>>
      %dma_wait3A_161 = tpu.memref_squeeze %dma_wait3A_160 : memref<1x128x16xf32, #tpu.memory_space<vmem>> -> memref<128x16xf32, #tpu.memory_space<vmem>>
      %dma_wait3A_162 = arith.constant 0 : i32
      %dma_wait3A_163 = tpu.memref_slice %arg6[%add3A_24, %dma_wait3A_162] : memref<80x128xi32, #tpu.memory_space<vmem>> -> memref<1x128xi32, #tpu.memory_space<vmem>>
      %dma_wait3A_164 = tpu.memref_squeeze %dma_wait3A_163 : memref<1x128xi32, #tpu.memory_space<vmem>> -> memref<128xi32, #tpu.memory_space<vmem>>
      %dma_wait3A_165 = arith.constant 0 : i32
      %dma_wait3A_166 = arith.constant 0 : i32
      %dma_wait3A_167 = tpu.memref_slice %arg2[%scan3A_9, %dma_wait3A_165, %dma_wait3A_166] : memref<2x10240x16xf32, #tpu.memory_space<hbm>> -> memref<1x10240x16xf32, #tpu.memory_space<hbm>>
      %dma_wait3A_168 = tpu.memref_squeeze %dma_wait3A_167 : memref<1x10240x16xf32, #tpu.memory_space<hbm>> -> memref<10240x16xf32, #tpu.memory_space<hbm>>
      %dma_wait3A_169 = arith.constant 0 : i32
      %dma_wait3A_170 = arith.constant 0 : i32
      %dma_wait3A_171 = tpu.memref_slice %dma_wait3A_168[%dma_wait3A_169, %dma_wait3A_170] : memref<10240x16xf32, #tpu.memory_space<hbm>> -> memref<10240x16xf32, #tpu.memory_space<hbm>>
      tpu.wait_indirect_dma semaphore(%arg10 : memref<!tpu.dma_semaphore, #tpu.memory_space<semaphore_mem>>) src(%dma_wait3A_171 : memref<10240x16xf32, #tpu.memory_space<hbm>>) dst(%dma_wait3A_161 : memref<128x16xf32, #tpu.memory_space<vmem>>)
      %add3A_172 = arith.constant 0 : i32
      %add3A_173 = arith.addi %mul3A_22, %add3A_172 : i32
      %dma_start3A_174 = arith.constant 0 : i32
      %dma_start3A_175 = arith.constant 0 : i32
      %dma_start3A_176 = arith.constant 0 : i32
      %dma_start3A_177 = tpu.memref_slice %arg8[%dma_start3A_174, %dma_start3A_175, %dma_start3A_176] : memref<8x128x16xf32, #tpu.memory_space<vmem>> -> memref<1x128x16xf32, #tpu.memory_space<vmem>>
      %dma_start3A_178 = tpu.memref_squeeze %dma_start3A_177 : memref<1x128x16xf32, #tpu.memory_space<vmem>> -> memref<128x16xf32, #tpu.memory_space<vmem>>
      %dma_start3A_179 = arith.constant 0 : i32
      %dma_start3A_180 = tpu.memref_slice %arg7[%add3A_173, %dma_start3A_179] : memref<80x128xi32, #tpu.memory_space<vmem>> -> memref<1x128xi32, #tpu.memory_space<vmem>>
      %dma_start3A_181 = tpu.memref_squeeze %dma_start3A_180 : memref<1x128xi32, #tpu.memory_space<vmem>> -> memref<128xi32, #tpu.memory_space<vmem>>
      %dma_start3A_182 = arith.constant 0 : i32
      %dma_start3A_183 = arith.constant 0 : i32
      %dma_start3A_184 = tpu.memref_slice %arg9[%dma_start3A_182, %dma_start3A_183] : memref<10240x16xf32, #tpu.memory_space<vmem_shared>> -> memref<10240x16xf32, #tpu.memory_space<vmem_shared>>
      tpu.enqueue_indirect_dma source(%dma_start3A_178 : memref<128x16xf32, #tpu.memory_space<vmem>>) target(%dma_start3A_184 : memref<10240x16xf32, #tpu.memory_space<vmem_shared>>) offsets(%dma_start3A_181 : memref<128xi32, #tpu.memory_space<vmem>>) semaphore(%arg18 : memref<!tpu.dma_semaphore, #tpu.memory_space<semaphore_mem>>) {add = true}
      %dma_wait3A_185 = arith.constant 1 : i32
      %dma_wait3A_186 = arith.constant 0 : i32
      %dma_wait3A_187 = arith.constant 0 : i32
      %dma_wait3A_188 = tpu.memref_slice %arg8[%dma_wait3A_185, %dma_wait3A_186, %dma_wait3A_187] : memref<8x128x16xf32, #tpu.memory_space<vmem>> -> memref<1x128x16xf32, #tpu.memory_space<vmem>>
      %dma_wait3A_189 = tpu.memref_squeeze %dma_wait3A_188 : memref<1x128x16xf32, #tpu.memory_space<vmem>> -> memref<128x16xf32, #tpu.memory_space<vmem>>
      %dma_wait3A_190 = arith.constant 0 : i32
      %dma_wait3A_191 = tpu.memref_slice %arg6[%add3A_40, %dma_wait3A_190] : memref<80x128xi32, #tpu.memory_space<vmem>> -> memref<1x128xi32, #tpu.memory_space<vmem>>
      %dma_wait3A_192 = tpu.memref_squeeze %dma_wait3A_191 : memref<1x128xi32, #tpu.memory_space<vmem>> -> memref<128xi32, #tpu.memory_space<vmem>>
      %dma_wait3A_193 = arith.constant 0 : i32
      %dma_wait3A_194 = arith.constant 0 : i32
      %dma_wait3A_195 = tpu.memref_slice %arg2[%scan3A_9, %dma_wait3A_193, %dma_wait3A_194] : memref<2x10240x16xf32, #tpu.memory_space<hbm>> -> memref<1x10240x16xf32, #tpu.memory_space<hbm>>
      %dma_wait3A_196 = tpu.memref_squeeze %dma_wait3A_195 : memref<1x10240x16xf32, #tpu.memory_space<hbm>> -> memref<10240x16xf32, #tpu.memory_space<hbm>>
      %dma_wait3A_197 = arith.constant 0 : i32
      %dma_wait3A_198 = arith.constant 0 : i32
      %dma_wait3A_199 = tpu.memref_slice %dma_wait3A_196[%dma_wait3A_197, %dma_wait3A_198] : memref<10240x16xf32, #tpu.memory_space<hbm>> -> memref<10240x16xf32, #tpu.memory_space<hbm>>
      tpu.wait_indirect_dma semaphore(%arg11 : memref<!tpu.dma_semaphore, #tpu.memory_space<semaphore_mem>>) src(%dma_wait3A_199 : memref<10240x16xf32, #tpu.memory_space<hbm>>) dst(%dma_wait3A_189 : memref<128x16xf32, #tpu.memory_space<vmem>>)
      %add3A_200 = arith.constant 1 : i32
      %add3A_201 = arith.addi %mul3A_22, %add3A_200 : i32
      %dma_start3A_202 = arith.constant 1 : i32
      %dma_start3A_203 = arith.constant 0 : i32
      %dma_start3A_204 = arith.constant 0 : i32
      %dma_start3A_205 = tpu.memref_slice %arg8[%dma_start3A_202, %dma_start3A_203, %dma_start3A_204] : memref<8x128x16xf32, #tpu.memory_space<vmem>> -> memref<1x128x16xf32, #tpu.memory_space<vmem>>
      %dma_start3A_206 = tpu.memref_squeeze %dma_start3A_205 : memref<1x128x16xf32, #tpu.memory_space<vmem>> -> memref<128x16xf32, #tpu.memory_space<vmem>>
      %dma_start3A_207 = arith.constant 0 : i32
      %dma_start3A_208 = tpu.memref_slice %arg7[%add3A_201, %dma_start3A_207] : memref<80x128xi32, #tpu.memory_space<vmem>> -> memref<1x128xi32, #tpu.memory_space<vmem>>
      %dma_start3A_209 = tpu.memref_squeeze %dma_start3A_208 : memref<1x128xi32, #tpu.memory_space<vmem>> -> memref<128xi32, #tpu.memory_space<vmem>>
      %dma_start3A_210 = arith.constant 0 : i32
      %dma_start3A_211 = arith.constant 0 : i32
      %dma_start3A_212 = tpu.memref_slice %arg9[%dma_start3A_210, %dma_start3A_211] : memref<10240x16xf32, #tpu.memory_space<vmem_shared>> -> memref<10240x16xf32, #tpu.memory_space<vmem_shared>>
      tpu.enqueue_indirect_dma source(%dma_start3A_206 : memref<128x16xf32, #tpu.memory_space<vmem>>) target(%dma_start3A_212 : memref<10240x16xf32, #tpu.memory_space<vmem_shared>>) offsets(%dma_start3A_209 : memref<128xi32, #tpu.memory_space<vmem>>) semaphore(%arg19 : memref<!tpu.dma_semaphore, #tpu.memory_space<semaphore_mem>>) {add = true}
      %dma_wait3A_213 = arith.constant 2 : i32
      %dma_wait3A_214 = arith.constant 0 : i32
      %dma_wait3A_215 = arith.constant 0 : i32
      %dma_wait3A_216 = tpu.memref_slice %arg8[%dma_wait3A_213, %dma_wait3A_214, %dma_wait3A_215] : memref<8x128x16xf32, #tpu.memory_space<vmem>> -> memref<1x128x16xf32, #tpu.memory_space<vmem>>
      %dma_wait3A_217 = tpu.memref_squeeze %dma_wait3A_216 : memref<1x128x16xf32, #tpu.memory_space<vmem>> -> memref<128x16xf32, #tpu.memory_space<vmem>>
      %dma_wait3A_218 = arith.constant 0 : i32
      %dma_wait3A_219 = tpu.memref_slice %arg6[%add3A_57, %dma_wait3A_218] : memref<80x128xi32, #tpu.memory_space<vmem>> -> memref<1x128xi32, #tpu.memory_space<vmem>>
      %dma_wait3A_220 = tpu.memref_squeeze %dma_wait3A_219 : memref<1x128xi32, #tpu.memory_space<vmem>> -> memref<128xi32, #tpu.memory_space<vmem>>
      %dma_wait3A_221 = arith.constant 0 : i32
      %dma_wait3A_222 = arith.constant 0 : i32
      %dma_wait3A_223 = tpu.memref_slice %arg2[%scan3A_9, %dma_wait3A_221, %dma_wait3A_222] : memref<2x10240x16xf32, #tpu.memory_space<hbm>> -> memref<1x10240x16xf32, #tpu.memory_space<hbm>>
      %dma_wait3A_224 = tpu.memref_squeeze %dma_wait3A_223 : memref<1x10240x16xf32, #tpu.memory_space<hbm>> -> memref<10240x16xf32, #tpu.memory_space<hbm>>
      %dma_wait3A_225 = arith.constant 0 : i32
      %dma_wait3A_226 = arith.constant 0 : i32
      %dma_wait3A_227 = tpu.memref_slice %dma_wait3A_224[%dma_wait3A_225, %dma_wait3A_226] : memref<10240x16xf32, #tpu.memory_space<hbm>> -> memref<10240x16xf32, #tpu.memory_space<hbm>>
      tpu.wait_indirect_dma semaphore(%arg12 : memref<!tpu.dma_semaphore, #tpu.memory_space<semaphore_mem>>) src(%dma_wait3A_227 : memref<10240x16xf32, #tpu.memory_space<hbm>>) dst(%dma_wait3A_217 : memref<128x16xf32, #tpu.memory_space<vmem>>)
      %add3A_228 = arith.constant 2 : i32
      %add3A_229 = arith.addi %mul3A_22, %add3A_228 : i32
      %dma_start3A_230 = arith.constant 2 : i32
      %dma_start3A_231 = arith.constant 0 : i32
      %dma_start3A_232 = arith.constant 0 : i32
      %dma_start3A_233 = tpu.memref_slice %arg8[%dma_start3A_230, %dma_start3A_231, %dma_start3A_232] : memref<8x128x16xf32, #tpu.memory_space<vmem>> -> memref<1x128x16xf32, #tpu.memory_space<vmem>>
      %dma_start3A_234 = tpu.memref_squeeze %dma_start3A_233 : memref<1x128x16xf32, #tpu.memory_space<vmem>> -> memref<128x16xf32, #tpu.memory_space<vmem>>
      %dma_start3A_235 = arith.constant 0 : i32
      %dma_start3A_236 = tpu.memref_slice %arg7[%add3A_229, %dma_start3A_235] : memref<80x128xi32, #tpu.memory_space<vmem>> -> memref<1x128xi32, #tpu.memory_space<vmem>>
      %dma_start3A_237 = tpu.memref_squeeze %dma_start3A_236 : memref<1x128xi32, #tpu.memory_space<vmem>> -> memref<128xi32, #tpu.memory_space<vmem>>
      %dma_start3A_238 = arith.constant 0 : i32
      %dma_start3A_239 = arith.constant 0 : i32
      %dma_start3A_240 = tpu.memref_slice %arg9[%dma_start3A_238, %dma_start3A_239] : memref<10240x16xf32, #tpu.memory_space<vmem_shared>> -> memref<10240x16xf32, #tpu.memory_space<vmem_shared>>
      tpu.enqueue_indirect_dma source(%dma_start3A_234 : memref<128x16xf32, #tpu.memory_space<vmem>>) target(%dma_start3A_240 : memref<10240x16xf32, #tpu.memory_space<vmem_shared>>) offsets(%dma_start3A_237 : memref<128xi32, #tpu.memory_space<vmem>>) semaphore(%arg20 : memref<!tpu.dma_semaphore, #tpu.memory_space<semaphore_mem>>) {add = true}
      %dma_wait3A_241 = arith.constant 3 : i32
      %dma_wait3A_242 = arith.constant 0 : i32
      %dma_wait3A_243 = arith.constant 0 : i32
      %dma_wait3A_244 = tpu.memref_slice %arg8[%dma_wait3A_241, %dma_wait3A_242, %dma_wait3A_243] : memref<8x128x16xf32, #tpu.memory_space<vmem>> -> memref<1x128x16xf32, #tpu.memory_space<vmem>>
      %dma_wait3A_245 = tpu.memref_squeeze %dma_wait3A_244 : memref<1x128x16xf32, #tpu.memory_space<vmem>> -> memref<128x16xf32, #tpu.memory_space<vmem>>
      %dma_wait3A_246 = arith.constant 0 : i32
      %dma_wait3A_247 = tpu.memref_slice %arg6[%add3A_74, %dma_wait3A_246] : memref<80x128xi32, #tpu.memory_space<vmem>> -> memref<1x128xi32, #tpu.memory_space<vmem>>
      %dma_wait3A_248 = tpu.memref_squeeze %dma_wait3A_247 : memref<1x128xi32, #tpu.memory_space<vmem>> -> memref<128xi32, #tpu.memory_space<vmem>>
      %dma_wait3A_249 = arith.constant 0 : i32
      %dma_wait3A_250 = arith.constant 0 : i32
      %dma_wait3A_251 = tpu.memref_slice %arg2[%scan3A_9, %dma_wait3A_249, %dma_wait3A_250] : memref<2x10240x16xf32, #tpu.memory_space<hbm>> -> memref<1x10240x16xf32, #tpu.memory_space<hbm>>
      %dma_wait3A_252 = tpu.memref_squeeze %dma_wait3A_251 : memref<1x10240x16xf32, #tpu.memory_space<hbm>> -> memref<10240x16xf32, #tpu.memory_space<hbm>>
      %dma_wait3A_253 = arith.constant 0 : i32
      %dma_wait3A_254 = arith.constant 0 : i32
      %dma_wait3A_255 = tpu.memref_slice %dma_wait3A_252[%dma_wait3A_253, %dma_wait3A_254] : memref<10240x16xf32, #tpu.memory_space<hbm>> -> memref<10240x16xf32, #tpu.memory_space<hbm>>
      tpu.wait_indirect_dma semaphore(%arg13 : memref<!tpu.dma_semaphore, #tpu.memory_space<semaphore_mem>>) src(%dma_wait3A_255 : memref<10240x16xf32, #tpu.memory_space<hbm>>) dst(%dma_wait3A_245 : memref<128x16xf32, #tpu.memory_space<vmem>>)
      %add3A_256 = arith.constant 3 : i32
      %add3A_257 = arith.addi %mul3A_22, %add3A_256 : i32
      %dma_start3A_258 = arith.constant 3 : i32
      %dma_start3A_259 = arith.constant 0 : i32
      %dma_start3A_260 = arith.constant 0 : i32
      %dma_start3A_261 = tpu.memref_slice %arg8[%dma_start3A_258, %dma_start3A_259, %dma_start3A_260] : memref<8x128x16xf32, #tpu.memory_space<vmem>> -> memref<1x128x16xf32, #tpu.memory_space<vmem>>
      %dma_start3A_262 = tpu.memref_squeeze %dma_start3A_261 : memref<1x128x16xf32, #tpu.memory_space<vmem>> -> memref<128x16xf32, #tpu.memory_space<vmem>>
      %dma_start3A_263 = arith.constant 0 : i32
      %dma_start3A_264 = tpu.memref_slice %arg7[%add3A_257, %dma_start3A_263] : memref<80x128xi32, #tpu.memory_space<vmem>> -> memref<1x128xi32, #tpu.memory_space<vmem>>
      %dma_start3A_265 = tpu.memref_squeeze %dma_start3A_264 : memref<1x128xi32, #tpu.memory_space<vmem>> -> memref<128xi32, #tpu.memory_space<vmem>>
      %dma_start3A_266 = arith.constant 0 : i32
      %dma_start3A_267 = arith.constant 0 : i32
      %dma_start3A_268 = tpu.memref_slice %arg9[%dma_start3A_266, %dma_start3A_267] : memref<10240x16xf32, #tpu.memory_space<vmem_shared>> -> memref<10240x16xf32, #tpu.memory_space<vmem_shared>>
      tpu.enqueue_indirect_dma source(%dma_start3A_262 : memref<128x16xf32, #tpu.memory_space<vmem>>) target(%dma_start3A_268 : memref<10240x16xf32, #tpu.memory_space<vmem_shared>>) offsets(%dma_start3A_265 : memref<128xi32, #tpu.memory_space<vmem>>) semaphore(%arg21 : memref<!tpu.dma_semaphore, #tpu.memory_space<semaphore_mem>>) {add = true}
      %dma_wait3A_269 = arith.constant 4 : i32
      %dma_wait3A_270 = arith.constant 0 : i32
      %dma_wait3A_271 = arith.constant 0 : i32
      %dma_wait3A_272 = tpu.memref_slice %arg8[%dma_wait3A_269, %dma_wait3A_270, %dma_wait3A_271] : memref<8x128x16xf32, #tpu.memory_space<vmem>> -> memref<1x128x16xf32, #tpu.memory_space<vmem>>
      %dma_wait3A_273 = tpu.memref_squeeze %dma_wait3A_272 : memref<1x128x16xf32, #tpu.memory_space<vmem>> -> memref<128x16xf32, #tpu.memory_space<vmem>>
      %dma_wait3A_274 = arith.constant 0 : i32
      %dma_wait3A_275 = tpu.memref_slice %arg6[%add3A_91, %dma_wait3A_274] : memref<80x128xi32, #tpu.memory_space<vmem>> -> memref<1x128xi32, #tpu.memory_space<vmem>>
      %dma_wait3A_276 = tpu.memref_squeeze %dma_wait3A_275 : memref<1x128xi32, #tpu.memory_space<vmem>> -> memref<128xi32, #tpu.memory_space<vmem>>
      %dma_wait3A_277 = arith.constant 0 : i32
      %dma_wait3A_278 = arith.constant 0 : i32
      %dma_wait3A_279 = tpu.memref_slice %arg2[%scan3A_9, %dma_wait3A_277, %dma_wait3A_278] : memref<2x10240x16xf32, #tpu.memory_space<hbm>> -> memref<1x10240x16xf32, #tpu.memory_space<hbm>>
      %dma_wait3A_280 = tpu.memref_squeeze %dma_wait3A_279 : memref<1x10240x16xf32, #tpu.memory_space<hbm>> -> memref<10240x16xf32, #tpu.memory_space<hbm>>
      %dma_wait3A_281 = arith.constant 0 : i32
      %dma_wait3A_282 = arith.constant 0 : i32
      %dma_wait3A_283 = tpu.memref_slice %dma_wait3A_280[%dma_wait3A_281, %dma_wait3A_282] : memref<10240x16xf32, #tpu.memory_space<hbm>> -> memref<10240x16xf32, #tpu.memory_space<hbm>>
      tpu.wait_indirect_dma semaphore(%arg14 : memref<!tpu.dma_semaphore, #tpu.memory_space<semaphore_mem>>) src(%dma_wait3A_283 : memref<10240x16xf32, #tpu.memory_space<hbm>>) dst(%dma_wait3A_273 : memref<128x16xf32, #tpu.memory_space<vmem>>)
      %add3A_284 = arith.constant 4 : i32
      %add3A_285 = arith.addi %mul3A_22, %add3A_284 : i32
      %dma_start3A_286 = arith.constant 4 : i32
      %dma_start3A_287 = arith.constant 0 : i32
      %dma_start3A_288 = arith.constant 0 : i32
      %dma_start3A_289 = tpu.memref_slice %arg8[%dma_start3A_286, %dma_start3A_287, %dma_start3A_288] : memref<8x128x16xf32, #tpu.memory_space<vmem>> -> memref<1x128x16xf32, #tpu.memory_space<vmem>>
      %dma_start3A_290 = tpu.memref_squeeze %dma_start3A_289 : memref<1x128x16xf32, #tpu.memory_space<vmem>> -> memref<128x16xf32, #tpu.memory_space<vmem>>
      %dma_start3A_291 = arith.constant 0 : i32
      %dma_start3A_292 = tpu.memref_slice %arg7[%add3A_285, %dma_start3A_291] : memref<80x128xi32, #tpu.memory_space<vmem>> -> memref<1x128xi32, #tpu.memory_space<vmem>>
      %dma_start3A_293 = tpu.memref_squeeze %dma_start3A_292 : memref<1x128xi32, #tpu.memory_space<vmem>> -> memref<128xi32, #tpu.memory_space<vmem>>
      %dma_start3A_294 = arith.constant 0 : i32
      %dma_start3A_295 = arith.constant 0 : i32
      %dma_start3A_296 = tpu.memref_slice %arg9[%dma_start3A_294, %dma_start3A_295] : memref<10240x16xf32, #tpu.memory_space<vmem_shared>> -> memref<10240x16xf32, #tpu.memory_space<vmem_shared>>
      tpu.enqueue_indirect_dma source(%dma_start3A_290 : memref<128x16xf32, #tpu.memory_space<vmem>>) target(%dma_start3A_296 : memref<10240x16xf32, #tpu.memory_space<vmem_shared>>) offsets(%dma_start3A_293 : memref<128xi32, #tpu.memory_space<vmem>>) semaphore(%arg22 : memref<!tpu.dma_semaphore, #tpu.memory_space<semaphore_mem>>) {add = true}
      %dma_wait3A_297 = arith.constant 5 : i32
      %dma_wait3A_298 = arith.constant 0 : i32
      %dma_wait3A_299 = arith.constant 0 : i32
      %dma_wait3A_300 = tpu.memref_slice %arg8[%dma_wait3A_297, %dma_wait3A_298, %dma_wait3A_299] : memref<8x128x16xf32, #tpu.memory_space<vmem>> -> memref<1x128x16xf32, #tpu.memory_space<vmem>>
      %dma_wait3A_301 = tpu.memref_squeeze %dma_wait3A_300 : memref<1x128x16xf32, #tpu.memory_space<vmem>> -> memref<128x16xf32, #tpu.memory_space<vmem>>
      %dma_wait3A_302 = arith.constant 0 : i32
      %dma_wait3A_303 = tpu.memref_slice %arg6[%add3A_108, %dma_wait3A_302] : memref<80x128xi32, #tpu.memory_space<vmem>> -> memref<1x128xi32, #tpu.memory_space<vmem>>
      %dma_wait3A_304 = tpu.memref_squeeze %dma_wait3A_303 : memref<1x128xi32, #tpu.memory_space<vmem>> -> memref<128xi32, #tpu.memory_space<vmem>>
      %dma_wait3A_305 = arith.constant 0 : i32
      %dma_wait3A_306 = arith.constant 0 : i32
      %dma_wait3A_307 = tpu.memref_slice %arg2[%scan3A_9, %dma_wait3A_305, %dma_wait3A_306] : memref<2x10240x16xf32, #tpu.memory_space<hbm>> -> memref<1x10240x16xf32, #tpu.memory_space<hbm>>
      %dma_wait3A_308 = tpu.memref_squeeze %dma_wait3A_307 : memref<1x10240x16xf32, #tpu.memory_space<hbm>> -> memref<10240x16xf32, #tpu.memory_space<hbm>>
      %dma_wait3A_309 = arith.constant 0 : i32
      %dma_wait3A_310 = arith.constant 0 : i32
      %dma_wait3A_311 = tpu.memref_slice %dma_wait3A_308[%dma_wait3A_309, %dma_wait3A_310] : memref<10240x16xf32, #tpu.memory_space<hbm>> -> memref<10240x16xf32, #tpu.memory_space<hbm>>
      tpu.wait_indirect_dma semaphore(%arg15 : memref<!tpu.dma_semaphore, #tpu.memory_space<semaphore_mem>>) src(%dma_wait3A_311 : memref<10240x16xf32, #tpu.memory_space<hbm>>) dst(%dma_wait3A_301 : memref<128x16xf32, #tpu.memory_space<vmem>>)
      %add3A_312 = arith.constant 5 : i32
      %add3A_313 = arith.addi %mul3A_22, %add3A_312 : i32
      %dma_start3A_314 = arith.constant 5 : i32
      %dma_start3A_315 = arith.constant 0 : i32
      %dma_start3A_316 = arith.constant 0 : i32
      %dma_start3A_317 = tpu.memref_slice %arg8[%dma_start3A_314, %dma_start3A_315, %dma_start3A_316] : memref<8x128x16xf32, #tpu.memory_space<vmem>> -> memref<1x128x16xf32, #tpu.memory_space<vmem>>
      %dma_start3A_318 = tpu.memref_squeeze %dma_start3A_317 : memref<1x128x16xf32, #tpu.memory_space<vmem>> -> memref<128x16xf32, #tpu.memory_space<vmem>>
      %dma_start3A_319 = arith.constant 0 : i32
      %dma_start3A_320 = tpu.memref_slice %arg7[%add3A_313, %dma_start3A_319] : memref<80x128xi32, #tpu.memory_space<vmem>> -> memref<1x128xi32, #tpu.memory_space<vmem>>
      %dma_start3A_321 = tpu.memref_squeeze %dma_start3A_320 : memref<1x128xi32, #tpu.memory_space<vmem>> -> memref<128xi32, #tpu.memory_space<vmem>>
      %dma_start3A_322 = arith.constant 0 : i32
      %dma_start3A_323 = arith.constant 0 : i32
      %dma_start3A_324 = tpu.memref_slice %arg9[%dma_start3A_322, %dma_start3A_323] : memref<10240x16xf32, #tpu.memory_space<vmem_shared>> -> memref<10240x16xf32, #tpu.memory_space<vmem_shared>>
      tpu.enqueue_indirect_dma source(%dma_start3A_318 : memref<128x16xf32, #tpu.memory_space<vmem>>) target(%dma_start3A_324 : memref<10240x16xf32, #tpu.memory_space<vmem_shared>>) offsets(%dma_start3A_321 : memref<128xi32, #tpu.memory_space<vmem>>) semaphore(%arg23 : memref<!tpu.dma_semaphore, #tpu.memory_space<semaphore_mem>>) {add = true}
      %dma_wait3A_325 = arith.constant 6 : i32
      %dma_wait3A_326 = arith.constant 0 : i32
      %dma_wait3A_327 = arith.constant 0 : i32
      %dma_wait3A_328 = tpu.memref_slice %arg8[%dma_wait3A_325, %dma_wait3A_326, %dma_wait3A_327] : memref<8x128x16xf32, #tpu.memory_space<vmem>> -> memref<1x128x16xf32, #tpu.memory_space<vmem>>
      %dma_wait3A_329 = tpu.memref_squeeze %dma_wait3A_328 : memref<1x128x16xf32, #tpu.memory_space<vmem>> -> memref<128x16xf32, #tpu.memory_space<vmem>>
      %dma_wait3A_330 = arith.constant 0 : i32
      %dma_wait3A_331 = tpu.memref_slice %arg6[%add3A_125, %dma_wait3A_330] : memref<80x128xi32, #tpu.memory_space<vmem>> -> memref<1x128xi32, #tpu.memory_space<vmem>>
      %dma_wait3A_332 = tpu.memref_squeeze %dma_wait3A_331 : memref<1x128xi32, #tpu.memory_space<vmem>> -> memref<128xi32, #tpu.memory_space<vmem>>
      %dma_wait3A_333 = arith.constant 0 : i32
      %dma_wait3A_334 = arith.constant 0 : i32
      %dma_wait3A_335 = tpu.memref_slice %arg2[%scan3A_9, %dma_wait3A_333, %dma_wait3A_334] : memref<2x10240x16xf32, #tpu.memory_space<hbm>> -> memref<1x10240x16xf32, #tpu.memory_space<hbm>>
      %dma_wait3A_336 = tpu.memref_squeeze %dma_wait3A_335 : memref<1x10240x16xf32, #tpu.memory_space<hbm>> -> memref<10240x16xf32, #tpu.memory_space<hbm>>
      %dma_wait3A_337 = arith.constant 0 : i32
      %dma_wait3A_338 = arith.constant 0 : i32
      %dma_wait3A_339 = tpu.memref_slice %dma_wait3A_336[%dma_wait3A_337, %dma_wait3A_338] : memref<10240x16xf32, #tpu.memory_space<hbm>> -> memref<10240x16xf32, #tpu.memory_space<hbm>>
      tpu.wait_indirect_dma semaphore(%arg16 : memref<!tpu.dma_semaphore, #tpu.memory_space<semaphore_mem>>) src(%dma_wait3A_339 : memref<10240x16xf32, #tpu.memory_space<hbm>>) dst(%dma_wait3A_329 : memref<128x16xf32, #tpu.memory_space<vmem>>)
      %add3A_340 = arith.constant 6 : i32
      %add3A_341 = arith.addi %mul3A_22, %add3A_340 : i32
      %dma_start3A_342 = arith.constant 6 : i32
      %dma_start3A_343 = arith.constant 0 : i32
      %dma_start3A_344 = arith.constant 0 : i32
      %dma_start3A_345 = tpu.memref_slice %arg8[%dma_start3A_342, %dma_start3A_343, %dma_start3A_344] : memref<8x128x16xf32, #tpu.memory_space<vmem>> -> memref<1x128x16xf32, #tpu.memory_space<vmem>>
      %dma_start3A_346 = tpu.memref_squeeze %dma_start3A_345 : memref<1x128x16xf32, #tpu.memory_space<vmem>> -> memref<128x16xf32, #tpu.memory_space<vmem>>
      %dma_start3A_347 = arith.constant 0 : i32
      %dma_start3A_348 = tpu.memref_slice %arg7[%add3A_341, %dma_start3A_347] : memref<80x128xi32, #tpu.memory_space<vmem>> -> memref<1x128xi32, #tpu.memory_space<vmem>>
      %dma_start3A_349 = tpu.memref_squeeze %dma_start3A_348 : memref<1x128xi32, #tpu.memory_space<vmem>> -> memref<128xi32, #tpu.memory_space<vmem>>
      %dma_start3A_350 = arith.constant 0 : i32
      %dma_start3A_351 = arith.constant 0 : i32
      %dma_start3A_352 = tpu.memref_slice %arg9[%dma_start3A_350, %dma_start3A_351] : memref<10240x16xf32, #tpu.memory_space<vmem_shared>> -> memref<10240x16xf32, #tpu.memory_space<vmem_shared>>
      tpu.enqueue_indirect_dma source(%dma_start3A_346 : memref<128x16xf32, #tpu.memory_space<vmem>>) target(%dma_start3A_352 : memref<10240x16xf32, #tpu.memory_space<vmem_shared>>) offsets(%dma_start3A_349 : memref<128xi32, #tpu.memory_space<vmem>>) semaphore(%arg24 : memref<!tpu.dma_semaphore, #tpu.memory_space<semaphore_mem>>) {add = true}
      %dma_wait3A_353 = arith.constant 7 : i32
      %dma_wait3A_354 = arith.constant 0 : i32
      %dma_wait3A_355 = arith.constant 0 : i32
      %dma_wait3A_356 = tpu.memref_slice %arg8[%dma_wait3A_353, %dma_wait3A_354, %dma_wait3A_355] : memref<8x128x16xf32, #tpu.memory_space<vmem>> -> memref<1x128x16xf32, #tpu.memory_space<vmem>>
      %dma_wait3A_357 = tpu.memref_squeeze %dma_wait3A_356 : memref<1x128x16xf32, #tpu.memory_space<vmem>> -> memref<128x16xf32, #tpu.memory_space<vmem>>
      %dma_wait3A_358 = arith.constant 0 : i32
      %dma_wait3A_359 = tpu.memref_slice %arg6[%add3A_142, %dma_wait3A_358] : memref<80x128xi32, #tpu.memory_space<vmem>> -> memref<1x128xi32, #tpu.memory_space<vmem>>
      %dma_wait3A_360 = tpu.memref_squeeze %dma_wait3A_359 : memref<1x128xi32, #tpu.memory_space<vmem>> -> memref<128xi32, #tpu.memory_space<vmem>>
      %dma_wait3A_361 = arith.constant 0 : i32
      %dma_wait3A_362 = arith.constant 0 : i32
      %dma_wait3A_363 = tpu.memref_slice %arg2[%scan3A_9, %dma_wait3A_361, %dma_wait3A_362] : memref<2x10240x16xf32, #tpu.memory_space<hbm>> -> memref<1x10240x16xf32, #tpu.memory_space<hbm>>
      %dma_wait3A_364 = tpu.memref_squeeze %dma_wait3A_363 : memref<1x10240x16xf32, #tpu.memory_space<hbm>> -> memref<10240x16xf32, #tpu.memory_space<hbm>>
      %dma_wait3A_365 = arith.constant 0 : i32
      %dma_wait3A_366 = arith.constant 0 : i32
      %dma_wait3A_367 = tpu.memref_slice %dma_wait3A_364[%dma_wait3A_365, %dma_wait3A_366] : memref<10240x16xf32, #tpu.memory_space<hbm>> -> memref<10240x16xf32, #tpu.memory_space<hbm>>
      tpu.wait_indirect_dma semaphore(%arg17 : memref<!tpu.dma_semaphore, #tpu.memory_space<semaphore_mem>>) src(%dma_wait3A_367 : memref<10240x16xf32, #tpu.memory_space<hbm>>) dst(%dma_wait3A_357 : memref<128x16xf32, #tpu.memory_space<vmem>>)
      %add3A_368 = arith.constant 7 : i32
      %add3A_369 = arith.addi %mul3A_22, %add3A_368 : i32
      %dma_start3A_370 = arith.constant 7 : i32
      %dma_start3A_371 = arith.constant 0 : i32
      %dma_start3A_372 = arith.constant 0 : i32
      %dma_start3A_373 = tpu.memref_slice %arg8[%dma_start3A_370, %dma_start3A_371, %dma_start3A_372] : memref<8x128x16xf32, #tpu.memory_space<vmem>> -> memref<1x128x16xf32, #tpu.memory_space<vmem>>
      %dma_start3A_374 = tpu.memref_squeeze %dma_start3A_373 : memref<1x128x16xf32, #tpu.memory_space<vmem>> -> memref<128x16xf32, #tpu.memory_space<vmem>>
      %dma_start3A_375 = arith.constant 0 : i32
      %dma_start3A_376 = tpu.memref_slice %arg7[%add3A_369, %dma_start3A_375] : memref<80x128xi32, #tpu.memory_space<vmem>> -> memref<1x128xi32, #tpu.memory_space<vmem>>
      %dma_start3A_377 = tpu.memref_squeeze %dma_start3A_376 : memref<1x128xi32, #tpu.memory_space<vmem>> -> memref<128xi32, #tpu.memory_space<vmem>>
      %dma_start3A_378 = arith.constant 0 : i32
      %dma_start3A_379 = arith.constant 0 : i32
      %dma_start3A_380 = tpu.memref_slice %arg9[%dma_start3A_378, %dma_start3A_379] : memref<10240x16xf32, #tpu.memory_space<vmem_shared>> -> memref<10240x16xf32, #tpu.memory_space<vmem_shared>>
      tpu.enqueue_indirect_dma source(%dma_start3A_374 : memref<128x16xf32, #tpu.memory_space<vmem>>) target(%dma_start3A_380 : memref<10240x16xf32, #tpu.memory_space<vmem_shared>>) offsets(%dma_start3A_377 : memref<128xi32, #tpu.memory_space<vmem>>) semaphore(%arg25 : memref<!tpu.dma_semaphore, #tpu.memory_space<semaphore_mem>>) {add = true}
      %dma_wait3A_381 = arith.constant 0 : i32
      %dma_wait3A_382 = arith.constant 0 : i32
      %dma_wait3A_383 = arith.constant 0 : i32
      %dma_wait3A_384 = tpu.memref_slice %arg8[%dma_wait3A_381, %dma_wait3A_382, %dma_wait3A_383] : memref<8x128x16xf32, #tpu.memory_space<vmem>> -> memref<1x128x16xf32, #tpu.memory_space<vmem>>
      %dma_wait3A_385 = tpu.memref_squeeze %dma_wait3A_384 : memref<1x128x16xf32, #tpu.memory_space<vmem>> -> memref<128x16xf32, #tpu.memory_space<vmem>>
      %dma_wait3A_386 = arith.constant 0 : i32
      %dma_wait3A_387 = tpu.memref_slice %arg7[%add3A_173, %dma_wait3A_386] : memref<80x128xi32, #tpu.memory_space<vmem>> -> memref<1x128xi32, #tpu.memory_space<vmem>>
      %dma_wait3A_388 = tpu.memref_squeeze %dma_wait3A_387 : memref<1x128xi32, #tpu.memory_space<vmem>> -> memref<128xi32, #tpu.memory_space<vmem>>
      %dma_wait3A_389 = arith.constant 0 : i32
      %dma_wait3A_390 = arith.constant 0 : i32
      %dma_wait3A_391 = tpu.memref_slice %arg9[%dma_wait3A_389, %dma_wait3A_390] : memref<10240x16xf32, #tpu.memory_space<vmem_shared>> -> memref<10240x16xf32, #tpu.memory_space<vmem_shared>>
      tpu.wait_indirect_dma semaphore(%arg18 : memref<!tpu.dma_semaphore, #tpu.memory_space<semaphore_mem>>) src(%dma_wait3A_385 : memref<128x16xf32, #tpu.memory_space<vmem>>) dst(%dma_wait3A_391 : memref<10240x16xf32, #tpu.memory_space<vmem_shared>>)
      %dma_wait3A_392 = arith.constant 1 : i32
      %dma_wait3A_393 = arith.constant 0 : i32
      %dma_wait3A_394 = arith.constant 0 : i32
      %dma_wait3A_395 = tpu.memref_slice %arg8[%dma_wait3A_392, %dma_wait3A_393, %dma_wait3A_394] : memref<8x128x16xf32, #tpu.memory_space<vmem>> -> memref<1x128x16xf32, #tpu.memory_space<vmem>>
      %dma_wait3A_396 = tpu.memref_squeeze %dma_wait3A_395 : memref<1x128x16xf32, #tpu.memory_space<vmem>> -> memref<128x16xf32, #tpu.memory_space<vmem>>
      %dma_wait3A_397 = arith.constant 0 : i32
      %dma_wait3A_398 = tpu.memref_slice %arg7[%add3A_201, %dma_wait3A_397] : memref<80x128xi32, #tpu.memory_space<vmem>> -> memref<1x128xi32, #tpu.memory_space<vmem>>
      %dma_wait3A_399 = tpu.memref_squeeze %dma_wait3A_398 : memref<1x128xi32, #tpu.memory_space<vmem>> -> memref<128xi32, #tpu.memory_space<vmem>>
      %dma_wait3A_400 = arith.constant 0 : i32
      %dma_wait3A_401 = arith.constant 0 : i32
      %dma_wait3A_402 = tpu.memref_slice %arg9[%dma_wait3A_400, %dma_wait3A_401] : memref<10240x16xf32, #tpu.memory_space<vmem_shared>> -> memref<10240x16xf32, #tpu.memory_space<vmem_shared>>
      tpu.wait_indirect_dma semaphore(%arg19 : memref<!tpu.dma_semaphore, #tpu.memory_space<semaphore_mem>>) src(%dma_wait3A_396 : memref<128x16xf32, #tpu.memory_space<vmem>>) dst(%dma_wait3A_402 : memref<10240x16xf32, #tpu.memory_space<vmem_shared>>)
      %dma_wait3A_403 = arith.constant 2 : i32
      %dma_wait3A_404 = arith.constant 0 : i32
      %dma_wait3A_405 = arith.constant 0 : i32
      %dma_wait3A_406 = tpu.memref_slice %arg8[%dma_wait3A_403, %dma_wait3A_404, %dma_wait3A_405] : memref<8x128x16xf32, #tpu.memory_space<vmem>> -> memref<1x128x16xf32, #tpu.memory_space<vmem>>
      %dma_wait3A_407 = tpu.memref_squeeze %dma_wait3A_406 : memref<1x128x16xf32, #tpu.memory_space<vmem>> -> memref<128x16xf32, #tpu.memory_space<vmem>>
      %dma_wait3A_408 = arith.constant 0 : i32
      %dma_wait3A_409 = tpu.memref_slice %arg7[%add3A_229, %dma_wait3A_408] : memref<80x128xi32, #tpu.memory_space<vmem>> -> memref<1x128xi32, #tpu.memory_space<vmem>>
      %dma_wait3A_410 = tpu.memref_squeeze %dma_wait3A_409 : memref<1x128xi32, #tpu.memory_space<vmem>> -> memref<128xi32, #tpu.memory_space<vmem>>
      %dma_wait3A_411 = arith.constant 0 : i32
      %dma_wait3A_412 = arith.constant 0 : i32
      %dma_wait3A_413 = tpu.memref_slice %arg9[%dma_wait3A_411, %dma_wait3A_412] : memref<10240x16xf32, #tpu.memory_space<vmem_shared>> -> memref<10240x16xf32, #tpu.memory_space<vmem_shared>>
      tpu.wait_indirect_dma semaphore(%arg20 : memref<!tpu.dma_semaphore, #tpu.memory_space<semaphore_mem>>) src(%dma_wait3A_407 : memref<128x16xf32, #tpu.memory_space<vmem>>) dst(%dma_wait3A_413 : memref<10240x16xf32, #tpu.memory_space<vmem_shared>>)
      %dma_wait3A_414 = arith.constant 3 : i32
      %dma_wait3A_415 = arith.constant 0 : i32
      %dma_wait3A_416 = arith.constant 0 : i32
      %dma_wait3A_417 = tpu.memref_slice %arg8[%dma_wait3A_414, %dma_wait3A_415, %dma_wait3A_416] : memref<8x128x16xf32, #tpu.memory_space<vmem>> -> memref<1x128x16xf32, #tpu.memory_space<vmem>>
      %dma_wait3A_418 = tpu.memref_squeeze %dma_wait3A_417 : memref<1x128x16xf32, #tpu.memory_space<vmem>> -> memref<128x16xf32, #tpu.memory_space<vmem>>
      %dma_wait3A_419 = arith.constant 0 : i32
      %dma_wait3A_420 = tpu.memref_slice %arg7[%add3A_257, %dma_wait3A_419] : memref<80x128xi32, #tpu.memory_space<vmem>> -> memref<1x128xi32, #tpu.memory_space<vmem>>
      %dma_wait3A_421 = tpu.memref_squeeze %dma_wait3A_420 : memref<1x128xi32, #tpu.memory_space<vmem>> -> memref<128xi32, #tpu.memory_space<vmem>>
      %dma_wait3A_422 = arith.constant 0 : i32
      %dma_wait3A_423 = arith.constant 0 : i32
      %dma_wait3A_424 = tpu.memref_slice %arg9[%dma_wait3A_422, %dma_wait3A_423] : memref<10240x16xf32, #tpu.memory_space<vmem_shared>> -> memref<10240x16xf32, #tpu.memory_space<vmem_shared>>
      tpu.wait_indirect_dma semaphore(%arg21 : memref<!tpu.dma_semaphore, #tpu.memory_space<semaphore_mem>>) src(%dma_wait3A_418 : memref<128x16xf32, #tpu.memory_space<vmem>>) dst(%dma_wait3A_424 : memref<10240x16xf32, #tpu.memory_space<vmem_shared>>)
      %dma_wait3A_425 = arith.constant 4 : i32
      %dma_wait3A_426 = arith.constant 0 : i32
      %dma_wait3A_427 = arith.constant 0 : i32
      %dma_wait3A_428 = tpu.memref_slice %arg8[%dma_wait3A_425, %dma_wait3A_426, %dma_wait3A_427] : memref<8x128x16xf32, #tpu.memory_space<vmem>> -> memref<1x128x16xf32, #tpu.memory_space<vmem>>
      %dma_wait3A_429 = tpu.memref_squeeze %dma_wait3A_428 : memref<1x128x16xf32, #tpu.memory_space<vmem>> -> memref<128x16xf32, #tpu.memory_space<vmem>>
      %dma_wait3A_430 = arith.constant 0 : i32
      %dma_wait3A_431 = tpu.memref_slice %arg7[%add3A_285, %dma_wait3A_430] : memref<80x128xi32, #tpu.memory_space<vmem>> -> memref<1x128xi32, #tpu.memory_space<vmem>>
      %dma_wait3A_432 = tpu.memref_squeeze %dma_wait3A_431 : memref<1x128xi32, #tpu.memory_space<vmem>> -> memref<128xi32, #tpu.memory_space<vmem>>
      %dma_wait3A_433 = arith.constant 0 : i32
      %dma_wait3A_434 = arith.constant 0 : i32
      %dma_wait3A_435 = tpu.memref_slice %arg9[%dma_wait3A_433, %dma_wait3A_434] : memref<10240x16xf32, #tpu.memory_space<vmem_shared>> -> memref<10240x16xf32, #tpu.memory_space<vmem_shared>>
      tpu.wait_indirect_dma semaphore(%arg22 : memref<!tpu.dma_semaphore, #tpu.memory_space<semaphore_mem>>) src(%dma_wait3A_429 : memref<128x16xf32, #tpu.memory_space<vmem>>) dst(%dma_wait3A_435 : memref<10240x16xf32, #tpu.memory_space<vmem_shared>>)
      %dma_wait3A_436 = arith.constant 5 : i32
      %dma_wait3A_437 = arith.constant 0 : i32
      %dma_wait3A_438 = arith.constant 0 : i32
      %dma_wait3A_439 = tpu.memref_slice %arg8[%dma_wait3A_436, %dma_wait3A_437, %dma_wait3A_438] : memref<8x128x16xf32, #tpu.memory_space<vmem>> -> memref<1x128x16xf32, #tpu.memory_space<vmem>>
      %dma_wait3A_440 = tpu.memref_squeeze %dma_wait3A_439 : memref<1x128x16xf32, #tpu.memory_space<vmem>> -> memref<128x16xf32, #tpu.memory_space<vmem>>
      %dma_wait3A_441 = arith.constant 0 : i32
      %dma_wait3A_442 = tpu.memref_slice %arg7[%add3A_313, %dma_wait3A_441] : memref<80x128xi32, #tpu.memory_space<vmem>> -> memref<1x128xi32, #tpu.memory_space<vmem>>
      %dma_wait3A_443 = tpu.memref_squeeze %dma_wait3A_442 : memref<1x128xi32, #tpu.memory_space<vmem>> -> memref<128xi32, #tpu.memory_space<vmem>>
      %dma_wait3A_444 = arith.constant 0 : i32
      %dma_wait3A_445 = arith.constant 0 : i32
      %dma_wait3A_446 = tpu.memref_slice %arg9[%dma_wait3A_444, %dma_wait3A_445] : memref<10240x16xf32, #tpu.memory_space<vmem_shared>> -> memref<10240x16xf32, #tpu.memory_space<vmem_shared>>
      tpu.wait_indirect_dma semaphore(%arg23 : memref<!tpu.dma_semaphore, #tpu.memory_space<semaphore_mem>>) src(%dma_wait3A_440 : memref<128x16xf32, #tpu.memory_space<vmem>>) dst(%dma_wait3A_446 : memref<10240x16xf32, #tpu.memory_space<vmem_shared>>)
      %dma_wait3A_447 = arith.constant 6 : i32
      %dma_wait3A_448 = arith.constant 0 : i32
      %dma_wait3A_449 = arith.constant 0 : i32
      %dma_wait3A_450 = tpu.memref_slice %arg8[%dma_wait3A_447, %dma_wait3A_448, %dma_wait3A_449] : memref<8x128x16xf32, #tpu.memory_space<vmem>> -> memref<1x128x16xf32, #tpu.memory_space<vmem>>
      %dma_wait3A_451 = tpu.memref_squeeze %dma_wait3A_450 : memref<1x128x16xf32, #tpu.memory_space<vmem>> -> memref<128x16xf32, #tpu.memory_space<vmem>>
      %dma_wait3A_452 = arith.constant 0 : i32
      %dma_wait3A_453 = tpu.memref_slice %arg7[%add3A_341, %dma_wait3A_452] : memref<80x128xi32, #tpu.memory_space<vmem>> -> memref<1x128xi32, #tpu.memory_space<vmem>>
      %dma_wait3A_454 = tpu.memref_squeeze %dma_wait3A_453 : memref<1x128xi32, #tpu.memory_space<vmem>> -> memref<128xi32, #tpu.memory_space<vmem>>
      %dma_wait3A_455 = arith.constant 0 : i32
      %dma_wait3A_456 = arith.constant 0 : i32
      %dma_wait3A_457 = tpu.memref_slice %arg9[%dma_wait3A_455, %dma_wait3A_456] : memref<10240x16xf32, #tpu.memory_space<vmem_shared>> -> memref<10240x16xf32, #tpu.memory_space<vmem_shared>>
      tpu.wait_indirect_dma semaphore(%arg24 : memref<!tpu.dma_semaphore, #tpu.memory_space<semaphore_mem>>) src(%dma_wait3A_451 : memref<128x16xf32, #tpu.memory_space<vmem>>) dst(%dma_wait3A_457 : memref<10240x16xf32, #tpu.memory_space<vmem_shared>>)
      %dma_wait3A_458 = arith.constant 7 : i32
      %dma_wait3A_459 = arith.constant 0 : i32
      %dma_wait3A_460 = arith.constant 0 : i32
      %dma_wait3A_461 = tpu.memref_slice %arg8[%dma_wait3A_458, %dma_wait3A_459, %dma_wait3A_460] : memref<8x128x16xf32, #tpu.memory_space<vmem>> -> memref<1x128x16xf32, #tpu.memory_space<vmem>>
      %dma_wait3A_462 = tpu.memref_squeeze %dma_wait3A_461 : memref<1x128x16xf32, #tpu.memory_space<vmem>> -> memref<128x16xf32, #tpu.memory_space<vmem>>
      %dma_wait3A_463 = arith.constant 0 : i32
      %dma_wait3A_464 = tpu.memref_slice %arg7[%add3A_369, %dma_wait3A_463] : memref<80x128xi32, #tpu.memory_space<vmem>> -> memref<1x128xi32, #tpu.memory_space<vmem>>
      %dma_wait3A_465 = tpu.memref_squeeze %dma_wait3A_464 : memref<1x128xi32, #tpu.memory_space<vmem>> -> memref<128xi32, #tpu.memory_space<vmem>>
      %dma_wait3A_466 = arith.constant 0 : i32
      %dma_wait3A_467 = arith.constant 0 : i32
      %dma_wait3A_468 = tpu.memref_slice %arg9[%dma_wait3A_466, %dma_wait3A_467] : memref<10240x16xf32, #tpu.memory_space<vmem_shared>> -> memref<10240x16xf32, #tpu.memory_space<vmem_shared>>
      tpu.wait_indirect_dma semaphore(%arg25 : memref<!tpu.dma_semaphore, #tpu.memory_space<semaphore_mem>>) src(%dma_wait3A_462 : memref<128x16xf32, #tpu.memory_space<vmem>>) dst(%dma_wait3A_468 : memref<10240x16xf32, #tpu.memory_space<vmem_shared>>)
    }
    %scan3A_14 = arith.constant 10 : i32
    %barrier3A_15 = arith.constant 0 : index
    tpu.barrier barrier_id(%barrier3A_15)
    %mul3A_16 = arith.constant 640 : i32
    %mul3A_17 = arith.muli %arg1, %mul3A_16 : i32
    %mul3A_18 = arith.constant 640 : i32
    %mul3A_19 = arith.muli %arg1, %mul3A_18 : i32
    "tpu.region"() ({
      %run_scoped3A = tpu.sem_alloc : memref<!tpu.dma_semaphore, #tpu.memory_space<semaphore_mem>>
      %dma_start3A = arith.constant 0 : i32
      %dma_start3A_20 = tpu.memref_slice %arg5[%arg0, %mul3A_19, %dma_start3A] : memref<2x10240x16xf32, #tpu.memory_space<hbm>> -> memref<1x640x16xf32, #tpu.memory_space<hbm>>
      %dma_start3A_21 = tpu.memref_squeeze %dma_start3A_20 : memref<1x640x16xf32, #tpu.memory_space<hbm>> -> memref<640x16xf32, #tpu.memory_space<hbm>>
      %dma_start3A_22 = arith.constant 0 : i32
      %dma_start3A_23 = tpu.memref_slice %arg9[%mul3A_17, %dma_start3A_22] : memref<10240x16xf32, #tpu.memory_space<vmem_shared>> -> memref<640x16xf32, #tpu.memory_space<vmem_shared>>
      tpu.enqueue_dma source(%dma_start3A_23 : memref<640x16xf32, #tpu.memory_space<vmem_shared>>) target(%dma_start3A_21 : memref<640x16xf32, #tpu.memory_space<hbm>>) target_semaphore(%run_scoped3A : memref<!tpu.dma_semaphore, #tpu.memory_space<semaphore_mem>>)
      %dma_wait3A = arith.constant 0 : i32
      %dma_wait3A_24 = tpu.memref_slice %arg5[%arg0, %mul3A_19, %dma_wait3A] : memref<2x10240x16xf32, #tpu.memory_space<hbm>> -> memref<1x640x16xf32, #tpu.memory_space<hbm>>
      %dma_wait3A_25 = tpu.memref_squeeze %dma_wait3A_24 : memref<1x640x16xf32, #tpu.memory_space<hbm>> -> memref<640x16xf32, #tpu.memory_space<hbm>>
      %dma_wait3A_26 = arith.constant 0 : i32
      %dma_wait3A_27 = tpu.memref_slice %arg9[%mul3A_17, %dma_wait3A_26] : memref<10240x16xf32, #tpu.memory_space<vmem_shared>> -> memref<640x16xf32, #tpu.memory_space<vmem_shared>>
      tpu.wait_dma2 semaphore(%run_scoped3A : memref<!tpu.dma_semaphore, #tpu.memory_space<semaphore_mem>>) src(%dma_wait3A_27 : memref<640x16xf32, #tpu.memory_space<vmem_shared>>) dst(%dma_wait3A_25 : memref<640x16xf32, #tpu.memory_space<hbm>>)
      tpu.yield
    }) : () -> ()
    return
  }
}

#map = affine_map<(d0, d1) -> (0, 0, 0)>
#map1 = affine_map<(d0, d1) -> (0, 0)>
module attributes {stable_mosaic.version = 14 : i64} {
  func.func @_sc_spmm_half(%arg0: i32, %arg1: i32, %arg2: memref<2x10240x64xf32, #tpu.memory_space<hbm>>, %arg3: memref<2560x128xi32, #tpu.memory_space<hbm>>, %arg4: memref<2560x128xi32, #tpu.memory_space<hbm>>, %arg5: memref<2x10240x64xf32, #tpu.memory_space<hbm>>, %arg6: memref<80x128xi32, #tpu.memory_space<vmem>>, %arg7: memref<80x128xi32, #tpu.memory_space<vmem>>, %arg8: memref<8x128x64xf32, #tpu.memory_space<vmem>>, %arg9: memref<10240x64xf32, #tpu.memory_space<vmem_shared>>, %arg10: memref<!tpu.dma_semaphore, #tpu.memory_space<semaphore_mem>>, %arg11: memref<!tpu.dma_semaphore, #tpu.memory_space<semaphore_mem>>, %arg12: memref<!tpu.dma_semaphore, #tpu.memory_space<semaphore_mem>>, %arg13: memref<!tpu.dma_semaphore, #tpu.memory_space<semaphore_mem>>, %arg14: memref<!tpu.dma_semaphore, #tpu.memory_space<semaphore_mem>>, %arg15: memref<!tpu.dma_semaphore, #tpu.memory_space<semaphore_mem>>, %arg16: memref<!tpu.dma_semaphore, #tpu.memory_space<semaphore_mem>>, %arg17: memref<!tpu.dma_semaphore, #tpu.memory_space<semaphore_mem>>, %arg18: memref<!tpu.dma_semaphore, #tpu.memory_space<semaphore_mem>>) attributes {dimension_semantics = [#tpu.dimension_semantics<core_parallel>, #tpu.dimension_semantics<subcore_parallel>], iteration_bounds = array<i64: 2, 16>, scalar_prefetch = 0 : i64, scratch_operands = 13 : i64, tpu.core_type = #tpu.core_type<sc_vector_subcore>, window_params = [{transform_indices = #map}, {transform_indices = #map1}, {transform_indices = #map1}, {transform_indices = #map}]} {
    %mul3A = arith.constant 640 : i32
    %mul3A_0 = arith.muli %arg1, %mul3A : i32
    %mul3A_1 = arith.constant 640 : i32
    %mul3A_2 = arith.muli %arg1, %mul3A_1 : i32
    "tpu.region"() ({
      %run_scoped3A = tpu.sem_alloc : memref<!tpu.dma_semaphore, #tpu.memory_space<semaphore_mem>>
      %dma_start3A = arith.constant 0 : i32
      %dma_start3A_34 = tpu.memref_slice %arg9[%mul3A_2, %dma_start3A] : memref<10240x64xf32, #tpu.memory_space<vmem_shared>> -> memref<640x64xf32, #tpu.memory_space<vmem_shared>>
      %dma_start3A_35 = arith.constant 0 : i32
      %dma_start3A_36 = arith.constant 0 : i32
      %dma_start3A_37 = tpu.memref_slice %arg2[%arg0, %dma_start3A_35, %dma_start3A_36] : memref<2x10240x64xf32, #tpu.memory_space<hbm>> -> memref<1x10240x64xf32, #tpu.memory_space<hbm>>
      %dma_start3A_38 = tpu.memref_squeeze %dma_start3A_37 : memref<1x10240x64xf32, #tpu.memory_space<hbm>> -> memref<10240x64xf32, #tpu.memory_space<hbm>>
      %dma_start3A_39 = arith.constant 0 : i32
      %dma_start3A_40 = tpu.memref_slice %dma_start3A_38[%mul3A_0, %dma_start3A_39] : memref<10240x64xf32, #tpu.memory_space<hbm>> -> memref<640x64xf32, #tpu.memory_space<hbm>>
      tpu.enqueue_dma source(%dma_start3A_40 : memref<640x64xf32, #tpu.memory_space<hbm>>) target(%dma_start3A_34 : memref<640x64xf32, #tpu.memory_space<vmem_shared>>) target_semaphore(%run_scoped3A : memref<!tpu.dma_semaphore, #tpu.memory_space<semaphore_mem>>)
      %dma_wait3A = arith.constant 0 : i32
      %dma_wait3A_41 = tpu.memref_slice %arg9[%mul3A_2, %dma_wait3A] : memref<10240x64xf32, #tpu.memory_space<vmem_shared>> -> memref<640x64xf32, #tpu.memory_space<vmem_shared>>
      %dma_wait3A_42 = arith.constant 0 : i32
      %dma_wait3A_43 = arith.constant 0 : i32
      %dma_wait3A_44 = tpu.memref_slice %arg2[%arg0, %dma_wait3A_42, %dma_wait3A_43] : memref<2x10240x64xf32, #tpu.memory_space<hbm>> -> memref<1x10240x64xf32, #tpu.memory_space<hbm>>
      %dma_wait3A_45 = tpu.memref_squeeze %dma_wait3A_44 : memref<1x10240x64xf32, #tpu.memory_space<hbm>> -> memref<10240x64xf32, #tpu.memory_space<hbm>>
      %dma_wait3A_46 = arith.constant 0 : i32
      %dma_wait3A_47 = tpu.memref_slice %dma_wait3A_45[%mul3A_0, %dma_wait3A_46] : memref<10240x64xf32, #tpu.memory_space<hbm>> -> memref<640x64xf32, #tpu.memory_space<hbm>>
      tpu.wait_dma2 semaphore(%run_scoped3A : memref<!tpu.dma_semaphore, #tpu.memory_space<semaphore_mem>>) src(%dma_wait3A_47 : memref<640x64xf32, #tpu.memory_space<hbm>>) dst(%dma_wait3A_41 : memref<640x64xf32, #tpu.memory_space<vmem_shared>>)
      tpu.yield
    }) : () -> ()
    %barrier3A = arith.constant 0 : index
    tpu.barrier barrier_id(%barrier3A)
    %mul3A_3 = arith.constant 160 : i32
    %mul3A_4 = arith.muli %arg1, %mul3A_3 : i32
    %add3A = arith.constant 0 : i32
    %add3A_5 = arith.addi %mul3A_4, %add3A : i32
    "tpu.region"() ({
      %run_scoped3A = tpu.sem_alloc : memref<!tpu.dma_semaphore, #tpu.memory_space<semaphore_mem>>
      %dma_start3A = arith.constant 0 : i32
      %dma_start3A_34 = tpu.memref_slice %arg3[%add3A_5, %dma_start3A] : memref<2560x128xi32, #tpu.memory_space<hbm>> -> memref<80x128xi32, #tpu.memory_space<hbm>>
      %dma_start3A_35 = arith.constant 0 : i32
      %dma_start3A_36 = tpu.memref_slice %arg3[%add3A_5, %dma_start3A_35] : memref<2560x128xi32, #tpu.memory_space<hbm>> -> memref<80x128xi32, #tpu.memory_space<hbm>>
      tpu.enqueue_dma source(%dma_start3A_36 : memref<80x128xi32, #tpu.memory_space<hbm>>) target(%arg6 : memref<80x128xi32, #tpu.memory_space<vmem>>) target_semaphore(%run_scoped3A : memref<!tpu.dma_semaphore, #tpu.memory_space<semaphore_mem>>)
      %dma_wait3A = arith.constant 0 : i32
      %dma_wait3A_37 = tpu.memref_slice %arg3[%add3A_5, %dma_wait3A] : memref<2560x128xi32, #tpu.memory_space<hbm>> -> memref<80x128xi32, #tpu.memory_space<hbm>>
      %dma_wait3A_38 = arith.constant 0 : i32
      %dma_wait3A_39 = tpu.memref_slice %arg3[%add3A_5, %dma_wait3A_38] : memref<2560x128xi32, #tpu.memory_space<hbm>> -> memref<80x128xi32, #tpu.memory_space<hbm>>
      tpu.wait_dma2 semaphore(%run_scoped3A : memref<!tpu.dma_semaphore, #tpu.memory_space<semaphore_mem>>) src(%dma_wait3A_39 : memref<80x128xi32, #tpu.memory_space<hbm>>) dst(%arg6 : memref<80x128xi32, #tpu.memory_space<vmem>>)
      tpu.yield
    }) : () -> ()
    %mul3A_6 = arith.constant 160 : i32
    %mul3A_7 = arith.muli %arg1, %mul3A_6 : i32
    %add3A_8 = arith.constant 0 : i32
    %add3A_9 = arith.addi %mul3A_7, %add3A_8 : i32
    "tpu.region"() ({
      %run_scoped3A = tpu.sem_alloc : memref<!tpu.dma_semaphore, #tpu.memory_space<semaphore_mem>>
      %dma_start3A = arith.constant 0 : i32
      %dma_start3A_34 = tpu.memref_slice %arg4[%add3A_9, %dma_start3A] : memref<2560x128xi32, #tpu.memory_space<hbm>> -> memref<80x128xi32, #tpu.memory_space<hbm>>
      %dma_start3A_35 = arith.constant 0 : i32
      %dma_start3A_36 = tpu.memref_slice %arg4[%add3A_9, %dma_start3A_35] : memref<2560x128xi32, #tpu.memory_space<hbm>> -> memref<80x128xi32, #tpu.memory_space<hbm>>
      tpu.enqueue_dma source(%dma_start3A_36 : memref<80x128xi32, #tpu.memory_space<hbm>>) target(%arg7 : memref<80x128xi32, #tpu.memory_space<vmem>>) target_semaphore(%run_scoped3A : memref<!tpu.dma_semaphore, #tpu.memory_space<semaphore_mem>>)
      %dma_wait3A = arith.constant 0 : i32
      %dma_wait3A_37 = tpu.memref_slice %arg4[%add3A_9, %dma_wait3A] : memref<2560x128xi32, #tpu.memory_space<hbm>> -> memref<80x128xi32, #tpu.memory_space<hbm>>
      %dma_wait3A_38 = arith.constant 0 : i32
      %dma_wait3A_39 = tpu.memref_slice %arg4[%add3A_9, %dma_wait3A_38] : memref<2560x128xi32, #tpu.memory_space<hbm>> -> memref<80x128xi32, #tpu.memory_space<hbm>>
      tpu.wait_dma2 semaphore(%run_scoped3A : memref<!tpu.dma_semaphore, #tpu.memory_space<semaphore_mem>>) src(%dma_wait3A_39 : memref<80x128xi32, #tpu.memory_space<hbm>>) dst(%arg7 : memref<80x128xi32, #tpu.memory_space<vmem>>)
      tpu.yield
    }) : () -> ()
    %scan3A = arith.constant 0 : i32
    %scan3A_10 = arith.constant 0 : i32
    %scan3A_11 = arith.constant 10 : i32
    %scan3A_12 = arith.addi %scan3A_10, %scan3A_11 : i32
    %scan3A_13 = arith.constant 1 : i32
    scf.for %scan3A_34 = %scan3A_10 to %scan3A_12 step %scan3A_13  : i32 {
      %mul3A_35 = arith.constant 8 : i32
      %mul3A_36 = arith.muli %scan3A_34, %mul3A_35 : i32
      %add3A_37 = arith.constant 0 : i32
      %add3A_38 = arith.addi %mul3A_36, %add3A_37 : i32
      %dma_start3A = arith.constant 0 : i32
      %dma_start3A_39 = arith.constant 0 : i32
      %dma_start3A_40 = arith.constant 0 : i32
      %dma_start3A_41 = tpu.memref_slice %arg8[%dma_start3A, %dma_start3A_39, %dma_start3A_40] : memref<8x128x64xf32, #tpu.memory_space<vmem>> -> memref<1x128x64xf32, #tpu.memory_space<vmem>>
      %dma_start3A_42 = tpu.memref_squeeze %dma_start3A_41 : memref<1x128x64xf32, #tpu.memory_space<vmem>> -> memref<128x64xf32, #tpu.memory_space<vmem>>
      %dma_start3A_43 = arith.constant 0 : i32
      %dma_start3A_44 = tpu.memref_slice %arg6[%add3A_38, %dma_start3A_43] : memref<80x128xi32, #tpu.memory_space<vmem>> -> memref<1x128xi32, #tpu.memory_space<vmem>>
      %dma_start3A_45 = tpu.memref_squeeze %dma_start3A_44 : memref<1x128xi32, #tpu.memory_space<vmem>> -> memref<128xi32, #tpu.memory_space<vmem>>
      %dma_start3A_46 = arith.constant 0 : i32
      %dma_start3A_47 = arith.constant 0 : i32
      %dma_start3A_48 = tpu.memref_slice %arg2[%arg0, %dma_start3A_46, %dma_start3A_47] : memref<2x10240x64xf32, #tpu.memory_space<hbm>> -> memref<1x10240x64xf32, #tpu.memory_space<hbm>>
      %dma_start3A_49 = tpu.memref_squeeze %dma_start3A_48 : memref<1x10240x64xf32, #tpu.memory_space<hbm>> -> memref<10240x64xf32, #tpu.memory_space<hbm>>
      %dma_start3A_50 = arith.constant 0 : i32
      %dma_start3A_51 = arith.constant 0 : i32
      %dma_start3A_52 = tpu.memref_slice %dma_start3A_49[%dma_start3A_50, %dma_start3A_51] : memref<10240x64xf32, #tpu.memory_space<hbm>> -> memref<10240x64xf32, #tpu.memory_space<hbm>>
      tpu.enqueue_indirect_dma source(%dma_start3A_52 : memref<10240x64xf32, #tpu.memory_space<hbm>>) target(%dma_start3A_42 : memref<128x64xf32, #tpu.memory_space<vmem>>) offsets(%dma_start3A_45 : memref<128xi32, #tpu.memory_space<vmem>>) semaphore(%arg10 : memref<!tpu.dma_semaphore, #tpu.memory_space<semaphore_mem>>)
      %add3A_53 = arith.constant 1 : i32
      %add3A_54 = arith.addi %mul3A_36, %add3A_53 : i32
      %dma_start3A_55 = arith.constant 1 : i32
      %dma_start3A_56 = arith.constant 0 : i32
      %dma_start3A_57 = arith.constant 0 : i32
      %dma_start3A_58 = tpu.memref_slice %arg8[%dma_start3A_55, %dma_start3A_56, %dma_start3A_57] : memref<8x128x64xf32, #tpu.memory_space<vmem>> -> memref<1x128x64xf32, #tpu.memory_space<vmem>>
      %dma_start3A_59 = tpu.memref_squeeze %dma_start3A_58 : memref<1x128x64xf32, #tpu.memory_space<vmem>> -> memref<128x64xf32, #tpu.memory_space<vmem>>
      %dma_start3A_60 = arith.constant 0 : i32
      %dma_start3A_61 = tpu.memref_slice %arg6[%add3A_54, %dma_start3A_60] : memref<80x128xi32, #tpu.memory_space<vmem>> -> memref<1x128xi32, #tpu.memory_space<vmem>>
      %dma_start3A_62 = tpu.memref_squeeze %dma_start3A_61 : memref<1x128xi32, #tpu.memory_space<vmem>> -> memref<128xi32, #tpu.memory_space<vmem>>
      %dma_start3A_63 = arith.constant 0 : i32
      %dma_start3A_64 = arith.constant 0 : i32
      %dma_start3A_65 = tpu.memref_slice %arg2[%arg0, %dma_start3A_63, %dma_start3A_64] : memref<2x10240x64xf32, #tpu.memory_space<hbm>> -> memref<1x10240x64xf32, #tpu.memory_space<hbm>>
      %dma_start3A_66 = tpu.memref_squeeze %dma_start3A_65 : memref<1x10240x64xf32, #tpu.memory_space<hbm>> -> memref<10240x64xf32, #tpu.memory_space<hbm>>
      %dma_start3A_67 = arith.constant 0 : i32
      %dma_start3A_68 = arith.constant 0 : i32
      %dma_start3A_69 = tpu.memref_slice %dma_start3A_66[%dma_start3A_67, %dma_start3A_68] : memref<10240x64xf32, #tpu.memory_space<hbm>> -> memref<10240x64xf32, #tpu.memory_space<hbm>>
      tpu.enqueue_indirect_dma source(%dma_start3A_69 : memref<10240x64xf32, #tpu.memory_space<hbm>>) target(%dma_start3A_59 : memref<128x64xf32, #tpu.memory_space<vmem>>) offsets(%dma_start3A_62 : memref<128xi32, #tpu.memory_space<vmem>>) semaphore(%arg11 : memref<!tpu.dma_semaphore, #tpu.memory_space<semaphore_mem>>)
      %add3A_70 = arith.constant 2 : i32
      %add3A_71 = arith.addi %mul3A_36, %add3A_70 : i32
      %dma_start3A_72 = arith.constant 2 : i32
      %dma_start3A_73 = arith.constant 0 : i32
      %dma_start3A_74 = arith.constant 0 : i32
      %dma_start3A_75 = tpu.memref_slice %arg8[%dma_start3A_72, %dma_start3A_73, %dma_start3A_74] : memref<8x128x64xf32, #tpu.memory_space<vmem>> -> memref<1x128x64xf32, #tpu.memory_space<vmem>>
      %dma_start3A_76 = tpu.memref_squeeze %dma_start3A_75 : memref<1x128x64xf32, #tpu.memory_space<vmem>> -> memref<128x64xf32, #tpu.memory_space<vmem>>
      %dma_start3A_77 = arith.constant 0 : i32
      %dma_start3A_78 = tpu.memref_slice %arg6[%add3A_71, %dma_start3A_77] : memref<80x128xi32, #tpu.memory_space<vmem>> -> memref<1x128xi32, #tpu.memory_space<vmem>>
      %dma_start3A_79 = tpu.memref_squeeze %dma_start3A_78 : memref<1x128xi32, #tpu.memory_space<vmem>> -> memref<128xi32, #tpu.memory_space<vmem>>
      %dma_start3A_80 = arith.constant 0 : i32
      %dma_start3A_81 = arith.constant 0 : i32
      %dma_start3A_82 = tpu.memref_slice %arg2[%arg0, %dma_start3A_80, %dma_start3A_81] : memref<2x10240x64xf32, #tpu.memory_space<hbm>> -> memref<1x10240x64xf32, #tpu.memory_space<hbm>>
      %dma_start3A_83 = tpu.memref_squeeze %dma_start3A_82 : memref<1x10240x64xf32, #tpu.memory_space<hbm>> -> memref<10240x64xf32, #tpu.memory_space<hbm>>
      %dma_start3A_84 = arith.constant 0 : i32
      %dma_start3A_85 = arith.constant 0 : i32
      %dma_start3A_86 = tpu.memref_slice %dma_start3A_83[%dma_start3A_84, %dma_start3A_85] : memref<10240x64xf32, #tpu.memory_space<hbm>> -> memref<10240x64xf32, #tpu.memory_space<hbm>>
      tpu.enqueue_indirect_dma source(%dma_start3A_86 : memref<10240x64xf32, #tpu.memory_space<hbm>>) target(%dma_start3A_76 : memref<128x64xf32, #tpu.memory_space<vmem>>) offsets(%dma_start3A_79 : memref<128xi32, #tpu.memory_space<vmem>>) semaphore(%arg12 : memref<!tpu.dma_semaphore, #tpu.memory_space<semaphore_mem>>)
      %add3A_87 = arith.constant 3 : i32
      %add3A_88 = arith.addi %mul3A_36, %add3A_87 : i32
      %dma_start3A_89 = arith.constant 3 : i32
      %dma_start3A_90 = arith.constant 0 : i32
      %dma_start3A_91 = arith.constant 0 : i32
      %dma_start3A_92 = tpu.memref_slice %arg8[%dma_start3A_89, %dma_start3A_90, %dma_start3A_91] : memref<8x128x64xf32, #tpu.memory_space<vmem>> -> memref<1x128x64xf32, #tpu.memory_space<vmem>>
      %dma_start3A_93 = tpu.memref_squeeze %dma_start3A_92 : memref<1x128x64xf32, #tpu.memory_space<vmem>> -> memref<128x64xf32, #tpu.memory_space<vmem>>
      %dma_start3A_94 = arith.constant 0 : i32
      %dma_start3A_95 = tpu.memref_slice %arg6[%add3A_88, %dma_start3A_94] : memref<80x128xi32, #tpu.memory_space<vmem>> -> memref<1x128xi32, #tpu.memory_space<vmem>>
      %dma_start3A_96 = tpu.memref_squeeze %dma_start3A_95 : memref<1x128xi32, #tpu.memory_space<vmem>> -> memref<128xi32, #tpu.memory_space<vmem>>
      %dma_start3A_97 = arith.constant 0 : i32
      %dma_start3A_98 = arith.constant 0 : i32
      %dma_start3A_99 = tpu.memref_slice %arg2[%arg0, %dma_start3A_97, %dma_start3A_98] : memref<2x10240x64xf32, #tpu.memory_space<hbm>> -> memref<1x10240x64xf32, #tpu.memory_space<hbm>>
      %dma_start3A_100 = tpu.memref_squeeze %dma_start3A_99 : memref<1x10240x64xf32, #tpu.memory_space<hbm>> -> memref<10240x64xf32, #tpu.memory_space<hbm>>
      %dma_start3A_101 = arith.constant 0 : i32
      %dma_start3A_102 = arith.constant 0 : i32
      %dma_start3A_103 = tpu.memref_slice %dma_start3A_100[%dma_start3A_101, %dma_start3A_102] : memref<10240x64xf32, #tpu.memory_space<hbm>> -> memref<10240x64xf32, #tpu.memory_space<hbm>>
      tpu.enqueue_indirect_dma source(%dma_start3A_103 : memref<10240x64xf32, #tpu.memory_space<hbm>>) target(%dma_start3A_93 : memref<128x64xf32, #tpu.memory_space<vmem>>) offsets(%dma_start3A_96 : memref<128xi32, #tpu.memory_space<vmem>>) semaphore(%arg13 : memref<!tpu.dma_semaphore, #tpu.memory_space<semaphore_mem>>)
      %add3A_104 = arith.constant 4 : i32
      %add3A_105 = arith.addi %mul3A_36, %add3A_104 : i32
      %dma_start3A_106 = arith.constant 4 : i32
      %dma_start3A_107 = arith.constant 0 : i32
      %dma_start3A_108 = arith.constant 0 : i32
      %dma_start3A_109 = tpu.memref_slice %arg8[%dma_start3A_106, %dma_start3A_107, %dma_start3A_108] : memref<8x128x64xf32, #tpu.memory_space<vmem>> -> memref<1x128x64xf32, #tpu.memory_space<vmem>>
      %dma_start3A_110 = tpu.memref_squeeze %dma_start3A_109 : memref<1x128x64xf32, #tpu.memory_space<vmem>> -> memref<128x64xf32, #tpu.memory_space<vmem>>
      %dma_start3A_111 = arith.constant 0 : i32
      %dma_start3A_112 = tpu.memref_slice %arg6[%add3A_105, %dma_start3A_111] : memref<80x128xi32, #tpu.memory_space<vmem>> -> memref<1x128xi32, #tpu.memory_space<vmem>>
      %dma_start3A_113 = tpu.memref_squeeze %dma_start3A_112 : memref<1x128xi32, #tpu.memory_space<vmem>> -> memref<128xi32, #tpu.memory_space<vmem>>
      %dma_start3A_114 = arith.constant 0 : i32
      %dma_start3A_115 = arith.constant 0 : i32
      %dma_start3A_116 = tpu.memref_slice %arg2[%arg0, %dma_start3A_114, %dma_start3A_115] : memref<2x10240x64xf32, #tpu.memory_space<hbm>> -> memref<1x10240x64xf32, #tpu.memory_space<hbm>>
      %dma_start3A_117 = tpu.memref_squeeze %dma_start3A_116 : memref<1x10240x64xf32, #tpu.memory_space<hbm>> -> memref<10240x64xf32, #tpu.memory_space<hbm>>
      %dma_start3A_118 = arith.constant 0 : i32
      %dma_start3A_119 = arith.constant 0 : i32
      %dma_start3A_120 = tpu.memref_slice %dma_start3A_117[%dma_start3A_118, %dma_start3A_119] : memref<10240x64xf32, #tpu.memory_space<hbm>> -> memref<10240x64xf32, #tpu.memory_space<hbm>>
      tpu.enqueue_indirect_dma source(%dma_start3A_120 : memref<10240x64xf32, #tpu.memory_space<hbm>>) target(%dma_start3A_110 : memref<128x64xf32, #tpu.memory_space<vmem>>) offsets(%dma_start3A_113 : memref<128xi32, #tpu.memory_space<vmem>>) semaphore(%arg14 : memref<!tpu.dma_semaphore, #tpu.memory_space<semaphore_mem>>)
      %add3A_121 = arith.constant 5 : i32
      %add3A_122 = arith.addi %mul3A_36, %add3A_121 : i32
      %dma_start3A_123 = arith.constant 5 : i32
      %dma_start3A_124 = arith.constant 0 : i32
      %dma_start3A_125 = arith.constant 0 : i32
      %dma_start3A_126 = tpu.memref_slice %arg8[%dma_start3A_123, %dma_start3A_124, %dma_start3A_125] : memref<8x128x64xf32, #tpu.memory_space<vmem>> -> memref<1x128x64xf32, #tpu.memory_space<vmem>>
      %dma_start3A_127 = tpu.memref_squeeze %dma_start3A_126 : memref<1x128x64xf32, #tpu.memory_space<vmem>> -> memref<128x64xf32, #tpu.memory_space<vmem>>
      %dma_start3A_128 = arith.constant 0 : i32
      %dma_start3A_129 = tpu.memref_slice %arg6[%add3A_122, %dma_start3A_128] : memref<80x128xi32, #tpu.memory_space<vmem>> -> memref<1x128xi32, #tpu.memory_space<vmem>>
      %dma_start3A_130 = tpu.memref_squeeze %dma_start3A_129 : memref<1x128xi32, #tpu.memory_space<vmem>> -> memref<128xi32, #tpu.memory_space<vmem>>
      %dma_start3A_131 = arith.constant 0 : i32
      %dma_start3A_132 = arith.constant 0 : i32
      %dma_start3A_133 = tpu.memref_slice %arg2[%arg0, %dma_start3A_131, %dma_start3A_132] : memref<2x10240x64xf32, #tpu.memory_space<hbm>> -> memref<1x10240x64xf32, #tpu.memory_space<hbm>>
      %dma_start3A_134 = tpu.memref_squeeze %dma_start3A_133 : memref<1x10240x64xf32, #tpu.memory_space<hbm>> -> memref<10240x64xf32, #tpu.memory_space<hbm>>
      %dma_start3A_135 = arith.constant 0 : i32
      %dma_start3A_136 = arith.constant 0 : i32
      %dma_start3A_137 = tpu.memref_slice %dma_start3A_134[%dma_start3A_135, %dma_start3A_136] : memref<10240x64xf32, #tpu.memory_space<hbm>> -> memref<10240x64xf32, #tpu.memory_space<hbm>>
      tpu.enqueue_indirect_dma source(%dma_start3A_137 : memref<10240x64xf32, #tpu.memory_space<hbm>>) target(%dma_start3A_127 : memref<128x64xf32, #tpu.memory_space<vmem>>) offsets(%dma_start3A_130 : memref<128xi32, #tpu.memory_space<vmem>>) semaphore(%arg15 : memref<!tpu.dma_semaphore, #tpu.memory_space<semaphore_mem>>)
      %add3A_138 = arith.constant 6 : i32
      %add3A_139 = arith.addi %mul3A_36, %add3A_138 : i32
      %dma_start3A_140 = arith.constant 6 : i32
      %dma_start3A_141 = arith.constant 0 : i32
      %dma_start3A_142 = arith.constant 0 : i32
      %dma_start3A_143 = tpu.memref_slice %arg8[%dma_start3A_140, %dma_start3A_141, %dma_start3A_142] : memref<8x128x64xf32, #tpu.memory_space<vmem>> -> memref<1x128x64xf32, #tpu.memory_space<vmem>>
      %dma_start3A_144 = tpu.memref_squeeze %dma_start3A_143 : memref<1x128x64xf32, #tpu.memory_space<vmem>> -> memref<128x64xf32, #tpu.memory_space<vmem>>
      %dma_start3A_145 = arith.constant 0 : i32
      %dma_start3A_146 = tpu.memref_slice %arg6[%add3A_139, %dma_start3A_145] : memref<80x128xi32, #tpu.memory_space<vmem>> -> memref<1x128xi32, #tpu.memory_space<vmem>>
      %dma_start3A_147 = tpu.memref_squeeze %dma_start3A_146 : memref<1x128xi32, #tpu.memory_space<vmem>> -> memref<128xi32, #tpu.memory_space<vmem>>
      %dma_start3A_148 = arith.constant 0 : i32
      %dma_start3A_149 = arith.constant 0 : i32
      %dma_start3A_150 = tpu.memref_slice %arg2[%arg0, %dma_start3A_148, %dma_start3A_149] : memref<2x10240x64xf32, #tpu.memory_space<hbm>> -> memref<1x10240x64xf32, #tpu.memory_space<hbm>>
      %dma_start3A_151 = tpu.memref_squeeze %dma_start3A_150 : memref<1x10240x64xf32, #tpu.memory_space<hbm>> -> memref<10240x64xf32, #tpu.memory_space<hbm>>
      %dma_start3A_152 = arith.constant 0 : i32
      %dma_start3A_153 = arith.constant 0 : i32
      %dma_start3A_154 = tpu.memref_slice %dma_start3A_151[%dma_start3A_152, %dma_start3A_153] : memref<10240x64xf32, #tpu.memory_space<hbm>> -> memref<10240x64xf32, #tpu.memory_space<hbm>>
      tpu.enqueue_indirect_dma source(%dma_start3A_154 : memref<10240x64xf32, #tpu.memory_space<hbm>>) target(%dma_start3A_144 : memref<128x64xf32, #tpu.memory_space<vmem>>) offsets(%dma_start3A_147 : memref<128xi32, #tpu.memory_space<vmem>>) semaphore(%arg16 : memref<!tpu.dma_semaphore, #tpu.memory_space<semaphore_mem>>)
      %add3A_155 = arith.constant 7 : i32
      %add3A_156 = arith.addi %mul3A_36, %add3A_155 : i32
      %dma_start3A_157 = arith.constant 7 : i32
      %dma_start3A_158 = arith.constant 0 : i32
      %dma_start3A_159 = arith.constant 0 : i32
      %dma_start3A_160 = tpu.memref_slice %arg8[%dma_start3A_157, %dma_start3A_158, %dma_start3A_159] : memref<8x128x64xf32, #tpu.memory_space<vmem>> -> memref<1x128x64xf32, #tpu.memory_space<vmem>>
      %dma_start3A_161 = tpu.memref_squeeze %dma_start3A_160 : memref<1x128x64xf32, #tpu.memory_space<vmem>> -> memref<128x64xf32, #tpu.memory_space<vmem>>
      %dma_start3A_162 = arith.constant 0 : i32
      %dma_start3A_163 = tpu.memref_slice %arg6[%add3A_156, %dma_start3A_162] : memref<80x128xi32, #tpu.memory_space<vmem>> -> memref<1x128xi32, #tpu.memory_space<vmem>>
      %dma_start3A_164 = tpu.memref_squeeze %dma_start3A_163 : memref<1x128xi32, #tpu.memory_space<vmem>> -> memref<128xi32, #tpu.memory_space<vmem>>
      %dma_start3A_165 = arith.constant 0 : i32
      %dma_start3A_166 = arith.constant 0 : i32
      %dma_start3A_167 = tpu.memref_slice %arg2[%arg0, %dma_start3A_165, %dma_start3A_166] : memref<2x10240x64xf32, #tpu.memory_space<hbm>> -> memref<1x10240x64xf32, #tpu.memory_space<hbm>>
      %dma_start3A_168 = tpu.memref_squeeze %dma_start3A_167 : memref<1x10240x64xf32, #tpu.memory_space<hbm>> -> memref<10240x64xf32, #tpu.memory_space<hbm>>
      %dma_start3A_169 = arith.constant 0 : i32
      %dma_start3A_170 = arith.constant 0 : i32
      %dma_start3A_171 = tpu.memref_slice %dma_start3A_168[%dma_start3A_169, %dma_start3A_170] : memref<10240x64xf32, #tpu.memory_space<hbm>> -> memref<10240x64xf32, #tpu.memory_space<hbm>>
      tpu.enqueue_indirect_dma source(%dma_start3A_171 : memref<10240x64xf32, #tpu.memory_space<hbm>>) target(%dma_start3A_161 : memref<128x64xf32, #tpu.memory_space<vmem>>) offsets(%dma_start3A_164 : memref<128xi32, #tpu.memory_space<vmem>>) semaphore(%arg17 : memref<!tpu.dma_semaphore, #tpu.memory_space<semaphore_mem>>)
      %dma_wait3A = arith.constant 0 : i32
      %dma_wait3A_172 = arith.constant 0 : i32
      %dma_wait3A_173 = arith.constant 0 : i32
      %dma_wait3A_174 = tpu.memref_slice %arg8[%dma_wait3A, %dma_wait3A_172, %dma_wait3A_173] : memref<8x128x64xf32, #tpu.memory_space<vmem>> -> memref<1x128x64xf32, #tpu.memory_space<vmem>>
      %dma_wait3A_175 = tpu.memref_squeeze %dma_wait3A_174 : memref<1x128x64xf32, #tpu.memory_space<vmem>> -> memref<128x64xf32, #tpu.memory_space<vmem>>
      %dma_wait3A_176 = arith.constant 0 : i32
      %dma_wait3A_177 = tpu.memref_slice %arg6[%add3A_38, %dma_wait3A_176] : memref<80x128xi32, #tpu.memory_space<vmem>> -> memref<1x128xi32, #tpu.memory_space<vmem>>
      %dma_wait3A_178 = tpu.memref_squeeze %dma_wait3A_177 : memref<1x128xi32, #tpu.memory_space<vmem>> -> memref<128xi32, #tpu.memory_space<vmem>>
      %dma_wait3A_179 = arith.constant 0 : i32
      %dma_wait3A_180 = arith.constant 0 : i32
      %dma_wait3A_181 = tpu.memref_slice %arg2[%arg0, %dma_wait3A_179, %dma_wait3A_180] : memref<2x10240x64xf32, #tpu.memory_space<hbm>> -> memref<1x10240x64xf32, #tpu.memory_space<hbm>>
      %dma_wait3A_182 = tpu.memref_squeeze %dma_wait3A_181 : memref<1x10240x64xf32, #tpu.memory_space<hbm>> -> memref<10240x64xf32, #tpu.memory_space<hbm>>
      %dma_wait3A_183 = arith.constant 0 : i32
      %dma_wait3A_184 = arith.constant 0 : i32
      %dma_wait3A_185 = tpu.memref_slice %dma_wait3A_182[%dma_wait3A_183, %dma_wait3A_184] : memref<10240x64xf32, #tpu.memory_space<hbm>> -> memref<10240x64xf32, #tpu.memory_space<hbm>>
      tpu.wait_indirect_dma semaphore(%arg10 : memref<!tpu.dma_semaphore, #tpu.memory_space<semaphore_mem>>) src(%dma_wait3A_185 : memref<10240x64xf32, #tpu.memory_space<hbm>>) dst(%dma_wait3A_175 : memref<128x64xf32, #tpu.memory_space<vmem>>)
      %add3A_186 = arith.constant 0 : i32
      %add3A_187 = arith.addi %mul3A_36, %add3A_186 : i32
      %dma_start3A_188 = arith.constant 0 : i32
      %dma_start3A_189 = arith.constant 0 : i32
      %dma_start3A_190 = arith.constant 0 : i32
      %dma_start3A_191 = tpu.memref_slice %arg8[%dma_start3A_188, %dma_start3A_189, %dma_start3A_190] : memref<8x128x64xf32, #tpu.memory_space<vmem>> -> memref<1x128x64xf32, #tpu.memory_space<vmem>>
      %dma_start3A_192 = tpu.memref_squeeze %dma_start3A_191 : memref<1x128x64xf32, #tpu.memory_space<vmem>> -> memref<128x64xf32, #tpu.memory_space<vmem>>
      %dma_start3A_193 = arith.constant 0 : i32
      %dma_start3A_194 = tpu.memref_slice %arg7[%add3A_187, %dma_start3A_193] : memref<80x128xi32, #tpu.memory_space<vmem>> -> memref<1x128xi32, #tpu.memory_space<vmem>>
      %dma_start3A_195 = tpu.memref_squeeze %dma_start3A_194 : memref<1x128xi32, #tpu.memory_space<vmem>> -> memref<128xi32, #tpu.memory_space<vmem>>
      %dma_start3A_196 = arith.constant 0 : i32
      %dma_start3A_197 = arith.constant 0 : i32
      %dma_start3A_198 = tpu.memref_slice %arg9[%dma_start3A_196, %dma_start3A_197] : memref<10240x64xf32, #tpu.memory_space<vmem_shared>> -> memref<10240x64xf32, #tpu.memory_space<vmem_shared>>
      tpu.enqueue_indirect_dma source(%dma_start3A_192 : memref<128x64xf32, #tpu.memory_space<vmem>>) target(%dma_start3A_198 : memref<10240x64xf32, #tpu.memory_space<vmem_shared>>) offsets(%dma_start3A_195 : memref<128xi32, #tpu.memory_space<vmem>>) semaphore(%arg18 : memref<!tpu.dma_semaphore, #tpu.memory_space<semaphore_mem>>) {add = true}
      %dma_wait3A_199 = arith.constant 1 : i32
      %dma_wait3A_200 = arith.constant 0 : i32
      %dma_wait3A_201 = arith.constant 0 : i32
      %dma_wait3A_202 = tpu.memref_slice %arg8[%dma_wait3A_199, %dma_wait3A_200, %dma_wait3A_201] : memref<8x128x64xf32, #tpu.memory_space<vmem>> -> memref<1x128x64xf32, #tpu.memory_space<vmem>>
      %dma_wait3A_203 = tpu.memref_squeeze %dma_wait3A_202 : memref<1x128x64xf32, #tpu.memory_space<vmem>> -> memref<128x64xf32, #tpu.memory_space<vmem>>
      %dma_wait3A_204 = arith.constant 0 : i32
      %dma_wait3A_205 = tpu.memref_slice %arg6[%add3A_54, %dma_wait3A_204] : memref<80x128xi32, #tpu.memory_space<vmem>> -> memref<1x128xi32, #tpu.memory_space<vmem>>
      %dma_wait3A_206 = tpu.memref_squeeze %dma_wait3A_205 : memref<1x128xi32, #tpu.memory_space<vmem>> -> memref<128xi32, #tpu.memory_space<vmem>>
      %dma_wait3A_207 = arith.constant 0 : i32
      %dma_wait3A_208 = arith.constant 0 : i32
      %dma_wait3A_209 = tpu.memref_slice %arg2[%arg0, %dma_wait3A_207, %dma_wait3A_208] : memref<2x10240x64xf32, #tpu.memory_space<hbm>> -> memref<1x10240x64xf32, #tpu.memory_space<hbm>>
      %dma_wait3A_210 = tpu.memref_squeeze %dma_wait3A_209 : memref<1x10240x64xf32, #tpu.memory_space<hbm>> -> memref<10240x64xf32, #tpu.memory_space<hbm>>
      %dma_wait3A_211 = arith.constant 0 : i32
      %dma_wait3A_212 = arith.constant 0 : i32
      %dma_wait3A_213 = tpu.memref_slice %dma_wait3A_210[%dma_wait3A_211, %dma_wait3A_212] : memref<10240x64xf32, #tpu.memory_space<hbm>> -> memref<10240x64xf32, #tpu.memory_space<hbm>>
      tpu.wait_indirect_dma semaphore(%arg11 : memref<!tpu.dma_semaphore, #tpu.memory_space<semaphore_mem>>) src(%dma_wait3A_213 : memref<10240x64xf32, #tpu.memory_space<hbm>>) dst(%dma_wait3A_203 : memref<128x64xf32, #tpu.memory_space<vmem>>)
      %add3A_214 = arith.constant 1 : i32
      %add3A_215 = arith.addi %mul3A_36, %add3A_214 : i32
      %dma_start3A_216 = arith.constant 1 : i32
      %dma_start3A_217 = arith.constant 0 : i32
      %dma_start3A_218 = arith.constant 0 : i32
      %dma_start3A_219 = tpu.memref_slice %arg8[%dma_start3A_216, %dma_start3A_217, %dma_start3A_218] : memref<8x128x64xf32, #tpu.memory_space<vmem>> -> memref<1x128x64xf32, #tpu.memory_space<vmem>>
      %dma_start3A_220 = tpu.memref_squeeze %dma_start3A_219 : memref<1x128x64xf32, #tpu.memory_space<vmem>> -> memref<128x64xf32, #tpu.memory_space<vmem>>
      %dma_start3A_221 = arith.constant 0 : i32
      %dma_start3A_222 = tpu.memref_slice %arg7[%add3A_215, %dma_start3A_221] : memref<80x128xi32, #tpu.memory_space<vmem>> -> memref<1x128xi32, #tpu.memory_space<vmem>>
      %dma_start3A_223 = tpu.memref_squeeze %dma_start3A_222 : memref<1x128xi32, #tpu.memory_space<vmem>> -> memref<128xi32, #tpu.memory_space<vmem>>
      %dma_start3A_224 = arith.constant 0 : i32
      %dma_start3A_225 = arith.constant 0 : i32
      %dma_start3A_226 = tpu.memref_slice %arg9[%dma_start3A_224, %dma_start3A_225] : memref<10240x64xf32, #tpu.memory_space<vmem_shared>> -> memref<10240x64xf32, #tpu.memory_space<vmem_shared>>
      tpu.enqueue_indirect_dma source(%dma_start3A_220 : memref<128x64xf32, #tpu.memory_space<vmem>>) target(%dma_start3A_226 : memref<10240x64xf32, #tpu.memory_space<vmem_shared>>) offsets(%dma_start3A_223 : memref<128xi32, #tpu.memory_space<vmem>>) semaphore(%arg18 : memref<!tpu.dma_semaphore, #tpu.memory_space<semaphore_mem>>) {add = true}
      %dma_wait3A_227 = arith.constant 2 : i32
      %dma_wait3A_228 = arith.constant 0 : i32
      %dma_wait3A_229 = arith.constant 0 : i32
      %dma_wait3A_230 = tpu.memref_slice %arg8[%dma_wait3A_227, %dma_wait3A_228, %dma_wait3A_229] : memref<8x128x64xf32, #tpu.memory_space<vmem>> -> memref<1x128x64xf32, #tpu.memory_space<vmem>>
      %dma_wait3A_231 = tpu.memref_squeeze %dma_wait3A_230 : memref<1x128x64xf32, #tpu.memory_space<vmem>> -> memref<128x64xf32, #tpu.memory_space<vmem>>
      %dma_wait3A_232 = arith.constant 0 : i32
      %dma_wait3A_233 = tpu.memref_slice %arg6[%add3A_71, %dma_wait3A_232] : memref<80x128xi32, #tpu.memory_space<vmem>> -> memref<1x128xi32, #tpu.memory_space<vmem>>
      %dma_wait3A_234 = tpu.memref_squeeze %dma_wait3A_233 : memref<1x128xi32, #tpu.memory_space<vmem>> -> memref<128xi32, #tpu.memory_space<vmem>>
      %dma_wait3A_235 = arith.constant 0 : i32
      %dma_wait3A_236 = arith.constant 0 : i32
      %dma_wait3A_237 = tpu.memref_slice %arg2[%arg0, %dma_wait3A_235, %dma_wait3A_236] : memref<2x10240x64xf32, #tpu.memory_space<hbm>> -> memref<1x10240x64xf32, #tpu.memory_space<hbm>>
      %dma_wait3A_238 = tpu.memref_squeeze %dma_wait3A_237 : memref<1x10240x64xf32, #tpu.memory_space<hbm>> -> memref<10240x64xf32, #tpu.memory_space<hbm>>
      %dma_wait3A_239 = arith.constant 0 : i32
      %dma_wait3A_240 = arith.constant 0 : i32
      %dma_wait3A_241 = tpu.memref_slice %dma_wait3A_238[%dma_wait3A_239, %dma_wait3A_240] : memref<10240x64xf32, #tpu.memory_space<hbm>> -> memref<10240x64xf32, #tpu.memory_space<hbm>>
      tpu.wait_indirect_dma semaphore(%arg12 : memref<!tpu.dma_semaphore, #tpu.memory_space<semaphore_mem>>) src(%dma_wait3A_241 : memref<10240x64xf32, #tpu.memory_space<hbm>>) dst(%dma_wait3A_231 : memref<128x64xf32, #tpu.memory_space<vmem>>)
      %add3A_242 = arith.constant 2 : i32
      %add3A_243 = arith.addi %mul3A_36, %add3A_242 : i32
      %dma_start3A_244 = arith.constant 2 : i32
      %dma_start3A_245 = arith.constant 0 : i32
      %dma_start3A_246 = arith.constant 0 : i32
      %dma_start3A_247 = tpu.memref_slice %arg8[%dma_start3A_244, %dma_start3A_245, %dma_start3A_246] : memref<8x128x64xf32, #tpu.memory_space<vmem>> -> memref<1x128x64xf32, #tpu.memory_space<vmem>>
      %dma_start3A_248 = tpu.memref_squeeze %dma_start3A_247 : memref<1x128x64xf32, #tpu.memory_space<vmem>> -> memref<128x64xf32, #tpu.memory_space<vmem>>
      %dma_start3A_249 = arith.constant 0 : i32
      %dma_start3A_250 = tpu.memref_slice %arg7[%add3A_243, %dma_start3A_249] : memref<80x128xi32, #tpu.memory_space<vmem>> -> memref<1x128xi32, #tpu.memory_space<vmem>>
      %dma_start3A_251 = tpu.memref_squeeze %dma_start3A_250 : memref<1x128xi32, #tpu.memory_space<vmem>> -> memref<128xi32, #tpu.memory_space<vmem>>
      %dma_start3A_252 = arith.constant 0 : i32
      %dma_start3A_253 = arith.constant 0 : i32
      %dma_start3A_254 = tpu.memref_slice %arg9[%dma_start3A_252, %dma_start3A_253] : memref<10240x64xf32, #tpu.memory_space<vmem_shared>> -> memref<10240x64xf32, #tpu.memory_space<vmem_shared>>
      tpu.enqueue_indirect_dma source(%dma_start3A_248 : memref<128x64xf32, #tpu.memory_space<vmem>>) target(%dma_start3A_254 : memref<10240x64xf32, #tpu.memory_space<vmem_shared>>) offsets(%dma_start3A_251 : memref<128xi32, #tpu.memory_space<vmem>>) semaphore(%arg18 : memref<!tpu.dma_semaphore, #tpu.memory_space<semaphore_mem>>) {add = true}
      %dma_wait3A_255 = arith.constant 3 : i32
      %dma_wait3A_256 = arith.constant 0 : i32
      %dma_wait3A_257 = arith.constant 0 : i32
      %dma_wait3A_258 = tpu.memref_slice %arg8[%dma_wait3A_255, %dma_wait3A_256, %dma_wait3A_257] : memref<8x128x64xf32, #tpu.memory_space<vmem>> -> memref<1x128x64xf32, #tpu.memory_space<vmem>>
      %dma_wait3A_259 = tpu.memref_squeeze %dma_wait3A_258 : memref<1x128x64xf32, #tpu.memory_space<vmem>> -> memref<128x64xf32, #tpu.memory_space<vmem>>
      %dma_wait3A_260 = arith.constant 0 : i32
      %dma_wait3A_261 = tpu.memref_slice %arg6[%add3A_88, %dma_wait3A_260] : memref<80x128xi32, #tpu.memory_space<vmem>> -> memref<1x128xi32, #tpu.memory_space<vmem>>
      %dma_wait3A_262 = tpu.memref_squeeze %dma_wait3A_261 : memref<1x128xi32, #tpu.memory_space<vmem>> -> memref<128xi32, #tpu.memory_space<vmem>>
      %dma_wait3A_263 = arith.constant 0 : i32
      %dma_wait3A_264 = arith.constant 0 : i32
      %dma_wait3A_265 = tpu.memref_slice %arg2[%arg0, %dma_wait3A_263, %dma_wait3A_264] : memref<2x10240x64xf32, #tpu.memory_space<hbm>> -> memref<1x10240x64xf32, #tpu.memory_space<hbm>>
      %dma_wait3A_266 = tpu.memref_squeeze %dma_wait3A_265 : memref<1x10240x64xf32, #tpu.memory_space<hbm>> -> memref<10240x64xf32, #tpu.memory_space<hbm>>
      %dma_wait3A_267 = arith.constant 0 : i32
      %dma_wait3A_268 = arith.constant 0 : i32
      %dma_wait3A_269 = tpu.memref_slice %dma_wait3A_266[%dma_wait3A_267, %dma_wait3A_268] : memref<10240x64xf32, #tpu.memory_space<hbm>> -> memref<10240x64xf32, #tpu.memory_space<hbm>>
      tpu.wait_indirect_dma semaphore(%arg13 : memref<!tpu.dma_semaphore, #tpu.memory_space<semaphore_mem>>) src(%dma_wait3A_269 : memref<10240x64xf32, #tpu.memory_space<hbm>>) dst(%dma_wait3A_259 : memref<128x64xf32, #tpu.memory_space<vmem>>)
      %add3A_270 = arith.constant 3 : i32
      %add3A_271 = arith.addi %mul3A_36, %add3A_270 : i32
      %dma_start3A_272 = arith.constant 3 : i32
      %dma_start3A_273 = arith.constant 0 : i32
      %dma_start3A_274 = arith.constant 0 : i32
      %dma_start3A_275 = tpu.memref_slice %arg8[%dma_start3A_272, %dma_start3A_273, %dma_start3A_274] : memref<8x128x64xf32, #tpu.memory_space<vmem>> -> memref<1x128x64xf32, #tpu.memory_space<vmem>>
      %dma_start3A_276 = tpu.memref_squeeze %dma_start3A_275 : memref<1x128x64xf32, #tpu.memory_space<vmem>> -> memref<128x64xf32, #tpu.memory_space<vmem>>
      %dma_start3A_277 = arith.constant 0 : i32
      %dma_start3A_278 = tpu.memref_slice %arg7[%add3A_271, %dma_start3A_277] : memref<80x128xi32, #tpu.memory_space<vmem>> -> memref<1x128xi32, #tpu.memory_space<vmem>>
      %dma_start3A_279 = tpu.memref_squeeze %dma_start3A_278 : memref<1x128xi32, #tpu.memory_space<vmem>> -> memref<128xi32, #tpu.memory_space<vmem>>
      %dma_start3A_280 = arith.constant 0 : i32
      %dma_start3A_281 = arith.constant 0 : i32
      %dma_start3A_282 = tpu.memref_slice %arg9[%dma_start3A_280, %dma_start3A_281] : memref<10240x64xf32, #tpu.memory_space<vmem_shared>> -> memref<10240x64xf32, #tpu.memory_space<vmem_shared>>
      tpu.enqueue_indirect_dma source(%dma_start3A_276 : memref<128x64xf32, #tpu.memory_space<vmem>>) target(%dma_start3A_282 : memref<10240x64xf32, #tpu.memory_space<vmem_shared>>) offsets(%dma_start3A_279 : memref<128xi32, #tpu.memory_space<vmem>>) semaphore(%arg18 : memref<!tpu.dma_semaphore, #tpu.memory_space<semaphore_mem>>) {add = true}
      %dma_wait3A_283 = arith.constant 4 : i32
      %dma_wait3A_284 = arith.constant 0 : i32
      %dma_wait3A_285 = arith.constant 0 : i32
      %dma_wait3A_286 = tpu.memref_slice %arg8[%dma_wait3A_283, %dma_wait3A_284, %dma_wait3A_285] : memref<8x128x64xf32, #tpu.memory_space<vmem>> -> memref<1x128x64xf32, #tpu.memory_space<vmem>>
      %dma_wait3A_287 = tpu.memref_squeeze %dma_wait3A_286 : memref<1x128x64xf32, #tpu.memory_space<vmem>> -> memref<128x64xf32, #tpu.memory_space<vmem>>
      %dma_wait3A_288 = arith.constant 0 : i32
      %dma_wait3A_289 = tpu.memref_slice %arg6[%add3A_105, %dma_wait3A_288] : memref<80x128xi32, #tpu.memory_space<vmem>> -> memref<1x128xi32, #tpu.memory_space<vmem>>
      %dma_wait3A_290 = tpu.memref_squeeze %dma_wait3A_289 : memref<1x128xi32, #tpu.memory_space<vmem>> -> memref<128xi32, #tpu.memory_space<vmem>>
      %dma_wait3A_291 = arith.constant 0 : i32
      %dma_wait3A_292 = arith.constant 0 : i32
      %dma_wait3A_293 = tpu.memref_slice %arg2[%arg0, %dma_wait3A_291, %dma_wait3A_292] : memref<2x10240x64xf32, #tpu.memory_space<hbm>> -> memref<1x10240x64xf32, #tpu.memory_space<hbm>>
      %dma_wait3A_294 = tpu.memref_squeeze %dma_wait3A_293 : memref<1x10240x64xf32, #tpu.memory_space<hbm>> -> memref<10240x64xf32, #tpu.memory_space<hbm>>
      %dma_wait3A_295 = arith.constant 0 : i32
      %dma_wait3A_296 = arith.constant 0 : i32
      %dma_wait3A_297 = tpu.memref_slice %dma_wait3A_294[%dma_wait3A_295, %dma_wait3A_296] : memref<10240x64xf32, #tpu.memory_space<hbm>> -> memref<10240x64xf32, #tpu.memory_space<hbm>>
      tpu.wait_indirect_dma semaphore(%arg14 : memref<!tpu.dma_semaphore, #tpu.memory_space<semaphore_mem>>) src(%dma_wait3A_297 : memref<10240x64xf32, #tpu.memory_space<hbm>>) dst(%dma_wait3A_287 : memref<128x64xf32, #tpu.memory_space<vmem>>)
      %add3A_298 = arith.constant 4 : i32
      %add3A_299 = arith.addi %mul3A_36, %add3A_298 : i32
      %dma_start3A_300 = arith.constant 4 : i32
      %dma_start3A_301 = arith.constant 0 : i32
      %dma_start3A_302 = arith.constant 0 : i32
      %dma_start3A_303 = tpu.memref_slice %arg8[%dma_start3A_300, %dma_start3A_301, %dma_start3A_302] : memref<8x128x64xf32, #tpu.memory_space<vmem>> -> memref<1x128x64xf32, #tpu.memory_space<vmem>>
      %dma_start3A_304 = tpu.memref_squeeze %dma_start3A_303 : memref<1x128x64xf32, #tpu.memory_space<vmem>> -> memref<128x64xf32, #tpu.memory_space<vmem>>
      %dma_start3A_305 = arith.constant 0 : i32
      %dma_start3A_306 = tpu.memref_slice %arg7[%add3A_299, %dma_start3A_305] : memref<80x128xi32, #tpu.memory_space<vmem>> -> memref<1x128xi32, #tpu.memory_space<vmem>>
      %dma_start3A_307 = tpu.memref_squeeze %dma_start3A_306 : memref<1x128xi32, #tpu.memory_space<vmem>> -> memref<128xi32, #tpu.memory_space<vmem>>
      %dma_start3A_308 = arith.constant 0 : i32
      %dma_start3A_309 = arith.constant 0 : i32
      %dma_start3A_310 = tpu.memref_slice %arg9[%dma_start3A_308, %dma_start3A_309] : memref<10240x64xf32, #tpu.memory_space<vmem_shared>> -> memref<10240x64xf32, #tpu.memory_space<vmem_shared>>
      tpu.enqueue_indirect_dma source(%dma_start3A_304 : memref<128x64xf32, #tpu.memory_space<vmem>>) target(%dma_start3A_310 : memref<10240x64xf32, #tpu.memory_space<vmem_shared>>) offsets(%dma_start3A_307 : memref<128xi32, #tpu.memory_space<vmem>>) semaphore(%arg18 : memref<!tpu.dma_semaphore, #tpu.memory_space<semaphore_mem>>) {add = true}
      %dma_wait3A_311 = arith.constant 5 : i32
      %dma_wait3A_312 = arith.constant 0 : i32
      %dma_wait3A_313 = arith.constant 0 : i32
      %dma_wait3A_314 = tpu.memref_slice %arg8[%dma_wait3A_311, %dma_wait3A_312, %dma_wait3A_313] : memref<8x128x64xf32, #tpu.memory_space<vmem>> -> memref<1x128x64xf32, #tpu.memory_space<vmem>>
      %dma_wait3A_315 = tpu.memref_squeeze %dma_wait3A_314 : memref<1x128x64xf32, #tpu.memory_space<vmem>> -> memref<128x64xf32, #tpu.memory_space<vmem>>
      %dma_wait3A_316 = arith.constant 0 : i32
      %dma_wait3A_317 = tpu.memref_slice %arg6[%add3A_122, %dma_wait3A_316] : memref<80x128xi32, #tpu.memory_space<vmem>> -> memref<1x128xi32, #tpu.memory_space<vmem>>
      %dma_wait3A_318 = tpu.memref_squeeze %dma_wait3A_317 : memref<1x128xi32, #tpu.memory_space<vmem>> -> memref<128xi32, #tpu.memory_space<vmem>>
      %dma_wait3A_319 = arith.constant 0 : i32
      %dma_wait3A_320 = arith.constant 0 : i32
      %dma_wait3A_321 = tpu.memref_slice %arg2[%arg0, %dma_wait3A_319, %dma_wait3A_320] : memref<2x10240x64xf32, #tpu.memory_space<hbm>> -> memref<1x10240x64xf32, #tpu.memory_space<hbm>>
      %dma_wait3A_322 = tpu.memref_squeeze %dma_wait3A_321 : memref<1x10240x64xf32, #tpu.memory_space<hbm>> -> memref<10240x64xf32, #tpu.memory_space<hbm>>
      %dma_wait3A_323 = arith.constant 0 : i32
      %dma_wait3A_324 = arith.constant 0 : i32
      %dma_wait3A_325 = tpu.memref_slice %dma_wait3A_322[%dma_wait3A_323, %dma_wait3A_324] : memref<10240x64xf32, #tpu.memory_space<hbm>> -> memref<10240x64xf32, #tpu.memory_space<hbm>>
      tpu.wait_indirect_dma semaphore(%arg15 : memref<!tpu.dma_semaphore, #tpu.memory_space<semaphore_mem>>) src(%dma_wait3A_325 : memref<10240x64xf32, #tpu.memory_space<hbm>>) dst(%dma_wait3A_315 : memref<128x64xf32, #tpu.memory_space<vmem>>)
      %add3A_326 = arith.constant 5 : i32
      %add3A_327 = arith.addi %mul3A_36, %add3A_326 : i32
      %dma_start3A_328 = arith.constant 5 : i32
      %dma_start3A_329 = arith.constant 0 : i32
      %dma_start3A_330 = arith.constant 0 : i32
      %dma_start3A_331 = tpu.memref_slice %arg8[%dma_start3A_328, %dma_start3A_329, %dma_start3A_330] : memref<8x128x64xf32, #tpu.memory_space<vmem>> -> memref<1x128x64xf32, #tpu.memory_space<vmem>>
      %dma_start3A_332 = tpu.memref_squeeze %dma_start3A_331 : memref<1x128x64xf32, #tpu.memory_space<vmem>> -> memref<128x64xf32, #tpu.memory_space<vmem>>
      %dma_start3A_333 = arith.constant 0 : i32
      %dma_start3A_334 = tpu.memref_slice %arg7[%add3A_327, %dma_start3A_333] : memref<80x128xi32, #tpu.memory_space<vmem>> -> memref<1x128xi32, #tpu.memory_space<vmem>>
      %dma_start3A_335 = tpu.memref_squeeze %dma_start3A_334 : memref<1x128xi32, #tpu.memory_space<vmem>> -> memref<128xi32, #tpu.memory_space<vmem>>
      %dma_start3A_336 = arith.constant 0 : i32
      %dma_start3A_337 = arith.constant 0 : i32
      %dma_start3A_338 = tpu.memref_slice %arg9[%dma_start3A_336, %dma_start3A_337] : memref<10240x64xf32, #tpu.memory_space<vmem_shared>> -> memref<10240x64xf32, #tpu.memory_space<vmem_shared>>
      tpu.enqueue_indirect_dma source(%dma_start3A_332 : memref<128x64xf32, #tpu.memory_space<vmem>>) target(%dma_start3A_338 : memref<10240x64xf32, #tpu.memory_space<vmem_shared>>) offsets(%dma_start3A_335 : memref<128xi32, #tpu.memory_space<vmem>>) semaphore(%arg18 : memref<!tpu.dma_semaphore, #tpu.memory_space<semaphore_mem>>) {add = true}
      %dma_wait3A_339 = arith.constant 6 : i32
      %dma_wait3A_340 = arith.constant 0 : i32
      %dma_wait3A_341 = arith.constant 0 : i32
      %dma_wait3A_342 = tpu.memref_slice %arg8[%dma_wait3A_339, %dma_wait3A_340, %dma_wait3A_341] : memref<8x128x64xf32, #tpu.memory_space<vmem>> -> memref<1x128x64xf32, #tpu.memory_space<vmem>>
      %dma_wait3A_343 = tpu.memref_squeeze %dma_wait3A_342 : memref<1x128x64xf32, #tpu.memory_space<vmem>> -> memref<128x64xf32, #tpu.memory_space<vmem>>
      %dma_wait3A_344 = arith.constant 0 : i32
      %dma_wait3A_345 = tpu.memref_slice %arg6[%add3A_139, %dma_wait3A_344] : memref<80x128xi32, #tpu.memory_space<vmem>> -> memref<1x128xi32, #tpu.memory_space<vmem>>
      %dma_wait3A_346 = tpu.memref_squeeze %dma_wait3A_345 : memref<1x128xi32, #tpu.memory_space<vmem>> -> memref<128xi32, #tpu.memory_space<vmem>>
      %dma_wait3A_347 = arith.constant 0 : i32
      %dma_wait3A_348 = arith.constant 0 : i32
      %dma_wait3A_349 = tpu.memref_slice %arg2[%arg0, %dma_wait3A_347, %dma_wait3A_348] : memref<2x10240x64xf32, #tpu.memory_space<hbm>> -> memref<1x10240x64xf32, #tpu.memory_space<hbm>>
      %dma_wait3A_350 = tpu.memref_squeeze %dma_wait3A_349 : memref<1x10240x64xf32, #tpu.memory_space<hbm>> -> memref<10240x64xf32, #tpu.memory_space<hbm>>
      %dma_wait3A_351 = arith.constant 0 : i32
      %dma_wait3A_352 = arith.constant 0 : i32
      %dma_wait3A_353 = tpu.memref_slice %dma_wait3A_350[%dma_wait3A_351, %dma_wait3A_352] : memref<10240x64xf32, #tpu.memory_space<hbm>> -> memref<10240x64xf32, #tpu.memory_space<hbm>>
      tpu.wait_indirect_dma semaphore(%arg16 : memref<!tpu.dma_semaphore, #tpu.memory_space<semaphore_mem>>) src(%dma_wait3A_353 : memref<10240x64xf32, #tpu.memory_space<hbm>>) dst(%dma_wait3A_343 : memref<128x64xf32, #tpu.memory_space<vmem>>)
      %add3A_354 = arith.constant 6 : i32
      %add3A_355 = arith.addi %mul3A_36, %add3A_354 : i32
      %dma_start3A_356 = arith.constant 6 : i32
      %dma_start3A_357 = arith.constant 0 : i32
      %dma_start3A_358 = arith.constant 0 : i32
      %dma_start3A_359 = tpu.memref_slice %arg8[%dma_start3A_356, %dma_start3A_357, %dma_start3A_358] : memref<8x128x64xf32, #tpu.memory_space<vmem>> -> memref<1x128x64xf32, #tpu.memory_space<vmem>>
      %dma_start3A_360 = tpu.memref_squeeze %dma_start3A_359 : memref<1x128x64xf32, #tpu.memory_space<vmem>> -> memref<128x64xf32, #tpu.memory_space<vmem>>
      %dma_start3A_361 = arith.constant 0 : i32
      %dma_start3A_362 = tpu.memref_slice %arg7[%add3A_355, %dma_start3A_361] : memref<80x128xi32, #tpu.memory_space<vmem>> -> memref<1x128xi32, #tpu.memory_space<vmem>>
      %dma_start3A_363 = tpu.memref_squeeze %dma_start3A_362 : memref<1x128xi32, #tpu.memory_space<vmem>> -> memref<128xi32, #tpu.memory_space<vmem>>
      %dma_start3A_364 = arith.constant 0 : i32
      %dma_start3A_365 = arith.constant 0 : i32
      %dma_start3A_366 = tpu.memref_slice %arg9[%dma_start3A_364, %dma_start3A_365] : memref<10240x64xf32, #tpu.memory_space<vmem_shared>> -> memref<10240x64xf32, #tpu.memory_space<vmem_shared>>
      tpu.enqueue_indirect_dma source(%dma_start3A_360 : memref<128x64xf32, #tpu.memory_space<vmem>>) target(%dma_start3A_366 : memref<10240x64xf32, #tpu.memory_space<vmem_shared>>) offsets(%dma_start3A_363 : memref<128xi32, #tpu.memory_space<vmem>>) semaphore(%arg18 : memref<!tpu.dma_semaphore, #tpu.memory_space<semaphore_mem>>) {add = true}
      %dma_wait3A_367 = arith.constant 7 : i32
      %dma_wait3A_368 = arith.constant 0 : i32
      %dma_wait3A_369 = arith.constant 0 : i32
      %dma_wait3A_370 = tpu.memref_slice %arg8[%dma_wait3A_367, %dma_wait3A_368, %dma_wait3A_369] : memref<8x128x64xf32, #tpu.memory_space<vmem>> -> memref<1x128x64xf32, #tpu.memory_space<vmem>>
      %dma_wait3A_371 = tpu.memref_squeeze %dma_wait3A_370 : memref<1x128x64xf32, #tpu.memory_space<vmem>> -> memref<128x64xf32, #tpu.memory_space<vmem>>
      %dma_wait3A_372 = arith.constant 0 : i32
      %dma_wait3A_373 = tpu.memref_slice %arg6[%add3A_156, %dma_wait3A_372] : memref<80x128xi32, #tpu.memory_space<vmem>> -> memref<1x128xi32, #tpu.memory_space<vmem>>
      %dma_wait3A_374 = tpu.memref_squeeze %dma_wait3A_373 : memref<1x128xi32, #tpu.memory_space<vmem>> -> memref<128xi32, #tpu.memory_space<vmem>>
      %dma_wait3A_375 = arith.constant 0 : i32
      %dma_wait3A_376 = arith.constant 0 : i32
      %dma_wait3A_377 = tpu.memref_slice %arg2[%arg0, %dma_wait3A_375, %dma_wait3A_376] : memref<2x10240x64xf32, #tpu.memory_space<hbm>> -> memref<1x10240x64xf32, #tpu.memory_space<hbm>>
      %dma_wait3A_378 = tpu.memref_squeeze %dma_wait3A_377 : memref<1x10240x64xf32, #tpu.memory_space<hbm>> -> memref<10240x64xf32, #tpu.memory_space<hbm>>
      %dma_wait3A_379 = arith.constant 0 : i32
      %dma_wait3A_380 = arith.constant 0 : i32
      %dma_wait3A_381 = tpu.memref_slice %dma_wait3A_378[%dma_wait3A_379, %dma_wait3A_380] : memref<10240x64xf32, #tpu.memory_space<hbm>> -> memref<10240x64xf32, #tpu.memory_space<hbm>>
      tpu.wait_indirect_dma semaphore(%arg17 : memref<!tpu.dma_semaphore, #tpu.memory_space<semaphore_mem>>) src(%dma_wait3A_381 : memref<10240x64xf32, #tpu.memory_space<hbm>>) dst(%dma_wait3A_371 : memref<128x64xf32, #tpu.memory_space<vmem>>)
      %add3A_382 = arith.constant 7 : i32
      %add3A_383 = arith.addi %mul3A_36, %add3A_382 : i32
      %dma_start3A_384 = arith.constant 7 : i32
      %dma_start3A_385 = arith.constant 0 : i32
      %dma_start3A_386 = arith.constant 0 : i32
      %dma_start3A_387 = tpu.memref_slice %arg8[%dma_start3A_384, %dma_start3A_385, %dma_start3A_386] : memref<8x128x64xf32, #tpu.memory_space<vmem>> -> memref<1x128x64xf32, #tpu.memory_space<vmem>>
      %dma_start3A_388 = tpu.memref_squeeze %dma_start3A_387 : memref<1x128x64xf32, #tpu.memory_space<vmem>> -> memref<128x64xf32, #tpu.memory_space<vmem>>
      %dma_start3A_389 = arith.constant 0 : i32
      %dma_start3A_390 = tpu.memref_slice %arg7[%add3A_383, %dma_start3A_389] : memref<80x128xi32, #tpu.memory_space<vmem>> -> memref<1x128xi32, #tpu.memory_space<vmem>>
      %dma_start3A_391 = tpu.memref_squeeze %dma_start3A_390 : memref<1x128xi32, #tpu.memory_space<vmem>> -> memref<128xi32, #tpu.memory_space<vmem>>
      %dma_start3A_392 = arith.constant 0 : i32
      %dma_start3A_393 = arith.constant 0 : i32
      %dma_start3A_394 = tpu.memref_slice %arg9[%dma_start3A_392, %dma_start3A_393] : memref<10240x64xf32, #tpu.memory_space<vmem_shared>> -> memref<10240x64xf32, #tpu.memory_space<vmem_shared>>
      tpu.enqueue_indirect_dma source(%dma_start3A_388 : memref<128x64xf32, #tpu.memory_space<vmem>>) target(%dma_start3A_394 : memref<10240x64xf32, #tpu.memory_space<vmem_shared>>) offsets(%dma_start3A_391 : memref<128xi32, #tpu.memory_space<vmem>>) semaphore(%arg18 : memref<!tpu.dma_semaphore, #tpu.memory_space<semaphore_mem>>) {add = true}
      %dma_wait3A_395 = arith.constant 0 : i32
      %dma_wait3A_396 = arith.constant 0 : i32
      %dma_wait3A_397 = arith.constant 0 : i32
      %dma_wait3A_398 = tpu.memref_slice %arg8[%dma_wait3A_395, %dma_wait3A_396, %dma_wait3A_397] : memref<8x128x64xf32, #tpu.memory_space<vmem>> -> memref<1x128x64xf32, #tpu.memory_space<vmem>>
      %dma_wait3A_399 = tpu.memref_squeeze %dma_wait3A_398 : memref<1x128x64xf32, #tpu.memory_space<vmem>> -> memref<128x64xf32, #tpu.memory_space<vmem>>
      %dma_wait3A_400 = arith.constant 0 : i32
      %dma_wait3A_401 = tpu.memref_slice %arg7[%add3A_187, %dma_wait3A_400] : memref<80x128xi32, #tpu.memory_space<vmem>> -> memref<1x128xi32, #tpu.memory_space<vmem>>
      %dma_wait3A_402 = tpu.memref_squeeze %dma_wait3A_401 : memref<1x128xi32, #tpu.memory_space<vmem>> -> memref<128xi32, #tpu.memory_space<vmem>>
      %dma_wait3A_403 = arith.constant 0 : i32
      %dma_wait3A_404 = arith.constant 0 : i32
      %dma_wait3A_405 = tpu.memref_slice %arg9[%dma_wait3A_403, %dma_wait3A_404] : memref<10240x64xf32, #tpu.memory_space<vmem_shared>> -> memref<10240x64xf32, #tpu.memory_space<vmem_shared>>
      tpu.wait_indirect_dma semaphore(%arg18 : memref<!tpu.dma_semaphore, #tpu.memory_space<semaphore_mem>>) src(%dma_wait3A_399 : memref<128x64xf32, #tpu.memory_space<vmem>>) dst(%dma_wait3A_405 : memref<10240x64xf32, #tpu.memory_space<vmem_shared>>)
      %dma_wait3A_406 = arith.constant 1 : i32
      %dma_wait3A_407 = arith.constant 0 : i32
      %dma_wait3A_408 = arith.constant 0 : i32
      %dma_wait3A_409 = tpu.memref_slice %arg8[%dma_wait3A_406, %dma_wait3A_407, %dma_wait3A_408] : memref<8x128x64xf32, #tpu.memory_space<vmem>> -> memref<1x128x64xf32, #tpu.memory_space<vmem>>
      %dma_wait3A_410 = tpu.memref_squeeze %dma_wait3A_409 : memref<1x128x64xf32, #tpu.memory_space<vmem>> -> memref<128x64xf32, #tpu.memory_space<vmem>>
      %dma_wait3A_411 = arith.constant 0 : i32
      %dma_wait3A_412 = tpu.memref_slice %arg7[%add3A_215, %dma_wait3A_411] : memref<80x128xi32, #tpu.memory_space<vmem>> -> memref<1x128xi32, #tpu.memory_space<vmem>>
      %dma_wait3A_413 = tpu.memref_squeeze %dma_wait3A_412 : memref<1x128xi32, #tpu.memory_space<vmem>> -> memref<128xi32, #tpu.memory_space<vmem>>
      %dma_wait3A_414 = arith.constant 0 : i32
      %dma_wait3A_415 = arith.constant 0 : i32
      %dma_wait3A_416 = tpu.memref_slice %arg9[%dma_wait3A_414, %dma_wait3A_415] : memref<10240x64xf32, #tpu.memory_space<vmem_shared>> -> memref<10240x64xf32, #tpu.memory_space<vmem_shared>>
      tpu.wait_indirect_dma semaphore(%arg18 : memref<!tpu.dma_semaphore, #tpu.memory_space<semaphore_mem>>) src(%dma_wait3A_410 : memref<128x64xf32, #tpu.memory_space<vmem>>) dst(%dma_wait3A_416 : memref<10240x64xf32, #tpu.memory_space<vmem_shared>>)
      %dma_wait3A_417 = arith.constant 2 : i32
      %dma_wait3A_418 = arith.constant 0 : i32
      %dma_wait3A_419 = arith.constant 0 : i32
      %dma_wait3A_420 = tpu.memref_slice %arg8[%dma_wait3A_417, %dma_wait3A_418, %dma_wait3A_419] : memref<8x128x64xf32, #tpu.memory_space<vmem>> -> memref<1x128x64xf32, #tpu.memory_space<vmem>>
      %dma_wait3A_421 = tpu.memref_squeeze %dma_wait3A_420 : memref<1x128x64xf32, #tpu.memory_space<vmem>> -> memref<128x64xf32, #tpu.memory_space<vmem>>
      %dma_wait3A_422 = arith.constant 0 : i32
      %dma_wait3A_423 = tpu.memref_slice %arg7[%add3A_243, %dma_wait3A_422] : memref<80x128xi32, #tpu.memory_space<vmem>> -> memref<1x128xi32, #tpu.memory_space<vmem>>
      %dma_wait3A_424 = tpu.memref_squeeze %dma_wait3A_423 : memref<1x128xi32, #tpu.memory_space<vmem>> -> memref<128xi32, #tpu.memory_space<vmem>>
      %dma_wait3A_425 = arith.constant 0 : i32
      %dma_wait3A_426 = arith.constant 0 : i32
      %dma_wait3A_427 = tpu.memref_slice %arg9[%dma_wait3A_425, %dma_wait3A_426] : memref<10240x64xf32, #tpu.memory_space<vmem_shared>> -> memref<10240x64xf32, #tpu.memory_space<vmem_shared>>
      tpu.wait_indirect_dma semaphore(%arg18 : memref<!tpu.dma_semaphore, #tpu.memory_space<semaphore_mem>>) src(%dma_wait3A_421 : memref<128x64xf32, #tpu.memory_space<vmem>>) dst(%dma_wait3A_427 : memref<10240x64xf32, #tpu.memory_space<vmem_shared>>)
      %dma_wait3A_428 = arith.constant 3 : i32
      %dma_wait3A_429 = arith.constant 0 : i32
      %dma_wait3A_430 = arith.constant 0 : i32
      %dma_wait3A_431 = tpu.memref_slice %arg8[%dma_wait3A_428, %dma_wait3A_429, %dma_wait3A_430] : memref<8x128x64xf32, #tpu.memory_space<vmem>> -> memref<1x128x64xf32, #tpu.memory_space<vmem>>
      %dma_wait3A_432 = tpu.memref_squeeze %dma_wait3A_431 : memref<1x128x64xf32, #tpu.memory_space<vmem>> -> memref<128x64xf32, #tpu.memory_space<vmem>>
      %dma_wait3A_433 = arith.constant 0 : i32
      %dma_wait3A_434 = tpu.memref_slice %arg7[%add3A_271, %dma_wait3A_433] : memref<80x128xi32, #tpu.memory_space<vmem>> -> memref<1x128xi32, #tpu.memory_space<vmem>>
      %dma_wait3A_435 = tpu.memref_squeeze %dma_wait3A_434 : memref<1x128xi32, #tpu.memory_space<vmem>> -> memref<128xi32, #tpu.memory_space<vmem>>
      %dma_wait3A_436 = arith.constant 0 : i32
      %dma_wait3A_437 = arith.constant 0 : i32
      %dma_wait3A_438 = tpu.memref_slice %arg9[%dma_wait3A_436, %dma_wait3A_437] : memref<10240x64xf32, #tpu.memory_space<vmem_shared>> -> memref<10240x64xf32, #tpu.memory_space<vmem_shared>>
      tpu.wait_indirect_dma semaphore(%arg18 : memref<!tpu.dma_semaphore, #tpu.memory_space<semaphore_mem>>) src(%dma_wait3A_432 : memref<128x64xf32, #tpu.memory_space<vmem>>) dst(%dma_wait3A_438 : memref<10240x64xf32, #tpu.memory_space<vmem_shared>>)
      %dma_wait3A_439 = arith.constant 4 : i32
      %dma_wait3A_440 = arith.constant 0 : i32
      %dma_wait3A_441 = arith.constant 0 : i32
      %dma_wait3A_442 = tpu.memref_slice %arg8[%dma_wait3A_439, %dma_wait3A_440, %dma_wait3A_441] : memref<8x128x64xf32, #tpu.memory_space<vmem>> -> memref<1x128x64xf32, #tpu.memory_space<vmem>>
      %dma_wait3A_443 = tpu.memref_squeeze %dma_wait3A_442 : memref<1x128x64xf32, #tpu.memory_space<vmem>> -> memref<128x64xf32, #tpu.memory_space<vmem>>
      %dma_wait3A_444 = arith.constant 0 : i32
      %dma_wait3A_445 = tpu.memref_slice %arg7[%add3A_299, %dma_wait3A_444] : memref<80x128xi32, #tpu.memory_space<vmem>> -> memref<1x128xi32, #tpu.memory_space<vmem>>
      %dma_wait3A_446 = tpu.memref_squeeze %dma_wait3A_445 : memref<1x128xi32, #tpu.memory_space<vmem>> -> memref<128xi32, #tpu.memory_space<vmem>>
      %dma_wait3A_447 = arith.constant 0 : i32
      %dma_wait3A_448 = arith.constant 0 : i32
      %dma_wait3A_449 = tpu.memref_slice %arg9[%dma_wait3A_447, %dma_wait3A_448] : memref<10240x64xf32, #tpu.memory_space<vmem_shared>> -> memref<10240x64xf32, #tpu.memory_space<vmem_shared>>
      tpu.wait_indirect_dma semaphore(%arg18 : memref<!tpu.dma_semaphore, #tpu.memory_space<semaphore_mem>>) src(%dma_wait3A_443 : memref<128x64xf32, #tpu.memory_space<vmem>>) dst(%dma_wait3A_449 : memref<10240x64xf32, #tpu.memory_space<vmem_shared>>)
      %dma_wait3A_450 = arith.constant 5 : i32
      %dma_wait3A_451 = arith.constant 0 : i32
      %dma_wait3A_452 = arith.constant 0 : i32
      %dma_wait3A_453 = tpu.memref_slice %arg8[%dma_wait3A_450, %dma_wait3A_451, %dma_wait3A_452] : memref<8x128x64xf32, #tpu.memory_space<vmem>> -> memref<1x128x64xf32, #tpu.memory_space<vmem>>
      %dma_wait3A_454 = tpu.memref_squeeze %dma_wait3A_453 : memref<1x128x64xf32, #tpu.memory_space<vmem>> -> memref<128x64xf32, #tpu.memory_space<vmem>>
      %dma_wait3A_455 = arith.constant 0 : i32
      %dma_wait3A_456 = tpu.memref_slice %arg7[%add3A_327, %dma_wait3A_455] : memref<80x128xi32, #tpu.memory_space<vmem>> -> memref<1x128xi32, #tpu.memory_space<vmem>>
      %dma_wait3A_457 = tpu.memref_squeeze %dma_wait3A_456 : memref<1x128xi32, #tpu.memory_space<vmem>> -> memref<128xi32, #tpu.memory_space<vmem>>
      %dma_wait3A_458 = arith.constant 0 : i32
      %dma_wait3A_459 = arith.constant 0 : i32
      %dma_wait3A_460 = tpu.memref_slice %arg9[%dma_wait3A_458, %dma_wait3A_459] : memref<10240x64xf32, #tpu.memory_space<vmem_shared>> -> memref<10240x64xf32, #tpu.memory_space<vmem_shared>>
      tpu.wait_indirect_dma semaphore(%arg18 : memref<!tpu.dma_semaphore, #tpu.memory_space<semaphore_mem>>) src(%dma_wait3A_454 : memref<128x64xf32, #tpu.memory_space<vmem>>) dst(%dma_wait3A_460 : memref<10240x64xf32, #tpu.memory_space<vmem_shared>>)
      %dma_wait3A_461 = arith.constant 6 : i32
      %dma_wait3A_462 = arith.constant 0 : i32
      %dma_wait3A_463 = arith.constant 0 : i32
      %dma_wait3A_464 = tpu.memref_slice %arg8[%dma_wait3A_461, %dma_wait3A_462, %dma_wait3A_463] : memref<8x128x64xf32, #tpu.memory_space<vmem>> -> memref<1x128x64xf32, #tpu.memory_space<vmem>>
      %dma_wait3A_465 = tpu.memref_squeeze %dma_wait3A_464 : memref<1x128x64xf32, #tpu.memory_space<vmem>> -> memref<128x64xf32, #tpu.memory_space<vmem>>
      %dma_wait3A_466 = arith.constant 0 : i32
      %dma_wait3A_467 = tpu.memref_slice %arg7[%add3A_355, %dma_wait3A_466] : memref<80x128xi32, #tpu.memory_space<vmem>> -> memref<1x128xi32, #tpu.memory_space<vmem>>
      %dma_wait3A_468 = tpu.memref_squeeze %dma_wait3A_467 : memref<1x128xi32, #tpu.memory_space<vmem>> -> memref<128xi32, #tpu.memory_space<vmem>>
      %dma_wait3A_469 = arith.constant 0 : i32
      %dma_wait3A_470 = arith.constant 0 : i32
      %dma_wait3A_471 = tpu.memref_slice %arg9[%dma_wait3A_469, %dma_wait3A_470] : memref<10240x64xf32, #tpu.memory_space<vmem_shared>> -> memref<10240x64xf32, #tpu.memory_space<vmem_shared>>
      tpu.wait_indirect_dma semaphore(%arg18 : memref<!tpu.dma_semaphore, #tpu.memory_space<semaphore_mem>>) src(%dma_wait3A_465 : memref<128x64xf32, #tpu.memory_space<vmem>>) dst(%dma_wait3A_471 : memref<10240x64xf32, #tpu.memory_space<vmem_shared>>)
      %dma_wait3A_472 = arith.constant 7 : i32
      %dma_wait3A_473 = arith.constant 0 : i32
      %dma_wait3A_474 = arith.constant 0 : i32
      %dma_wait3A_475 = tpu.memref_slice %arg8[%dma_wait3A_472, %dma_wait3A_473, %dma_wait3A_474] : memref<8x128x64xf32, #tpu.memory_space<vmem>> -> memref<1x128x64xf32, #tpu.memory_space<vmem>>
      %dma_wait3A_476 = tpu.memref_squeeze %dma_wait3A_475 : memref<1x128x64xf32, #tpu.memory_space<vmem>> -> memref<128x64xf32, #tpu.memory_space<vmem>>
      %dma_wait3A_477 = arith.constant 0 : i32
      %dma_wait3A_478 = tpu.memref_slice %arg7[%add3A_383, %dma_wait3A_477] : memref<80x128xi32, #tpu.memory_space<vmem>> -> memref<1x128xi32, #tpu.memory_space<vmem>>
      %dma_wait3A_479 = tpu.memref_squeeze %dma_wait3A_478 : memref<1x128xi32, #tpu.memory_space<vmem>> -> memref<128xi32, #tpu.memory_space<vmem>>
      %dma_wait3A_480 = arith.constant 0 : i32
      %dma_wait3A_481 = arith.constant 0 : i32
      %dma_wait3A_482 = tpu.memref_slice %arg9[%dma_wait3A_480, %dma_wait3A_481] : memref<10240x64xf32, #tpu.memory_space<vmem_shared>> -> memref<10240x64xf32, #tpu.memory_space<vmem_shared>>
      tpu.wait_indirect_dma semaphore(%arg18 : memref<!tpu.dma_semaphore, #tpu.memory_space<semaphore_mem>>) src(%dma_wait3A_476 : memref<128x64xf32, #tpu.memory_space<vmem>>) dst(%dma_wait3A_482 : memref<10240x64xf32, #tpu.memory_space<vmem_shared>>)
    }
    %scan3A_14 = arith.constant 10 : i32
    %mul3A_15 = arith.constant 160 : i32
    %mul3A_16 = arith.muli %arg1, %mul3A_15 : i32
    %add3A_17 = arith.constant 80 : i32
    %add3A_18 = arith.addi %mul3A_16, %add3A_17 : i32
    "tpu.region"() ({
      %run_scoped3A = tpu.sem_alloc : memref<!tpu.dma_semaphore, #tpu.memory_space<semaphore_mem>>
      %dma_start3A = arith.constant 0 : i32
      %dma_start3A_34 = tpu.memref_slice %arg3[%add3A_18, %dma_start3A] : memref<2560x128xi32, #tpu.memory_space<hbm>> -> memref<80x128xi32, #tpu.memory_space<hbm>>
      %dma_start3A_35 = arith.constant 0 : i32
      %dma_start3A_36 = tpu.memref_slice %arg3[%add3A_18, %dma_start3A_35] : memref<2560x128xi32, #tpu.memory_space<hbm>> -> memref<80x128xi32, #tpu.memory_space<hbm>>
      tpu.enqueue_dma source(%dma_start3A_36 : memref<80x128xi32, #tpu.memory_space<hbm>>) target(%arg6 : memref<80x128xi32, #tpu.memory_space<vmem>>) target_semaphore(%run_scoped3A : memref<!tpu.dma_semaphore, #tpu.memory_space<semaphore_mem>>)
      %dma_wait3A = arith.constant 0 : i32
      %dma_wait3A_37 = tpu.memref_slice %arg3[%add3A_18, %dma_wait3A] : memref<2560x128xi32, #tpu.memory_space<hbm>> -> memref<80x128xi32, #tpu.memory_space<hbm>>
      %dma_wait3A_38 = arith.constant 0 : i32
      %dma_wait3A_39 = tpu.memref_slice %arg3[%add3A_18, %dma_wait3A_38] : memref<2560x128xi32, #tpu.memory_space<hbm>> -> memref<80x128xi32, #tpu.memory_space<hbm>>
      tpu.wait_dma2 semaphore(%run_scoped3A : memref<!tpu.dma_semaphore, #tpu.memory_space<semaphore_mem>>) src(%dma_wait3A_39 : memref<80x128xi32, #tpu.memory_space<hbm>>) dst(%arg6 : memref<80x128xi32, #tpu.memory_space<vmem>>)
      tpu.yield
    }) : () -> ()
    %mul3A_19 = arith.constant 160 : i32
    %mul3A_20 = arith.muli %arg1, %mul3A_19 : i32
    %add3A_21 = arith.constant 80 : i32
    %add3A_22 = arith.addi %mul3A_20, %add3A_21 : i32
    "tpu.region"() ({
      %run_scoped3A = tpu.sem_alloc : memref<!tpu.dma_semaphore, #tpu.memory_space<semaphore_mem>>
      %dma_start3A = arith.constant 0 : i32
      %dma_start3A_34 = tpu.memref_slice %arg4[%add3A_22, %dma_start3A] : memref<2560x128xi32, #tpu.memory_space<hbm>> -> memref<80x128xi32, #tpu.memory_space<hbm>>
      %dma_start3A_35 = arith.constant 0 : i32
      %dma_start3A_36 = tpu.memref_slice %arg4[%add3A_22, %dma_start3A_35] : memref<2560x128xi32, #tpu.memory_space<hbm>> -> memref<80x128xi32, #tpu.memory_space<hbm>>
      tpu.enqueue_dma source(%dma_start3A_36 : memref<80x128xi32, #tpu.memory_space<hbm>>) target(%arg7 : memref<80x128xi32, #tpu.memory_space<vmem>>) target_semaphore(%run_scoped3A : memref<!tpu.dma_semaphore, #tpu.memory_space<semaphore_mem>>)
      %dma_wait3A = arith.constant 0 : i32
      %dma_wait3A_37 = tpu.memref_slice %arg4[%add3A_22, %dma_wait3A] : memref<2560x128xi32, #tpu.memory_space<hbm>> -> memref<80x128xi32, #tpu.memory_space<hbm>>
      %dma_wait3A_38 = arith.constant 0 : i32
      %dma_wait3A_39 = tpu.memref_slice %arg4[%add3A_22, %dma_wait3A_38] : memref<2560x128xi32, #tpu.memory_space<hbm>> -> memref<80x128xi32, #tpu.memory_space<hbm>>
      tpu.wait_dma2 semaphore(%run_scoped3A : memref<!tpu.dma_semaphore, #tpu.memory_space<semaphore_mem>>) src(%dma_wait3A_39 : memref<80x128xi32, #tpu.memory_space<hbm>>) dst(%arg7 : memref<80x128xi32, #tpu.memory_space<vmem>>)
      tpu.yield
    }) : () -> ()
    %scan3A_23 = arith.constant 0 : i32
    %scan3A_24 = arith.constant 0 : i32
    %scan3A_25 = arith.constant 10 : i32
    %scan3A_26 = arith.addi %scan3A_24, %scan3A_25 : i32
    %scan3A_27 = arith.constant 1 : i32
    scf.for %scan3A_34 = %scan3A_24 to %scan3A_26 step %scan3A_27  : i32 {
      %mul3A_35 = arith.constant 8 : i32
      %mul3A_36 = arith.muli %scan3A_34, %mul3A_35 : i32
      %add3A_37 = arith.constant 0 : i32
      %add3A_38 = arith.addi %mul3A_36, %add3A_37 : i32
      %dma_start3A = arith.constant 0 : i32
      %dma_start3A_39 = arith.constant 0 : i32
      %dma_start3A_40 = arith.constant 0 : i32
      %dma_start3A_41 = tpu.memref_slice %arg8[%dma_start3A, %dma_start3A_39, %dma_start3A_40] : memref<8x128x64xf32, #tpu.memory_space<vmem>> -> memref<1x128x64xf32, #tpu.memory_space<vmem>>
      %dma_start3A_42 = tpu.memref_squeeze %dma_start3A_41 : memref<1x128x64xf32, #tpu.memory_space<vmem>> -> memref<128x64xf32, #tpu.memory_space<vmem>>
      %dma_start3A_43 = arith.constant 0 : i32
      %dma_start3A_44 = tpu.memref_slice %arg6[%add3A_38, %dma_start3A_43] : memref<80x128xi32, #tpu.memory_space<vmem>> -> memref<1x128xi32, #tpu.memory_space<vmem>>
      %dma_start3A_45 = tpu.memref_squeeze %dma_start3A_44 : memref<1x128xi32, #tpu.memory_space<vmem>> -> memref<128xi32, #tpu.memory_space<vmem>>
      %dma_start3A_46 = arith.constant 0 : i32
      %dma_start3A_47 = arith.constant 0 : i32
      %dma_start3A_48 = tpu.memref_slice %arg2[%arg0, %dma_start3A_46, %dma_start3A_47] : memref<2x10240x64xf32, #tpu.memory_space<hbm>> -> memref<1x10240x64xf32, #tpu.memory_space<hbm>>
      %dma_start3A_49 = tpu.memref_squeeze %dma_start3A_48 : memref<1x10240x64xf32, #tpu.memory_space<hbm>> -> memref<10240x64xf32, #tpu.memory_space<hbm>>
      %dma_start3A_50 = arith.constant 0 : i32
      %dma_start3A_51 = arith.constant 0 : i32
      %dma_start3A_52 = tpu.memref_slice %dma_start3A_49[%dma_start3A_50, %dma_start3A_51] : memref<10240x64xf32, #tpu.memory_space<hbm>> -> memref<10240x64xf32, #tpu.memory_space<hbm>>
      tpu.enqueue_indirect_dma source(%dma_start3A_52 : memref<10240x64xf32, #tpu.memory_space<hbm>>) target(%dma_start3A_42 : memref<128x64xf32, #tpu.memory_space<vmem>>) offsets(%dma_start3A_45 : memref<128xi32, #tpu.memory_space<vmem>>) semaphore(%arg10 : memref<!tpu.dma_semaphore, #tpu.memory_space<semaphore_mem>>)
      %add3A_53 = arith.constant 1 : i32
      %add3A_54 = arith.addi %mul3A_36, %add3A_53 : i32
      %dma_start3A_55 = arith.constant 1 : i32
      %dma_start3A_56 = arith.constant 0 : i32
      %dma_start3A_57 = arith.constant 0 : i32
      %dma_start3A_58 = tpu.memref_slice %arg8[%dma_start3A_55, %dma_start3A_56, %dma_start3A_57] : memref<8x128x64xf32, #tpu.memory_space<vmem>> -> memref<1x128x64xf32, #tpu.memory_space<vmem>>
      %dma_start3A_59 = tpu.memref_squeeze %dma_start3A_58 : memref<1x128x64xf32, #tpu.memory_space<vmem>> -> memref<128x64xf32, #tpu.memory_space<vmem>>
      %dma_start3A_60 = arith.constant 0 : i32
      %dma_start3A_61 = tpu.memref_slice %arg6[%add3A_54, %dma_start3A_60] : memref<80x128xi32, #tpu.memory_space<vmem>> -> memref<1x128xi32, #tpu.memory_space<vmem>>
      %dma_start3A_62 = tpu.memref_squeeze %dma_start3A_61 : memref<1x128xi32, #tpu.memory_space<vmem>> -> memref<128xi32, #tpu.memory_space<vmem>>
      %dma_start3A_63 = arith.constant 0 : i32
      %dma_start3A_64 = arith.constant 0 : i32
      %dma_start3A_65 = tpu.memref_slice %arg2[%arg0, %dma_start3A_63, %dma_start3A_64] : memref<2x10240x64xf32, #tpu.memory_space<hbm>> -> memref<1x10240x64xf32, #tpu.memory_space<hbm>>
      %dma_start3A_66 = tpu.memref_squeeze %dma_start3A_65 : memref<1x10240x64xf32, #tpu.memory_space<hbm>> -> memref<10240x64xf32, #tpu.memory_space<hbm>>
      %dma_start3A_67 = arith.constant 0 : i32
      %dma_start3A_68 = arith.constant 0 : i32
      %dma_start3A_69 = tpu.memref_slice %dma_start3A_66[%dma_start3A_67, %dma_start3A_68] : memref<10240x64xf32, #tpu.memory_space<hbm>> -> memref<10240x64xf32, #tpu.memory_space<hbm>>
      tpu.enqueue_indirect_dma source(%dma_start3A_69 : memref<10240x64xf32, #tpu.memory_space<hbm>>) target(%dma_start3A_59 : memref<128x64xf32, #tpu.memory_space<vmem>>) offsets(%dma_start3A_62 : memref<128xi32, #tpu.memory_space<vmem>>) semaphore(%arg11 : memref<!tpu.dma_semaphore, #tpu.memory_space<semaphore_mem>>)
      %add3A_70 = arith.constant 2 : i32
      %add3A_71 = arith.addi %mul3A_36, %add3A_70 : i32
      %dma_start3A_72 = arith.constant 2 : i32
      %dma_start3A_73 = arith.constant 0 : i32
      %dma_start3A_74 = arith.constant 0 : i32
      %dma_start3A_75 = tpu.memref_slice %arg8[%dma_start3A_72, %dma_start3A_73, %dma_start3A_74] : memref<8x128x64xf32, #tpu.memory_space<vmem>> -> memref<1x128x64xf32, #tpu.memory_space<vmem>>
      %dma_start3A_76 = tpu.memref_squeeze %dma_start3A_75 : memref<1x128x64xf32, #tpu.memory_space<vmem>> -> memref<128x64xf32, #tpu.memory_space<vmem>>
      %dma_start3A_77 = arith.constant 0 : i32
      %dma_start3A_78 = tpu.memref_slice %arg6[%add3A_71, %dma_start3A_77] : memref<80x128xi32, #tpu.memory_space<vmem>> -> memref<1x128xi32, #tpu.memory_space<vmem>>
      %dma_start3A_79 = tpu.memref_squeeze %dma_start3A_78 : memref<1x128xi32, #tpu.memory_space<vmem>> -> memref<128xi32, #tpu.memory_space<vmem>>
      %dma_start3A_80 = arith.constant 0 : i32
      %dma_start3A_81 = arith.constant 0 : i32
      %dma_start3A_82 = tpu.memref_slice %arg2[%arg0, %dma_start3A_80, %dma_start3A_81] : memref<2x10240x64xf32, #tpu.memory_space<hbm>> -> memref<1x10240x64xf32, #tpu.memory_space<hbm>>
      %dma_start3A_83 = tpu.memref_squeeze %dma_start3A_82 : memref<1x10240x64xf32, #tpu.memory_space<hbm>> -> memref<10240x64xf32, #tpu.memory_space<hbm>>
      %dma_start3A_84 = arith.constant 0 : i32
      %dma_start3A_85 = arith.constant 0 : i32
      %dma_start3A_86 = tpu.memref_slice %dma_start3A_83[%dma_start3A_84, %dma_start3A_85] : memref<10240x64xf32, #tpu.memory_space<hbm>> -> memref<10240x64xf32, #tpu.memory_space<hbm>>
      tpu.enqueue_indirect_dma source(%dma_start3A_86 : memref<10240x64xf32, #tpu.memory_space<hbm>>) target(%dma_start3A_76 : memref<128x64xf32, #tpu.memory_space<vmem>>) offsets(%dma_start3A_79 : memref<128xi32, #tpu.memory_space<vmem>>) semaphore(%arg12 : memref<!tpu.dma_semaphore, #tpu.memory_space<semaphore_mem>>)
      %add3A_87 = arith.constant 3 : i32
      %add3A_88 = arith.addi %mul3A_36, %add3A_87 : i32
      %dma_start3A_89 = arith.constant 3 : i32
      %dma_start3A_90 = arith.constant 0 : i32
      %dma_start3A_91 = arith.constant 0 : i32
      %dma_start3A_92 = tpu.memref_slice %arg8[%dma_start3A_89, %dma_start3A_90, %dma_start3A_91] : memref<8x128x64xf32, #tpu.memory_space<vmem>> -> memref<1x128x64xf32, #tpu.memory_space<vmem>>
      %dma_start3A_93 = tpu.memref_squeeze %dma_start3A_92 : memref<1x128x64xf32, #tpu.memory_space<vmem>> -> memref<128x64xf32, #tpu.memory_space<vmem>>
      %dma_start3A_94 = arith.constant 0 : i32
      %dma_start3A_95 = tpu.memref_slice %arg6[%add3A_88, %dma_start3A_94] : memref<80x128xi32, #tpu.memory_space<vmem>> -> memref<1x128xi32, #tpu.memory_space<vmem>>
      %dma_start3A_96 = tpu.memref_squeeze %dma_start3A_95 : memref<1x128xi32, #tpu.memory_space<vmem>> -> memref<128xi32, #tpu.memory_space<vmem>>
      %dma_start3A_97 = arith.constant 0 : i32
      %dma_start3A_98 = arith.constant 0 : i32
      %dma_start3A_99 = tpu.memref_slice %arg2[%arg0, %dma_start3A_97, %dma_start3A_98] : memref<2x10240x64xf32, #tpu.memory_space<hbm>> -> memref<1x10240x64xf32, #tpu.memory_space<hbm>>
      %dma_start3A_100 = tpu.memref_squeeze %dma_start3A_99 : memref<1x10240x64xf32, #tpu.memory_space<hbm>> -> memref<10240x64xf32, #tpu.memory_space<hbm>>
      %dma_start3A_101 = arith.constant 0 : i32
      %dma_start3A_102 = arith.constant 0 : i32
      %dma_start3A_103 = tpu.memref_slice %dma_start3A_100[%dma_start3A_101, %dma_start3A_102] : memref<10240x64xf32, #tpu.memory_space<hbm>> -> memref<10240x64xf32, #tpu.memory_space<hbm>>
      tpu.enqueue_indirect_dma source(%dma_start3A_103 : memref<10240x64xf32, #tpu.memory_space<hbm>>) target(%dma_start3A_93 : memref<128x64xf32, #tpu.memory_space<vmem>>) offsets(%dma_start3A_96 : memref<128xi32, #tpu.memory_space<vmem>>) semaphore(%arg13 : memref<!tpu.dma_semaphore, #tpu.memory_space<semaphore_mem>>)
      %add3A_104 = arith.constant 4 : i32
      %add3A_105 = arith.addi %mul3A_36, %add3A_104 : i32
      %dma_start3A_106 = arith.constant 4 : i32
      %dma_start3A_107 = arith.constant 0 : i32
      %dma_start3A_108 = arith.constant 0 : i32
      %dma_start3A_109 = tpu.memref_slice %arg8[%dma_start3A_106, %dma_start3A_107, %dma_start3A_108] : memref<8x128x64xf32, #tpu.memory_space<vmem>> -> memref<1x128x64xf32, #tpu.memory_space<vmem>>
      %dma_start3A_110 = tpu.memref_squeeze %dma_start3A_109 : memref<1x128x64xf32, #tpu.memory_space<vmem>> -> memref<128x64xf32, #tpu.memory_space<vmem>>
      %dma_start3A_111 = arith.constant 0 : i32
      %dma_start3A_112 = tpu.memref_slice %arg6[%add3A_105, %dma_start3A_111] : memref<80x128xi32, #tpu.memory_space<vmem>> -> memref<1x128xi32, #tpu.memory_space<vmem>>
      %dma_start3A_113 = tpu.memref_squeeze %dma_start3A_112 : memref<1x128xi32, #tpu.memory_space<vmem>> -> memref<128xi32, #tpu.memory_space<vmem>>
      %dma_start3A_114 = arith.constant 0 : i32
      %dma_start3A_115 = arith.constant 0 : i32
      %dma_start3A_116 = tpu.memref_slice %arg2[%arg0, %dma_start3A_114, %dma_start3A_115] : memref<2x10240x64xf32, #tpu.memory_space<hbm>> -> memref<1x10240x64xf32, #tpu.memory_space<hbm>>
      %dma_start3A_117 = tpu.memref_squeeze %dma_start3A_116 : memref<1x10240x64xf32, #tpu.memory_space<hbm>> -> memref<10240x64xf32, #tpu.memory_space<hbm>>
      %dma_start3A_118 = arith.constant 0 : i32
      %dma_start3A_119 = arith.constant 0 : i32
      %dma_start3A_120 = tpu.memref_slice %dma_start3A_117[%dma_start3A_118, %dma_start3A_119] : memref<10240x64xf32, #tpu.memory_space<hbm>> -> memref<10240x64xf32, #tpu.memory_space<hbm>>
      tpu.enqueue_indirect_dma source(%dma_start3A_120 : memref<10240x64xf32, #tpu.memory_space<hbm>>) target(%dma_start3A_110 : memref<128x64xf32, #tpu.memory_space<vmem>>) offsets(%dma_start3A_113 : memref<128xi32, #tpu.memory_space<vmem>>) semaphore(%arg14 : memref<!tpu.dma_semaphore, #tpu.memory_space<semaphore_mem>>)
      %add3A_121 = arith.constant 5 : i32
      %add3A_122 = arith.addi %mul3A_36, %add3A_121 : i32
      %dma_start3A_123 = arith.constant 5 : i32
      %dma_start3A_124 = arith.constant 0 : i32
      %dma_start3A_125 = arith.constant 0 : i32
      %dma_start3A_126 = tpu.memref_slice %arg8[%dma_start3A_123, %dma_start3A_124, %dma_start3A_125] : memref<8x128x64xf32, #tpu.memory_space<vmem>> -> memref<1x128x64xf32, #tpu.memory_space<vmem>>
      %dma_start3A_127 = tpu.memref_squeeze %dma_start3A_126 : memref<1x128x64xf32, #tpu.memory_space<vmem>> -> memref<128x64xf32, #tpu.memory_space<vmem>>
      %dma_start3A_128 = arith.constant 0 : i32
      %dma_start3A_129 = tpu.memref_slice %arg6[%add3A_122, %dma_start3A_128] : memref<80x128xi32, #tpu.memory_space<vmem>> -> memref<1x128xi32, #tpu.memory_space<vmem>>
      %dma_start3A_130 = tpu.memref_squeeze %dma_start3A_129 : memref<1x128xi32, #tpu.memory_space<vmem>> -> memref<128xi32, #tpu.memory_space<vmem>>
      %dma_start3A_131 = arith.constant 0 : i32
      %dma_start3A_132 = arith.constant 0 : i32
      %dma_start3A_133 = tpu.memref_slice %arg2[%arg0, %dma_start3A_131, %dma_start3A_132] : memref<2x10240x64xf32, #tpu.memory_space<hbm>> -> memref<1x10240x64xf32, #tpu.memory_space<hbm>>
      %dma_start3A_134 = tpu.memref_squeeze %dma_start3A_133 : memref<1x10240x64xf32, #tpu.memory_space<hbm>> -> memref<10240x64xf32, #tpu.memory_space<hbm>>
      %dma_start3A_135 = arith.constant 0 : i32
      %dma_start3A_136 = arith.constant 0 : i32
      %dma_start3A_137 = tpu.memref_slice %dma_start3A_134[%dma_start3A_135, %dma_start3A_136] : memref<10240x64xf32, #tpu.memory_space<hbm>> -> memref<10240x64xf32, #tpu.memory_space<hbm>>
      tpu.enqueue_indirect_dma source(%dma_start3A_137 : memref<10240x64xf32, #tpu.memory_space<hbm>>) target(%dma_start3A_127 : memref<128x64xf32, #tpu.memory_space<vmem>>) offsets(%dma_start3A_130 : memref<128xi32, #tpu.memory_space<vmem>>) semaphore(%arg15 : memref<!tpu.dma_semaphore, #tpu.memory_space<semaphore_mem>>)
      %add3A_138 = arith.constant 6 : i32
      %add3A_139 = arith.addi %mul3A_36, %add3A_138 : i32
      %dma_start3A_140 = arith.constant 6 : i32
      %dma_start3A_141 = arith.constant 0 : i32
      %dma_start3A_142 = arith.constant 0 : i32
      %dma_start3A_143 = tpu.memref_slice %arg8[%dma_start3A_140, %dma_start3A_141, %dma_start3A_142] : memref<8x128x64xf32, #tpu.memory_space<vmem>> -> memref<1x128x64xf32, #tpu.memory_space<vmem>>
      %dma_start3A_144 = tpu.memref_squeeze %dma_start3A_143 : memref<1x128x64xf32, #tpu.memory_space<vmem>> -> memref<128x64xf32, #tpu.memory_space<vmem>>
      %dma_start3A_145 = arith.constant 0 : i32
      %dma_start3A_146 = tpu.memref_slice %arg6[%add3A_139, %dma_start3A_145] : memref<80x128xi32, #tpu.memory_space<vmem>> -> memref<1x128xi32, #tpu.memory_space<vmem>>
      %dma_start3A_147 = tpu.memref_squeeze %dma_start3A_146 : memref<1x128xi32, #tpu.memory_space<vmem>> -> memref<128xi32, #tpu.memory_space<vmem>>
      %dma_start3A_148 = arith.constant 0 : i32
      %dma_start3A_149 = arith.constant 0 : i32
      %dma_start3A_150 = tpu.memref_slice %arg2[%arg0, %dma_start3A_148, %dma_start3A_149] : memref<2x10240x64xf32, #tpu.memory_space<hbm>> -> memref<1x10240x64xf32, #tpu.memory_space<hbm>>
      %dma_start3A_151 = tpu.memref_squeeze %dma_start3A_150 : memref<1x10240x64xf32, #tpu.memory_space<hbm>> -> memref<10240x64xf32, #tpu.memory_space<hbm>>
      %dma_start3A_152 = arith.constant 0 : i32
      %dma_start3A_153 = arith.constant 0 : i32
      %dma_start3A_154 = tpu.memref_slice %dma_start3A_151[%dma_start3A_152, %dma_start3A_153] : memref<10240x64xf32, #tpu.memory_space<hbm>> -> memref<10240x64xf32, #tpu.memory_space<hbm>>
      tpu.enqueue_indirect_dma source(%dma_start3A_154 : memref<10240x64xf32, #tpu.memory_space<hbm>>) target(%dma_start3A_144 : memref<128x64xf32, #tpu.memory_space<vmem>>) offsets(%dma_start3A_147 : memref<128xi32, #tpu.memory_space<vmem>>) semaphore(%arg16 : memref<!tpu.dma_semaphore, #tpu.memory_space<semaphore_mem>>)
      %add3A_155 = arith.constant 7 : i32
      %add3A_156 = arith.addi %mul3A_36, %add3A_155 : i32
      %dma_start3A_157 = arith.constant 7 : i32
      %dma_start3A_158 = arith.constant 0 : i32
      %dma_start3A_159 = arith.constant 0 : i32
      %dma_start3A_160 = tpu.memref_slice %arg8[%dma_start3A_157, %dma_start3A_158, %dma_start3A_159] : memref<8x128x64xf32, #tpu.memory_space<vmem>> -> memref<1x128x64xf32, #tpu.memory_space<vmem>>
      %dma_start3A_161 = tpu.memref_squeeze %dma_start3A_160 : memref<1x128x64xf32, #tpu.memory_space<vmem>> -> memref<128x64xf32, #tpu.memory_space<vmem>>
      %dma_start3A_162 = arith.constant 0 : i32
      %dma_start3A_163 = tpu.memref_slice %arg6[%add3A_156, %dma_start3A_162] : memref<80x128xi32, #tpu.memory_space<vmem>> -> memref<1x128xi32, #tpu.memory_space<vmem>>
      %dma_start3A_164 = tpu.memref_squeeze %dma_start3A_163 : memref<1x128xi32, #tpu.memory_space<vmem>> -> memref<128xi32, #tpu.memory_space<vmem>>
      %dma_start3A_165 = arith.constant 0 : i32
      %dma_start3A_166 = arith.constant 0 : i32
      %dma_start3A_167 = tpu.memref_slice %arg2[%arg0, %dma_start3A_165, %dma_start3A_166] : memref<2x10240x64xf32, #tpu.memory_space<hbm>> -> memref<1x10240x64xf32, #tpu.memory_space<hbm>>
      %dma_start3A_168 = tpu.memref_squeeze %dma_start3A_167 : memref<1x10240x64xf32, #tpu.memory_space<hbm>> -> memref<10240x64xf32, #tpu.memory_space<hbm>>
      %dma_start3A_169 = arith.constant 0 : i32
      %dma_start3A_170 = arith.constant 0 : i32
      %dma_start3A_171 = tpu.memref_slice %dma_start3A_168[%dma_start3A_169, %dma_start3A_170] : memref<10240x64xf32, #tpu.memory_space<hbm>> -> memref<10240x64xf32, #tpu.memory_space<hbm>>
      tpu.enqueue_indirect_dma source(%dma_start3A_171 : memref<10240x64xf32, #tpu.memory_space<hbm>>) target(%dma_start3A_161 : memref<128x64xf32, #tpu.memory_space<vmem>>) offsets(%dma_start3A_164 : memref<128xi32, #tpu.memory_space<vmem>>) semaphore(%arg17 : memref<!tpu.dma_semaphore, #tpu.memory_space<semaphore_mem>>)
      %dma_wait3A = arith.constant 0 : i32
      %dma_wait3A_172 = arith.constant 0 : i32
      %dma_wait3A_173 = arith.constant 0 : i32
      %dma_wait3A_174 = tpu.memref_slice %arg8[%dma_wait3A, %dma_wait3A_172, %dma_wait3A_173] : memref<8x128x64xf32, #tpu.memory_space<vmem>> -> memref<1x128x64xf32, #tpu.memory_space<vmem>>
      %dma_wait3A_175 = tpu.memref_squeeze %dma_wait3A_174 : memref<1x128x64xf32, #tpu.memory_space<vmem>> -> memref<128x64xf32, #tpu.memory_space<vmem>>
      %dma_wait3A_176 = arith.constant 0 : i32
      %dma_wait3A_177 = tpu.memref_slice %arg6[%add3A_38, %dma_wait3A_176] : memref<80x128xi32, #tpu.memory_space<vmem>> -> memref<1x128xi32, #tpu.memory_space<vmem>>
      %dma_wait3A_178 = tpu.memref_squeeze %dma_wait3A_177 : memref<1x128xi32, #tpu.memory_space<vmem>> -> memref<128xi32, #tpu.memory_space<vmem>>
      %dma_wait3A_179 = arith.constant 0 : i32
      %dma_wait3A_180 = arith.constant 0 : i32
      %dma_wait3A_181 = tpu.memref_slice %arg2[%arg0, %dma_wait3A_179, %dma_wait3A_180] : memref<2x10240x64xf32, #tpu.memory_space<hbm>> -> memref<1x10240x64xf32, #tpu.memory_space<hbm>>
      %dma_wait3A_182 = tpu.memref_squeeze %dma_wait3A_181 : memref<1x10240x64xf32, #tpu.memory_space<hbm>> -> memref<10240x64xf32, #tpu.memory_space<hbm>>
      %dma_wait3A_183 = arith.constant 0 : i32
      %dma_wait3A_184 = arith.constant 0 : i32
      %dma_wait3A_185 = tpu.memref_slice %dma_wait3A_182[%dma_wait3A_183, %dma_wait3A_184] : memref<10240x64xf32, #tpu.memory_space<hbm>> -> memref<10240x64xf32, #tpu.memory_space<hbm>>
      tpu.wait_indirect_dma semaphore(%arg10 : memref<!tpu.dma_semaphore, #tpu.memory_space<semaphore_mem>>) src(%dma_wait3A_185 : memref<10240x64xf32, #tpu.memory_space<hbm>>) dst(%dma_wait3A_175 : memref<128x64xf32, #tpu.memory_space<vmem>>)
      %add3A_186 = arith.constant 0 : i32
      %add3A_187 = arith.addi %mul3A_36, %add3A_186 : i32
      %dma_start3A_188 = arith.constant 0 : i32
      %dma_start3A_189 = arith.constant 0 : i32
      %dma_start3A_190 = arith.constant 0 : i32
      %dma_start3A_191 = tpu.memref_slice %arg8[%dma_start3A_188, %dma_start3A_189, %dma_start3A_190] : memref<8x128x64xf32, #tpu.memory_space<vmem>> -> memref<1x128x64xf32, #tpu.memory_space<vmem>>
      %dma_start3A_192 = tpu.memref_squeeze %dma_start3A_191 : memref<1x128x64xf32, #tpu.memory_space<vmem>> -> memref<128x64xf32, #tpu.memory_space<vmem>>
      %dma_start3A_193 = arith.constant 0 : i32
      %dma_start3A_194 = tpu.memref_slice %arg7[%add3A_187, %dma_start3A_193] : memref<80x128xi32, #tpu.memory_space<vmem>> -> memref<1x128xi32, #tpu.memory_space<vmem>>
      %dma_start3A_195 = tpu.memref_squeeze %dma_start3A_194 : memref<1x128xi32, #tpu.memory_space<vmem>> -> memref<128xi32, #tpu.memory_space<vmem>>
      %dma_start3A_196 = arith.constant 0 : i32
      %dma_start3A_197 = arith.constant 0 : i32
      %dma_start3A_198 = tpu.memref_slice %arg9[%dma_start3A_196, %dma_start3A_197] : memref<10240x64xf32, #tpu.memory_space<vmem_shared>> -> memref<10240x64xf32, #tpu.memory_space<vmem_shared>>
      tpu.enqueue_indirect_dma source(%dma_start3A_192 : memref<128x64xf32, #tpu.memory_space<vmem>>) target(%dma_start3A_198 : memref<10240x64xf32, #tpu.memory_space<vmem_shared>>) offsets(%dma_start3A_195 : memref<128xi32, #tpu.memory_space<vmem>>) semaphore(%arg18 : memref<!tpu.dma_semaphore, #tpu.memory_space<semaphore_mem>>) {add = true}
      %dma_wait3A_199 = arith.constant 1 : i32
      %dma_wait3A_200 = arith.constant 0 : i32
      %dma_wait3A_201 = arith.constant 0 : i32
      %dma_wait3A_202 = tpu.memref_slice %arg8[%dma_wait3A_199, %dma_wait3A_200, %dma_wait3A_201] : memref<8x128x64xf32, #tpu.memory_space<vmem>> -> memref<1x128x64xf32, #tpu.memory_space<vmem>>
      %dma_wait3A_203 = tpu.memref_squeeze %dma_wait3A_202 : memref<1x128x64xf32, #tpu.memory_space<vmem>> -> memref<128x64xf32, #tpu.memory_space<vmem>>
      %dma_wait3A_204 = arith.constant 0 : i32
      %dma_wait3A_205 = tpu.memref_slice %arg6[%add3A_54, %dma_wait3A_204] : memref<80x128xi32, #tpu.memory_space<vmem>> -> memref<1x128xi32, #tpu.memory_space<vmem>>
      %dma_wait3A_206 = tpu.memref_squeeze %dma_wait3A_205 : memref<1x128xi32, #tpu.memory_space<vmem>> -> memref<128xi32, #tpu.memory_space<vmem>>
      %dma_wait3A_207 = arith.constant 0 : i32
      %dma_wait3A_208 = arith.constant 0 : i32
      %dma_wait3A_209 = tpu.memref_slice %arg2[%arg0, %dma_wait3A_207, %dma_wait3A_208] : memref<2x10240x64xf32, #tpu.memory_space<hbm>> -> memref<1x10240x64xf32, #tpu.memory_space<hbm>>
      %dma_wait3A_210 = tpu.memref_squeeze %dma_wait3A_209 : memref<1x10240x64xf32, #tpu.memory_space<hbm>> -> memref<10240x64xf32, #tpu.memory_space<hbm>>
      %dma_wait3A_211 = arith.constant 0 : i32
      %dma_wait3A_212 = arith.constant 0 : i32
      %dma_wait3A_213 = tpu.memref_slice %dma_wait3A_210[%dma_wait3A_211, %dma_wait3A_212] : memref<10240x64xf32, #tpu.memory_space<hbm>> -> memref<10240x64xf32, #tpu.memory_space<hbm>>
      tpu.wait_indirect_dma semaphore(%arg11 : memref<!tpu.dma_semaphore, #tpu.memory_space<semaphore_mem>>) src(%dma_wait3A_213 : memref<10240x64xf32, #tpu.memory_space<hbm>>) dst(%dma_wait3A_203 : memref<128x64xf32, #tpu.memory_space<vmem>>)
      %add3A_214 = arith.constant 1 : i32
      %add3A_215 = arith.addi %mul3A_36, %add3A_214 : i32
      %dma_start3A_216 = arith.constant 1 : i32
      %dma_start3A_217 = arith.constant 0 : i32
      %dma_start3A_218 = arith.constant 0 : i32
      %dma_start3A_219 = tpu.memref_slice %arg8[%dma_start3A_216, %dma_start3A_217, %dma_start3A_218] : memref<8x128x64xf32, #tpu.memory_space<vmem>> -> memref<1x128x64xf32, #tpu.memory_space<vmem>>
      %dma_start3A_220 = tpu.memref_squeeze %dma_start3A_219 : memref<1x128x64xf32, #tpu.memory_space<vmem>> -> memref<128x64xf32, #tpu.memory_space<vmem>>
      %dma_start3A_221 = arith.constant 0 : i32
      %dma_start3A_222 = tpu.memref_slice %arg7[%add3A_215, %dma_start3A_221] : memref<80x128xi32, #tpu.memory_space<vmem>> -> memref<1x128xi32, #tpu.memory_space<vmem>>
      %dma_start3A_223 = tpu.memref_squeeze %dma_start3A_222 : memref<1x128xi32, #tpu.memory_space<vmem>> -> memref<128xi32, #tpu.memory_space<vmem>>
      %dma_start3A_224 = arith.constant 0 : i32
      %dma_start3A_225 = arith.constant 0 : i32
      %dma_start3A_226 = tpu.memref_slice %arg9[%dma_start3A_224, %dma_start3A_225] : memref<10240x64xf32, #tpu.memory_space<vmem_shared>> -> memref<10240x64xf32, #tpu.memory_space<vmem_shared>>
      tpu.enqueue_indirect_dma source(%dma_start3A_220 : memref<128x64xf32, #tpu.memory_space<vmem>>) target(%dma_start3A_226 : memref<10240x64xf32, #tpu.memory_space<vmem_shared>>) offsets(%dma_start3A_223 : memref<128xi32, #tpu.memory_space<vmem>>) semaphore(%arg18 : memref<!tpu.dma_semaphore, #tpu.memory_space<semaphore_mem>>) {add = true}
      %dma_wait3A_227 = arith.constant 2 : i32
      %dma_wait3A_228 = arith.constant 0 : i32
      %dma_wait3A_229 = arith.constant 0 : i32
      %dma_wait3A_230 = tpu.memref_slice %arg8[%dma_wait3A_227, %dma_wait3A_228, %dma_wait3A_229] : memref<8x128x64xf32, #tpu.memory_space<vmem>> -> memref<1x128x64xf32, #tpu.memory_space<vmem>>
      %dma_wait3A_231 = tpu.memref_squeeze %dma_wait3A_230 : memref<1x128x64xf32, #tpu.memory_space<vmem>> -> memref<128x64xf32, #tpu.memory_space<vmem>>
      %dma_wait3A_232 = arith.constant 0 : i32
      %dma_wait3A_233 = tpu.memref_slice %arg6[%add3A_71, %dma_wait3A_232] : memref<80x128xi32, #tpu.memory_space<vmem>> -> memref<1x128xi32, #tpu.memory_space<vmem>>
      %dma_wait3A_234 = tpu.memref_squeeze %dma_wait3A_233 : memref<1x128xi32, #tpu.memory_space<vmem>> -> memref<128xi32, #tpu.memory_space<vmem>>
      %dma_wait3A_235 = arith.constant 0 : i32
      %dma_wait3A_236 = arith.constant 0 : i32
      %dma_wait3A_237 = tpu.memref_slice %arg2[%arg0, %dma_wait3A_235, %dma_wait3A_236] : memref<2x10240x64xf32, #tpu.memory_space<hbm>> -> memref<1x10240x64xf32, #tpu.memory_space<hbm>>
      %dma_wait3A_238 = tpu.memref_squeeze %dma_wait3A_237 : memref<1x10240x64xf32, #tpu.memory_space<hbm>> -> memref<10240x64xf32, #tpu.memory_space<hbm>>
      %dma_wait3A_239 = arith.constant 0 : i32
      %dma_wait3A_240 = arith.constant 0 : i32
      %dma_wait3A_241 = tpu.memref_slice %dma_wait3A_238[%dma_wait3A_239, %dma_wait3A_240] : memref<10240x64xf32, #tpu.memory_space<hbm>> -> memref<10240x64xf32, #tpu.memory_space<hbm>>
      tpu.wait_indirect_dma semaphore(%arg12 : memref<!tpu.dma_semaphore, #tpu.memory_space<semaphore_mem>>) src(%dma_wait3A_241 : memref<10240x64xf32, #tpu.memory_space<hbm>>) dst(%dma_wait3A_231 : memref<128x64xf32, #tpu.memory_space<vmem>>)
      %add3A_242 = arith.constant 2 : i32
      %add3A_243 = arith.addi %mul3A_36, %add3A_242 : i32
      %dma_start3A_244 = arith.constant 2 : i32
      %dma_start3A_245 = arith.constant 0 : i32
      %dma_start3A_246 = arith.constant 0 : i32
      %dma_start3A_247 = tpu.memref_slice %arg8[%dma_start3A_244, %dma_start3A_245, %dma_start3A_246] : memref<8x128x64xf32, #tpu.memory_space<vmem>> -> memref<1x128x64xf32, #tpu.memory_space<vmem>>
      %dma_start3A_248 = tpu.memref_squeeze %dma_start3A_247 : memref<1x128x64xf32, #tpu.memory_space<vmem>> -> memref<128x64xf32, #tpu.memory_space<vmem>>
      %dma_start3A_249 = arith.constant 0 : i32
      %dma_start3A_250 = tpu.memref_slice %arg7[%add3A_243, %dma_start3A_249] : memref<80x128xi32, #tpu.memory_space<vmem>> -> memref<1x128xi32, #tpu.memory_space<vmem>>
      %dma_start3A_251 = tpu.memref_squeeze %dma_start3A_250 : memref<1x128xi32, #tpu.memory_space<vmem>> -> memref<128xi32, #tpu.memory_space<vmem>>
      %dma_start3A_252 = arith.constant 0 : i32
      %dma_start3A_253 = arith.constant 0 : i32
      %dma_start3A_254 = tpu.memref_slice %arg9[%dma_start3A_252, %dma_start3A_253] : memref<10240x64xf32, #tpu.memory_space<vmem_shared>> -> memref<10240x64xf32, #tpu.memory_space<vmem_shared>>
      tpu.enqueue_indirect_dma source(%dma_start3A_248 : memref<128x64xf32, #tpu.memory_space<vmem>>) target(%dma_start3A_254 : memref<10240x64xf32, #tpu.memory_space<vmem_shared>>) offsets(%dma_start3A_251 : memref<128xi32, #tpu.memory_space<vmem>>) semaphore(%arg18 : memref<!tpu.dma_semaphore, #tpu.memory_space<semaphore_mem>>) {add = true}
      %dma_wait3A_255 = arith.constant 3 : i32
      %dma_wait3A_256 = arith.constant 0 : i32
      %dma_wait3A_257 = arith.constant 0 : i32
      %dma_wait3A_258 = tpu.memref_slice %arg8[%dma_wait3A_255, %dma_wait3A_256, %dma_wait3A_257] : memref<8x128x64xf32, #tpu.memory_space<vmem>> -> memref<1x128x64xf32, #tpu.memory_space<vmem>>
      %dma_wait3A_259 = tpu.memref_squeeze %dma_wait3A_258 : memref<1x128x64xf32, #tpu.memory_space<vmem>> -> memref<128x64xf32, #tpu.memory_space<vmem>>
      %dma_wait3A_260 = arith.constant 0 : i32
      %dma_wait3A_261 = tpu.memref_slice %arg6[%add3A_88, %dma_wait3A_260] : memref<80x128xi32, #tpu.memory_space<vmem>> -> memref<1x128xi32, #tpu.memory_space<vmem>>
      %dma_wait3A_262 = tpu.memref_squeeze %dma_wait3A_261 : memref<1x128xi32, #tpu.memory_space<vmem>> -> memref<128xi32, #tpu.memory_space<vmem>>
      %dma_wait3A_263 = arith.constant 0 : i32
      %dma_wait3A_264 = arith.constant 0 : i32
      %dma_wait3A_265 = tpu.memref_slice %arg2[%arg0, %dma_wait3A_263, %dma_wait3A_264] : memref<2x10240x64xf32, #tpu.memory_space<hbm>> -> memref<1x10240x64xf32, #tpu.memory_space<hbm>>
      %dma_wait3A_266 = tpu.memref_squeeze %dma_wait3A_265 : memref<1x10240x64xf32, #tpu.memory_space<hbm>> -> memref<10240x64xf32, #tpu.memory_space<hbm>>
      %dma_wait3A_267 = arith.constant 0 : i32
      %dma_wait3A_268 = arith.constant 0 : i32
      %dma_wait3A_269 = tpu.memref_slice %dma_wait3A_266[%dma_wait3A_267, %dma_wait3A_268] : memref<10240x64xf32, #tpu.memory_space<hbm>> -> memref<10240x64xf32, #tpu.memory_space<hbm>>
      tpu.wait_indirect_dma semaphore(%arg13 : memref<!tpu.dma_semaphore, #tpu.memory_space<semaphore_mem>>) src(%dma_wait3A_269 : memref<10240x64xf32, #tpu.memory_space<hbm>>) dst(%dma_wait3A_259 : memref<128x64xf32, #tpu.memory_space<vmem>>)
      %add3A_270 = arith.constant 3 : i32
      %add3A_271 = arith.addi %mul3A_36, %add3A_270 : i32
      %dma_start3A_272 = arith.constant 3 : i32
      %dma_start3A_273 = arith.constant 0 : i32
      %dma_start3A_274 = arith.constant 0 : i32
      %dma_start3A_275 = tpu.memref_slice %arg8[%dma_start3A_272, %dma_start3A_273, %dma_start3A_274] : memref<8x128x64xf32, #tpu.memory_space<vmem>> -> memref<1x128x64xf32, #tpu.memory_space<vmem>>
      %dma_start3A_276 = tpu.memref_squeeze %dma_start3A_275 : memref<1x128x64xf32, #tpu.memory_space<vmem>> -> memref<128x64xf32, #tpu.memory_space<vmem>>
      %dma_start3A_277 = arith.constant 0 : i32
      %dma_start3A_278 = tpu.memref_slice %arg7[%add3A_271, %dma_start3A_277] : memref<80x128xi32, #tpu.memory_space<vmem>> -> memref<1x128xi32, #tpu.memory_space<vmem>>
      %dma_start3A_279 = tpu.memref_squeeze %dma_start3A_278 : memref<1x128xi32, #tpu.memory_space<vmem>> -> memref<128xi32, #tpu.memory_space<vmem>>
      %dma_start3A_280 = arith.constant 0 : i32
      %dma_start3A_281 = arith.constant 0 : i32
      %dma_start3A_282 = tpu.memref_slice %arg9[%dma_start3A_280, %dma_start3A_281] : memref<10240x64xf32, #tpu.memory_space<vmem_shared>> -> memref<10240x64xf32, #tpu.memory_space<vmem_shared>>
      tpu.enqueue_indirect_dma source(%dma_start3A_276 : memref<128x64xf32, #tpu.memory_space<vmem>>) target(%dma_start3A_282 : memref<10240x64xf32, #tpu.memory_space<vmem_shared>>) offsets(%dma_start3A_279 : memref<128xi32, #tpu.memory_space<vmem>>) semaphore(%arg18 : memref<!tpu.dma_semaphore, #tpu.memory_space<semaphore_mem>>) {add = true}
      %dma_wait3A_283 = arith.constant 4 : i32
      %dma_wait3A_284 = arith.constant 0 : i32
      %dma_wait3A_285 = arith.constant 0 : i32
      %dma_wait3A_286 = tpu.memref_slice %arg8[%dma_wait3A_283, %dma_wait3A_284, %dma_wait3A_285] : memref<8x128x64xf32, #tpu.memory_space<vmem>> -> memref<1x128x64xf32, #tpu.memory_space<vmem>>
      %dma_wait3A_287 = tpu.memref_squeeze %dma_wait3A_286 : memref<1x128x64xf32, #tpu.memory_space<vmem>> -> memref<128x64xf32, #tpu.memory_space<vmem>>
      %dma_wait3A_288 = arith.constant 0 : i32
      %dma_wait3A_289 = tpu.memref_slice %arg6[%add3A_105, %dma_wait3A_288] : memref<80x128xi32, #tpu.memory_space<vmem>> -> memref<1x128xi32, #tpu.memory_space<vmem>>
      %dma_wait3A_290 = tpu.memref_squeeze %dma_wait3A_289 : memref<1x128xi32, #tpu.memory_space<vmem>> -> memref<128xi32, #tpu.memory_space<vmem>>
      %dma_wait3A_291 = arith.constant 0 : i32
      %dma_wait3A_292 = arith.constant 0 : i32
      %dma_wait3A_293 = tpu.memref_slice %arg2[%arg0, %dma_wait3A_291, %dma_wait3A_292] : memref<2x10240x64xf32, #tpu.memory_space<hbm>> -> memref<1x10240x64xf32, #tpu.memory_space<hbm>>
      %dma_wait3A_294 = tpu.memref_squeeze %dma_wait3A_293 : memref<1x10240x64xf32, #tpu.memory_space<hbm>> -> memref<10240x64xf32, #tpu.memory_space<hbm>>
      %dma_wait3A_295 = arith.constant 0 : i32
      %dma_wait3A_296 = arith.constant 0 : i32
      %dma_wait3A_297 = tpu.memref_slice %dma_wait3A_294[%dma_wait3A_295, %dma_wait3A_296] : memref<10240x64xf32, #tpu.memory_space<hbm>> -> memref<10240x64xf32, #tpu.memory_space<hbm>>
      tpu.wait_indirect_dma semaphore(%arg14 : memref<!tpu.dma_semaphore, #tpu.memory_space<semaphore_mem>>) src(%dma_wait3A_297 : memref<10240x64xf32, #tpu.memory_space<hbm>>) dst(%dma_wait3A_287 : memref<128x64xf32, #tpu.memory_space<vmem>>)
      %add3A_298 = arith.constant 4 : i32
      %add3A_299 = arith.addi %mul3A_36, %add3A_298 : i32
      %dma_start3A_300 = arith.constant 4 : i32
      %dma_start3A_301 = arith.constant 0 : i32
      %dma_start3A_302 = arith.constant 0 : i32
      %dma_start3A_303 = tpu.memref_slice %arg8[%dma_start3A_300, %dma_start3A_301, %dma_start3A_302] : memref<8x128x64xf32, #tpu.memory_space<vmem>> -> memref<1x128x64xf32, #tpu.memory_space<vmem>>
      %dma_start3A_304 = tpu.memref_squeeze %dma_start3A_303 : memref<1x128x64xf32, #tpu.memory_space<vmem>> -> memref<128x64xf32, #tpu.memory_space<vmem>>
      %dma_start3A_305 = arith.constant 0 : i32
      %dma_start3A_306 = tpu.memref_slice %arg7[%add3A_299, %dma_start3A_305] : memref<80x128xi32, #tpu.memory_space<vmem>> -> memref<1x128xi32, #tpu.memory_space<vmem>>
      %dma_start3A_307 = tpu.memref_squeeze %dma_start3A_306 : memref<1x128xi32, #tpu.memory_space<vmem>> -> memref<128xi32, #tpu.memory_space<vmem>>
      %dma_start3A_308 = arith.constant 0 : i32
      %dma_start3A_309 = arith.constant 0 : i32
      %dma_start3A_310 = tpu.memref_slice %arg9[%dma_start3A_308, %dma_start3A_309] : memref<10240x64xf32, #tpu.memory_space<vmem_shared>> -> memref<10240x64xf32, #tpu.memory_space<vmem_shared>>
      tpu.enqueue_indirect_dma source(%dma_start3A_304 : memref<128x64xf32, #tpu.memory_space<vmem>>) target(%dma_start3A_310 : memref<10240x64xf32, #tpu.memory_space<vmem_shared>>) offsets(%dma_start3A_307 : memref<128xi32, #tpu.memory_space<vmem>>) semaphore(%arg18 : memref<!tpu.dma_semaphore, #tpu.memory_space<semaphore_mem>>) {add = true}
      %dma_wait3A_311 = arith.constant 5 : i32
      %dma_wait3A_312 = arith.constant 0 : i32
      %dma_wait3A_313 = arith.constant 0 : i32
      %dma_wait3A_314 = tpu.memref_slice %arg8[%dma_wait3A_311, %dma_wait3A_312, %dma_wait3A_313] : memref<8x128x64xf32, #tpu.memory_space<vmem>> -> memref<1x128x64xf32, #tpu.memory_space<vmem>>
      %dma_wait3A_315 = tpu.memref_squeeze %dma_wait3A_314 : memref<1x128x64xf32, #tpu.memory_space<vmem>> -> memref<128x64xf32, #tpu.memory_space<vmem>>
      %dma_wait3A_316 = arith.constant 0 : i32
      %dma_wait3A_317 = tpu.memref_slice %arg6[%add3A_122, %dma_wait3A_316] : memref<80x128xi32, #tpu.memory_space<vmem>> -> memref<1x128xi32, #tpu.memory_space<vmem>>
      %dma_wait3A_318 = tpu.memref_squeeze %dma_wait3A_317 : memref<1x128xi32, #tpu.memory_space<vmem>> -> memref<128xi32, #tpu.memory_space<vmem>>
      %dma_wait3A_319 = arith.constant 0 : i32
      %dma_wait3A_320 = arith.constant 0 : i32
      %dma_wait3A_321 = tpu.memref_slice %arg2[%arg0, %dma_wait3A_319, %dma_wait3A_320] : memref<2x10240x64xf32, #tpu.memory_space<hbm>> -> memref<1x10240x64xf32, #tpu.memory_space<hbm>>
      %dma_wait3A_322 = tpu.memref_squeeze %dma_wait3A_321 : memref<1x10240x64xf32, #tpu.memory_space<hbm>> -> memref<10240x64xf32, #tpu.memory_space<hbm>>
      %dma_wait3A_323 = arith.constant 0 : i32
      %dma_wait3A_324 = arith.constant 0 : i32
      %dma_wait3A_325 = tpu.memref_slice %dma_wait3A_322[%dma_wait3A_323, %dma_wait3A_324] : memref<10240x64xf32, #tpu.memory_space<hbm>> -> memref<10240x64xf32, #tpu.memory_space<hbm>>
      tpu.wait_indirect_dma semaphore(%arg15 : memref<!tpu.dma_semaphore, #tpu.memory_space<semaphore_mem>>) src(%dma_wait3A_325 : memref<10240x64xf32, #tpu.memory_space<hbm>>) dst(%dma_wait3A_315 : memref<128x64xf32, #tpu.memory_space<vmem>>)
      %add3A_326 = arith.constant 5 : i32
      %add3A_327 = arith.addi %mul3A_36, %add3A_326 : i32
      %dma_start3A_328 = arith.constant 5 : i32
      %dma_start3A_329 = arith.constant 0 : i32
      %dma_start3A_330 = arith.constant 0 : i32
      %dma_start3A_331 = tpu.memref_slice %arg8[%dma_start3A_328, %dma_start3A_329, %dma_start3A_330] : memref<8x128x64xf32, #tpu.memory_space<vmem>> -> memref<1x128x64xf32, #tpu.memory_space<vmem>>
      %dma_start3A_332 = tpu.memref_squeeze %dma_start3A_331 : memref<1x128x64xf32, #tpu.memory_space<vmem>> -> memref<128x64xf32, #tpu.memory_space<vmem>>
      %dma_start3A_333 = arith.constant 0 : i32
      %dma_start3A_334 = tpu.memref_slice %arg7[%add3A_327, %dma_start3A_333] : memref<80x128xi32, #tpu.memory_space<vmem>> -> memref<1x128xi32, #tpu.memory_space<vmem>>
      %dma_start3A_335 = tpu.memref_squeeze %dma_start3A_334 : memref<1x128xi32, #tpu.memory_space<vmem>> -> memref<128xi32, #tpu.memory_space<vmem>>
      %dma_start3A_336 = arith.constant 0 : i32
      %dma_start3A_337 = arith.constant 0 : i32
      %dma_start3A_338 = tpu.memref_slice %arg9[%dma_start3A_336, %dma_start3A_337] : memref<10240x64xf32, #tpu.memory_space<vmem_shared>> -> memref<10240x64xf32, #tpu.memory_space<vmem_shared>>
      tpu.enqueue_indirect_dma source(%dma_start3A_332 : memref<128x64xf32, #tpu.memory_space<vmem>>) target(%dma_start3A_338 : memref<10240x64xf32, #tpu.memory_space<vmem_shared>>) offsets(%dma_start3A_335 : memref<128xi32, #tpu.memory_space<vmem>>) semaphore(%arg18 : memref<!tpu.dma_semaphore, #tpu.memory_space<semaphore_mem>>) {add = true}
      %dma_wait3A_339 = arith.constant 6 : i32
      %dma_wait3A_340 = arith.constant 0 : i32
      %dma_wait3A_341 = arith.constant 0 : i32
      %dma_wait3A_342 = tpu.memref_slice %arg8[%dma_wait3A_339, %dma_wait3A_340, %dma_wait3A_341] : memref<8x128x64xf32, #tpu.memory_space<vmem>> -> memref<1x128x64xf32, #tpu.memory_space<vmem>>
      %dma_wait3A_343 = tpu.memref_squeeze %dma_wait3A_342 : memref<1x128x64xf32, #tpu.memory_space<vmem>> -> memref<128x64xf32, #tpu.memory_space<vmem>>
      %dma_wait3A_344 = arith.constant 0 : i32
      %dma_wait3A_345 = tpu.memref_slice %arg6[%add3A_139, %dma_wait3A_344] : memref<80x128xi32, #tpu.memory_space<vmem>> -> memref<1x128xi32, #tpu.memory_space<vmem>>
      %dma_wait3A_346 = tpu.memref_squeeze %dma_wait3A_345 : memref<1x128xi32, #tpu.memory_space<vmem>> -> memref<128xi32, #tpu.memory_space<vmem>>
      %dma_wait3A_347 = arith.constant 0 : i32
      %dma_wait3A_348 = arith.constant 0 : i32
      %dma_wait3A_349 = tpu.memref_slice %arg2[%arg0, %dma_wait3A_347, %dma_wait3A_348] : memref<2x10240x64xf32, #tpu.memory_space<hbm>> -> memref<1x10240x64xf32, #tpu.memory_space<hbm>>
      %dma_wait3A_350 = tpu.memref_squeeze %dma_wait3A_349 : memref<1x10240x64xf32, #tpu.memory_space<hbm>> -> memref<10240x64xf32, #tpu.memory_space<hbm>>
      %dma_wait3A_351 = arith.constant 0 : i32
      %dma_wait3A_352 = arith.constant 0 : i32
      %dma_wait3A_353 = tpu.memref_slice %dma_wait3A_350[%dma_wait3A_351, %dma_wait3A_352] : memref<10240x64xf32, #tpu.memory_space<hbm>> -> memref<10240x64xf32, #tpu.memory_space<hbm>>
      tpu.wait_indirect_dma semaphore(%arg16 : memref<!tpu.dma_semaphore, #tpu.memory_space<semaphore_mem>>) src(%dma_wait3A_353 : memref<10240x64xf32, #tpu.memory_space<hbm>>) dst(%dma_wait3A_343 : memref<128x64xf32, #tpu.memory_space<vmem>>)
      %add3A_354 = arith.constant 6 : i32
      %add3A_355 = arith.addi %mul3A_36, %add3A_354 : i32
      %dma_start3A_356 = arith.constant 6 : i32
      %dma_start3A_357 = arith.constant 0 : i32
      %dma_start3A_358 = arith.constant 0 : i32
      %dma_start3A_359 = tpu.memref_slice %arg8[%dma_start3A_356, %dma_start3A_357, %dma_start3A_358] : memref<8x128x64xf32, #tpu.memory_space<vmem>> -> memref<1x128x64xf32, #tpu.memory_space<vmem>>
      %dma_start3A_360 = tpu.memref_squeeze %dma_start3A_359 : memref<1x128x64xf32, #tpu.memory_space<vmem>> -> memref<128x64xf32, #tpu.memory_space<vmem>>
      %dma_start3A_361 = arith.constant 0 : i32
      %dma_start3A_362 = tpu.memref_slice %arg7[%add3A_355, %dma_start3A_361] : memref<80x128xi32, #tpu.memory_space<vmem>> -> memref<1x128xi32, #tpu.memory_space<vmem>>
      %dma_start3A_363 = tpu.memref_squeeze %dma_start3A_362 : memref<1x128xi32, #tpu.memory_space<vmem>> -> memref<128xi32, #tpu.memory_space<vmem>>
      %dma_start3A_364 = arith.constant 0 : i32
      %dma_start3A_365 = arith.constant 0 : i32
      %dma_start3A_366 = tpu.memref_slice %arg9[%dma_start3A_364, %dma_start3A_365] : memref<10240x64xf32, #tpu.memory_space<vmem_shared>> -> memref<10240x64xf32, #tpu.memory_space<vmem_shared>>
      tpu.enqueue_indirect_dma source(%dma_start3A_360 : memref<128x64xf32, #tpu.memory_space<vmem>>) target(%dma_start3A_366 : memref<10240x64xf32, #tpu.memory_space<vmem_shared>>) offsets(%dma_start3A_363 : memref<128xi32, #tpu.memory_space<vmem>>) semaphore(%arg18 : memref<!tpu.dma_semaphore, #tpu.memory_space<semaphore_mem>>) {add = true}
      %dma_wait3A_367 = arith.constant 7 : i32
      %dma_wait3A_368 = arith.constant 0 : i32
      %dma_wait3A_369 = arith.constant 0 : i32
      %dma_wait3A_370 = tpu.memref_slice %arg8[%dma_wait3A_367, %dma_wait3A_368, %dma_wait3A_369] : memref<8x128x64xf32, #tpu.memory_space<vmem>> -> memref<1x128x64xf32, #tpu.memory_space<vmem>>
      %dma_wait3A_371 = tpu.memref_squeeze %dma_wait3A_370 : memref<1x128x64xf32, #tpu.memory_space<vmem>> -> memref<128x64xf32, #tpu.memory_space<vmem>>
      %dma_wait3A_372 = arith.constant 0 : i32
      %dma_wait3A_373 = tpu.memref_slice %arg6[%add3A_156, %dma_wait3A_372] : memref<80x128xi32, #tpu.memory_space<vmem>> -> memref<1x128xi32, #tpu.memory_space<vmem>>
      %dma_wait3A_374 = tpu.memref_squeeze %dma_wait3A_373 : memref<1x128xi32, #tpu.memory_space<vmem>> -> memref<128xi32, #tpu.memory_space<vmem>>
      %dma_wait3A_375 = arith.constant 0 : i32
      %dma_wait3A_376 = arith.constant 0 : i32
      %dma_wait3A_377 = tpu.memref_slice %arg2[%arg0, %dma_wait3A_375, %dma_wait3A_376] : memref<2x10240x64xf32, #tpu.memory_space<hbm>> -> memref<1x10240x64xf32, #tpu.memory_space<hbm>>
      %dma_wait3A_378 = tpu.memref_squeeze %dma_wait3A_377 : memref<1x10240x64xf32, #tpu.memory_space<hbm>> -> memref<10240x64xf32, #tpu.memory_space<hbm>>
      %dma_wait3A_379 = arith.constant 0 : i32
      %dma_wait3A_380 = arith.constant 0 : i32
      %dma_wait3A_381 = tpu.memref_slice %dma_wait3A_378[%dma_wait3A_379, %dma_wait3A_380] : memref<10240x64xf32, #tpu.memory_space<hbm>> -> memref<10240x64xf32, #tpu.memory_space<hbm>>
      tpu.wait_indirect_dma semaphore(%arg17 : memref<!tpu.dma_semaphore, #tpu.memory_space<semaphore_mem>>) src(%dma_wait3A_381 : memref<10240x64xf32, #tpu.memory_space<hbm>>) dst(%dma_wait3A_371 : memref<128x64xf32, #tpu.memory_space<vmem>>)
      %add3A_382 = arith.constant 7 : i32
      %add3A_383 = arith.addi %mul3A_36, %add3A_382 : i32
      %dma_start3A_384 = arith.constant 7 : i32
      %dma_start3A_385 = arith.constant 0 : i32
      %dma_start3A_386 = arith.constant 0 : i32
      %dma_start3A_387 = tpu.memref_slice %arg8[%dma_start3A_384, %dma_start3A_385, %dma_start3A_386] : memref<8x128x64xf32, #tpu.memory_space<vmem>> -> memref<1x128x64xf32, #tpu.memory_space<vmem>>
      %dma_start3A_388 = tpu.memref_squeeze %dma_start3A_387 : memref<1x128x64xf32, #tpu.memory_space<vmem>> -> memref<128x64xf32, #tpu.memory_space<vmem>>
      %dma_start3A_389 = arith.constant 0 : i32
      %dma_start3A_390 = tpu.memref_slice %arg7[%add3A_383, %dma_start3A_389] : memref<80x128xi32, #tpu.memory_space<vmem>> -> memref<1x128xi32, #tpu.memory_space<vmem>>
      %dma_start3A_391 = tpu.memref_squeeze %dma_start3A_390 : memref<1x128xi32, #tpu.memory_space<vmem>> -> memref<128xi32, #tpu.memory_space<vmem>>
      %dma_start3A_392 = arith.constant 0 : i32
      %dma_start3A_393 = arith.constant 0 : i32
      %dma_start3A_394 = tpu.memref_slice %arg9[%dma_start3A_392, %dma_start3A_393] : memref<10240x64xf32, #tpu.memory_space<vmem_shared>> -> memref<10240x64xf32, #tpu.memory_space<vmem_shared>>
      tpu.enqueue_indirect_dma source(%dma_start3A_388 : memref<128x64xf32, #tpu.memory_space<vmem>>) target(%dma_start3A_394 : memref<10240x64xf32, #tpu.memory_space<vmem_shared>>) offsets(%dma_start3A_391 : memref<128xi32, #tpu.memory_space<vmem>>) semaphore(%arg18 : memref<!tpu.dma_semaphore, #tpu.memory_space<semaphore_mem>>) {add = true}
      %dma_wait3A_395 = arith.constant 0 : i32
      %dma_wait3A_396 = arith.constant 0 : i32
      %dma_wait3A_397 = arith.constant 0 : i32
      %dma_wait3A_398 = tpu.memref_slice %arg8[%dma_wait3A_395, %dma_wait3A_396, %dma_wait3A_397] : memref<8x128x64xf32, #tpu.memory_space<vmem>> -> memref<1x128x64xf32, #tpu.memory_space<vmem>>
      %dma_wait3A_399 = tpu.memref_squeeze %dma_wait3A_398 : memref<1x128x64xf32, #tpu.memory_space<vmem>> -> memref<128x64xf32, #tpu.memory_space<vmem>>
      %dma_wait3A_400 = arith.constant 0 : i32
      %dma_wait3A_401 = tpu.memref_slice %arg7[%add3A_187, %dma_wait3A_400] : memref<80x128xi32, #tpu.memory_space<vmem>> -> memref<1x128xi32, #tpu.memory_space<vmem>>
      %dma_wait3A_402 = tpu.memref_squeeze %dma_wait3A_401 : memref<1x128xi32, #tpu.memory_space<vmem>> -> memref<128xi32, #tpu.memory_space<vmem>>
      %dma_wait3A_403 = arith.constant 0 : i32
      %dma_wait3A_404 = arith.constant 0 : i32
      %dma_wait3A_405 = tpu.memref_slice %arg9[%dma_wait3A_403, %dma_wait3A_404] : memref<10240x64xf32, #tpu.memory_space<vmem_shared>> -> memref<10240x64xf32, #tpu.memory_space<vmem_shared>>
      tpu.wait_indirect_dma semaphore(%arg18 : memref<!tpu.dma_semaphore, #tpu.memory_space<semaphore_mem>>) src(%dma_wait3A_399 : memref<128x64xf32, #tpu.memory_space<vmem>>) dst(%dma_wait3A_405 : memref<10240x64xf32, #tpu.memory_space<vmem_shared>>)
      %dma_wait3A_406 = arith.constant 1 : i32
      %dma_wait3A_407 = arith.constant 0 : i32
      %dma_wait3A_408 = arith.constant 0 : i32
      %dma_wait3A_409 = tpu.memref_slice %arg8[%dma_wait3A_406, %dma_wait3A_407, %dma_wait3A_408] : memref<8x128x64xf32, #tpu.memory_space<vmem>> -> memref<1x128x64xf32, #tpu.memory_space<vmem>>
      %dma_wait3A_410 = tpu.memref_squeeze %dma_wait3A_409 : memref<1x128x64xf32, #tpu.memory_space<vmem>> -> memref<128x64xf32, #tpu.memory_space<vmem>>
      %dma_wait3A_411 = arith.constant 0 : i32
      %dma_wait3A_412 = tpu.memref_slice %arg7[%add3A_215, %dma_wait3A_411] : memref<80x128xi32, #tpu.memory_space<vmem>> -> memref<1x128xi32, #tpu.memory_space<vmem>>
      %dma_wait3A_413 = tpu.memref_squeeze %dma_wait3A_412 : memref<1x128xi32, #tpu.memory_space<vmem>> -> memref<128xi32, #tpu.memory_space<vmem>>
      %dma_wait3A_414 = arith.constant 0 : i32
      %dma_wait3A_415 = arith.constant 0 : i32
      %dma_wait3A_416 = tpu.memref_slice %arg9[%dma_wait3A_414, %dma_wait3A_415] : memref<10240x64xf32, #tpu.memory_space<vmem_shared>> -> memref<10240x64xf32, #tpu.memory_space<vmem_shared>>
      tpu.wait_indirect_dma semaphore(%arg18 : memref<!tpu.dma_semaphore, #tpu.memory_space<semaphore_mem>>) src(%dma_wait3A_410 : memref<128x64xf32, #tpu.memory_space<vmem>>) dst(%dma_wait3A_416 : memref<10240x64xf32, #tpu.memory_space<vmem_shared>>)
      %dma_wait3A_417 = arith.constant 2 : i32
      %dma_wait3A_418 = arith.constant 0 : i32
      %dma_wait3A_419 = arith.constant 0 : i32
      %dma_wait3A_420 = tpu.memref_slice %arg8[%dma_wait3A_417, %dma_wait3A_418, %dma_wait3A_419] : memref<8x128x64xf32, #tpu.memory_space<vmem>> -> memref<1x128x64xf32, #tpu.memory_space<vmem>>
      %dma_wait3A_421 = tpu.memref_squeeze %dma_wait3A_420 : memref<1x128x64xf32, #tpu.memory_space<vmem>> -> memref<128x64xf32, #tpu.memory_space<vmem>>
      %dma_wait3A_422 = arith.constant 0 : i32
      %dma_wait3A_423 = tpu.memref_slice %arg7[%add3A_243, %dma_wait3A_422] : memref<80x128xi32, #tpu.memory_space<vmem>> -> memref<1x128xi32, #tpu.memory_space<vmem>>
      %dma_wait3A_424 = tpu.memref_squeeze %dma_wait3A_423 : memref<1x128xi32, #tpu.memory_space<vmem>> -> memref<128xi32, #tpu.memory_space<vmem>>
      %dma_wait3A_425 = arith.constant 0 : i32
      %dma_wait3A_426 = arith.constant 0 : i32
      %dma_wait3A_427 = tpu.memref_slice %arg9[%dma_wait3A_425, %dma_wait3A_426] : memref<10240x64xf32, #tpu.memory_space<vmem_shared>> -> memref<10240x64xf32, #tpu.memory_space<vmem_shared>>
      tpu.wait_indirect_dma semaphore(%arg18 : memref<!tpu.dma_semaphore, #tpu.memory_space<semaphore_mem>>) src(%dma_wait3A_421 : memref<128x64xf32, #tpu.memory_space<vmem>>) dst(%dma_wait3A_427 : memref<10240x64xf32, #tpu.memory_space<vmem_shared>>)
      %dma_wait3A_428 = arith.constant 3 : i32
      %dma_wait3A_429 = arith.constant 0 : i32
      %dma_wait3A_430 = arith.constant 0 : i32
      %dma_wait3A_431 = tpu.memref_slice %arg8[%dma_wait3A_428, %dma_wait3A_429, %dma_wait3A_430] : memref<8x128x64xf32, #tpu.memory_space<vmem>> -> memref<1x128x64xf32, #tpu.memory_space<vmem>>
      %dma_wait3A_432 = tpu.memref_squeeze %dma_wait3A_431 : memref<1x128x64xf32, #tpu.memory_space<vmem>> -> memref<128x64xf32, #tpu.memory_space<vmem>>
      %dma_wait3A_433 = arith.constant 0 : i32
      %dma_wait3A_434 = tpu.memref_slice %arg7[%add3A_271, %dma_wait3A_433] : memref<80x128xi32, #tpu.memory_space<vmem>> -> memref<1x128xi32, #tpu.memory_space<vmem>>
      %dma_wait3A_435 = tpu.memref_squeeze %dma_wait3A_434 : memref<1x128xi32, #tpu.memory_space<vmem>> -> memref<128xi32, #tpu.memory_space<vmem>>
      %dma_wait3A_436 = arith.constant 0 : i32
      %dma_wait3A_437 = arith.constant 0 : i32
      %dma_wait3A_438 = tpu.memref_slice %arg9[%dma_wait3A_436, %dma_wait3A_437] : memref<10240x64xf32, #tpu.memory_space<vmem_shared>> -> memref<10240x64xf32, #tpu.memory_space<vmem_shared>>
      tpu.wait_indirect_dma semaphore(%arg18 : memref<!tpu.dma_semaphore, #tpu.memory_space<semaphore_mem>>) src(%dma_wait3A_432 : memref<128x64xf32, #tpu.memory_space<vmem>>) dst(%dma_wait3A_438 : memref<10240x64xf32, #tpu.memory_space<vmem_shared>>)
      %dma_wait3A_439 = arith.constant 4 : i32
      %dma_wait3A_440 = arith.constant 0 : i32
      %dma_wait3A_441 = arith.constant 0 : i32
      %dma_wait3A_442 = tpu.memref_slice %arg8[%dma_wait3A_439, %dma_wait3A_440, %dma_wait3A_441] : memref<8x128x64xf32, #tpu.memory_space<vmem>> -> memref<1x128x64xf32, #tpu.memory_space<vmem>>
      %dma_wait3A_443 = tpu.memref_squeeze %dma_wait3A_442 : memref<1x128x64xf32, #tpu.memory_space<vmem>> -> memref<128x64xf32, #tpu.memory_space<vmem>>
      %dma_wait3A_444 = arith.constant 0 : i32
      %dma_wait3A_445 = tpu.memref_slice %arg7[%add3A_299, %dma_wait3A_444] : memref<80x128xi32, #tpu.memory_space<vmem>> -> memref<1x128xi32, #tpu.memory_space<vmem>>
      %dma_wait3A_446 = tpu.memref_squeeze %dma_wait3A_445 : memref<1x128xi32, #tpu.memory_space<vmem>> -> memref<128xi32, #tpu.memory_space<vmem>>
      %dma_wait3A_447 = arith.constant 0 : i32
      %dma_wait3A_448 = arith.constant 0 : i32
      %dma_wait3A_449 = tpu.memref_slice %arg9[%dma_wait3A_447, %dma_wait3A_448] : memref<10240x64xf32, #tpu.memory_space<vmem_shared>> -> memref<10240x64xf32, #tpu.memory_space<vmem_shared>>
      tpu.wait_indirect_dma semaphore(%arg18 : memref<!tpu.dma_semaphore, #tpu.memory_space<semaphore_mem>>) src(%dma_wait3A_443 : memref<128x64xf32, #tpu.memory_space<vmem>>) dst(%dma_wait3A_449 : memref<10240x64xf32, #tpu.memory_space<vmem_shared>>)
      %dma_wait3A_450 = arith.constant 5 : i32
      %dma_wait3A_451 = arith.constant 0 : i32
      %dma_wait3A_452 = arith.constant 0 : i32
      %dma_wait3A_453 = tpu.memref_slice %arg8[%dma_wait3A_450, %dma_wait3A_451, %dma_wait3A_452] : memref<8x128x64xf32, #tpu.memory_space<vmem>> -> memref<1x128x64xf32, #tpu.memory_space<vmem>>
      %dma_wait3A_454 = tpu.memref_squeeze %dma_wait3A_453 : memref<1x128x64xf32, #tpu.memory_space<vmem>> -> memref<128x64xf32, #tpu.memory_space<vmem>>
      %dma_wait3A_455 = arith.constant 0 : i32
      %dma_wait3A_456 = tpu.memref_slice %arg7[%add3A_327, %dma_wait3A_455] : memref<80x128xi32, #tpu.memory_space<vmem>> -> memref<1x128xi32, #tpu.memory_space<vmem>>
      %dma_wait3A_457 = tpu.memref_squeeze %dma_wait3A_456 : memref<1x128xi32, #tpu.memory_space<vmem>> -> memref<128xi32, #tpu.memory_space<vmem>>
      %dma_wait3A_458 = arith.constant 0 : i32
      %dma_wait3A_459 = arith.constant 0 : i32
      %dma_wait3A_460 = tpu.memref_slice %arg9[%dma_wait3A_458, %dma_wait3A_459] : memref<10240x64xf32, #tpu.memory_space<vmem_shared>> -> memref<10240x64xf32, #tpu.memory_space<vmem_shared>>
      tpu.wait_indirect_dma semaphore(%arg18 : memref<!tpu.dma_semaphore, #tpu.memory_space<semaphore_mem>>) src(%dma_wait3A_454 : memref<128x64xf32, #tpu.memory_space<vmem>>) dst(%dma_wait3A_460 : memref<10240x64xf32, #tpu.memory_space<vmem_shared>>)
      %dma_wait3A_461 = arith.constant 6 : i32
      %dma_wait3A_462 = arith.constant 0 : i32
      %dma_wait3A_463 = arith.constant 0 : i32
      %dma_wait3A_464 = tpu.memref_slice %arg8[%dma_wait3A_461, %dma_wait3A_462, %dma_wait3A_463] : memref<8x128x64xf32, #tpu.memory_space<vmem>> -> memref<1x128x64xf32, #tpu.memory_space<vmem>>
      %dma_wait3A_465 = tpu.memref_squeeze %dma_wait3A_464 : memref<1x128x64xf32, #tpu.memory_space<vmem>> -> memref<128x64xf32, #tpu.memory_space<vmem>>
      %dma_wait3A_466 = arith.constant 0 : i32
      %dma_wait3A_467 = tpu.memref_slice %arg7[%add3A_355, %dma_wait3A_466] : memref<80x128xi32, #tpu.memory_space<vmem>> -> memref<1x128xi32, #tpu.memory_space<vmem>>
      %dma_wait3A_468 = tpu.memref_squeeze %dma_wait3A_467 : memref<1x128xi32, #tpu.memory_space<vmem>> -> memref<128xi32, #tpu.memory_space<vmem>>
      %dma_wait3A_469 = arith.constant 0 : i32
      %dma_wait3A_470 = arith.constant 0 : i32
      %dma_wait3A_471 = tpu.memref_slice %arg9[%dma_wait3A_469, %dma_wait3A_470] : memref<10240x64xf32, #tpu.memory_space<vmem_shared>> -> memref<10240x64xf32, #tpu.memory_space<vmem_shared>>
      tpu.wait_indirect_dma semaphore(%arg18 : memref<!tpu.dma_semaphore, #tpu.memory_space<semaphore_mem>>) src(%dma_wait3A_465 : memref<128x64xf32, #tpu.memory_space<vmem>>) dst(%dma_wait3A_471 : memref<10240x64xf32, #tpu.memory_space<vmem_shared>>)
      %dma_wait3A_472 = arith.constant 7 : i32
      %dma_wait3A_473 = arith.constant 0 : i32
      %dma_wait3A_474 = arith.constant 0 : i32
      %dma_wait3A_475 = tpu.memref_slice %arg8[%dma_wait3A_472, %dma_wait3A_473, %dma_wait3A_474] : memref<8x128x64xf32, #tpu.memory_space<vmem>> -> memref<1x128x64xf32, #tpu.memory_space<vmem>>
      %dma_wait3A_476 = tpu.memref_squeeze %dma_wait3A_475 : memref<1x128x64xf32, #tpu.memory_space<vmem>> -> memref<128x64xf32, #tpu.memory_space<vmem>>
      %dma_wait3A_477 = arith.constant 0 : i32
      %dma_wait3A_478 = tpu.memref_slice %arg7[%add3A_383, %dma_wait3A_477] : memref<80x128xi32, #tpu.memory_space<vmem>> -> memref<1x128xi32, #tpu.memory_space<vmem>>
      %dma_wait3A_479 = tpu.memref_squeeze %dma_wait3A_478 : memref<1x128xi32, #tpu.memory_space<vmem>> -> memref<128xi32, #tpu.memory_space<vmem>>
      %dma_wait3A_480 = arith.constant 0 : i32
      %dma_wait3A_481 = arith.constant 0 : i32
      %dma_wait3A_482 = tpu.memref_slice %arg9[%dma_wait3A_480, %dma_wait3A_481] : memref<10240x64xf32, #tpu.memory_space<vmem_shared>> -> memref<10240x64xf32, #tpu.memory_space<vmem_shared>>
      tpu.wait_indirect_dma semaphore(%arg18 : memref<!tpu.dma_semaphore, #tpu.memory_space<semaphore_mem>>) src(%dma_wait3A_476 : memref<128x64xf32, #tpu.memory_space<vmem>>) dst(%dma_wait3A_482 : memref<10240x64xf32, #tpu.memory_space<vmem_shared>>)
    }
    %scan3A_28 = arith.constant 10 : i32
    %barrier3A_29 = arith.constant 0 : index
    tpu.barrier barrier_id(%barrier3A_29)
    %mul3A_30 = arith.constant 640 : i32
    %mul3A_31 = arith.muli %arg1, %mul3A_30 : i32
    %mul3A_32 = arith.constant 640 : i32
    %mul3A_33 = arith.muli %arg1, %mul3A_32 : i32
    "tpu.region"() ({
      %run_scoped3A = tpu.sem_alloc : memref<!tpu.dma_semaphore, #tpu.memory_space<semaphore_mem>>
      %dma_start3A = arith.constant 0 : i32
      %dma_start3A_34 = tpu.memref_slice %arg5[%arg0, %mul3A_33, %dma_start3A] : memref<2x10240x64xf32, #tpu.memory_space<hbm>> -> memref<1x640x64xf32, #tpu.memory_space<hbm>>
      %dma_start3A_35 = tpu.memref_squeeze %dma_start3A_34 : memref<1x640x64xf32, #tpu.memory_space<hbm>> -> memref<640x64xf32, #tpu.memory_space<hbm>>
      %dma_start3A_36 = arith.constant 0 : i32
      %dma_start3A_37 = tpu.memref_slice %arg9[%mul3A_31, %dma_start3A_36] : memref<10240x64xf32, #tpu.memory_space<vmem_shared>> -> memref<640x64xf32, #tpu.memory_space<vmem_shared>>
      tpu.enqueue_dma source(%dma_start3A_37 : memref<640x64xf32, #tpu.memory_space<vmem_shared>>) target(%dma_start3A_35 : memref<640x64xf32, #tpu.memory_space<hbm>>) target_semaphore(%run_scoped3A : memref<!tpu.dma_semaphore, #tpu.memory_space<semaphore_mem>>)
      %dma_wait3A = arith.constant 0 : i32
      %dma_wait3A_38 = tpu.memref_slice %arg5[%arg0, %mul3A_33, %dma_wait3A] : memref<2x10240x64xf32, #tpu.memory_space<hbm>> -> memref<1x640x64xf32, #tpu.memory_space<hbm>>
      %dma_wait3A_39 = tpu.memref_squeeze %dma_wait3A_38 : memref<1x640x64xf32, #tpu.memory_space<hbm>> -> memref<640x64xf32, #tpu.memory_space<hbm>>
      %dma_wait3A_40 = arith.constant 0 : i32
      %dma_wait3A_41 = tpu.memref_slice %arg9[%mul3A_31, %dma_wait3A_40] : memref<10240x64xf32, #tpu.memory_space<vmem_shared>> -> memref<640x64xf32, #tpu.memory_space<vmem_shared>>
      tpu.wait_dma2 semaphore(%run_scoped3A : memref<!tpu.dma_semaphore, #tpu.memory_space<semaphore_mem>>) src(%dma_wait3A_41 : memref<640x64xf32, #tpu.memory_space<vmem_shared>>) dst(%dma_wait3A_39 : memref<640x64xf32, #tpu.memory_space<hbm>>)
      tpu.yield
    }) : () -> ()
    return
  }
}

module attributes {stable_mosaic.version = 14 : i64} {
  func.func @_mm_body(%arg0: i32, %arg1: memref<512x128xf32, #tpu.memory_space<vmem>>, %arg2: memref<128x128xf32, #tpu.memory_space<vmem>>, %arg3: memref<512x128xf32, #tpu.memory_space<vmem>>) attributes {dimension_semantics = [#tpu.dimension_semantics<arbitrary>], iteration_bounds = array<i64: 20>, scalar_prefetch = 0 : i64, scratch_operands = 0 : i64, tpu.core_type = #tpu.core_type<tc>, window_params = [{transform_indices = @transform_0, window_bounds = array<i64: 512, 128>}, {pipeline_mode = #tpu.pipeline_mode<synchronous>, transform_indices = @transform_1, window_bounds = array<i64: 128, 128>}, {transform_indices = @transform_2, window_bounds = array<i64: 512, 128>}]} {
    %get3A = arith.constant 0 : index
    %get3A_0 = arith.constant 0 : index
    %get3A_1 = vector.load %arg1[%get3A, %get3A_0] : memref<512x128xf32, #tpu.memory_space<vmem>>, vector<512x128xf32>
    %get3A_2 = arith.constant 0 : index
    %get3A_3 = arith.constant 0 : index
    %get3A_4 = vector.load %arg2[%get3A_2, %get3A_3] : memref<128x128xf32, #tpu.memory_space<vmem>>, vector<128x128xf32>
    %dot_general3A = arith.constant dense<0.000000e+00> : vector<512x128xf32>
    %dot_general3A_5 = tpu.matmul %get3A_1, %get3A_4, %dot_general3A {dimension_numbers = #tpu.dot_dimension_numbers<[1], [0], [0], [1], [0, 0, 1, 1], [], []>, precision = #tpu.contract_precision<fp32>, transpose_lhs_hint = false} : vector<512x128xf32>, vector<128x128xf32>, vector<512x128xf32> -> vector<512x128xf32>
    %swap3A = arith.constant 0 : index
    %swap3A_6 = arith.constant 0 : index
    %swap3A_7 = vector.load %arg3[%swap3A, %swap3A_6] : memref<512x128xf32, #tpu.memory_space<vmem>>, vector<512x128xf32>
    tpu.vector_store %arg3[%swap3A, %swap3A_6], %dot_general3A_5 {strides = array<i32>} : memref<512x128xf32, #tpu.memory_space<vmem>>, vector<512x128xf32>,
    return
  }
  func.func @transform_0(%arg0: i32) -> (i32, i32) {
    %c0_i32 = arith.constant 0 : i32
    %c0_i32_0 = arith.constant 0 : i32
    return %arg0, %c0_i32 : i32, i32
  }
  func.func @transform_1(%arg0: i32) -> (i32, i32) {
    %c0_i32 = arith.constant 0 : i32
    %c0_i32_0 = arith.constant 0 : i32
    %c0_i32_1 = arith.constant 0 : i32
    return %c0_i32, %c0_i32_0 : i32, i32
  }
  func.func @transform_2(%arg0: i32) -> (i32, i32) {
    %c0_i32 = arith.constant 0 : i32
    %c0_i32_0 = arith.constant 0 : i32
    return %arg0, %c0_i32 : i32, i32
  }
}

module attributes {stable_mosaic.version = 14 : i64} {
  func.func @_scale_body(%arg0: i32, %arg1: memref<2x512x16xf32, #tpu.memory_space<vmem>>, %arg2: memref<512x128xf32, #tpu.memory_space<vmem>>, %arg3: memref<512x1xf32, #tpu.memory_space<vmem>>, %arg4: memref<2x512x64xf32, #tpu.memory_space<vmem>>) attributes {dimension_semantics = [#tpu.dimension_semantics<arbitrary>], iteration_bounds = array<i64: 20>, scalar_prefetch = 0 : i64, scratch_operands = 0 : i64, tpu.core_type = #tpu.core_type<tc>, window_params = [{transform_indices = @transform_0, window_bounds = array<i64: 2, 512, 16>}, {transform_indices = @transform_1, window_bounds = array<i64: 512, 128>}, {transform_indices = @transform_2, window_bounds = array<i64: 512, 1>}, {transform_indices = @transform_3, window_bounds = array<i64: 2, 512, 64>}]} {
    %get3A = arith.constant 0 : index
    %get3A_0 = arith.constant 0 : index
    %get3A_1 = arith.constant 0 : index
    %get3A_2 = vector.load %arg1[%get3A, %get3A_0, %get3A_1] : memref<2x512x16xf32, #tpu.memory_space<vmem>>, vector<1x512x1xf32>
    %get3A_3 = vector.shape_cast %get3A_2 : vector<1x512x1xf32> to vector<512x1xf32>
    %get3A_4 = arith.constant 1 : index
    %get3A_5 = arith.constant 0 : index
    %get3A_6 = arith.constant 0 : index
    %get3A_7 = vector.load %arg1[%get3A_4, %get3A_5, %get3A_6] : memref<2x512x16xf32, #tpu.memory_space<vmem>>, vector<1x512x1xf32>
    %get3A_8 = vector.shape_cast %get3A_7 : vector<1x512x1xf32> to vector<512x1xf32>
    %add3A = arith.addf %get3A_3, %get3A_8 : vector<512x1xf32>
    %add3A_9 = arith.constant 1.000000e+00 : f32
    %add3A_10 = vector.broadcast %add3A_9 : f32 to vector<512x1xf32>
    %add3A_11 = arith.addf %add3A, %add3A_10 : vector<512x1xf32>
    %rsqrt3A = math.rsqrt %add3A_11 : vector<512x1xf32>
    %swap3A = arith.constant 0 : index
    %swap3A_12 = arith.constant 0 : index
    %swap3A_13 = vector.load %arg3[%swap3A, %swap3A_12] : memref<512x1xf32, #tpu.memory_space<vmem>>, vector<512x1xf32>
    tpu.vector_store %arg3[%swap3A, %swap3A_12], %rsqrt3A {strides = array<i32>} : memref<512x1xf32, #tpu.memory_space<vmem>>, vector<512x1xf32>,
    %get3A_14 = arith.constant 0 : index
    %get3A_15 = arith.constant 0 : index
    %get3A_16 = vector.load %arg2[%get3A_14, %get3A_15] : memref<512x128xf32, #tpu.memory_space<vmem>>, vector<512x128xf32>
    %mul3A = vector.broadcast %rsqrt3A : vector<512x1xf32> to vector<512x128xf32>
    %mul3A_17 = arith.mulf %mul3A, %get3A_16 : vector<512x128xf32>
    %slice3A = vector.extract_strided_slice %mul3A_17 {offsets = [0, 0], sizes = [512, 64], strides = [1, 1]} : vector<512x128xf32> to vector<512x64xf32>
    %swap3A_18 = arith.constant 0 : index
    %swap3A_19 = arith.constant 0 : index
    %swap3A_20 = arith.constant 0 : index
    %swap3A_21 = vector.load %arg4[%swap3A_18, %swap3A_19, %swap3A_20] : memref<2x512x64xf32, #tpu.memory_space<vmem>>, vector<1x512x64xf32>
    %swap3A_22 = vector.shape_cast %swap3A_21 : vector<1x512x64xf32> to vector<512x64xf32>
    %swap3A_23 = vector.shape_cast %slice3A : vector<512x64xf32> to vector<1x512x64xf32>
    tpu.vector_store %arg4[%swap3A_18, %swap3A_19, %swap3A_20], %swap3A_23 {strides = array<i32>} : memref<2x512x64xf32, #tpu.memory_space<vmem>>, vector<1x512x64xf32>,
    %slice3A_24 = vector.extract_strided_slice %mul3A_17 {offsets = [0, 64], sizes = [512, 64], strides = [1, 1]} : vector<512x128xf32> to vector<512x64xf32>
    %swap3A_25 = arith.constant 1 : index
    %swap3A_26 = arith.constant 0 : index
    %swap3A_27 = arith.constant 0 : index
    %swap3A_28 = vector.load %arg4[%swap3A_25, %swap3A_26, %swap3A_27] : memref<2x512x64xf32, #tpu.memory_space<vmem>>, vector<1x512x64xf32>
    %swap3A_29 = vector.shape_cast %swap3A_28 : vector<1x512x64xf32> to vector<512x64xf32>
    %swap3A_30 = vector.shape_cast %slice3A_24 : vector<512x64xf32> to vector<1x512x64xf32>
    tpu.vector_store %arg4[%swap3A_25, %swap3A_26, %swap3A_27], %swap3A_30 {strides = array<i32>} : memref<2x512x64xf32, #tpu.memory_space<vmem>>, vector<1x512x64xf32>,
    return
  }
  func.func @transform_0(%arg0: i32) -> (i32, i32, i32) {
    %c0_i32 = arith.constant 0 : i32
    %c0_i32_0 = arith.constant 0 : i32
    %c0_i32_1 = arith.constant 0 : i32
    return %c0_i32, %arg0, %c0_i32_0 : i32, i32, i32
  }
  func.func @transform_1(%arg0: i32) -> (i32, i32) {
    %c0_i32 = arith.constant 0 : i32
    %c0_i32_0 = arith.constant 0 : i32
    return %arg0, %c0_i32 : i32, i32
  }
  func.func @transform_2(%arg0: i32) -> (i32, i32) {
    %c0_i32 = arith.constant 0 : i32
    %c0_i32_0 = arith.constant 0 : i32
    return %arg0, %c0_i32 : i32, i32
  }
  func.func @transform_3(%arg0: i32) -> (i32, i32, i32) {
    %c0_i32 = arith.constant 0 : i32
    %c0_i32_0 = arith.constant 0 : i32
    %c0_i32_1 = arith.constant 0 : i32
    return %c0_i32, %arg0, %c0_i32_0 : i32, i32, i32
  }
}

module attributes {stable_mosaic.version = 14 : i64} {
  func.func @_mid_body(%arg0: i32, %arg1: memref<2x512x64xf32, #tpu.memory_space<vmem>>, %arg2: memref<512x1xf32, #tpu.memory_space<vmem>>, %arg3: memref<1x128xf32, #tpu.memory_space<vmem>>, %arg4: memref<1x128xf32, #tpu.memory_space<vmem>>, %arg5: memref<1x128xf32, #tpu.memory_space<vmem>>, %arg6: memref<1x128xf32, #tpu.memory_space<vmem>>, %arg7: memref<1x128xf32, #tpu.memory_space<vmem>>, %arg8: memref<128x128xf32, #tpu.memory_space<vmem>>, %arg9: memref<2x512x64xf32, #tpu.memory_space<vmem>>) attributes {dimension_semantics = [#tpu.dimension_semantics<arbitrary>], iteration_bounds = array<i64: 20>, scalar_prefetch = 0 : i64, scratch_operands = 0 : i64, tpu.core_type = #tpu.core_type<tc>, window_params = [{transform_indices = @transform_0, window_bounds = array<i64: 2, 512, 64>}, {transform_indices = @transform_1, window_bounds = array<i64: 512, 1>}, {pipeline_mode = #tpu.pipeline_mode<synchronous>, transform_indices = @transform_2, window_bounds = array<i64: 1, 128>}, {pipeline_mode = #tpu.pipeline_mode<synchronous>, transform_indices = @transform_3, window_bounds = array<i64: 1, 128>}, {pipeline_mode = #tpu.pipeline_mode<synchronous>, transform_indices = @transform_4, window_bounds = array<i64: 1, 128>}, {pipeline_mode = #tpu.pipeline_mode<synchronous>, transform_indices = @transform_5, window_bounds = array<i64: 1, 128>}, {pipeline_mode = #tpu.pipeline_mode<synchronous>, transform_indices = @transform_6, window_bounds = array<i64: 1, 128>}, {pipeline_mode = #tpu.pipeline_mode<synchronous>, transform_indices = @transform_7, window_bounds = array<i64: 128, 128>}, {transform_indices = @transform_8, window_bounds = array<i64: 2, 512, 64>}]} {
    %get3A = arith.constant 0 : index
    %get3A_0 = arith.constant 0 : index
    %get3A_1 = vector.load %arg2[%get3A, %get3A_0] : memref<512x1xf32, #tpu.memory_space<vmem>>, vector<512x1xf32>
    %get3A_2 = arith.constant 0 : index
    %get3A_3 = arith.constant 0 : index
    %get3A_4 = arith.constant 0 : index
    %get3A_5 = vector.load %arg1[%get3A_2, %get3A_3, %get3A_4] : memref<2x512x64xf32, #tpu.memory_space<vmem>>, vector<1x512x64xf32>
    %get3A_6 = vector.shape_cast %get3A_5 : vector<1x512x64xf32> to vector<512x64xf32>
    %get3A_7 = arith.constant 1 : index
    %get3A_8 = arith.constant 0 : index
    %get3A_9 = arith.constant 0 : index
    %get3A_10 = vector.load %arg1[%get3A_7, %get3A_8, %get3A_9] : memref<2x512x64xf32, #tpu.memory_space<vmem>>, vector<1x512x64xf32>
    %get3A_11 = vector.shape_cast %get3A_10 : vector<1x512x64xf32> to vector<512x64xf32>
    %concatenate3A = tpu.concatenate %get3A_6, %get3A_11 in 1 : vector<512x64xf32>, vector<512x64xf32> -> vector<512x128xf32>
    %mul3A = vector.broadcast %get3A_1 : vector<512x1xf32> to vector<512x128xf32>
    %mul3A_12 = arith.mulf %mul3A, %concatenate3A : vector<512x128xf32>
    %get3A_13 = arith.constant 0 : index
    %get3A_14 = arith.constant 0 : index
    %get3A_15 = vector.load %arg3[%get3A_13, %get3A_14] : memref<1x128xf32, #tpu.memory_space<vmem>>, vector<1x128xf32>
    %add3A = vector.broadcast %get3A_15 : vector<1x128xf32> to vector<512x128xf32>
    %add3A_16 = arith.addf %mul3A_12, %add3A : vector<512x128xf32>
    %get3A_17 = arith.constant 0 : index
    %get3A_18 = arith.constant 0 : index
    %get3A_19 = vector.load %arg4[%get3A_17, %get3A_18] : memref<1x128xf32, #tpu.memory_space<vmem>>, vector<1x128xf32>
    %get3A_20 = arith.constant 0 : index
    %get3A_21 = arith.constant 0 : index
    %get3A_22 = vector.load %arg7[%get3A_20, %get3A_21] : memref<1x128xf32, #tpu.memory_space<vmem>>, vector<1x128xf32>
    %add3A_23 = arith.constant 9.99999974E-6 : f32
    %add3A_24 = vector.broadcast %add3A_23 : f32 to vector<1x128xf32>
    %add3A_25 = arith.addf %get3A_22, %add3A_24 : vector<1x128xf32>
    %rsqrt3A = math.rsqrt %add3A_25 : vector<1x128xf32>
    %mul3A_26 = arith.mulf %get3A_19, %rsqrt3A : vector<1x128xf32>
    %get3A_27 = arith.constant 0 : index
    %get3A_28 = arith.constant 0 : index
    %get3A_29 = vector.load %arg6[%get3A_27, %get3A_28] : memref<1x128xf32, #tpu.memory_space<vmem>>, vector<1x128xf32>
    %sub3A = vector.broadcast %get3A_29 : vector<1x128xf32> to vector<512x128xf32>
    %sub3A_30 = arith.subf %add3A_16, %sub3A : vector<512x128xf32>
    %mul3A_31 = vector.broadcast %mul3A_26 : vector<1x128xf32> to vector<512x128xf32>
    %mul3A_32 = arith.mulf %mul3A_31, %sub3A_30 : vector<512x128xf32>
    %get3A_33 = arith.constant 0 : index
    %get3A_34 = arith.constant 0 : index
    %get3A_35 = vector.load %arg5[%get3A_33, %get3A_34] : memref<1x128xf32, #tpu.memory_space<vmem>>, vector<1x128xf32>
    %add3A_36 = vector.broadcast %get3A_35 : vector<1x128xf32> to vector<512x128xf32>
    %add3A_37 = arith.addf %mul3A_32, %add3A_36 : vector<512x128xf32>
    %max3A = arith.constant 0.000000e+00 : f32
    %max3A_38 = vector.broadcast %max3A : f32 to vector<512x128xf32>
    %max3A_39 = arith.maximumf %add3A_37, %max3A_38 : vector<512x128xf32>
    %get3A_40 = arith.constant 0 : index
    %get3A_41 = arith.constant 0 : index
    %get3A_42 = vector.load %arg8[%get3A_40, %get3A_41] : memref<128x128xf32, #tpu.memory_space<vmem>>, vector<128x128xf32>
    %dot_general3A = arith.constant dense<0.000000e+00> : vector<512x128xf32>
    %dot_general3A_43 = tpu.matmul %max3A_39, %get3A_42, %dot_general3A {dimension_numbers = #tpu.dot_dimension_numbers<[1], [0], [0], [1], [0, 0, 1, 1], [], []>, precision = #tpu.contract_precision<fp32>, transpose_lhs_hint = false} : vector<512x128xf32>, vector<128x128xf32>, vector<512x128xf32> -> vector<512x128xf32>
    %mul3A_44 = vector.broadcast %get3A_1 : vector<512x1xf32> to vector<512x128xf32>
    %mul3A_45 = arith.mulf %mul3A_44, %dot_general3A_43 : vector<512x128xf32>
    %slice3A = vector.extract_strided_slice %mul3A_45 {offsets = [0, 0], sizes = [512, 64], strides = [1, 1]} : vector<512x128xf32> to vector<512x64xf32>
    %swap3A = arith.constant 0 : index
    %swap3A_46 = arith.constant 0 : index
    %swap3A_47 = arith.constant 0 : index
    %swap3A_48 = vector.load %arg9[%swap3A, %swap3A_46, %swap3A_47] : memref<2x512x64xf32, #tpu.memory_space<vmem>>, vector<1x512x64xf32>
    %swap3A_49 = vector.shape_cast %swap3A_48 : vector<1x512x64xf32> to vector<512x64xf32>
    %swap3A_50 = vector.shape_cast %slice3A : vector<512x64xf32> to vector<1x512x64xf32>
    tpu.vector_store %arg9[%swap3A, %swap3A_46, %swap3A_47], %swap3A_50 {strides = array<i32>} : memref<2x512x64xf32, #tpu.memory_space<vmem>>, vector<1x512x64xf32>,
    %slice3A_51 = vector.extract_strided_slice %mul3A_45 {offsets = [0, 64], sizes = [512, 64], strides = [1, 1]} : vector<512x128xf32> to vector<512x64xf32>
    %swap3A_52 = arith.constant 1 : index
    %swap3A_53 = arith.constant 0 : index
    %swap3A_54 = arith.constant 0 : index
    %swap3A_55 = vector.load %arg9[%swap3A_52, %swap3A_53, %swap3A_54] : memref<2x512x64xf32, #tpu.memory_space<vmem>>, vector<1x512x64xf32>
    %swap3A_56 = vector.shape_cast %swap3A_55 : vector<1x512x64xf32> to vector<512x64xf32>
    %swap3A_57 = vector.shape_cast %slice3A_51 : vector<512x64xf32> to vector<1x512x64xf32>
    tpu.vector_store %arg9[%swap3A_52, %swap3A_53, %swap3A_54], %swap3A_57 {strides = array<i32>} : memref<2x512x64xf32, #tpu.memory_space<vmem>>, vector<1x512x64xf32>,
    return
  }
  func.func @transform_0(%arg0: i32) -> (i32, i32, i32) {
    %c0_i32 = arith.constant 0 : i32
    %c0_i32_0 = arith.constant 0 : i32
    %c0_i32_1 = arith.constant 0 : i32
    return %c0_i32, %arg0, %c0_i32_0 : i32, i32, i32
  }
  func.func @transform_1(%arg0: i32) -> (i32, i32) {
    %c0_i32 = arith.constant 0 : i32
    %c0_i32_0 = arith.constant 0 : i32
    return %arg0, %c0_i32 : i32, i32
  }
  func.func @transform_2(%arg0: i32) -> (i32, i32) {
    %c0_i32 = arith.constant 0 : i32
    %c0_i32_0 = arith.constant 0 : i32
    %c0_i32_1 = arith.constant 0 : i32
    return %c0_i32, %c0_i32_0 : i32, i32
  }
  func.func @transform_3(%arg0: i32) -> (i32, i32) {
    %c0_i32 = arith.constant 0 : i32
    %c0_i32_0 = arith.constant 0 : i32
    %c0_i32_1 = arith.constant 0 : i32
    return %c0_i32, %c0_i32_0 : i32, i32
  }
  func.func @transform_4(%arg0: i32) -> (i32, i32) {
    %c0_i32 = arith.constant 0 : i32
    %c0_i32_0 = arith.constant 0 : i32
    %c0_i32_1 = arith.constant 0 : i32
    return %c0_i32, %c0_i32_0 : i32, i32
  }
  func.func @transform_5(%arg0: i32) -> (i32, i32) {
    %c0_i32 = arith.constant 0 : i32
    %c0_i32_0 = arith.constant 0 : i32
    %c0_i32_1 = arith.constant 0 : i32
    return %c0_i32, %c0_i32_0 : i32, i32
  }
  func.func @transform_6(%arg0: i32) -> (i32, i32) {
    %c0_i32 = arith.constant 0 : i32
    %c0_i32_0 = arith.constant 0 : i32
    %c0_i32_1 = arith.constant 0 : i32
    return %c0_i32, %c0_i32_0 : i32, i32
  }
  func.func @transform_7(%arg0: i32) -> (i32, i32) {
    %c0_i32 = arith.constant 0 : i32
    %c0_i32_0 = arith.constant 0 : i32
    %c0_i32_1 = arith.constant 0 : i32
    return %c0_i32, %c0_i32_0 : i32, i32
  }
  func.func @transform_8(%arg0: i32) -> (i32, i32, i32) {
    %c0_i32 = arith.constant 0 : i32
    %c0_i32_0 = arith.constant 0 : i32
    %c0_i32_1 = arith.constant 0 : i32
    return %c0_i32, %arg0, %c0_i32_0 : i32, i32, i32
  }
}

module attributes {stable_mosaic.version = 14 : i64} {
  func.func @_mid_body(%arg0: i32, %arg1: memref<2x512x64xf32, #tpu.memory_space<vmem>>, %arg2: memref<512x1xf32, #tpu.memory_space<vmem>>, %arg3: memref<1x128xf32, #tpu.memory_space<vmem>>, %arg4: memref<1x128xf32, #tpu.memory_space<vmem>>, %arg5: memref<1x128xf32, #tpu.memory_space<vmem>>, %arg6: memref<1x128xf32, #tpu.memory_space<vmem>>, %arg7: memref<1x128xf32, #tpu.memory_space<vmem>>, %arg8: memref<128x16xf32, #tpu.memory_space<vmem>>, %arg9: memref<2x512x16xf32, #tpu.memory_space<vmem>>) attributes {dimension_semantics = [#tpu.dimension_semantics<arbitrary>], iteration_bounds = array<i64: 20>, scalar_prefetch = 0 : i64, scratch_operands = 0 : i64, tpu.core_type = #tpu.core_type<tc>, window_params = [{transform_indices = @transform_0, window_bounds = array<i64: 2, 512, 64>}, {transform_indices = @transform_1, window_bounds = array<i64: 512, 1>}, {pipeline_mode = #tpu.pipeline_mode<synchronous>, transform_indices = @transform_2, window_bounds = array<i64: 1, 128>}, {pipeline_mode = #tpu.pipeline_mode<synchronous>, transform_indices = @transform_3, window_bounds = array<i64: 1, 128>}, {pipeline_mode = #tpu.pipeline_mode<synchronous>, transform_indices = @transform_4, window_bounds = array<i64: 1, 128>}, {pipeline_mode = #tpu.pipeline_mode<synchronous>, transform_indices = @transform_5, window_bounds = array<i64: 1, 128>}, {pipeline_mode = #tpu.pipeline_mode<synchronous>, transform_indices = @transform_6, window_bounds = array<i64: 1, 128>}, {pipeline_mode = #tpu.pipeline_mode<synchronous>, transform_indices = @transform_7, window_bounds = array<i64: 128, 16>}, {transform_indices = @transform_8, window_bounds = array<i64: 2, 512, 16>}]} {
    %get3A = arith.constant 0 : index
    %get3A_0 = arith.constant 0 : index
    %get3A_1 = vector.load %arg2[%get3A, %get3A_0] : memref<512x1xf32, #tpu.memory_space<vmem>>, vector<512x1xf32>
    %get3A_2 = arith.constant 0 : index
    %get3A_3 = arith.constant 0 : index
    %get3A_4 = arith.constant 0 : index
    %get3A_5 = vector.load %arg1[%get3A_2, %get3A_3, %get3A_4] : memref<2x512x64xf32, #tpu.memory_space<vmem>>, vector<1x512x64xf32>
    %get3A_6 = vector.shape_cast %get3A_5 : vector<1x512x64xf32> to vector<512x64xf32>
    %get3A_7 = arith.constant 1 : index
    %get3A_8 = arith.constant 0 : index
    %get3A_9 = arith.constant 0 : index
    %get3A_10 = vector.load %arg1[%get3A_7, %get3A_8, %get3A_9] : memref<2x512x64xf32, #tpu.memory_space<vmem>>, vector<1x512x64xf32>
    %get3A_11 = vector.shape_cast %get3A_10 : vector<1x512x64xf32> to vector<512x64xf32>
    %concatenate3A = tpu.concatenate %get3A_6, %get3A_11 in 1 : vector<512x64xf32>, vector<512x64xf32> -> vector<512x128xf32>
    %mul3A = vector.broadcast %get3A_1 : vector<512x1xf32> to vector<512x128xf32>
    %mul3A_12 = arith.mulf %mul3A, %concatenate3A : vector<512x128xf32>
    %get3A_13 = arith.constant 0 : index
    %get3A_14 = arith.constant 0 : index
    %get3A_15 = vector.load %arg3[%get3A_13, %get3A_14] : memref<1x128xf32, #tpu.memory_space<vmem>>, vector<1x128xf32>
    %add3A = vector.broadcast %get3A_15 : vector<1x128xf32> to vector<512x128xf32>
    %add3A_16 = arith.addf %mul3A_12, %add3A : vector<512x128xf32>
    %get3A_17 = arith.constant 0 : index
    %get3A_18 = arith.constant 0 : index
    %get3A_19 = vector.load %arg4[%get3A_17, %get3A_18] : memref<1x128xf32, #tpu.memory_space<vmem>>, vector<1x128xf32>
    %get3A_20 = arith.constant 0 : index
    %get3A_21 = arith.constant 0 : index
    %get3A_22 = vector.load %arg7[%get3A_20, %get3A_21] : memref<1x128xf32, #tpu.memory_space<vmem>>, vector<1x128xf32>
    %add3A_23 = arith.constant 9.99999974E-6 : f32
    %add3A_24 = vector.broadcast %add3A_23 : f32 to vector<1x128xf32>
    %add3A_25 = arith.addf %get3A_22, %add3A_24 : vector<1x128xf32>
    %rsqrt3A = math.rsqrt %add3A_25 : vector<1x128xf32>
    %mul3A_26 = arith.mulf %get3A_19, %rsqrt3A : vector<1x128xf32>
    %get3A_27 = arith.constant 0 : index
    %get3A_28 = arith.constant 0 : index
    %get3A_29 = vector.load %arg6[%get3A_27, %get3A_28] : memref<1x128xf32, #tpu.memory_space<vmem>>, vector<1x128xf32>
    %sub3A = vector.broadcast %get3A_29 : vector<1x128xf32> to vector<512x128xf32>
    %sub3A_30 = arith.subf %add3A_16, %sub3A : vector<512x128xf32>
    %mul3A_31 = vector.broadcast %mul3A_26 : vector<1x128xf32> to vector<512x128xf32>
    %mul3A_32 = arith.mulf %mul3A_31, %sub3A_30 : vector<512x128xf32>
    %get3A_33 = arith.constant 0 : index
    %get3A_34 = arith.constant 0 : index
    %get3A_35 = vector.load %arg5[%get3A_33, %get3A_34] : memref<1x128xf32, #tpu.memory_space<vmem>>, vector<1x128xf32>
    %add3A_36 = vector.broadcast %get3A_35 : vector<1x128xf32> to vector<512x128xf32>
    %add3A_37 = arith.addf %mul3A_32, %add3A_36 : vector<512x128xf32>
    %max3A = arith.constant 0.000000e+00 : f32
    %max3A_38 = vector.broadcast %max3A : f32 to vector<512x128xf32>
    %max3A_39 = arith.maximumf %add3A_37, %max3A_38 : vector<512x128xf32>
    %get3A_40 = arith.constant 0 : index
    %get3A_41 = arith.constant 0 : index
    %get3A_42 = vector.load %arg8[%get3A_40, %get3A_41] : memref<128x16xf32, #tpu.memory_space<vmem>>, vector<128x16xf32>
    %dot_general3A = arith.constant dense<0.000000e+00> : vector<512x16xf32>
    %dot_general3A_43 = tpu.matmul %max3A_39, %get3A_42, %dot_general3A {dimension_numbers = #tpu.dot_dimension_numbers<[1], [0], [0], [1], [0, 0, 1, 1], [], []>, precision = #tpu.contract_precision<fp32>, transpose_lhs_hint = false} : vector<512x128xf32>, vector<128x16xf32>, vector<512x16xf32> -> vector<512x16xf32>
    %mul3A_44 = vector.broadcast %get3A_1 : vector<512x1xf32> to vector<512x16xf32>
    %mul3A_45 = arith.mulf %mul3A_44, %dot_general3A_43 : vector<512x16xf32>
    %swap3A = arith.constant 0 : index
    %swap3A_46 = arith.constant 0 : index
    %swap3A_47 = arith.constant 0 : index
    %swap3A_48 = vector.load %arg9[%swap3A, %swap3A_46, %swap3A_47] : memref<2x512x16xf32, #tpu.memory_space<vmem>>, vector<1x512x16xf32>
    %swap3A_49 = vector.shape_cast %swap3A_48 : vector<1x512x16xf32> to vector<512x16xf32>
    %swap3A_50 = vector.shape_cast %mul3A_45 : vector<512x16xf32> to vector<1x512x16xf32>
    tpu.vector_store %arg9[%swap3A, %swap3A_46, %swap3A_47], %swap3A_50 {strides = array<i32>} : memref<2x512x16xf32, #tpu.memory_space<vmem>>, vector<1x512x16xf32>,
    %broadcast_in_dim3A = arith.constant 0.000000e+00 : f32
    %broadcast_in_dim3A_51 = vector.broadcast %broadcast_in_dim3A : f32 to vector<512x16xf32>
    %swap3A_52 = arith.constant 1 : index
    %swap3A_53 = arith.constant 0 : index
    %swap3A_54 = arith.constant 0 : index
    %swap3A_55 = vector.load %arg9[%swap3A_52, %swap3A_53, %swap3A_54] : memref<2x512x16xf32, #tpu.memory_space<vmem>>, vector<1x512x16xf32>
    %swap3A_56 = vector.shape_cast %swap3A_55 : vector<1x512x16xf32> to vector<512x16xf32>
    %swap3A_57 = vector.shape_cast %broadcast_in_dim3A_51 : vector<512x16xf32> to vector<1x512x16xf32>
    tpu.vector_store %arg9[%swap3A_52, %swap3A_53, %swap3A_54], %swap3A_57 {strides = array<i32>} : memref<2x512x16xf32, #tpu.memory_space<vmem>>, vector<1x512x16xf32>,
    return
  }
  func.func @transform_0(%arg0: i32) -> (i32, i32, i32) {
    %c0_i32 = arith.constant 0 : i32
    %c0_i32_0 = arith.constant 0 : i32
    %c0_i32_1 = arith.constant 0 : i32
    return %c0_i32, %arg0, %c0_i32_0 : i32, i32, i32
  }
  func.func @transform_1(%arg0: i32) -> (i32, i32) {
    %c0_i32 = arith.constant 0 : i32
    %c0_i32_0 = arith.constant 0 : i32
    return %arg0, %c0_i32 : i32, i32
  }
  func.func @transform_2(%arg0: i32) -> (i32, i32) {
    %c0_i32 = arith.constant 0 : i32
    %c0_i32_0 = arith.constant 0 : i32
    %c0_i32_1 = arith.constant 0 : i32
    return %c0_i32, %c0_i32_0 : i32, i32
  }
  func.func @transform_3(%arg0: i32) -> (i32, i32) {
    %c0_i32 = arith.constant 0 : i32
    %c0_i32_0 = arith.constant 0 : i32
    %c0_i32_1 = arith.constant 0 : i32
    return %c0_i32, %c0_i32_0 : i32, i32
  }
  func.func @transform_4(%arg0: i32) -> (i32, i32) {
    %c0_i32 = arith.constant 0 : i32
    %c0_i32_0 = arith.constant 0 : i32
    %c0_i32_1 = arith.constant 0 : i32
    return %c0_i32, %c0_i32_0 : i32, i32
  }
  func.func @transform_5(%arg0: i32) -> (i32, i32) {
    %c0_i32 = arith.constant 0 : i32
    %c0_i32_0 = arith.constant 0 : i32
    %c0_i32_1 = arith.constant 0 : i32
    return %c0_i32, %c0_i32_0 : i32, i32
  }
  func.func @transform_6(%arg0: i32) -> (i32, i32) {
    %c0_i32 = arith.constant 0 : i32
    %c0_i32_0 = arith.constant 0 : i32
    %c0_i32_1 = arith.constant 0 : i32
    return %c0_i32, %c0_i32_0 : i32, i32
  }
  func.func @transform_7(%arg0: i32) -> (i32, i32) {
    %c0_i32 = arith.constant 0 : i32
    %c0_i32_0 = arith.constant 0 : i32
    %c0_i32_1 = arith.constant 0 : i32
    return %c0_i32, %c0_i32_0 : i32, i32
  }
  func.func @transform_8(%arg0: i32) -> (i32, i32, i32) {
    %c0_i32 = arith.constant 0 : i32
    %c0_i32_0 = arith.constant 0 : i32
    %c0_i32_1 = arith.constant 0 : i32
    return %c0_i32, %arg0, %c0_i32_0 : i32, i32, i32
  }
}

module attributes {stable_mosaic.version = 14 : i64} {
  func.func @_final_body(%arg0: i32, %arg1: memref<2x400x16xf32, #tpu.memory_space<vmem>>, %arg2: memref<400x1xf32, #tpu.memory_space<vmem>>, %arg3: memref<1x16xf32, #tpu.memory_space<vmem>>, %arg4: memref<400x16xf32, #tpu.memory_space<vmem>>) attributes {dimension_semantics = [#tpu.dimension_semantics<arbitrary>], iteration_bounds = array<i64: 25>, scalar_prefetch = 0 : i64, scratch_operands = 0 : i64, tpu.core_type = #tpu.core_type<tc>, window_params = [{transform_indices = @transform_0, window_bounds = array<i64: 2, 400, 16>}, {transform_indices = @transform_1, window_bounds = array<i64: 400, 1>}, {pipeline_mode = #tpu.pipeline_mode<synchronous>, transform_indices = @transform_2, window_bounds = array<i64: 1, 16>}, {transform_indices = @transform_3, window_bounds = array<i64: 400, 16>}]} {
    %get3A = arith.constant 0 : index
    %get3A_0 = arith.constant 0 : index
    %get3A_1 = vector.load %arg2[%get3A, %get3A_0] : memref<400x1xf32, #tpu.memory_space<vmem>>, vector<400x1xf32>
    %get3A_2 = arith.constant 0 : index
    %get3A_3 = arith.constant 0 : index
    %get3A_4 = arith.constant 0 : index
    %get3A_5 = vector.load %arg1[%get3A_2, %get3A_3, %get3A_4] : memref<2x400x16xf32, #tpu.memory_space<vmem>>, vector<1x400x16xf32>
    %get3A_6 = vector.shape_cast %get3A_5 : vector<1x400x16xf32> to vector<400x16xf32>
    %get3A_7 = arith.constant 1 : index
    %get3A_8 = arith.constant 0 : index
    %get3A_9 = arith.constant 0 : index
    %get3A_10 = vector.load %arg1[%get3A_7, %get3A_8, %get3A_9] : memref<2x400x16xf32, #tpu.memory_space<vmem>>, vector<1x400x16xf32>
    %get3A_11 = vector.shape_cast %get3A_10 : vector<1x400x16xf32> to vector<400x16xf32>
    %add3A = arith.addf %get3A_6, %get3A_11 : vector<400x16xf32>
    %mul3A = vector.broadcast %get3A_1 : vector<400x1xf32> to vector<400x16xf32>
    %mul3A_12 = arith.mulf %mul3A, %add3A : vector<400x16xf32>
    %get3A_13 = arith.constant 0 : index
    %get3A_14 = arith.constant 0 : index
    %get3A_15 = vector.load %arg3[%get3A_13, %get3A_14] : memref<1x16xf32, #tpu.memory_space<vmem>>, vector<1x16xf32>
    %add3A_16 = vector.broadcast %get3A_15 : vector<1x16xf32> to vector<400x16xf32>
    %add3A_17 = arith.addf %mul3A_12, %add3A_16 : vector<400x16xf32>
    %reduce_max3A = arith.constant dense<0xFF800000> : vector<400xf32>
    %reduce_max3A_18 = vector.multi_reduction <maximumf>, %add3A_17, %reduce_max3A [1] : vector<400x16xf32> to vector<400xf32>
    %broadcast_in_dim3A = vector.shape_cast %reduce_max3A_18 : vector<400xf32> to vector<400x1xf32>
    %sub3A = vector.broadcast %broadcast_in_dim3A : vector<400x1xf32> to vector<400x16xf32>
    %sub3A_19 = arith.subf %add3A_17, %sub3A : vector<400x16xf32>
    %exp3A = math.exp %sub3A_19 : vector<400x16xf32>
    %sub3A_20 = vector.broadcast %broadcast_in_dim3A : vector<400x1xf32> to vector<400x16xf32>
    %sub3A_21 = arith.subf %add3A_17, %sub3A_20 : vector<400x16xf32>
    %reduce_sum3A = arith.constant dense<0.000000e+00> : vector<400xf32>
    %reduce_sum3A_22 = vector.multi_reduction <add>, %exp3A, %reduce_sum3A [1] : vector<400x16xf32> to vector<400xf32>
    %broadcast_in_dim3A_23 = vector.shape_cast %reduce_sum3A_22 : vector<400xf32> to vector<400x1xf32>
    %log3A = math.log %broadcast_in_dim3A_23 : vector<400x1xf32>
    %sub3A_24 = vector.broadcast %log3A : vector<400x1xf32> to vector<400x16xf32>
    %sub3A_25 = arith.subf %sub3A_21, %sub3A_24 : vector<400x16xf32>
    %swap3A = arith.constant 0 : index
    %swap3A_26 = arith.constant 0 : index
    %swap3A_27 = vector.load %arg4[%swap3A, %swap3A_26] : memref<400x16xf32, #tpu.memory_space<vmem>>, vector<400x16xf32>
    tpu.vector_store %arg4[%swap3A, %swap3A_26], %sub3A_25 {strides = array<i32>} : memref<400x16xf32, #tpu.memory_space<vmem>>, vector<400x16xf32>,
    return
  }
  func.func @transform_0(%arg0: i32) -> (i32, i32, i32) {
    %c0_i32 = arith.constant 0 : i32
    %c0_i32_0 = arith.constant 0 : i32
    %c0_i32_1 = arith.constant 0 : i32
    return %c0_i32, %arg0, %c0_i32_0 : i32, i32, i32
  }
  func.func @transform_1(%arg0: i32) -> (i32, i32) {
    %c0_i32 = arith.constant 0 : i32
    %c0_i32_0 = arith.constant 0 : i32
    return %arg0, %c0_i32 : i32, i32
  }
  func.func @transform_2(%arg0: i32) -> (i32, i32) {
    %c0_i32 = arith.constant 0 : i32
    %c0_i32_0 = arith.constant 0 : i32
    %c0_i32_1 = arith.constant 0 : i32
    return %c0_i32, %c0_i32_0 : i32, i32
  }
  func.func @transform_3(%arg0: i32) -> (i32, i32) {
    %c0_i32 = arith.constant 0 : i32
    %c0_i32_0 = arith.constant 0 : i32
    return %arg0, %c0_i32 : i32, i32
  }
}

</mosaic_0001>

<sc_bundles>
// kernel: kernel.11.cloned.1.call-start
scs
__scs_entry_jumppad:
0x0: {  	(pc) =	sbr.rel $0x88, $3  }
0x1: {  	(tag) =	ssettag $0x0;
	lr =	simm.s32 $0x1  }
0x2: {  	[smem:$0x3F91] =	sst lr;
	_ =	strace $0xD0000000  }
0x3: {  	_ = 	snop  }
0x4: {  	_ = 	snop  }
0x5: {  	_ = 	snop  }
0x6: {  	_ = 	snop  }
0x7: {  	_ = 	snop  }
__scs_overlays_trampoline_lowered:
0x8: {  	[smem:$0x3FA0] =	sst s0  }
0x9: {  	[smem:$0x3FA1] =	sst s1  }
0xa: {  	[smem:$0x3FA2] =	sst s2  }
0xb: {  	[smem:$0x3FA3] =	sst s3  }
0xc: {  	[smem:$0x3FA4] =	sst s4  }
0xd: {  	[smem:$0x3FA5] =	sst s5  }
0xe: {  	[smem:$0x3FA6] =	sst s6  }
0xf: {  	[smem:$0x3FA7] =	sst s7  }
0x10: {  	[smem:$0x3FA8] =	sst s8  }
0x11: {  	[smem:$0x3FA9] =	sst s9;
	s0 =	simm.s32 @!p0 $0x0  }
0x12: {  	s1 =	sld [smem:$0x3F8F];
	s0 =	simm.s32 @p0 $0x1  }
0x13: {  	[smem:$0x3FAA] =	sst s0;
	s0 =	simm.s32 @!p1 $0x0  }
0x14: {  	s2 =	sld [smem:$0x3F8E];
	s0 =	simm.s32 @p1 $0x1  }
0x15: {  	[smem:$0x3FAB] =	sst s0;
	s0 =	simm.s32 @!p2 $0x0  }
0x16: {  	s3 =	sld [smem:$0x3FDB];
	s0 =	simm.s32 @p2 $0x1  }
0x17: {  	s4 =	simm.s32 $0x1BF5;
	[smem:$0x3FAD] =	sst s0  }
0x18: {  	s0 =	sld [smem:$0x3F90];
	_ =	swait.ge [sflag:s4], $0x0  }
0x19: {  	s7 =	sld [smem:$0x3F91]  }
0x1a: {  	s8 =	sadd.s32 $0xFFFFE003, lr  }
0x1b: {  	s9 =	sadd.s32 $0xFFFFFEF7, lr;
	s5 =	simm.s32 $0xFFFFFFFF;
	p2 =	slt.u32 s8, $0xFFFFF086  }
0x1c: {  	p1 =	slt.u32 s9, $0xF7A;
	s5 =	simm.s32 @!p2 $0x0  }
0x1d: {  	s5 =	simm.s32 @p1 $0x1;
	p0 =	seq.s32 s7, s2  }
0x1e: {  	s7 =	smul.u32 @!p0 $0xF7A, s2;
	p2 =	seq.s32 @!p0 s5, $0x0  }
0x1f: {  	s9 =	smul.u32 $0xF7A, s1;
	s8 =	simm.s32 @!p0 $0x1BF5;
	p2 =	por !p2, p0  }
0x20: {  	[sflag:s8] =	ssyncset.s32 @!p0 $0xFFFFF086;
	s6 =	sadd.s32 @!p0 s3, s7;
	s7 =	simm.s32 @!p0 $0x108  }
0x21: {  	s3 =	sadd.s32 s3, s9;
	s6 =	sadd.s32 @!p0 $0x88, s6;
	s7 =	simm.s32 @p2 $0x1082  }
0x22: {  	[simem:s7], [sflag:s8] =	dma.local @!p0 [hbm:s6], $0xF7A  }
0x23: {  	s9 =	sor.u32 $0xD0000000, s2;
	s6 =	simm.s32 $0x108;
	_ =	swait.ge @!p0 [sflag:s8], $0x0  }
0x24: {  	s3 =	sadd.s32 $0x88, s3;
	s6 =	simm.s32 @!p1 $0x1082;
	[sflag:s4] =	ssyncset.s32 $0xFFFFF086  }
0x25: {  	[simem:s6], [sflag:s4] =	dma.local [hbm:s3], $0xF7A  }
0x26: {  	[smem:$0x3F91] =	sst s1;
	(tag) =	ssettag s2;
	_ =	strace s9  }
0x27: {  	s1 =	sld [smem:$0x3FA1]  }
0x28: {  	s2 =	sld [smem:$0x3FA2]  }
0x29: {  	s4 =	sld [smem:$0x3FA4]  }
0x2a: {  	p0 =	seq.s32 s5, $0x0;
	s5 =	sld [smem:$0x3FA5]  }
0x2b: {  	s6 =	sld [smem:$0x3FA6]  }
0x2c: {  	s7 =	sld [smem:$0x3FA7]  }
0x2d: {  	s3 =	simm.s32 $0x108;
	s8 =	sld [smem:$0x3FA8]  }
0x2e: {  	s3 =	simm.s32 @!p0 $0x1082;
	s9 =	sld [smem:$0x3FA9]  }
0x2f: {  	lr =	sadd.s32 s0, s3;
	s0 =	sld [smem:$0x3FA0]  }
0x30: {  	s3 =	sld [smem:$0x3FA3]  }
0x31: {  	[smem:$0x3FAC] =	sst s10  }
0x32: {  	s10 =	sld [smem:$0x3FAA];
	_ =	sdelay $0x3  }
0x33: {  	p0 =	seq.s32 s10, $0x1;
	s10 =	sld [smem:$0x3FAC];
	_ =	sdelay $0x3  }
0x34: {  	[smem:$0x3FAC] =	sst s10  }
0x35: {  	s10 =	sld [smem:$0x3FAB];
	_ =	sdelay $0x3  }
0x36: {  	p1 =	seq.s32 s10, $0x1;
	s10 =	sld [smem:$0x3FAC];
	_ =	sdelay $0x3  }
0x37: {  	[smem:$0x3FAC] =	sst s10  }
0x38: {  	s10 =	sld [smem:$0x3FAD]  }
0x39: {  	_ = 	snop;
	(pc) =	sbr.ind lr, $3  }
0x3a: {  	_ = 	snop  }
0x3b: {  	_ = 	snop  }
0x3c: {  	p2 =	seq.s32 s10, $0x1;
	s10 =	sld [smem:$0x3FAC]  }
0x3d: {  	_ =	shalt  }
0x3e: {  	_ =	shalt  }
0x3f: {  	_ =	shalt  }
0x40: {  	_ =	shalt  }
0x41: {  	_ =	shalt  }
0x42: {  	_ =	shalt  }
0x43: {  	_ =	shalt  }
0x44: {  	_ =	shalt  }
0x45: {  	_ =	shalt  }
0x46: {  	_ =	shalt  }
0x47: {  	_ =	shalt  }
0x48: {  	_ =	shalt  }
0x49: {  	_ =	shalt  }
0x4a: {  	_ =	shalt  }
0x4b: {  	_ =	shalt  }
0x4c: {  	_ =	shalt  }
0x4d: {  	_ =	shalt  }
0x4e: {  	_ =	shalt  }
0x4f: {  	_ =	shalt  }
0x50: {  	_ =	shalt  }
0x51: {  	_ =	shalt  }
0x52: {  	_ =	shalt  }
0x53: {  	_ =	shalt  }
0x54: {  	_ =	shalt  }
0x55: {  	_ =	shalt  }
0x56: {  	_ =	shalt  }
0x57: {  	_ =	shalt  }
0x58: {  	_ =	shalt  }
0x59: {  	_ =	shalt  }
0x5a: {  	_ =	shalt  }
0x5b: {  	_ =	shalt  }
0x5c: {  	_ =	shalt  }
0x5d: {  	_ =	shalt  }
0x5e: {  	_ =	shalt  }
0x5f: {  	_ =	shalt  }
0x60: {  	_ =	shalt  }
0x61: {  	_ =	shalt  }
0x62: {  	_ =	shalt  }
0x63: {  	_ =	shalt  }
0x64: {  	_ =	shalt  }
0x65: {  	_ =	shalt  }
0x66: {  	_ =	shalt  }
0x67: {  	_ =	shalt  }
0x68: {  	_ =	shalt  }
0x69: {  	_ =	shalt  }
0x6a: {  	_ =	shalt  }
0x6b: {  	_ =	shalt  }
0x6c: {  	_ =	shalt  }
0x6d: {  	_ =	shalt  }
0x6e: {  	_ =	shalt  }
0x6f: {  	_ =	shalt  }
0x70: {  	_ =	shalt  }
0x71: {  	_ =	shalt  }
0x72: {  	_ =	shalt  }
0x73: {  	_ =	shalt  }
0x74: {  	_ =	shalt  }
0x75: {  	_ =	shalt  }
0x76: {  	_ =	shalt  }
0x77: {  	_ =	shalt  }
0x78: {  	_ =	shalt  }
0x79: {  	_ =	shalt  }
0x7a: {  	_ =	shalt  }
0x7b: {  	_ =	shalt  }
0x7c: {  	_ =	shalt  }
0x7d: {  	_ =	shalt  }
0x7e: {  	_ =	shalt  }
0x7f: {  	_ =	shalt  }
0x80: {  	_ =	shalt  }
0x81: {  	_ =	shalt  }
0x82: {  	_ =	shalt  }
0x83: {  	_ =	shalt  }
0x84: {  	_ =	shalt  }
0x85: {  	_ =	shalt  }
0x86: {  	_ =	shalt  }
0x87: {  	_ =	shalt  }
.Lfunc_end0:
.L_simem_size_0:
called_computation_lowered:
.L_overlay_start_0:
0x88: {  	s2 =	sld [smem:$0x3FD9]  }
0x89: {  	s3 =	sld [smem:$0x3FFE];
	_ =	sdelay $0x1  }
0x8a: {  	s1 =	srdreg.scid  }
0x8b: {  	s0 =	sand.u32 $0x1, s1  }
0x8c: {  	s17 =	sshll.u32 s0, $0xA;
	s2 =	sadd.s32 s3, s2  }
0x8d: {  	s2 =	sadd.s32 s2, s17  }
0x8e: {  	[smem:$0x3FB8] =	sst s2  }
0x8f: {  	_ = 	snop  }
0x90: {  	s2 =	sld [smem:$0x3FD0];
	(tm) =	ssettm $0x1  }
0x91: {  	s18 =	sld [smem:$0x3FFB];
	_ =	sdelay $0x3  }
0x92: {  	_ =	strace s18  }
0x93: {  	s3 =	sld [smem:$0x3FFC];
	_ =	sdelay $0x3  }
0x94: {  	_ =	strace s3  }
0x95: {  	s3 =	sld [smem:$0x3FFD];
	_ =	sdelay $0x3  }
0x96: {  	_ =	strace s3  }
0x97: {  	_ =	strace $0x8FFFFFFF  }
0x98: {  	s19 =	sld [smem:$0x3FDB];
	_ =	sdelay $0x1  }
0x99: {  	s4 =	simm.s32 $_scs_section_size  }
0x9a: {  	s5 =	simm.s32 $_size__tile_overlayer_lowered;
	s6 =	simm.s32 $_tile_overlayer_lowered  }
0x9b: {  	s22 =	simm.s32 $0x1BFF;
	s21 =	sshll.u32 s6, $0x1;
	s3 =	sadd.s32 s4, s19  }
0x9c: {  	s7 =	simm.s32 $0x0;
	s20 =	sshll.u32 s5, $0x1;
	s5 =	sadd.s32 s21, s3  }
0x9d: {  	[timem:s7], [sflag:s22] =	dma.local [hbm:s5], s20  }
0x9e: {  	_ =	swait.ge [sflag:s22], s20  }
0x9f: {  	s4 =	ssub.s32 $0x0, s20;
	[sflag:s22] =	ssyncset.done $0x0  }
0xa0: {  	[sflag:s22] =	ssyncadd.s32 s4;
	_ =	sdelay $0x1  }
0xa1: {  	s23 =	simm.s32 $0x1B8B  }
0xa2: {  	_ =	swait.ge [sflag:s23], $0x1  }
0xa3: {  	[sflag:s23] =	ssyncset.done $0x0  }
0xa4: {  	s25 =	simm.s32 $0x1B8E;
	s24 =	sld [smem:$0x3FFE];
	[sflag:s23] =	ssyncadd.s32 $0xFFFFFFFF  }
0xa5: {  	s26 =	simm.s32 $execute0_lowered;
	[smem:$0x3FD2] =	sst s25  }
0xa6: {  	s5 =	sshll.u32 s26, $0x1;
	_ =	strace $0x80000046;
	[dreg:$0x1] =	wrdreg $0xFFFFFFFF  }
0xa7: {  	s28 =	simm.s32 $_size_execute0_lowered;
	s3 =	sadd.s32 s3, s5;
	[dreg:$0x0] =	wrdreg $0x0  }
0xa8: {  	s5 =	sshll.u32 s28, $0x1;
	[dreg:$0x2] =	wrdreg s3  }
0xa9: {  	[dreg:$0x3] =	wrdreg s5  }
0xaa: {  	[dreg:$0x4] =	wrdreg $0xC0  }
0xab: {  	_ =	task [dreg:s7], $0x5FFFF  }
0xac: {  	[dreg:$0x1] =	wrdreg $0xFFFFFFFF  }
0xad: {  	[dreg:$0x0] =	wrdreg $0x60  }
0xae: {  	[dreg:$0x2] =	wrdreg s24  }
0xaf: {  	[dreg:$0x3] =	wrdreg s2  }
0xb0: {  	[dreg:$0x4] =	wrdreg $0x30000  }
0xb1: {  	[dreg:$0x5] =	wrdreg $0x9  }
0xb2: {  	_ =	task.clear_ibuf [dreg:s7], $0x6FFFF;
	_ =	strace $0x90000046  }
0xb3: {  	s29 =	simm.s32 $0x9;
	_ =	strace $0x80000048  }
0xb4: {  	_ =	swait.ge [sflag:s29], $0x1  }
0xb5: {  	[sflag:s29] =	ssyncadd.s32 $0xFFFFFFFF  }
0xb6: {  	_ =	strace $0x90000048  }
0xb7: {  	_ =	sfence  }
0xb8: {  	s30 =	sld [smem:$0x0];
	_ =	sdelay $0x2  }
0xb9: {  	s31 =	sshll.u32 s1, $0xD;
	s1 =	sshrl.u32 s1, $0x2  }
0xba: {  	s3 =	sand.u32 $0x4000, s31;
	s1 =	sadd.s32 s1, s30  }
0xbb: {  	s0 =	sor.u32 s3, s0;
	s1 =	sshll.u32 s1, $0x11  }
0xbc: {  	s0 =	sor.u32 s1, s0  }
0xbd: {  	s0 =	sadd.s32 $0x8F2B, s0  }
0xbe: {  	[sflag:s0] =	ssyncadd.remote.s32 $0x1  }
0xbf: {  	_ =	sfence.sel $0xFFFF  }
0xc0: {  	[dreg:$0x0] =	wrdreg $0xFFFFFFFF;
	(pc) =	sbr.abs _section_cstart, $3  }
0xc1: {  	[dreg:$0x1] =	wrdreg $0xFFFFFFFF  }
0xc2: {  	_ =	task.clear_ibuf [dreg:s7], $0x2FFFF;
	_ =	strace $0x9FFFFFFF  }
0xc3: {  	(tm) =	ssettm $0x7FFFFFFF  }
tec
execute0_lowered:
.L_overlay_start_1:
0x0: {  	(tag) =	ssettag $0x1  }
0x1: {  	s6 =	rddreg [dreg:$0x0]  }
0x2: {  	s2 =	rddreg [dreg:$0x1]  }
0x3: {  	s3 =	rddreg [dreg:$0x2]  }
0x4: {  	s0 =	rddreg [dreg:$0x3];
	s4 =	srdreg.scid  }
0x5: {  	s1 =	stileid.u32;
	s12 =	simm.s32 $0x2800;
	s13 =	simm.s32 $0x80  }
0x6: {  	s14 =	simm.s32 $0x1;
	s15 =	simm.s32 $0x0;
	s5 =	sand.u32 $0x1, s4  }
0x7: {  	s7 =	sshll.u32 s1, $0x1;
	s8 =	smul.u32 $0x2800, s1;
	s4 =	simm.s32 $0x0  }
0x8: {  	s31 =	sshll.u32 s1, $0x6;
	s7 =	sor.u32 s5, s7;
	s9 =	smul.u32 $0x28000, s5  }
0x9: {  	[smem:$0x7FF] =	sst s4;
	s10 =	ssub.s32 $0x2, s5;
	s5 =	sadd.s32 $0x2800, s6  }
0xa: {  	s7 =	smul.u32 $0x500, s7;
	_ =	strace $0x80000047;
	s11 =	sshrl.u32 s10, $0x1  }
0xb: {  	s30 =	sadd.s32 s8, s3;
	s9 =	sadd.s32 s8, s9;
	s10 =	ssub.s32 s10, s11  }
0xc: {  	s11 =	sshrl.u32 s30, $0x3;
	s7 =	sadd.s32 s7, s6;
	s9 =	sshrl.u32 s9, $0x3  }
0xd: {  	s8 =	smax.u32 s10, $0x1;
	s10 =	sor.u32 $0x1C02, s31;
	s9 =	sadd.s32 s9, s6  }
0xe: {  	s6 =	sadd.s32 $0x2A00, s7;
	s7 =	sadd.s32 $0xCA00, s9;
	s9 =	simm.s32 $0x2  }
.LBB2_1:
0xf: {  	[tilespmem:s4], [sflag:$0x2] =	stream.linear.gather [hbm4b:s6+s4], $0x2800, $0x38;
	[tilespmem:$0x5800] =	vst v63  }
0x10: {  	_ =	swait.ge [sflag:s9], $0x2800  }
0x11: {  	[sflag:s9] =	ssyncset.done $0x0  }
0x12: {  	[sflag:s9] =	ssyncadd.s32 $0xFFFFD800  }
0x13: {  	[spmem:s11], [sflag:s10] =	dma.local [hbm:s2], $0x500  }
0x14: {  	_ =	swait.ge [sflag:s9], $0x500  }
0x15: {  	[sflag:s9] =	ssyncset.done $0x0  }
0x16: {  	[sflag:s9] =	ssyncadd.s32 $0xFFFFFB00  }
0x17: {  	[tilespmem:s12], [sflag:$0x2] =	stream.linear.gather [hbm4b:s5+s4], $0x800, $0x38;
	[tilespmem:$0x5800] =	vst v63  }
0x18: {  	_ =	swait.ge [sflag:s9], $0x800  }
0x19: {  	[sflag:s9] =	ssyncset.done $0x0  }
0x1a: {  	[sflag:s9] =	ssyncadd.s32 $0xFFFFF800  }
0x1b: {  	s16 =	simm.s32 $0x0;
	[bflag:$0x0] =	sbarrier.arrive $0xFFFF  }
0x1c: {  	[spmem:s3] =	stream.indirect.scatter.add.f32 [tilespmem:s12], [sflag:$0x1], $0x10, s16, s13, $0xb8;
	[tilespmem:$0x5800] =	vst v63  }
0x1d: {  	s31 =	simm.s32 $0x80  }
0x1e: {  	[spmem:s3] =	stream.indirect.scatter.add.f32 [tilespmem:s12], [sflag:$0x1], $0x10, s31, s13, $0xb8;
	[tilespmem:$0x5800] =	vst v63  }
0x1f: {  	_ =	swait.ge [sflag:s14], $0x800  }
0x20: {  	[sflag:s14] =	ssyncset.done $0x0  }
0x21: {  	[sflag:s14] =	ssyncadd.s32 $0xFFFFF800  }
0x22: {  	_ =	swait.ge [sflag:s14], $0x800  }
0x23: {  	s17 =	simm.s32 $0x800;
	s16 =	simm.s32 $0x400;
	[sflag:s14] =	ssyncset.done $0x0  }
.LBB2_2:
0x24: {  	s18 =	sshra.s32 s16, $0x2  }
0x25: {  	[sflag:s14] =	ssyncadd.s32 $0xFFFFF800;
	s16 =	smov.u32 s17;
	s19 =	sadd.s32 $0x400, s17  }
0x26: {  	[spmem:s3] =	stream.indirect.scatter.add.f32 [tilespmem:s12], [sflag:$0x1], $0x10, s18, s13, $0xb8;
	[tilespmem:$0x5800] =	vst v63  }
0x27: {  	p0 =	sne.s32 s17, $0x9C00;
	s17 =	sadd.s32 $0x80, s18  }
0x28: {  	[spmem:s3] =	stream.indirect.scatter.add.f32 [tilespmem:s12], [sflag:$0x1], $0x10, s17, s13, $0xb8;
	[tilespmem:$0x5800] =	vst v63  }
.Ltmp0:
0x29: {  	_ =	swait.ge [sflag:s14], $0x800;
	(pc) =	sbr.rel @p0 .LBB2_2-.Ltmp0, $4  }
0x2a: {  	[sflag:s14] =	ssyncset.done $0x0  }
0x2b: {  	[sflag:s14] =	ssyncadd.s32 $0xFFFFF800  }
0x2c: {  	_ =	swait.ge [sflag:s14], $0x800  }
0x2d: {  	s17 =	smov.u32 s19;
	[sflag:s14] =	ssyncset.done $0x0  }
0x2e: {  	s16 =	sshra.s32 s16, $0x2;
	[sflag:s14] =	ssyncadd.s32 $0xFFFFF800  }
0x2f: {  	[spmem:s3] =	stream.indirect.scatter.add.f32 [tilespmem:s12], [sflag:$0x1], $0x10, s16, s13, $0xb8;
	[tilespmem:$0x5800] =	vst v63  }
0x30: {  	s16 =	sadd.s32 $0x80, s16  }
0x31: {  	[spmem:s3] =	stream.indirect.scatter.add.f32 [tilespmem:s12], [sflag:$0x1], $0x10, s16, s13, $0xb8;
	[tilespmem:$0x5800] =	vst v63  }
0x32: {  	_ =	swait.ge [sflag:s14], $0x800  }
0x33: {  	[sflag:s14] =	ssyncset.done $0x0  }
0x34: {  	[sflag:s14] =	ssyncadd.s32 $0xFFFFF800  }
0x35: {  	_ =	swait.ge [sflag:s14], $0x800  }
0x36: {  	s15 =	sadd.s32 $0x1, s15;
	[sflag:s14] =	ssyncset.done $0x0  }
0x37: {  	p0 =	sne.s32 s15, s8;
	[sflag:s14] =	ssyncadd.s32 $0xFFFFF800  }
.Ltmp1:
0x38: {  	[bflag:$0x0] =	sbarrier.arrive $0xFFFF;
	(pc) =	sbr.rel @p0 .LBB2_1-.Ltmp1, $4  }
0x39: {  	[hbm:s7], [sflag:s10] =	dma.local [spmem:s11], $0x500  }
0x3a: {  	_ =	swait.ge [sflag:s9], $0x500  }
0x3b: {  	[sflag:s9] =	ssyncset.done $0x0  }
0x3c: {  	[sflag:s9] =	ssyncadd.s32 $0xFFFFFB00  }
0x3d: {  	_ =	sfence.sel $0x180000  }
0x3e: {  	[bflag:$0x0] =	sbarrier.arrive $0xFFFF  }
0x3f: {  	p0 =	sne.s32 s1, $0x0;
	_ =	strace $0x90000047  }
0x40: {  	s0 =	sadd.s32 @!p0 $0x100000, s0;
	[bflag:$0x2] =	sbarrier.arrive $0xFFFF  }
0x41: {  	[sflag:s0] =	ssyncadd.tile.s32 @!p0 $0x1;
	_ =	shalt  }
.Lfunc_end2:
_tile_overlayer_lowered:
.L_overlay_start_2:
0x42: {  	(tag) =	ssettag $0x2  }
0x43: {  	s0 =	rddreg [dreg:$0x0];
	s2 =	stileid.u32  }
0x44: {  	s1 =	rddreg [dreg:$0x1];
	p0 =	sne.s32 s2, $0x0  }
0x45: {  	s3 =	rddreg [dreg:$0x2];
	[bflag:$0x3] =	sbarrier.arrive $0xFFFF;
	s2 =	simm.s32 @!p0 $0x1C02  }
0x46: {  	[timem:s3], [sflag:s2] =	dma.local @!p0 [hbm:s0], s1  }
0x47: {  	s0 =	simm.s32 @!p0 $0x2  }
0x48: {  	_ =	swait.ge @!p0 [sflag:s0], s1  }
0x49: {  	s1 =	ssub.s32 @!p0 $0x0, s1;
	[sflag:s0] =	ssyncset.done @!p0 $0x0  }
0x4a: {  	[sflag:s0] =	ssyncadd.s32 @!p0 s1  }
0x4b: {  	[bflag:$0x3] =	sbarrier.arrive $0xFFFF  }
0x4c: {  	_ =	shalt  }

// kernel: kernel.14.cloned.1.call-start
scs
__scs_entry_jumppad:
0x0: {  	(pc) =	sbr.rel $0x88, $3  }
0x1: {  	(tag) =	ssettag $0x0;
	lr =	simm.s32 $0x1  }
0x2: {  	[smem:$0x3F91] =	sst lr;
	_ =	strace $0xD0000000  }
0x3: {  	_ = 	snop  }
0x4: {  	_ = 	snop  }
0x5: {  	_ = 	snop  }
0x6: {  	_ = 	snop  }
0x7: {  	_ = 	snop  }
__scs_overlays_trampoline_lowered:
0x8: {  	[smem:$0x3FA0] =	sst s0  }
0x9: {  	[smem:$0x3FA1] =	sst s1  }
0xa: {  	[smem:$0x3FA2] =	sst s2  }
0xb: {  	[smem:$0x3FA3] =	sst s3  }
0xc: {  	[smem:$0x3FA4] =	sst s4  }
0xd: {  	[smem:$0x3FA5] =	sst s5  }
0xe: {  	[smem:$0x3FA6] =	sst s6  }
0xf: {  	[smem:$0x3FA7] =	sst s7  }
0x10: {  	[smem:$0x3FA8] =	sst s8  }
0x11: {  	[smem:$0x3FA9] =	sst s9;
	s0 =	simm.s32 @!p0 $0x0  }
0x12: {  	s1 =	sld [smem:$0x3F8F];
	s0 =	simm.s32 @p0 $0x1  }
0x13: {  	[smem:$0x3FAA] =	sst s0;
	s0 =	simm.s32 @!p1 $0x0  }
0x14: {  	s2 =	sld [smem:$0x3F8E];
	s0 =	simm.s32 @p1 $0x1  }
0x15: {  	[smem:$0x3FAB] =	sst s0;
	s0 =	simm.s32 @!p2 $0x0  }
0x16: {  	s3 =	sld [smem:$0x3FDB];
	s0 =	simm.s32 @p2 $0x1  }
0x17: {  	s4 =	simm.s32 $0x1BF5;
	[smem:$0x3FAD] =	sst s0  }
0x18: {  	s0 =	sld [smem:$0x3F90];
	_ =	swait.ge [sflag:s4], $0x0  }
0x19: {  	s7 =	sld [smem:$0x3F91]  }
0x1a: {  	s8 =	sadd.s32 $0xFFFFE003, lr  }
0x1b: {  	s9 =	sadd.s32 $0xFFFFFEF7, lr;
	s5 =	simm.s32 $0xFFFFFFFF;
	p2 =	slt.u32 s8, $0xFFFFF086  }
0x1c: {  	p1 =	slt.u32 s9, $0xF7A;
	s5 =	simm.s32 @!p2 $0x0  }
0x1d: {  	s5 =	simm.s32 @p1 $0x1;
	p0 =	seq.s32 s7, s2  }
0x1e: {  	s7 =	smul.u32 @!p0 $0xF7A, s2;
	p2 =	seq.s32 @!p0 s5, $0x0  }
0x1f: {  	s9 =	smul.u32 $0xF7A, s1;
	s8 =	simm.s32 @!p0 $0x1BF5;
	p2 =	por !p2, p0  }
0x20: {  	[sflag:s8] =	ssyncset.s32 @!p0 $0xFFFFF086;
	s6 =	sadd.s32 @!p0 s3, s7;
	s7 =	simm.s32 @!p0 $0x108  }
0x21: {  	s3 =	sadd.s32 s3, s9;
	s6 =	sadd.s32 @!p0 $0x88, s6;
	s7 =	simm.s32 @p2 $0x1082  }
0x22: {  	[simem:s7], [sflag:s8] =	dma.local @!p0 [hbm:s6], $0xF7A  }
0x23: {  	s9 =	sor.u32 $0xD0000000, s2;
	s6 =	simm.s32 $0x108;
	_ =	swait.ge @!p0 [sflag:s8], $0x0  }
0x24: {  	s3 =	sadd.s32 $0x88, s3;
	s6 =	simm.s32 @!p1 $0x1082;
	[sflag:s4] =	ssyncset.s32 $0xFFFFF086  }
0x25: {  	[simem:s6], [sflag:s4] =	dma.local [hbm:s3], $0xF7A  }
0x26: {  	[smem:$0x3F91] =	sst s1;
	(tag) =	ssettag s2;
	_ =	strace s9  }
0x27: {  	s1 =	sld [smem:$0x3FA1]  }
0x28: {  	s2 =	sld [smem:$0x3FA2]  }
0x29: {  	s4 =	sld [smem:$0x3FA4]  }
0x2a: {  	p0 =	seq.s32 s5, $0x0;
	s5 =	sld [smem:$0x3FA5]  }
0x2b: {  	s6 =	sld [smem:$0x3FA6]  }
0x2c: {  	s7 =	sld [smem:$0x3FA7]  }
0x2d: {  	s3 =	simm.s32 $0x108;
	s8 =	sld [smem:$0x3FA8]  }
0x2e: {  	s3 =	simm.s32 @!p0 $0x1082;
	s9 =	sld [smem:$0x3FA9]  }
0x2f: {  	lr =	sadd.s32 s0, s3;
	s0 =	sld [smem:$0x3FA0]  }
0x30: {  	s3 =	sld [smem:$0x3FA3]  }
0x31: {  	[smem:$0x3FAC] =	sst s10  }
0x32: {  	s10 =	sld [smem:$0x3FAA];
	_ =	sdelay $0x3  }
0x33: {  	p0 =	seq.s32 s10, $0x1;
	s10 =	sld [smem:$0x3FAC];
	_ =	sdelay $0x3  }
0x34: {  	[smem:$0x3FAC] =	sst s10  }
0x35: {  	s10 =	sld [smem:$0x3FAB];
	_ =	sdelay $0x3  }
0x36: {  	p1 =	seq.s32 s10, $0x1;
	s10 =	sld [smem:$0x3FAC];
	_ =	sdelay $0x3  }
0x37: {  	[smem:$0x3FAC] =	sst s10  }
0x38: {  	s10 =	sld [smem:$0x3FAD]  }
0x39: {  	_ = 	snop;
	(pc) =	sbr.ind lr, $3  }
0x3a: {  	_ = 	snop  }
0x3b: {  	_ = 	snop  }
0x3c: {  	p2 =	seq.s32 s10, $0x1;
	s10 =	sld [smem:$0x3FAC]  }
0x3d: {  	_ =	shalt  }
0x3e: {  	_ =	shalt  }
0x3f: {  	_ =	shalt  }
0x40: {  	_ =	shalt  }
0x41: {  	_ =	shalt  }
0x42: {  	_ =	shalt  }
0x43: {  	_ =	shalt  }
0x44: {  	_ =	shalt  }
0x45: {  	_ =	shalt  }
0x46: {  	_ =	shalt  }
0x47: {  	_ =	shalt  }
0x48: {  	_ =	shalt  }
0x49: {  	_ =	shalt  }
0x4a: {  	_ =	shalt  }
0x4b: {  	_ =	shalt  }
0x4c: {  	_ =	shalt  }
0x4d: {  	_ =	shalt  }
0x4e: {  	_ =	shalt  }
0x4f: {  	_ =	shalt  }
0x50: {  	_ =	shalt  }
0x51: {  	_ =	shalt  }
0x52: {  	_ =	shalt  }
0x53: {  	_ =	shalt  }
0x54: {  	_ =	shalt  }
0x55: {  	_ =	shalt  }
0x56: {  	_ =	shalt  }
0x57: {  	_ =	shalt  }
0x58: {  	_ =	shalt  }
0x59: {  	_ =	shalt  }
0x5a: {  	_ =	shalt  }
0x5b: {  	_ =	shalt  }
0x5c: {  	_ =	shalt  }
0x5d: {  	_ =	shalt  }
0x5e: {  	_ =	shalt  }
0x5f: {  	_ =	shalt  }
0x60: {  	_ =	shalt  }
0x61: {  	_ =	shalt  }
0x62: {  	_ =	shalt  }
0x63: {  	_ =	shalt  }
0x64: {  	_ =	shalt  }
0x65: {  	_ =	shalt  }
0x66: {  	_ =	shalt  }
0x67: {  	_ =	shalt  }
0x68: {  	_ =	shalt  }
0x69: {  	_ =	shalt  }
0x6a: {  	_ =	shalt  }
0x6b: {  	_ =	shalt  }
0x6c: {  	_ =	shalt  }
0x6d: {  	_ =	shalt  }
0x6e: {  	_ =	shalt  }
0x6f: {  	_ =	shalt  }
0x70: {  	_ =	shalt  }
0x71: {  	_ =	shalt  }
0x72: {  	_ =	shalt  }
0x73: {  	_ =	shalt  }
0x74: {  	_ =	shalt  }
0x75: {  	_ =	shalt  }
0x76: {  	_ =	shalt  }
0x77: {  	_ =	shalt  }
0x78: {  	_ =	shalt  }
0x79: {  	_ =	shalt  }
0x7a: {  	_ =	shalt  }
0x7b: {  	_ =	shalt  }
0x7c: {  	_ =	shalt  }
0x7d: {  	_ =	shalt  }
0x7e: {  	_ =	shalt  }
0x7f: {  	_ =	shalt  }
0x80: {  	_ =	shalt  }
0x81: {  	_ =	shalt  }
0x82: {  	_ =	shalt  }
0x83: {  	_ =	shalt  }
0x84: {  	_ =	shalt  }
0x85: {  	_ =	shalt  }
0x86: {  	_ =	shalt  }
0x87: {  	_ =	shalt  }
.Lfunc_end0:
.L_simem_size_0:
called_computation.1_lowered:
.L_overlay_start_0:
0x88: {  	s2 =	sld [smem:$0x3FD9]  }
0x89: {  	s3 =	sld [smem:$0x3FFE];
	_ =	sdelay $0x1  }
0x8a: {  	s1 =	srdreg.scid  }
0x8b: {  	s0 =	sand.u32 $0x1, s1  }
0x8c: {  	s16 =	sshll.u32 s0, $0xA;
	s2 =	sadd.s32 s3, s2  }
0x8d: {  	s2 =	sadd.s32 s2, s16  }
0x8e: {  	[smem:$0x3FB8] =	sst s2  }
0x8f: {  	_ = 	snop  }
0x90: {  	(tm) =	ssettm $0x1  }
0x91: {  	s17 =	sld [smem:$0x3FFB];
	_ =	sdelay $0x3  }
0x92: {  	_ =	strace s17  }
0x93: {  	s2 =	sld [smem:$0x3FFC];
	_ =	sdelay $0x3  }
0x94: {  	_ =	strace s2  }
0x95: {  	s2 =	sld [smem:$0x3FFD];
	_ =	sdelay $0x3  }
0x96: {  	_ =	strace s2  }
0x97: {  	_ =	strace $0x8FFFFFFF  }
0x98: {  	s18 =	sld [smem:$0x3FDB];
	_ =	sdelay $0x1  }
0x99: {  	s19 =	simm.s32 $_scs_section_size  }
0x9a: {  	s4 =	simm.s32 $_size__tile_overlayer_lowered;
	s5 =	simm.s32 $_tile_overlayer_lowered  }
0x9b: {  	s22 =	simm.s32 $0x1BFF;
	s21 =	sshll.u32 s5, $0x1;
	s2 =	sadd.s32 s19, s18  }
0x9c: {  	s6 =	simm.s32 $0x0;
	s20 =	sshll.u32 s4, $0x1;
	s4 =	sadd.s32 s21, s2  }
0x9d: {  	[timem:s6], [sflag:s22] =	dma.local [hbm:s4], s20  }
0x9e: {  	_ =	swait.ge [sflag:s22], s20  }
0x9f: {  	s3 =	ssub.s32 $0x0, s20;
	[sflag:s22] =	ssyncset.done $0x0  }
0xa0: {  	[sflag:s22] =	ssyncadd.s32 s3;
	_ =	sdelay $0x1  }
0xa1: {  	s23 =	simm.s32 $0x1B8B  }
0xa2: {  	_ =	swait.ge [sflag:s23], $0x1  }
0xa3: {  	[sflag:s23] =	ssyncset.done $0x0  }
0xa4: {  	s25 =	simm.s32 $0x1B8E;
	s24 =	sld [smem:$0x3FFE];
	[sflag:s23] =	ssyncadd.s32 $0xFFFFFFFF  }
0xa5: {  	s26 =	simm.s32 $execute0_lowered;
	[smem:$0x3FD2] =	sst s25  }
0xa6: {  	s4 =	sshll.u32 s26, $0x1;
	_ =	strace $0x80000049;
	[dreg:$0x1] =	wrdreg $0xFFFFFFFF  }
0xa7: {  	s28 =	simm.s32 $_size_execute0_lowered;
	s2 =	sadd.s32 s2, s4;
	[dreg:$0x0] =	wrdreg $0x0  }
0xa8: {  	s4 =	sshll.u32 s28, $0x1;
	[dreg:$0x2] =	wrdreg s2  }
0xa9: {  	[dreg:$0x3] =	wrdreg s4  }
0xaa: {  	[dreg:$0x4] =	wrdreg $0xC0  }
0xab: {  	_ =	task [dreg:s6], $0x5FFFF  }
0xac: {  	[dreg:$0x1] =	wrdreg $0xFFFFFFFF  }
0xad: {  	[dreg:$0x0] =	wrdreg $0x60  }
0xae: {  	[dreg:$0x2] =	wrdreg s24  }
0xaf: {  	[dreg:$0x3] =	wrdreg $0x150000  }
0xb0: {  	[dreg:$0x4] =	wrdreg $0x9  }
0xb1: {  	_ =	task.clear_ibuf [dreg:s6], $0x5FFFF;
	_ =	strace $0x90000049  }
0xb2: {  	s29 =	simm.s32 $0x9;
	_ =	strace $0x8000004B  }
0xb3: {  	_ =	swait.ge [sflag:s29], $0x1  }
0xb4: {  	[sflag:s29] =	ssyncadd.s32 $0xFFFFFFFF  }
0xb5: {  	_ =	strace $0x9000004B  }
0xb6: {  	_ =	sfence  }
0xb7: {  	s30 =	sld [smem:$0x0];
	_ =	sdelay $0x2  }
0xb8: {  	s31 =	sshll.u32 s1, $0xD;
	s1 =	sshrl.u32 s1, $0x2  }
0xb9: {  	s3 =	sand.u32 $0x4000, s31;
	s1 =	sadd.s32 s1, s30  }
0xba: {  	s0 =	sor.u32 s3, s0;
	s1 =	sshll.u32 s1, $0x11  }
0xbb: {  	s0 =	sor.u32 s1, s0  }
0xbc: {  	s0 =	sadd.s32 $0x8F2B, s0  }
0xbd: {  	[sflag:s0] =	ssyncadd.remote.s32 $0x1  }
0xbe: {  	_ =	sfence.sel $0xFFFF  }
0xbf: {  	[dreg:$0x0] =	wrdreg $0xFFFFFFFF;
	(pc) =	sbr.abs _section_cstart, $3  }
0xc0: {  	[dreg:$0x1] =	wrdreg $0xFFFFFFFF  }
0xc1: {  	_ =	task.clear_ibuf [dreg:s6], $0x2FFFF;
	_ =	strace $0x9FFFFFFF  }
0xc2: {  	(tm) =	ssettm $0x7FFFFFFF  }
0xc3: {  	_ =	shalt  }
tec
execute0_lowered:
.L_overlay_start_1:
0x0: {  	(tag) =	ssettag $0x1  }
0x1: {  	s0 =	rddreg [dreg:$0x0];
	s1 =	srdreg.scid  }
0x2: {  	s2 =	rddreg [dreg:$0x1];
	s10 =	stileid.u32  }
0x3: {  	s4 =	simm.s32 $0x0;
	s14 =	simm.s32 $0xA;
	s16 =	simm.s32 $0x80  }
0x4: {  	s17 =	simm.s32 $0x5000;
	s18 =	simm.s32 $0x7000;
	s19 =	simm.s32 $0x9000  }
0x5: {  	s28 =	simm.s32 $0x3;
	s29 =	simm.s32 $0x4;
	s30 =	simm.s32 $0x5  }
0x6: {  	s31 =	simm.s32 $0x6;
	s1 =	sand.u32 $0x1, s1;
	s5 =	smul.u32 $0xA000, s10  }
0x7: {  	[smem:$0x7FF] =	sst s4;
	s7 =	sadd.s32 $0x16A00, s0;
	s6 =	smul.u32 $0x5000, s10  }
0x8: {  	s8 =	sadd.s32 $0x2A00, s0;
	s9 =	smul.u32 $0xA00, s10;
	s23 =	sshll.u32 s10, $0x6  }
0x9: {  	s3 =	smul.u32 $0xA0000, s1;
	_ =	strace $0x8000004A;
	s1 =	ssub.s32 $0x2, s1  }
0xa: {  	s21 =	sshrl.u32 s1, $0x1;
	s22 =	sadd.s32 s5, s2;
	s24 =	sshrl.u32 s6, $0x3  }
0xb: {  	s6 =	sor.u32 $0x1C0A, s23;
	s25 =	sadd.s32 s7, s9;
	s9 =	sadd.s32 s8, s9  }
0xc: {  	s23 =	simm.s32 $0x11000;
	s20 =	sshrl.u32 s3, $0x3;
	s3 =	sadd.s32 s5, s3  }
0xd: {  	s1 =	ssub.s32 s1, s21;
	s5 =	sshrl.u32 s5, $0x3;
	[dreg:$0x4] =	wrdreg s25  }
0xe: {  	s26 =	sadd.s32 $0x500, s24;
	[dreg:$0x5] =	wrdreg s9;
	s13 =	sshrl.u32 s22, $0x3  }
0xf: {  	s21 =	simm.s32 $0xD000;
	s22 =	simm.s32 $0xF000;
	s24 =	simm.s32 $0x13000  }
0x10: {  	s25 =	simm.s32 $0x1;
	s4 =	sadd.s32 s20, s0;
	s3 =	sshrl.u32 s3, $0x3  }
0x11: {  	s7 =	sadd.s32 s7, s26;
	s10 =	sadd.s32 s8, s26;
	s12 =	smax.u32 s1, $0x1  }
0x12: {  	s20 =	simm.s32 $0xB000;
	s26 =	simm.s32 $0x2;
	s1 =	simm.s32 $0x8  }
0x13: {  	s0 =	sadd.s32 s3, s0;
	s4 =	sadd.s32 $0x20A00, s4;
	[dreg:$0x6] =	wrdreg s7  }
0x14: {  	s3 =	simm.s32 $0x9;
	s5 =	sadd.s32 s5, s4;
	s11 =	sadd.s32 $0x48A00, s0  }
0x15: {  	s0 =	simm.s32 $0x7;
	[dreg:$0x3] =	wrdreg s5;
	s5 =	simm.s32 $0x0  }
.LBB2_1:
0x16: {  	s7 =	rddreg [dreg:$0x3]  }
0x17: {  	[spmem:s13], [sflag:s6] =	dma.local [hbm:s7], $0x1400  }
0x18: {  	_ =	swait.ge [sflag:s14], $0x1400  }
0x19: {  	[sflag:s14] =	ssyncset.done $0x0  }
0x1a: {  	[sflag:s14] =	ssyncadd.s32 $0xFFFFEC00  }
0x1b: {  	[bflag:$0x0] =	sbarrier.arrive $0xFFFF  }
0x1c: {  	s7 =	simm.s32 $0x0;
	s8 =	rddreg [dreg:$0x4]  }
0x1d: {  	[tilespmem:s7], [sflag:$0xA] =	stream.linear.gather [hbm4b:s8+s7], $0x2800, $0x38;
	[tilespmem:$0x1F000] =	vst v63  }
0x1e: {  	_ =	swait.ge [sflag:s14], $0x2800  }
0x1f: {  	[sflag:s14] =	ssyncset.done $0x0  }
0x20: {  	s9 =	simm.s32 $0x2800;
	s15 =	rddreg [dreg:$0x5];
	[sflag:s14] =	ssyncadd.s32 $0xFFFFD800  }
0x21: {  	[tilespmem:s9], [sflag:$0xA] =	stream.linear.gather [hbm4b:s15+s7], $0x2800, $0x38;
	[tilespmem:$0x1F000] =	vst v63  }
0x22: {  	_ =	swait.ge [sflag:s14], $0x2800  }
0x23: {  	[sflag:s14] =	ssyncset.done $0x0  }
0x24: {  	s15 =	simm.s32 $0x0;
	[sflag:s14] =	ssyncadd.s32 $0xFFFFD800  }
0x25: {  	[tilespmem:s17], [sflag:$0x1] =	stream.indirect.gather [hbm4b:s4+s16], $0x40, s15, s16, $0xb8;
	[tilespmem:$0x1F000] =	vst v63  }
0x26: {  	s8 =	simm.s32 $0x80  }
0x27: {  	[tilespmem:s18], [sflag:$0x2] =	stream.indirect.gather [hbm4b:s4+s16], $0x40, s8, s16, $0xb8;
	[tilespmem:$0x1F000] =	vst v63  }
0x28: {  	s9 =	simm.s32 $0x100  }
0x29: {  	[tilespmem:s19], [sflag:$0x3] =	stream.indirect.gather [hbm4b:s4+s16], $0x40, s9, s16, $0xb8;
	[tilespmem:$0x1F000] =	vst v63  }
0x2a: {  	s15 =	simm.s32 $0x180  }
0x2b: {  	[tilespmem:s20], [sflag:$0x4] =	stream.indirect.gather [hbm4b:s4+s16], $0x40, s15, s16, $0xb8;
	[tilespmem:$0x1F000] =	vst v63  }
0x2c: {  	s8 =	simm.s32 $0x200  }
0x2d: {  	[tilespmem:s21], [sflag:$0x5] =	stream.indirect.gather [hbm4b:s4+s16], $0x40, s8, s16, $0xb8;
	[tilespmem:$0x1F000] =	vst v63  }
0x2e: {  	s9 =	simm.s32 $0x280  }
0x2f: {  	[tilespmem:s22], [sflag:$0x6] =	stream.indirect.gather [hbm4b:s4+s16], $0x40, s9, s16, $0xb8;
	[tilespmem:$0x1F000] =	vst v63  }
0x30: {  	s15 =	simm.s32 $0x300  }
0x31: {  	[tilespmem:s23], [sflag:$0x7] =	stream.indirect.gather [hbm4b:s4+s16], $0x40, s15, s16, $0xb8;
	[tilespmem:$0x1F000] =	vst v63  }
0x32: {  	s8 =	simm.s32 $0x380  }
0x33: {  	[tilespmem:s24], [sflag:$0x8] =	stream.indirect.gather [hbm4b:s4+s16], $0x40, s8, s16, $0xb8;
	[tilespmem:$0x1F000] =	vst v63  }
0x34: {  	_ =	swait.ge [sflag:s25], $0x2000  }
0x35: {  	[sflag:s25] =	ssyncset.done $0x0  }
0x36: {  	s9 =	simm.s32 $0x2800;
	[sflag:s25] =	ssyncadd.s32 $0xFFFFE000  }
0x37: {  	[spmem:s2] =	stream.indirect.scatter.add.f32 [tilespmem:s17], [sflag:$0x9], $0x40, s9, s16, $0xb8;
	[tilespmem:$0x1F000] =	vst v63  }
0x38: {  	_ =	swait.ge [sflag:s26], $0x2000  }
0x39: {  	[sflag:s26] =	ssyncset.done $0x0  }
0x3a: {  	s15 =	simm.s32 $0x2880;
	[sflag:s26] =	ssyncadd.s32 $0xFFFFE000  }
0x3b: {  	[spmem:s2] =	stream.indirect.scatter.add.f32 [tilespmem:s18], [sflag:$0x9], $0x40, s15, s16, $0xb8;
	[tilespmem:$0x1F000] =	vst v63  }
0x3c: {  	_ =	swait.ge [sflag:s28], $0x2000  }
0x3d: {  	[sflag:s28] =	ssyncset.done $0x0  }
0x3e: {  	s8 =	simm.s32 $0x2900;
	[sflag:s28] =	ssyncadd.s32 $0xFFFFE000  }
0x3f: {  	[spmem:s2] =	stream.indirect.scatter.add.f32 [tilespmem:s19], [sflag:$0x9], $0x40, s8, s16, $0xb8;
	[tilespmem:$0x1F000] =	vst v63  }
0x40: {  	_ =	swait.ge [sflag:s29], $0x2000  }
0x41: {  	[sflag:s29] =	ssyncset.done $0x0  }
0x42: {  	s9 =	simm.s32 $0x2980;
	[sflag:s29] =	ssyncadd.s32 $0xFFFFE000  }
0x43: {  	[spmem:s2] =	stream.indirect.scatter.add.f32 [tilespmem:s20], [sflag:$0x9], $0x40, s9, s16, $0xb8;
	[tilespmem:$0x1F000] =	vst v63  }
0x44: {  	_ =	swait.ge [sflag:s30], $0x2000  }
0x45: {  	[sflag:s30] =	ssyncset.done $0x0  }
0x46: {  	s15 =	simm.s32 $0x2A00;
	[sflag:s30] =	ssyncadd.s32 $0xFFFFE000  }
0x47: {  	[spmem:s2] =	stream.indirect.scatter.add.f32 [tilespmem:s21], [sflag:$0x9], $0x40, s15, s16, $0xb8;
	[tilespmem:$0x1F000] =	vst v63  }
0x48: {  	_ =	swait.ge [sflag:s31], $0x2000  }
0x49: {  	[sflag:s31] =	ssyncset.done $0x0  }
0x4a: {  	s8 =	simm.s32 $0x2A80;
	[sflag:s31] =	ssyncadd.s32 $0xFFFFE000  }
0x4b: {  	[spmem:s2] =	stream.indirect.scatter.add.f32 [tilespmem:s22], [sflag:$0x9], $0x40, s8, s16, $0xb8;
	[tilespmem:$0x1F000] =	vst v63  }
0x4c: {  	_ =	swait.ge [sflag:s0], $0x2000  }
0x4d: {  	[sflag:s0] =	ssyncset.done $0x0  }
0x4e: {  	s9 =	simm.s32 $0x2B00;
	[sflag:s0] =	ssyncadd.s32 $0xFFFFE000  }
0x4f: {  	[spmem:s2] =	stream.indirect.scatter.add.f32 [tilespmem:s23], [sflag:$0x9], $0x40, s9, s16, $0xb8;
	[tilespmem:$0x1F000] =	vst v63  }
0x50: {  	_ =	swait.ge [sflag:s1], $0x2000  }
0x51: {  	[sflag:s1] =	ssyncset.done $0x0  }
0x52: {  	s15 =	simm.s32 $0x2B80;
	[sflag:s1] =	ssyncadd.s32 $0xFFFFE000  }
0x53: {  	[spmem:s2] =	stream.indirect.scatter.add.f32 [tilespmem:s24], [sflag:$0x9], $0x40, s15, s16, $0xb8;
	[tilespmem:$0x1F000] =	vst v63  }
0x54: {  	_ =	swait.ge [sflag:s3], $0x2000  }
0x55: {  	[sflag:s3] =	ssyncset.done $0x0  }
0x56: {  	[sflag:s3] =	ssyncadd.s32 $0xFFFFE000  }
0x57: {  	_ =	swait.ge [sflag:s3], $0x2000  }
0x58: {  	[sflag:s3] =	ssyncset.done $0x0  }
0x59: {  	[sflag:s3] =	ssyncadd.s32 $0xFFFFE000  }
0x5a: {  	_ =	swait.ge [sflag:s3], $0x2000  }
0x5b: {  	[sflag:s3] =	ssyncset.done $0x0  }
0x5c: {  	[sflag:s3] =	ssyncadd.s32 $0xFFFFE000  }
0x5d: {  	_ =	swait.ge [sflag:s3], $0x2000  }
0x5e: {  	[sflag:s3] =	ssyncset.done $0x0  }
0x5f: {  	[sflag:s3] =	ssyncadd.s32 $0xFFFFE000  }
0x60: {  	_ =	swait.ge [sflag:s3], $0x2000  }
0x61: {  	[sflag:s3] =	ssyncset.done $0x0  }
0x62: {  	[sflag:s3] =	ssyncadd.s32 $0xFFFFE000  }
0x63: {  	_ =	swait.ge [sflag:s3], $0x2000  }
0x64: {  	[sflag:s3] =	ssyncset.done $0x0  }
0x65: {  	[sflag:s3] =	ssyncadd.s32 $0xFFFFE000  }
0x66: {  	_ =	swait.ge [sflag:s3], $0x2000  }
0x67: {  	[sflag:s3] =	ssyncset.done $0x0  }
0x68: {  	[sflag:s3] =	ssyncadd.s32 $0xFFFFE000  }
0x69: {  	_ =	swait.ge [sflag:s3], $0x2000  }
0x6a: {  	s7 =	simm.s32 $0x2000;
	s15 =	simm.s32 $0x1000;
	[sflag:s3] =	ssyncset.done $0x0  }
.LBB2_2:
0x6b: {  	s8 =	sshra.s32 s15, $0x2  }
0x6c: {  	[sflag:s3] =	ssyncadd.s32 $0xFFFFE000;
	s15 =	smov.u32 s7;
	s9 =	sadd.s32 $0x1000, s7  }
0x6d: {  	[tilespmem:s17], [sflag:$0x1] =	stream.indirect.gather [hbm4b:s4+s16], $0x40, s8, s16, $0xb8;
	[tilespmem:$0x1F000] =	vst v63  }
0x6e: {  	p0 =	sne.s32 s7, $0x9000;
	s7 =	sadd.s32 $0x80, s8  }
0x6f: {  	[tilespmem:s18], [sflag:$0x2] =	stream.indirect.gather [hbm4b:s4+s16], $0x40, s7, s16, $0xb8;
	[tilespmem:$0x1F000] =	vst v63  }
0x70: {  	s7 =	sadd.s32 $0x100, s8  }
0x71: {  	[tilespmem:s19], [sflag:$0x3] =	stream.indirect.gather [hbm4b:s4+s16], $0x40, s7, s16, $0xb8;
	[tilespmem:$0x1F000] =	vst v63  }
0x72: {  	s7 =	sadd.s32 $0x180, s8  }
0x73: {  	[tilespmem:s20], [sflag:$0x4] =	stream.indirect.gather [hbm4b:s4+s16], $0x40, s7, s16, $0xb8;
	[tilespmem:$0x1F000] =	vst v63  }
0x74: {  	s7 =	sadd.s32 $0x200, s8  }
0x75: {  	[tilespmem:s21], [sflag:$0x5] =	stream.indirect.gather [hbm4b:s4+s16], $0x40, s7, s16, $0xb8;
	[tilespmem:$0x1F000] =	vst v63  }
0x76: {  	s7 =	sadd.s32 $0x280, s8  }
0x77: {  	[tilespmem:s22], [sflag:$0x6] =	stream.indirect.gather [hbm4b:s4+s16], $0x40, s7, s16, $0xb8;
	[tilespmem:$0x1F000] =	vst v63  }
0x78: {  	s7 =	sadd.s32 $0x300, s8  }
0x79: {  	[tilespmem:s23], [sflag:$0x7] =	stream.indirect.gather [hbm4b:s4+s16], $0x40, s7, s16, $0xb8;
	[tilespmem:$0x1F000] =	vst v63  }
0x7a: {  	s7 =	sadd.s32 $0x380, s8  }
0x7b: {  	[tilespmem:s24], [sflag:$0x8] =	stream.indirect.gather [hbm4b:s4+s16], $0x40, s7, s16, $0xb8;
	[tilespmem:$0x1F000] =	vst v63  }
0x7c: {  	_ =	swait.ge [sflag:s25], $0x2000  }
0x7d: {  	[sflag:s25] =	ssyncset.done $0x0  }
0x7e: {  	s7 =	sadd.s32 $0x2800, s8;
	[sflag:s25] =	ssyncadd.s32 $0xFFFFE000  }
0x7f: {  	[spmem:s2] =	stream.indirect.scatter.add.f32 [tilespmem:s17], [sflag:$0x9], $0x40, s7, s16, $0xb8;
	[tilespmem:$0x1F000] =	vst v63  }
0x80: {  	_ =	swait.ge [sflag:s26], $0x2000  }
0x81: {  	[sflag:s26] =	ssyncset.done $0x0  }
0x82: {  	s7 =	sadd.s32 $0x2880, s8;
	[sflag:s26] =	ssyncadd.s32 $0xFFFFE000  }
0x83: {  	[spmem:s2] =	stream.indirect.scatter.add.f32 [tilespmem:s18], [sflag:$0x9], $0x40, s7, s16, $0xb8;
	[tilespmem:$0x1F000] =	vst v63  }
0x84: {  	_ =	swait.ge [sflag:s28], $0x2000  }
0x85: {  	[sflag:s28] =	ssyncset.done $0x0  }
0x86: {  	s7 =	sadd.s32 $0x2900, s8;
	[sflag:s28] =	ssyncadd.s32 $0xFFFFE000  }
0x87: {  	[spmem:s2] =	stream.indirect.scatter.add.f32 [tilespmem:s19], [sflag:$0x9], $0x40, s7, s16, $0xb8;
	[tilespmem:$0x1F000] =	vst v63  }
0x88: {  	_ =	swait.ge [sflag:s29], $0x2000  }
0x89: {  	[sflag:s29] =	ssyncset.done $0x0  }
0x8a: {  	s7 =	sadd.s32 $0x2980, s8;
	[sflag:s29] =	ssyncadd.s32 $0xFFFFE000  }
0x8b: {  	[spmem:s2] =	stream.indirect.scatter.add.f32 [tilespmem:s20], [sflag:$0x9], $0x40, s7, s16, $0xb8;
	[tilespmem:$0x1F000] =	vst v63  }
0x8c: {  	_ =	swait.ge [sflag:s30], $0x2000  }
0x8d: {  	[sflag:s30] =	ssyncset.done $0x0  }
0x8e: {  	s7 =	sadd.s32 $0x2A00, s8;
	[sflag:s30] =	ssyncadd.s32 $0xFFFFE000  }
0x8f: {  	[spmem:s2] =	stream.indirect.scatter.add.f32 [tilespmem:s21], [sflag:$0x9], $0x40, s7, s16, $0xb8;
	[tilespmem:$0x1F000] =	vst v63  }
0x90: {  	_ =	swait.ge [sflag:s31], $0x2000  }
0x91: {  	[sflag:s31] =	ssyncset.done $0x0  }
0x92: {  	s7 =	sadd.s32 $0x2A80, s8;
	[sflag:s31] =	ssyncadd.s32 $0xFFFFE000  }
0x93: {  	[spmem:s2] =	stream.indirect.scatter.add.f32 [tilespmem:s22], [sflag:$0x9], $0x40, s7, s16, $0xb8;
	[tilespmem:$0x1F000] =	vst v63  }
0x94: {  	_ =	swait.ge [sflag:s0], $0x2000  }
0x95: {  	[sflag:s0] =	ssyncset.done $0x0  }
0x96: {  	s7 =	sadd.s32 $0x2B00, s8;
	[sflag:s0] =	ssyncadd.s32 $0xFFFFE000  }
0x97: {  	[spmem:s2] =	stream.indirect.scatter.add.f32 [tilespmem:s23], [sflag:$0x9], $0x40, s7, s16, $0xb8;
	[tilespmem:$0x1F000] =	vst v63  }
0x98: {  	_ =	swait.ge [sflag:s1], $0x2000  }
0x99: {  	[sflag:s1] =	ssyncset.done $0x0  }
0x9a: {  	s7 =	sadd.s32 $0x2B80, s8;
	[sflag:s1] =	ssyncadd.s32 $0xFFFFE000  }
0x9b: {  	[spmem:s2] =	stream.indirect.scatter.add.f32 [tilespmem:s24], [sflag:$0x9], $0x40, s7, s16, $0xb8;
	[tilespmem:$0x1F000] =	vst v63  }
0x9c: {  	_ =	swait.ge [sflag:s3], $0x2000  }
0x9d: {  	[sflag:s3] =	ssyncset.done $0x0  }
0x9e: {  	[sflag:s3] =	ssyncadd.s32 $0xFFFFE000  }
0x9f: {  	_ =	swait.ge [sflag:s3], $0x2000  }
0xa0: {  	[sflag:s3] =	ssyncset.done $0x0  }
0xa1: {  	[sflag:s3] =	ssyncadd.s32 $0xFFFFE000  }
0xa2: {  	_ =	swait.ge [sflag:s3], $0x2000  }
0xa3: {  	[sflag:s3] =	ssyncset.done $0x0  }
0xa4: {  	[sflag:s3] =	ssyncadd.s32 $0xFFFFE000  }
0xa5: {  	_ =	swait.ge [sflag:s3], $0x2000  }
0xa6: {  	[sflag:s3] =	ssyncset.done $0x0  }
0xa7: {  	[sflag:s3] =	ssyncadd.s32 $0xFFFFE000  }
0xa8: {  	_ =	swait.ge [sflag:s3], $0x2000  }
0xa9: {  	[sflag:s3] =	ssyncset.done $0x0  }
0xaa: {  	[sflag:s3] =	ssyncadd.s32 $0xFFFFE000  }
0xab: {  	_ =	swait.ge [sflag:s3], $0x2000  }
0xac: {  	[sflag:s3] =	ssyncset.done $0x0  }
0xad: {  	[sflag:s3] =	ssyncadd.s32 $0xFFFFE000  }
.Ltmp0:
0xae: {  	_ =	swait.ge [sflag:s3], $0x2000;
	(pc) =	sbr.rel @p0 .LBB2_2-.Ltmp0, $4  }
0xaf: {  	[sflag:s3] =	ssyncset.done $0x0  }
0xb0: {  	[sflag:s3] =	ssyncadd.s32 $0xFFFFE000  }
0xb1: {  	_ =	swait.ge [sflag:s3], $0x2000  }
0xb2: {  	s7 =	smov.u32 s9;
	[sflag:s3] =	ssyncset.done $0x0  }
0xb3: {  	s7 =	sshra.s32 s15, $0x2;
	[sflag:s3] =	ssyncadd.s32 $0xFFFFE000  }
0xb4: {  	[tilespmem:s17], [sflag:$0x1] =	stream.indirect.gather [hbm4b:s4+s16], $0x40, s7, s16, $0xb8;
	[tilespmem:$0x1F000] =	vst v63  }
0xb5: {  	s8 =	sadd.s32 $0x80, s7  }
0xb6: {  	[tilespmem:s18], [sflag:$0x2] =	stream.indirect.gather [hbm4b:s4+s16], $0x40, s8, s16, $0xb8;
	[tilespmem:$0x1F000] =	vst v63  }
0xb7: {  	s9 =	sadd.s32 $0x100, s7  }
0xb8: {  	[tilespmem:s19], [sflag:$0x3] =	stream.indirect.gather [hbm4b:s4+s16], $0x40, s9, s16, $0xb8;
	[tilespmem:$0x1F000] =	vst v63  }
0xb9: {  	s15 =	sadd.s32 $0x180, s7  }
0xba: {  	[tilespmem:s20], [sflag:$0x4] =	stream.indirect.gather [hbm4b:s4+s16], $0x40, s15, s16, $0xb8;
	[tilespmem:$0x1F000] =	vst v63  }
0xbb: {  	s9 =	sadd.s32 $0x200, s7  }
0xbc: {  	[tilespmem:s21], [sflag:$0x5] =	stream.indirect.gather [hbm4b:s4+s16], $0x40, s9, s16, $0xb8;
	[tilespmem:$0x1F000] =	vst v63  }
0xbd: {  	s15 =	sadd.s32 $0x280, s7  }
0xbe: {  	[tilespmem:s22], [sflag:$0x6] =	stream.indirect.gather [hbm4b:s4+s16], $0x40, s15, s16, $0xb8;
	[tilespmem:$0x1F000] =	vst v63  }
0xbf: {  	s9 =	sadd.s32 $0x300, s7  }
0xc0: {  	[tilespmem:s23], [sflag:$0x7] =	stream.indirect.gather [hbm4b:s4+s16], $0x40, s9, s16, $0xb8;
	[tilespmem:$0x1F000] =	vst v63  }
0xc1: {  	s15 =	sadd.s32 $0x380, s7  }
0xc2: {  	[tilespmem:s24], [sflag:$0x8] =	stream.indirect.gather [hbm4b:s4+s16], $0x40, s15, s16, $0xb8;
	[tilespmem:$0x1F000] =	vst v63  }
0xc3: {  	_ =	swait.ge [sflag:s25], $0x2000  }
0xc4: {  	[sflag:s25] =	ssyncset.done $0x0  }
0xc5: {  	s9 =	sadd.s32 $0x2800, s7;
	[sflag:s25] =	ssyncadd.s32 $0xFFFFE000  }
0xc6: {  	[spmem:s2] =	stream.indirect.scatter.add.f32 [tilespmem:s17], [sflag:$0x9], $0x40, s9, s16, $0xb8;
	[tilespmem:$0x1F000] =	vst v63  }
0xc7: {  	_ =	swait.ge [sflag:s26], $0x2000  }
0xc8: {  	[sflag:s26] =	ssyncset.done $0x0  }
0xc9: {  	s15 =	sadd.s32 $0x2880, s7;
	[sflag:s26] =	ssyncadd.s32 $0xFFFFE000  }
0xca: {  	[spmem:s2] =	stream.indirect.scatter.add.f32 [tilespmem:s18], [sflag:$0x9], $0x40, s15, s16, $0xb8;
	[tilespmem:$0x1F000] =	vst v63  }
0xcb: {  	_ =	swait.ge [sflag:s28], $0x2000  }
0xcc: {  	[sflag:s28] =	ssyncset.done $0x0  }
0xcd: {  	s9 =	sadd.s32 $0x2900, s7;
	[sflag:s28] =	ssyncadd.s32 $0xFFFFE000  }
0xce: {  	[spmem:s2] =	stream.indirect.scatter.add.f32 [tilespmem:s19], [sflag:$0x9], $0x40, s9, s16, $0xb8;
	[tilespmem:$0x1F000] =	vst v63  }
0xcf: {  	_ =	swait.ge [sflag:s29], $0x2000  }
0xd0: {  	[sflag:s29] =	ssyncset.done $0x0  }
0xd1: {  	s15 =	sadd.s32 $0x2980, s7;
	[sflag:s29] =	ssyncadd.s32 $0xFFFFE000  }
0xd2: {  	[spmem:s2] =	stream.indirect.scatter.add.f32 [tilespmem:s20], [sflag:$0x9], $0x40, s15, s16, $0xb8;
	[tilespmem:$0x1F000] =	vst v63  }
0xd3: {  	_ =	swait.ge [sflag:s30], $0x2000  }
0xd4: {  	[sflag:s30] =	ssyncset.done $0x0  }
0xd5: {  	s9 =	sadd.s32 $0x2A00, s7;
	[sflag:s30] =	ssyncadd.s32 $0xFFFFE000  }
0xd6: {  	[spmem:s2] =	stream.indirect.scatter.add.f32 [tilespmem:s21], [sflag:$0x9], $0x40, s9, s16, $0xb8;
	[tilespmem:$0x1F000] =	vst v63  }
0xd7: {  	_ =	swait.ge [sflag:s31], $0x2000  }
0xd8: {  	[sflag:s31] =	ssyncset.done $0x0  }
0xd9: {  	s15 =	sadd.s32 $0x2A80, s7;
	[sflag:s31] =	ssyncadd.s32 $0xFFFFE000  }
0xda: {  	[spmem:s2] =	stream.indirect.scatter.add.f32 [tilespmem:s22], [sflag:$0x9], $0x40, s15, s16, $0xb8;
	[tilespmem:$0x1F000] =	vst v63  }
0xdb: {  	_ =	swait.ge [sflag:s0], $0x2000  }
0xdc: {  	[sflag:s0] =	ssyncset.done $0x0  }
0xdd: {  	s9 =	sadd.s32 $0x2B00, s7;
	[sflag:s0] =	ssyncadd.s32 $0xFFFFE000  }
0xde: {  	[spmem:s2] =	stream.indirect.scatter.add.f32 [tilespmem:s23], [sflag:$0x9], $0x40, s9, s16, $0xb8;
	[tilespmem:$0x1F000] =	vst v63  }
0xdf: {  	_ =	swait.ge [sflag:s1], $0x2000  }
0xe0: {  	[sflag:s1] =	ssyncset.done $0x0  }
0xe1: {  	s7 =	sadd.s32 $0x2B80, s7;
	[sflag:s1] =	ssyncadd.s32 $0xFFFFE000  }
0xe2: {  	[spmem:s2] =	stream.indirect.scatter.add.f32 [tilespmem:s24], [sflag:$0x9], $0x40, s7, s16, $0xb8;
	[tilespmem:$0x1F000] =	vst v63  }
0xe3: {  	_ =	swait.ge [sflag:s3], $0x2000  }
0xe4: {  	[sflag:s3] =	ssyncset.done $0x0  }
0xe5: {  	[sflag:s3] =	ssyncadd.s32 $0xFFFFE000  }
0xe6: {  	_ =	swait.ge [sflag:s3], $0x2000  }
0xe7: {  	[sflag:s3] =	ssyncset.done $0x0  }
0xe8: {  	[sflag:s3] =	ssyncadd.s32 $0xFFFFE000  }
0xe9: {  	_ =	swait.ge [sflag:s3], $0x2000  }
0xea: {  	[sflag:s3] =	ssyncset.done $0x0  }
0xeb: {  	[sflag:s3] =	ssyncadd.s32 $0xFFFFE000  }
0xec: {  	_ =	swait.ge [sflag:s3], $0x2000  }
0xed: {  	[sflag:s3] =	ssyncset.done $0x0  }
0xee: {  	[sflag:s3] =	ssyncadd.s32 $0xFFFFE000  }
0xef: {  	_ =	swait.ge [sflag:s3], $0x2000  }
0xf0: {  	[sflag:s3] =	ssyncset.done $0x0  }
0xf1: {  	[sflag:s3] =	ssyncadd.s32 $0xFFFFE000  }
0xf2: {  	_ =	swait.ge [sflag:s3], $0x2000  }
0xf3: {  	[sflag:s3] =	ssyncset.done $0x0  }
0xf4: {  	[sflag:s3] =	ssyncadd.s32 $0xFFFFE000  }
0xf5: {  	_ =	swait.ge [sflag:s3], $0x2000  }
0xf6: {  	[sflag:s3] =	ssyncset.done $0x0  }
0xf7: {  	[sflag:s3] =	ssyncadd.s32 $0xFFFFE000  }
0xf8: {  	_ =	swait.ge [sflag:s3], $0x2000  }
0xf9: {  	[sflag:s3] =	ssyncset.done $0x0  }
0xfa: {  	s7 =	simm.s32 $0x0;
	s15 =	rddreg [dreg:$0x6];
	[sflag:s3] =	ssyncadd.s32 $0xFFFFE000  }
0xfb: {  	[tilespmem:s7], [sflag:$0xA] =	stream.linear.gather [hbm4b:s15+s7], $0x2800, $0x38;
	[tilespmem:$0x1F000] =	vst v63  }
0xfc: {  	_ =	swait.ge [sflag:s14], $0x2800  }
0xfd: {  	[sflag:s14] =	ssyncset.done $0x0  }
0xfe: {  	s9 =	simm.s32 $0x2800;
	[sflag:s14] =	ssyncadd.s32 $0xFFFFD800  }
0xff: {  	[tilespmem:s9], [sflag:$0xA] =	stream.linear.gather [hbm4b:s10+s7], $0x2800, $0x38;
	[tilespmem:$0x1F000] =	vst v63  }
0x100: {  	_ =	swait.ge [sflag:s14], $0x2800  }
0x101: {  	[sflag:s14] =	ssyncset.done $0x0  }
0x102: {  	s15 =	simm.s32 $0x0;
	[sflag:s14] =	ssyncadd.s32 $0xFFFFD800  }
0x103: {  	[tilespmem:s17], [sflag:$0x1] =	stream.indirect.gather [hbm4b:s4+s16], $0x40, s15, s16, $0xb8;
	[tilespmem:$0x1F000] =	vst v63  }
0x104: {  	s8 =	simm.s32 $0x80  }
0x105: {  	[tilespmem:s18], [sflag:$0x2] =	stream.indirect.gather [hbm4b:s4+s16], $0x40, s8, s16, $0xb8;
	[tilespmem:$0x1F000] =	vst v63  }
0x106: {  	s9 =	simm.s32 $0x100  }
0x107: {  	[tilespmem:s19], [sflag:$0x3] =	stream.indirect.gather [hbm4b:s4+s16], $0x40, s9, s16, $0xb8;
	[tilespmem:$0x1F000] =	vst v63  }
0x108: {  	s15 =	simm.s32 $0x180  }
0x109: {  	[tilespmem:s20], [sflag:$0x4] =	stream.indirect.gather [hbm4b:s4+s16], $0x40, s15, s16, $0xb8;
	[tilespmem:$0x1F000] =	vst v63  }
0x10a: {  	s8 =	simm.s32 $0x200  }
0x10b: {  	[tilespmem:s21], [sflag:$0x5] =	stream.indirect.gather [hbm4b:s4+s16], $0x40, s8, s16, $0xb8;
	[tilespmem:$0x1F000] =	vst v63  }
0x10c: {  	s9 =	simm.s32 $0x280  }
0x10d: {  	[tilespmem:s22], [sflag:$0x6] =	stream.indirect.gather [hbm4b:s4+s16], $0x40, s9, s16, $0xb8;
	[tilespmem:$0x1F000] =	vst v63  }
0x10e: {  	s15 =	simm.s32 $0x300  }
0x10f: {  	[tilespmem:s23], [sflag:$0x7] =	stream.indirect.gather [hbm4b:s4+s16], $0x40, s15, s16, $0xb8;
	[tilespmem:$0x1F000] =	vst v63  }
0x110: {  	s8 =	simm.s32 $0x380  }
0x111: {  	[tilespmem:s24], [sflag:$0x8] =	stream.indirect.gather [hbm4b:s4+s16], $0x40, s8, s16, $0xb8;
	[tilespmem:$0x1F000] =	vst v63  }
0x112: {  	_ =	swait.ge [sflag:s25], $0x2000  }
0x113: {  	[sflag:s25] =	ssyncset.done $0x0  }
0x114: {  	s9 =	simm.s32 $0x2800;
	[sflag:s25] =	ssyncadd.s32 $0xFFFFE000  }
0x115: {  	[spmem:s2] =	stream.indirect.scatter.add.f32 [tilespmem:s17], [sflag:$0x9], $0x40, s9, s16, $0xb8;
	[tilespmem:$0x1F000] =	vst v63  }
0x116: {  	_ =	swait.ge [sflag:s26], $0x2000  }
0x117: {  	[sflag:s26] =	ssyncset.done $0x0  }
0x118: {  	s15 =	simm.s32 $0x2880;
	[sflag:s26] =	ssyncadd.s32 $0xFFFFE000  }
0x119: {  	[spmem:s2] =	stream.indirect.scatter.add.f32 [tilespmem:s18], [sflag:$0x9], $0x40, s15, s16, $0xb8;
	[tilespmem:$0x1F000] =	vst v63  }
0x11a: {  	_ =	swait.ge [sflag:s28], $0x2000  }
0x11b: {  	[sflag:s28] =	ssyncset.done $0x0  }
0x11c: {  	s8 =	simm.s32 $0x2900;
	[sflag:s28] =	ssyncadd.s32 $0xFFFFE000  }
0x11d: {  	[spmem:s2] =	stream.indirect.scatter.add.f32 [tilespmem:s19], [sflag:$0x9], $0x40, s8, s16, $0xb8;
	[tilespmem:$0x1F000] =	vst v63  }
0x11e: {  	_ =	swait.ge [sflag:s29], $0x2000  }
0x11f: {  	[sflag:s29] =	ssyncset.done $0x0  }
0x120: {  	s9 =	simm.s32 $0x2980;
	[sflag:s29] =	ssyncadd.s32 $0xFFFFE000  }
0x121: {  	[spmem:s2] =	stream.indirect.scatter.add.f32 [tilespmem:s20], [sflag:$0x9], $0x40, s9, s16, $0xb8;
	[tilespmem:$0x1F000] =	vst v63  }
0x122: {  	_ =	swait.ge [sflag:s30], $0x2000  }
0x123: {  	[sflag:s30] =	ssyncset.done $0x0  }
0x124: {  	s15 =	simm.s32 $0x2A00;
	[sflag:s30] =	ssyncadd.s32 $0xFFFFE000  }
0x125: {  	[spmem:s2] =	stream.indirect.scatter.add.f32 [tilespmem:s21], [sflag:$0x9], $0x40, s15, s16, $0xb8;
	[tilespmem:$0x1F000] =	vst v63  }
0x126: {  	_ =	swait.ge [sflag:s31], $0x2000  }
0x127: {  	[sflag:s31] =	ssyncset.done $0x0  }
0x128: {  	s8 =	simm.s32 $0x2A80;
	[sflag:s31] =	ssyncadd.s32 $0xFFFFE000  }
0x129: {  	[spmem:s2] =	stream.indirect.scatter.add.f32 [tilespmem:s22], [sflag:$0x9], $0x40, s8, s16, $0xb8;
	[tilespmem:$0x1F000] =	vst v63  }
0x12a: {  	_ =	swait.ge [sflag:s0], $0x2000  }
0x12b: {  	[sflag:s0] =	ssyncset.done $0x0  }
0x12c: {  	s9 =	simm.s32 $0x2B00;
	[sflag:s0] =	ssyncadd.s32 $0xFFFFE000  }
0x12d: {  	[spmem:s2] =	stream.indirect.scatter.add.f32 [tilespmem:s23], [sflag:$0x9], $0x40, s9, s16, $0xb8;
	[tilespmem:$0x1F000] =	vst v63  }
0x12e: {  	_ =	swait.ge [sflag:s1], $0x2000  }
0x12f: {  	[sflag:s1] =	ssyncset.done $0x0  }
0x130: {  	s15 =	simm.s32 $0x2B80;
	[sflag:s1] =	ssyncadd.s32 $0xFFFFE000  }
0x131: {  	[spmem:s2] =	stream.indirect.scatter.add.f32 [tilespmem:s24], [sflag:$0x9], $0x40, s15, s16, $0xb8;
	[tilespmem:$0x1F000] =	vst v63  }
0x132: {  	_ =	swait.ge [sflag:s3], $0x2000  }
0x133: {  	[sflag:s3] =	ssyncset.done $0x0  }
0x134: {  	[sflag:s3] =	ssyncadd.s32 $0xFFFFE000  }
0x135: {  	_ =	swait.ge [sflag:s3], $0x2000  }
0x136: {  	[sflag:s3] =	ssyncset.done $0x0  }
0x137: {  	[sflag:s3] =	ssyncadd.s32 $0xFFFFE000  }
0x138: {  	_ =	swait.ge [sflag:s3], $0x2000  }
0x139: {  	[sflag:s3] =	ssyncset.done $0x0  }
0x13a: {  	[sflag:s3] =	ssyncadd.s32 $0xFFFFE000  }
0x13b: {  	_ =	swait.ge [sflag:s3], $0x2000  }
0x13c: {  	[sflag:s3] =	ssyncset.done $0x0  }
0x13d: {  	[sflag:s3] =	ssyncadd.s32 $0xFFFFE000  }
0x13e: {  	_ =	swait.ge [sflag:s3], $0x2000  }
0x13f: {  	[sflag:s3] =	ssyncset.done $0x0  }
0x140: {  	[sflag:s3] =	ssyncadd.s32 $0xFFFFE000  }
0x141: {  	_ =	swait.ge [sflag:s3], $0x2000  }
0x142: {  	[sflag:s3] =	ssyncset.done $0x0  }
0x143: {  	[sflag:s3] =	ssyncadd.s32 $0xFFFFE000  }
0x144: {  	_ =	swait.ge [sflag:s3], $0x2000  }
0x145: {  	[sflag:s3] =	ssyncset.done $0x0  }
0x146: {  	[sflag:s3] =	ssyncadd.s32 $0xFFFFE000  }
0x147: {  	_ =	swait.ge [sflag:s3], $0x2000  }
0x148: {  	s9 =	simm.s32 $0x2000;
	s15 =	simm.s32 $0x1000;
	[sflag:s3] =	ssyncset.done $0x0  }
.LBB2_4:
0x149: {  	s8 =	sshra.s32 s15, $0x2  }
0x14a: {  	[sflag:s3] =	ssyncadd.s32 $0xFFFFE000;
	s15 =	smov.u32 s9;
	s7 =	sadd.s32 $0x1000, s9  }
0x14b: {  	[tilespmem:s17], [sflag:$0x1] =	stream.indirect.gather [hbm4b:s4+s16], $0x40, s8, s16, $0xb8;
	[tilespmem:$0x1F000] =	vst v63  }
0x14c: {  	p0 =	sne.s32 s9, $0x9000;
	s9 =	sadd.s32 $0x80, s8  }
0x14d: {  	[tilespmem:s18], [sflag:$0x2] =	stream.indirect.gather [hbm4b:s4+s16], $0x40, s9, s16, $0xb8;
	[tilespmem:$0x1F000] =	vst v63  }
0x14e: {  	s9 =	sadd.s32 $0x100, s8  }
0x14f: {  	[tilespmem:s19], [sflag:$0x3] =	stream.indirect.gather [hbm4b:s4+s16], $0x40, s9, s16, $0xb8;
	[tilespmem:$0x1F000] =	vst v63  }
0x150: {  	s9 =	sadd.s32 $0x180, s8  }
0x151: {  	[tilespmem:s20], [sflag:$0x4] =	stream.indirect.gather [hbm4b:s4+s16], $0x40, s9, s16, $0xb8;
	[tilespmem:$0x1F000] =	vst v63  }
0x152: {  	s9 =	sadd.s32 $0x200, s8  }
0x153: {  	[tilespmem:s21], [sflag:$0x5] =	stream.indirect.gather [hbm4b:s4+s16], $0x40, s9, s16, $0xb8;
	[tilespmem:$0x1F000] =	vst v63  }
0x154: {  	s9 =	sadd.s32 $0x280, s8  }
0x155: {  	[tilespmem:s22], [sflag:$0x6] =	stream.indirect.gather [hbm4b:s4+s16], $0x40, s9, s16, $0xb8;
	[tilespmem:$0x1F000] =	vst v63  }
0x156: {  	s9 =	sadd.s32 $0x300, s8  }
0x157: {  	[tilespmem:s23], [sflag:$0x7] =	stream.indirect.gather [hbm4b:s4+s16], $0x40, s9, s16, $0xb8;
	[tilespmem:$0x1F000] =	vst v63  }
0x158: {  	s9 =	sadd.s32 $0x380, s8  }
0x159: {  	[tilespmem:s24], [sflag:$0x8] =	stream.indirect.gather [hbm4b:s4+s16], $0x40, s9, s16, $0xb8;
	[tilespmem:$0x1F000] =	vst v63  }
0x15a: {  	_ =	swait.ge [sflag:s25], $0x2000  }
0x15b: {  	[sflag:s25] =	ssyncset.done $0x0  }
0x15c: {  	s9 =	sadd.s32 $0x2800, s8;
	[sflag:s25] =	ssyncadd.s32 $0xFFFFE000  }
0x15d: {  	[spmem:s2] =	stream.indirect.scatter.add.f32 [tilespmem:s17], [sflag:$0x9], $0x40, s9, s16, $0xb8;
	[tilespmem:$0x1F000] =	vst v63  }
0x15e: {  	_ =	swait.ge [sflag:s26], $0x2000  }
0x15f: {  	[sflag:s26] =	ssyncset.done $0x0  }
0x160: {  	s9 =	sadd.s32 $0x2880, s8;
	[sflag:s26] =	ssyncadd.s32 $0xFFFFE000  }
0x161: {  	[spmem:s2] =	stream.indirect.scatter.add.f32 [tilespmem:s18], [sflag:$0x9], $0x40, s9, s16, $0xb8;
	[tilespmem:$0x1F000] =	vst v63  }
0x162: {  	_ =	swait.ge [sflag:s28], $0x2000  }
0x163: {  	[sflag:s28] =	ssyncset.done $0x0  }
0x164: {  	s9 =	sadd.s32 $0x2900, s8;
	[sflag:s28] =	ssyncadd.s32 $0xFFFFE000  }
0x165: {  	[spmem:s2] =	stream.indirect.scatter.add.f32 [tilespmem:s19], [sflag:$0x9], $0x40, s9, s16, $0xb8;
	[tilespmem:$0x1F000] =	vst v63  }
0x166: {  	_ =	swait.ge [sflag:s29], $0x2000  }
0x167: {  	[sflag:s29] =	ssyncset.done $0x0  }
0x168: {  	s9 =	sadd.s32 $0x2980, s8;
	[sflag:s29] =	ssyncadd.s32 $0xFFFFE000  }
0x169: {  	[spmem:s2] =	stream.indirect.scatter.add.f32 [tilespmem:s20], [sflag:$0x9], $0x40, s9, s16, $0xb8;
	[tilespmem:$0x1F000] =	vst v63  }
0x16a: {  	_ =	swait.ge [sflag:s30], $0x2000  }
0x16b: {  	[sflag:s30] =	ssyncset.done $0x0  }
0x16c: {  	s9 =	sadd.s32 $0x2A00, s8;
	[sflag:s30] =	ssyncadd.s32 $0xFFFFE000  }
0x16d: {  	[spmem:s2] =	stream.indirect.scatter.add.f32 [tilespmem:s21], [sflag:$0x9], $0x40, s9, s16, $0xb8;
	[tilespmem:$0x1F000] =	vst v63  }
0x16e: {  	_ =	swait.ge [sflag:s31], $0x2000  }
0x16f: {  	[sflag:s31] =	ssyncset.done $0x0  }
0x170: {  	s9 =	sadd.s32 $0x2A80, s8;
	[sflag:s31] =	ssyncadd.s32 $0xFFFFE000  }
0x171: {  	[spmem:s2] =	stream.indirect.scatter.add.f32 [tilespmem:s22], [sflag:$0x9], $0x40, s9, s16, $0xb8;
	[tilespmem:$0x1F000] =	vst v63  }
0x172: {  	_ =	swait.ge [sflag:s0], $0x2000  }
0x173: {  	[sflag:s0] =	ssyncset.done $0x0  }
0x174: {  	s9 =	sadd.s32 $0x2B00, s8;
	[sflag:s0] =	ssyncadd.s32 $0xFFFFE000  }
0x175: {  	[spmem:s2] =	stream.indirect.scatter.add.f32 [tilespmem:s23], [sflag:$0x9], $0x40, s9, s16, $0xb8;
	[tilespmem:$0x1F000] =	vst v63  }
0x176: {  	_ =	swait.ge [sflag:s1], $0x2000  }
0x177: {  	[sflag:s1] =	ssyncset.done $0x0  }
0x178: {  	s8 =	sadd.s32 $0x2B80, s8;
	[sflag:s1] =	ssyncadd.s32 $0xFFFFE000  }
0x179: {  	[spmem:s2] =	stream.indirect.scatter.add.f32 [tilespmem:s24], [sflag:$0x9], $0x40, s8, s16, $0xb8;
	[tilespmem:$0x1F000] =	vst v63  }
0x17a: {  	_ =	swait.ge [sflag:s3], $0x2000  }
0x17b: {  	[sflag:s3] =	ssyncset.done $0x0  }
0x17c: {  	[sflag:s3] =	ssyncadd.s32 $0xFFFFE000  }
0x17d: {  	_ =	swait.ge [sflag:s3], $0x2000  }
0x17e: {  	[sflag:s3] =	ssyncset.done $0x0  }
0x17f: {  	[sflag:s3] =	ssyncadd.s32 $0xFFFFE000  }
0x180: {  	_ =	swait.ge [sflag:s3], $0x2000  }
0x181: {  	[sflag:s3] =	ssyncset.done $0x0  }
0x182: {  	[sflag:s3] =	ssyncadd.s32 $0xFFFFE000  }
0x183: {  	_ =	swait.ge [sflag:s3], $0x2000  }
0x184: {  	[sflag:s3] =	ssyncset.done $0x0  }
0x185: {  	[sflag:s3] =	ssyncadd.s32 $0xFFFFE000  }
0x186: {  	_ =	swait.ge [sflag:s3], $0x2000  }
0x187: {  	[sflag:s3] =	ssyncset.done $0x0  }
0x188: {  	[sflag:s3] =	ssyncadd.s32 $0xFFFFE000  }
0x189: {  	_ =	swait.ge [sflag:s3], $0x2000  }
0x18a: {  	[sflag:s3] =	ssyncset.done $0x0  }
0x18b: {  	[sflag:s3] =	ssyncadd.s32 $0xFFFFE000  }
.Ltmp1:
0x18c: {  	_ =	swait.ge [sflag:s3], $0x2000;
	(pc) =	sbr.rel @p0 .LBB2_4-.Ltmp1, $4  }
0x18d: {  	[sflag:s3] =	ssyncset.done $0x0  }
0x18e: {  	[sflag:s3] =	ssyncadd.s32 $0xFFFFE000  }
0x18f: {  	_ =	swait.ge [sflag:s3], $0x2000  }
0x190: {  	s9 =	smov.u32 s7;
	[sflag:s3] =	ssyncset.done $0x0  }
0x191: {  	s7 =	sshra.s32 s15, $0x2;
	[sflag:s3] =	ssyncadd.s32 $0xFFFFE000  }
0x192: {  	[tilespmem:s17], [sflag:$0x1] =	stream.indirect.gather [hbm4b:s4+s16], $0x40, s7, s16, $0xb8;
	[tilespmem:$0x1F000] =	vst v63  }
0x193: {  	s8 =	sadd.s32 $0x80, s7  }
0x194: {  	[tilespmem:s18], [sflag:$0x2] =	stream.indirect.gather [hbm4b:s4+s16], $0x40, s8, s16, $0xb8;
	[tilespmem:$0x1F000] =	vst v63  }
0x195: {  	s15 =	sadd.s32 $0x100, s7  }
0x196: {  	[tilespmem:s19], [sflag:$0x3] =	stream.indirect.gather [hbm4b:s4+s16], $0x40, s15, s16, $0xb8;
	[tilespmem:$0x1F000] =	vst v63  }
0x197: {  	s9 =	sadd.s32 $0x180, s7  }
0x198: {  	[tilespmem:s20], [sflag:$0x4] =	stream.indirect.gather [hbm4b:s4+s16], $0x40, s9, s16, $0xb8;
	[tilespmem:$0x1F000] =	vst v63  }
0x199: {  	s15 =	sadd.s32 $0x200, s7  }
0x19a: {  	[tilespmem:s21], [sflag:$0x5] =	stream.indirect.gather [hbm4b:s4+s16], $0x40, s15, s16, $0xb8;
	[tilespmem:$0x1F000] =	vst v63  }
0x19b: {  	s9 =	sadd.s32 $0x280, s7  }
0x19c: {  	[tilespmem:s22], [sflag:$0x6] =	stream.indirect.gather [hbm4b:s4+s16], $0x40, s9, s16, $0xb8;
	[tilespmem:$0x1F000] =	vst v63  }
0x19d: {  	s15 =	sadd.s32 $0x300, s7  }
0x19e: {  	[tilespmem:s23], [sflag:$0x7] =	stream.indirect.gather [hbm4b:s4+s16], $0x40, s15, s16, $0xb8;
	[tilespmem:$0x1F000] =	vst v63  }
0x19f: {  	s9 =	sadd.s32 $0x380, s7  }
0x1a0: {  	[tilespmem:s24], [sflag:$0x8] =	stream.indirect.gather [hbm4b:s4+s16], $0x40, s9, s16, $0xb8;
	[tilespmem:$0x1F000] =	vst v63  }
0x1a1: {  	_ =	swait.ge [sflag:s25], $0x2000  }
0x1a2: {  	[sflag:s25] =	ssyncset.done $0x0  }
0x1a3: {  	s15 =	sadd.s32 $0x2800, s7;
	[sflag:s25] =	ssyncadd.s32 $0xFFFFE000  }
0x1a4: {  	[spmem:s2] =	stream.indirect.scatter.add.f32 [tilespmem:s17], [sflag:$0x9], $0x40, s15, s16, $0xb8;
	[tilespmem:$0x1F000] =	vst v63  }
0x1a5: {  	_ =	swait.ge [sflag:s26], $0x2000  }
0x1a6: {  	[sflag:s26] =	ssyncset.done $0x0  }
0x1a7: {  	s9 =	sadd.s32 $0x2880, s7;
	[sflag:s26] =	ssyncadd.s32 $0xFFFFE000  }
0x1a8: {  	[spmem:s2] =	stream.indirect.scatter.add.f32 [tilespmem:s18], [sflag:$0x9], $0x40, s9, s16, $0xb8;
	[tilespmem:$0x1F000] =	vst v63  }
0x1a9: {  	_ =	swait.ge [sflag:s28], $0x2000  }
0x1aa: {  	[sflag:s28] =	ssyncset.done $0x0  }
0x1ab: {  	s15 =	sadd.s32 $0x2900, s7;
	[sflag:s28] =	ssyncadd.s32 $0xFFFFE000  }
0x1ac: {  	[spmem:s2] =	stream.indirect.scatter.add.f32 [tilespmem:s19], [sflag:$0x9], $0x40, s15, s16, $0xb8;
	[tilespmem:$0x1F000] =	vst v63  }
0x1ad: {  	_ =	swait.ge [sflag:s29], $0x2000  }
0x1ae: {  	[sflag:s29] =	ssyncset.done $0x0  }
0x1af: {  	s9 =	sadd.s32 $0x2980, s7;
	[sflag:s29] =	ssyncadd.s32 $0xFFFFE000  }
0x1b0: {  	[spmem:s2] =	stream.indirect.scatter.add.f32 [tilespmem:s20], [sflag:$0x9], $0x40, s9, s16, $0xb8;
	[tilespmem:$0x1F000] =	vst v63  }
0x1b1: {  	_ =	swait.ge [sflag:s30], $0x2000  }
0x1b2: {  	[sflag:s30] =	ssyncset.done $0x0  }
0x1b3: {  	s15 =	sadd.s32 $0x2A00, s7;
	[sflag:s30] =	ssyncadd.s32 $0xFFFFE000  }
0x1b4: {  	[spmem:s2] =	stream.indirect.scatter.add.f32 [tilespmem:s21], [sflag:$0x9], $0x40, s15, s16, $0xb8;
	[tilespmem:$0x1F000] =	vst v63  }
0x1b5: {  	_ =	swait.ge [sflag:s31], $0x2000  }
0x1b6: {  	[sflag:s31] =	ssyncset.done $0x0  }
0x1b7: {  	s9 =	sadd.s32 $0x2A80, s7;
	[sflag:s31] =	ssyncadd.s32 $0xFFFFE000  }
0x1b8: {  	[spmem:s2] =	stream.indirect.scatter.add.f32 [tilespmem:s22], [sflag:$0x9], $0x40, s9, s16, $0xb8;
	[tilespmem:$0x1F000] =	vst v63  }
0x1b9: {  	_ =	swait.ge [sflag:s0], $0x2000  }
0x1ba: {  	[sflag:s0] =	ssyncset.done $0x0  }
0x1bb: {  	s15 =	sadd.s32 $0x2B00, s7;
	[sflag:s0] =	ssyncadd.s32 $0xFFFFE000  }
0x1bc: {  	[spmem:s2] =	stream.indirect.scatter.add.f32 [tilespmem:s23], [sflag:$0x9], $0x40, s15, s16, $0xb8;
	[tilespmem:$0x1F000] =	vst v63  }
0x1bd: {  	_ =	swait.ge [sflag:s1], $0x2000  }
0x1be: {  	[sflag:s1] =	ssyncset.done $0x0  }
0x1bf: {  	s7 =	sadd.s32 $0x2B80, s7;
	[sflag:s1] =	ssyncadd.s32 $0xFFFFE000  }
0x1c0: {  	[spmem:s2] =	stream.indirect.scatter.add.f32 [tilespmem:s24], [sflag:$0x9], $0x40, s7, s16, $0xb8;
	[tilespmem:$0x1F000] =	vst v63  }
0x1c1: {  	_ =	swait.ge [sflag:s3], $0x2000  }
0x1c2: {  	[sflag:s3] =	ssyncset.done $0x0  }
0x1c3: {  	[sflag:s3] =	ssyncadd.s32 $0xFFFFE000  }
0x1c4: {  	_ =	swait.ge [sflag:s3], $0x2000  }
0x1c5: {  	[sflag:s3] =	ssyncset.done $0x0  }
0x1c6: {  	[sflag:s3] =	ssyncadd.s32 $0xFFFFE000  }
0x1c7: {  	_ =	swait.ge [sflag:s3], $0x2000  }
0x1c8: {  	[sflag:s3] =	ssyncset.done $0x0  }
0x1c9: {  	[sflag:s3] =	ssyncadd.s32 $0xFFFFE000  }
0x1ca: {  	_ =	swait.ge [sflag:s3], $0x2000  }
0x1cb: {  	[sflag:s3] =	ssyncset.done $0x0  }
0x1cc: {  	[sflag:s3] =	ssyncadd.s32 $0xFFFFE000  }
0x1cd: {  	_ =	swait.ge [sflag:s3], $0x2000  }
0x1ce: {  	[sflag:s3] =	ssyncset.done $0x0  }
0x1cf: {  	[sflag:s3] =	ssyncadd.s32 $0xFFFFE000  }
0x1d0: {  	_ =	swait.ge [sflag:s3], $0x2000  }
0x1d1: {  	[sflag:s3] =	ssyncset.done $0x0  }
0x1d2: {  	[sflag:s3] =	ssyncadd.s32 $0xFFFFE000  }
0x1d3: {  	_ =	swait.ge [sflag:s3], $0x2000  }
0x1d4: {  	[sflag:s3] =	ssyncset.done $0x0  }
0x1d5: {  	[sflag:s3] =	ssyncadd.s32 $0xFFFFE000  }
0x1d6: {  	_ =	swait.ge [sflag:s3], $0x2000  }
0x1d7: {  	s5 =	sadd.s32 $0x1, s5;
	[sflag:s3] =	ssyncset.done $0x0  }
0x1d8: {  	p0 =	sne.s32 s5, s12;
	[sflag:s3] =	ssyncadd.s32 $0xFFFFE000  }
.Ltmp2:
0x1d9: {  	[bflag:$0x0] =	sbarrier.arrive $0xFFFF;
	(pc) =	sbr.rel @p0 .LBB2_1-.Ltmp2, $4  }
0x1da: {  	[hbm:s11], [sflag:s6] =	dma.local [spmem:s13], $0x1400  }
0x1db: {  	_ =	swait.ge [sflag:s14], $0x1400  }
0x1dc: {  	[sflag:s14] =	ssyncset.done $0x0  }
0x1dd: {  	[sflag:s14] =	ssyncadd.s32 $0xFFFFEC00  }
0x1de: {  	_ =	sfence.sel $0x180000  }
0x1df: {  	[bflag:$0x0] =	sbarrier.arrive $0xFFFF  }
0x1e0: {  	_ =	strace $0x9000004A  }
0x1e1: {  	s0 =	stileid.u32;
	[bflag:$0x2] =	sbarrier.arrive $0xFFFF  }
0x1e2: {  	p0 =	sne.s32 s0, $0x0;
	s0 =	rddreg [dreg:$0x2]  }
0x1e3: {  	s0 =	sadd.s32 @!p0 $0x100000, s0  }
0x1e4: {  	[sflag:s0] =	ssyncadd.tile.s32 @!p0 $0x1;
	_ =	shalt  }
.Lfunc_end2:
_tile_overlayer_lowered:
.L_overlay_start_2:
0x1e5: {  	(tag) =	ssettag $0x2  }
0x1e6: {  	s0 =	rddreg [dreg:$0x0];
	s2 =	stileid.u32  }
0x1e7: {  	s1 =	rddreg [dreg:$0x1];
	p0 =	sne.s32 s2, $0x0  }
0x1e8: {  	s3 =	rddreg [dreg:$0x2];
	[bflag:$0x3] =	sbarrier.arrive $0xFFFF;
	s2 =	simm.s32 @!p0 $0x1C0A  }
0x1e9: {  	[timem:s3], [sflag:s2] =	dma.local @!p0 [hbm:s0], s1  }
0x1ea: {  	s0 =	simm.s32 @!p0 $0xA  }
0x1eb: {  	_ =	swait.ge @!p0 [sflag:s0], s1  }
0x1ec: {  	s1 =	ssub.s32 @!p0 $0x0, s1;
	[sflag:s0] =	ssyncset.done @!p0 $0x0  }
0x1ed: {  	[sflag:s0] =	ssyncadd.s32 @!p0 s1  }
0x1ee: {  	[bflag:$0x3] =	sbarrier.arrive $0xFFFF  }
0x1ef: {  	_ =	shalt  }

// kernel: kernel.17.cloned.1.call-start
scs
__scs_entry_jumppad:
0x0: {  	(pc) =	sbr.rel $0x88, $3  }
0x1: {  	(tag) =	ssettag $0x0;
	lr =	simm.s32 $0x1  }
0x2: {  	[smem:$0x3F91] =	sst lr;
	_ =	strace $0xD0000000  }
0x3: {  	_ = 	snop  }
0x4: {  	_ = 	snop  }
0x5: {  	_ = 	snop  }
0x6: {  	_ = 	snop  }
0x7: {  	_ = 	snop  }
__scs_overlays_trampoline_lowered:
0x8: {  	[smem:$0x3FA0] =	sst s0  }
0x9: {  	[smem:$0x3FA1] =	sst s1  }
0xa: {  	[smem:$0x3FA2] =	sst s2  }
0xb: {  	[smem:$0x3FA3] =	sst s3  }
0xc: {  	[smem:$0x3FA4] =	sst s4  }
0xd: {  	[smem:$0x3FA5] =	sst s5  }
0xe: {  	[smem:$0x3FA6] =	sst s6  }
0xf: {  	[smem:$0x3FA7] =	sst s7  }
0x10: {  	[smem:$0x3FA8] =	sst s8  }
0x11: {  	[smem:$0x3FA9] =	sst s9;
	s0 =	simm.s32 @!p0 $0x0  }
0x12: {  	s1 =	sld [smem:$0x3F8F];
	s0 =	simm.s32 @p0 $0x1  }
0x13: {  	[smem:$0x3FAA] =	sst s0;
	s0 =	simm.s32 @!p1 $0x0  }
0x14: {  	s2 =	sld [smem:$0x3F8E];
	s0 =	simm.s32 @p1 $0x1  }
0x15: {  	[smem:$0x3FAB] =	sst s0;
	s0 =	simm.s32 @!p2 $0x0  }
0x16: {  	s3 =	sld [smem:$0x3FDB];
	s0 =	simm.s32 @p2 $0x1  }
0x17: {  	s4 =	simm.s32 $0x1BF5;
	[smem:$0x3FAD] =	sst s0  }
0x18: {  	s0 =	sld [smem:$0x3F90];
	_ =	swait.ge [sflag:s4], $0x0  }
0x19: {  	s7 =	sld [smem:$0x3F91]  }
0x1a: {  	s8 =	sadd.s32 $0xFFFFE003, lr  }
0x1b: {  	s9 =	sadd.s32 $0xFFFFFEF7, lr;
	s5 =	simm.s32 $0xFFFFFFFF;
	p2 =	slt.u32 s8, $0xFFFFF086  }
0x1c: {  	p1 =	slt.u32 s9, $0xF7A;
	s5 =	simm.s32 @!p2 $0x0  }
0x1d: {  	s5 =	simm.s32 @p1 $0x1;
	p0 =	seq.s32 s7, s2  }
0x1e: {  	s7 =	smul.u32 @!p0 $0xF7A, s2;
	p2 =	seq.s32 @!p0 s5, $0x0  }
0x1f: {  	s9 =	smul.u32 $0xF7A, s1;
	s8 =	simm.s32 @!p0 $0x1BF5;
	p2 =	por !p2, p0  }
0x20: {  	[sflag:s8] =	ssyncset.s32 @!p0 $0xFFFFF086;
	s6 =	sadd.s32 @!p0 s3, s7;
	s7 =	simm.s32 @!p0 $0x108  }
0x21: {  	s3 =	sadd.s32 s3, s9;
	s6 =	sadd.s32 @!p0 $0x88, s6;
	s7 =	simm.s32 @p2 $0x1082  }
0x22: {  	[simem:s7], [sflag:s8] =	dma.local @!p0 [hbm:s6], $0xF7A  }
0x23: {  	s9 =	sor.u32 $0xD0000000, s2;
	s6 =	simm.s32 $0x108;
	_ =	swait.ge @!p0 [sflag:s8], $0x0  }
0x24: {  	s3 =	sadd.s32 $0x88, s3;
	s6 =	simm.s32 @!p1 $0x1082;
	[sflag:s4] =	ssyncset.s32 $0xFFFFF086  }
0x25: {  	[simem:s6], [sflag:s4] =	dma.local [hbm:s3], $0xF7A  }
0x26: {  	[smem:$0x3F91] =	sst s1;
	(tag) =	ssettag s2;
	_ =	strace s9  }
0x27: {  	s1 =	sld [smem:$0x3FA1]  }
0x28: {  	s2 =	sld [smem:$0x3FA2]  }
0x29: {  	s4 =	sld [smem:$0x3FA4]  }
0x2a: {  	p0 =	seq.s32 s5, $0x0;
	s5 =	sld [smem:$0x3FA5]  }
0x2b: {  	s6 =	sld [smem:$0x3FA6]  }
0x2c: {  	s7 =	sld [smem:$0x3FA7]  }
0x2d: {  	s3 =	simm.s32 $0x108;
	s8 =	sld [smem:$0x3FA8]  }
0x2e: {  	s3 =	simm.s32 @!p0 $0x1082;
	s9 =	sld [smem:$0x3FA9]  }
0x2f: {  	lr =	sadd.s32 s0, s3;
	s0 =	sld [smem:$0x3FA0]  }
0x30: {  	s3 =	sld [smem:$0x3FA3]  }
0x31: {  	[smem:$0x3FAC] =	sst s10  }
0x32: {  	s10 =	sld [smem:$0x3FAA];
	_ =	sdelay $0x3  }
0x33: {  	p0 =	seq.s32 s10, $0x1;
	s10 =	sld [smem:$0x3FAC];
	_ =	sdelay $0x3  }
0x34: {  	[smem:$0x3FAC] =	sst s10  }
0x35: {  	s10 =	sld [smem:$0x3FAB];
	_ =	sdelay $0x3  }
0x36: {  	p1 =	seq.s32 s10, $0x1;
	s10 =	sld [smem:$0x3FAC];
	_ =	sdelay $0x3  }
0x37: {  	[smem:$0x3FAC] =	sst s10  }
0x38: {  	s10 =	sld [smem:$0x3FAD]  }
0x39: {  	_ = 	snop;
	(pc) =	sbr.ind lr, $3  }
0x3a: {  	_ = 	snop  }
0x3b: {  	_ = 	snop  }
0x3c: {  	p2 =	seq.s32 s10, $0x1;
	s10 =	sld [smem:$0x3FAC]  }
0x3d: {  	_ =	shalt  }
0x3e: {  	_ =	shalt  }
0x3f: {  	_ =	shalt  }
0x40: {  	_ =	shalt  }
0x41: {  	_ =	shalt  }
0x42: {  	_ =	shalt  }
0x43: {  	_ =	shalt  }
0x44: {  	_ =	shalt  }
0x45: {  	_ =	shalt  }
0x46: {  	_ =	shalt  }
0x47: {  	_ =	shalt  }
0x48: {  	_ =	shalt  }
0x49: {  	_ =	shalt  }
0x4a: {  	_ =	shalt  }
0x4b: {  	_ =	shalt  }
0x4c: {  	_ =	shalt  }
0x4d: {  	_ =	shalt  }
0x4e: {  	_ =	shalt  }
0x4f: {  	_ =	shalt  }
0x50: {  	_ =	shalt  }
0x51: {  	_ =	shalt  }
0x52: {  	_ =	shalt  }
0x53: {  	_ =	shalt  }
0x54: {  	_ =	shalt  }
0x55: {  	_ =	shalt  }
0x56: {  	_ =	shalt  }
0x57: {  	_ =	shalt  }
0x58: {  	_ =	shalt  }
0x59: {  	_ =	shalt  }
0x5a: {  	_ =	shalt  }
0x5b: {  	_ =	shalt  }
0x5c: {  	_ =	shalt  }
0x5d: {  	_ =	shalt  }
0x5e: {  	_ =	shalt  }
0x5f: {  	_ =	shalt  }
0x60: {  	_ =	shalt  }
0x61: {  	_ =	shalt  }
0x62: {  	_ =	shalt  }
0x63: {  	_ =	shalt  }
0x64: {  	_ =	shalt  }
0x65: {  	_ =	shalt  }
0x66: {  	_ =	shalt  }
0x67: {  	_ =	shalt  }
0x68: {  	_ =	shalt  }
0x69: {  	_ =	shalt  }
0x6a: {  	_ =	shalt  }
0x6b: {  	_ =	shalt  }
0x6c: {  	_ =	shalt  }
0x6d: {  	_ =	shalt  }
0x6e: {  	_ =	shalt  }
0x6f: {  	_ =	shalt  }
0x70: {  	_ =	shalt  }
0x71: {  	_ =	shalt  }
0x72: {  	_ =	shalt  }
0x73: {  	_ =	shalt  }
0x74: {  	_ =	shalt  }
0x75: {  	_ =	shalt  }
0x76: {  	_ =	shalt  }
0x77: {  	_ =	shalt  }
0x78: {  	_ =	shalt  }
0x79: {  	_ =	shalt  }
0x7a: {  	_ =	shalt  }
0x7b: {  	_ =	shalt  }
0x7c: {  	_ =	shalt  }
0x7d: {  	_ =	shalt  }
0x7e: {  	_ =	shalt  }
0x7f: {  	_ =	shalt  }
0x80: {  	_ =	shalt  }
0x81: {  	_ =	shalt  }
0x82: {  	_ =	shalt  }
0x83: {  	_ =	shalt  }
0x84: {  	_ =	shalt  }
0x85: {  	_ =	shalt  }
0x86: {  	_ =	shalt  }
0x87: {  	_ =	shalt  }
.Lfunc_end0:
.L_simem_size_0:
called_computation.2_lowered:
.L_overlay_start_0:
0x88: {  	s2 =	sld [smem:$0x3FD9]  }
0x89: {  	s3 =	sld [smem:$0x3FFE];
	_ =	sdelay $0x1  }
0x8a: {  	s1 =	srdreg.scid  }
0x8b: {  	s0 =	sand.u32 $0x1, s1  }
0x8c: {  	s16 =	sshll.u32 s0, $0xA;
	s2 =	sadd.s32 s3, s2  }
0x8d: {  	s2 =	sadd.s32 s2, s16  }
0x8e: {  	[smem:$0x3FB8] =	sst s2  }
0x8f: {  	_ = 	snop  }
0x90: {  	(tm) =	ssettm $0x1  }
0x91: {  	s17 =	sld [smem:$0x3FFB];
	_ =	sdelay $0x3  }
0x92: {  	_ =	strace s17  }
0x93: {  	s2 =	sld [smem:$0x3FFC];
	_ =	sdelay $0x3  }
0x94: {  	_ =	strace s2  }
0x95: {  	s2 =	sld [smem:$0x3FFD];
	_ =	sdelay $0x3  }
0x96: {  	_ =	strace s2  }
0x97: {  	_ =	strace $0x8FFFFFFF  }
0x98: {  	s18 =	sld [smem:$0x3FDB];
	_ =	sdelay $0x1  }
0x99: {  	s19 =	simm.s32 $_scs_section_size  }
0x9a: {  	s4 =	simm.s32 $_size__tile_overlayer_lowered;
	s5 =	simm.s32 $_tile_overlayer_lowered  }
0x9b: {  	s22 =	simm.s32 $0x1BFF;
	s21 =	sshll.u32 s5, $0x1;
	s2 =	sadd.s32 s19, s18  }
0x9c: {  	s6 =	simm.s32 $0x0;
	s20 =	sshll.u32 s4, $0x1;
	s4 =	sadd.s32 s21, s2  }
0x9d: {  	[timem:s6], [sflag:s22] =	dma.local [hbm:s4], s20  }
0x9e: {  	_ =	swait.ge [sflag:s22], s20  }
0x9f: {  	s3 =	ssub.s32 $0x0, s20;
	[sflag:s22] =	ssyncset.done $0x0  }
0xa0: {  	[sflag:s22] =	ssyncadd.s32 s3;
	_ =	sdelay $0x1  }
0xa1: {  	s23 =	simm.s32 $0x1B8B  }
0xa2: {  	_ =	swait.ge [sflag:s23], $0x1  }
0xa3: {  	[sflag:s23] =	ssyncset.done $0x0  }
0xa4: {  	s25 =	simm.s32 $0x1B8E;
	s24 =	sld [smem:$0x3FFE];
	[sflag:s23] =	ssyncadd.s32 $0xFFFFFFFF  }
0xa5: {  	s26 =	simm.s32 $execute0_lowered;
	[smem:$0x3FD2] =	sst s25  }
0xa6: {  	s4 =	sshll.u32 s26, $0x1;
	_ =	strace $0x8000004C;
	[dreg:$0x1] =	wrdreg $0xFFFFFFFF  }
0xa7: {  	s28 =	simm.s32 $_size_execute0_lowered;
	s2 =	sadd.s32 s2, s4;
	[dreg:$0x0] =	wrdreg $0x0  }
0xa8: {  	s4 =	sshll.u32 s28, $0x1;
	[dreg:$0x2] =	wrdreg s2  }
0xa9: {  	[dreg:$0x3] =	wrdreg s4  }
0xaa: {  	[dreg:$0x4] =	wrdreg $0xC0  }
0xab: {  	_ =	task [dreg:s6], $0x5FFFF  }
0xac: {  	[dreg:$0x1] =	wrdreg $0xFFFFFFFF  }
0xad: {  	[dreg:$0x0] =	wrdreg $0x60  }
0xae: {  	[dreg:$0x2] =	wrdreg s24  }
0xaf: {  	[dreg:$0x3] =	wrdreg $0x150000  }
0xb0: {  	[dreg:$0x4] =	wrdreg $0x9  }
0xb1: {  	_ =	task.clear_ibuf [dreg:s6], $0x5FFFF;
	_ =	strace $0x9000004C  }
0xb2: {  	s29 =	simm.s32 $0x9;
	_ =	strace $0x8000004E  }
0xb3: {  	_ =	swait.ge [sflag:s29], $0x1  }
0xb4: {  	[sflag:s29] =	ssyncadd.s32 $0xFFFFFFFF  }
0xb5: {  	_ =	strace $0x9000004E  }
0xb6: {  	_ =	sfence  }
0xb7: {  	s30 =	sld [smem:$0x0];
	_ =	sdelay $0x2  }
0xb8: {  	s31 =	sshll.u32 s1, $0xD;
	s1 =	sshrl.u32 s1, $0x2  }
0xb9: {  	s3 =	sand.u32 $0x4000, s31;
	s1 =	sadd.s32 s1, s30  }
0xba: {  	s0 =	sor.u32 s3, s0;
	s1 =	sshll.u32 s1, $0x11  }
0xbb: {  	s0 =	sor.u32 s1, s0  }
0xbc: {  	s0 =	sadd.s32 $0x8F2B, s0  }
0xbd: {  	[sflag:s0] =	ssyncadd.remote.s32 $0x1  }
0xbe: {  	_ =	sfence.sel $0xFFFF  }
0xbf: {  	[dreg:$0x0] =	wrdreg $0xFFFFFFFF;
	(pc) =	sbr.abs _section_cstart, $3  }
0xc0: {  	[dreg:$0x1] =	wrdreg $0xFFFFFFFF  }
0xc1: {  	_ =	task.clear_ibuf [dreg:s6], $0x2FFFF;
	_ =	strace $0x9FFFFFFF  }
0xc2: {  	(tm) =	ssettm $0x7FFFFFFF  }
0xc3: {  	_ =	shalt  }
tec
execute0_lowered:
.L_overlay_start_1:
0x0: {  	(tag) =	ssettag $0x1  }
0x1: {  	s0 =	rddreg [dreg:$0x0];
	s1 =	srdreg.scid  }
0x2: {  	s2 =	rddreg [dreg:$0x1];
	s10 =	stileid.u32  }
0x3: {  	s4 =	simm.s32 $0x0;
	s14 =	simm.s32 $0xA;
	s16 =	simm.s32 $0x80  }
0x4: {  	s17 =	simm.s32 $0x5000;
	s18 =	simm.s32 $0x7000;
	s19 =	simm.s32 $0x9000  }
0x5: {  	s28 =	simm.s32 $0x3;
	s29 =	simm.s32 $0x4;
	s30 =	simm.s32 $0x5  }
0x6: {  	s31 =	simm.s32 $0x6;
	s1 =	sand.u32 $0x1, s1;
	s5 =	smul.u32 $0xA000, s10  }
0x7: {  	[smem:$0x7FF] =	sst s4;
	s7 =	sadd.s32 $0x16A00, s0;
	s6 =	smul.u32 $0x5000, s10  }
0x8: {  	s8 =	sadd.s32 $0x2A00, s0;
	s9 =	smul.u32 $0xA00, s10;
	s23 =	sshll.u32 s10, $0x6  }
0x9: {  	s3 =	smul.u32 $0xA0000, s1;
	_ =	strace $0x8000004D;
	s1 =	ssub.s32 $0x2, s1  }
0xa: {  	s21 =	sshrl.u32 s1, $0x1;
	s22 =	sadd.s32 s5, s2;
	s24 =	sshrl.u32 s6, $0x3  }
0xb: {  	s6 =	sor.u32 $0x1C0A, s23;
	s25 =	sadd.s32 s7, s9;
	s9 =	sadd.s32 s8, s9  }
0xc: {  	s23 =	simm.s32 $0x11000;
	s20 =	sshrl.u32 s3, $0x3;
	s3 =	sadd.s32 s5, s3  }
0xd: {  	s1 =	ssub.s32 s1, s21;
	s5 =	sshrl.u32 s5, $0x3;
	[dreg:$0x4] =	wrdreg s25  }
0xe: {  	s26 =	sadd.s32 $0x500, s24;
	[dreg:$0x5] =	wrdreg s9;
	s13 =	sshrl.u32 s22, $0x3  }
0xf: {  	s21 =	simm.s32 $0xD000;
	s22 =	simm.s32 $0xF000;
	s24 =	simm.s32 $0x13000  }
0x10: {  	s25 =	simm.s32 $0x1;
	s4 =	sadd.s32 s20, s0;
	s3 =	sshrl.u32 s3, $0x3  }
0x11: {  	s7 =	sadd.s32 s7, s26;
	s10 =	sadd.s32 s8, s26;
	s12 =	smax.u32 s1, $0x1  }
0x12: {  	s20 =	simm.s32 $0xB000;
	s26 =	simm.s32 $0x2;
	s1 =	simm.s32 $0x8  }
0x13: {  	s0 =	sadd.s32 s3, s0;
	s4 =	sadd.s32 $0x20A00, s4;
	[dreg:$0x6] =	wrdreg s7  }
0x14: {  	s3 =	simm.s32 $0x9;
	s5 =	sadd.s32 s5, s4;
	s11 =	sadd.s32 $0x48A00, s0  }
0x15: {  	s0 =	simm.s32 $0x7;
	[dreg:$0x3] =	wrdreg s5;
	s5 =	simm.s32 $0x0  }
.LBB2_1:
0x16: {  	s7 =	rddreg [dreg:$0x3]  }
0x17: {  	[spmem:s13], [sflag:s6] =	dma.local [hbm:s7], $0x1400  }
0x18: {  	_ =	swait.ge [sflag:s14], $0x1400  }
0x19: {  	[sflag:s14] =	ssyncset.done $0x0  }
0x1a: {  	[sflag:s14] =	ssyncadd.s32 $0xFFFFEC00  }
0x1b: {  	[bflag:$0x0] =	sbarrier.arrive $0xFFFF  }
0x1c: {  	s7 =	simm.s32 $0x0;
	s8 =	rddreg [dreg:$0x4]  }
0x1d: {  	[tilespmem:s7], [sflag:$0xA] =	stream.linear.gather [hbm4b:s8+s7], $0x2800, $0x38;
	[tilespmem:$0x1F000] =	vst v63  }
0x1e: {  	_ =	swait.ge [sflag:s14], $0x2800  }
0x1f: {  	[sflag:s14] =	ssyncset.done $0x0  }
0x20: {  	s9 =	simm.s32 $0x2800;
	s15 =	rddreg [dreg:$0x5];
	[sflag:s14] =	ssyncadd.s32 $0xFFFFD800  }
0x21: {  	[tilespmem:s9], [sflag:$0xA] =	stream.linear.gather [hbm4b:s15+s7], $0x2800, $0x38;
	[tilespmem:$0x1F000] =	vst v63  }
0x22: {  	_ =	swait.ge [sflag:s14], $0x2800  }
0x23: {  	[sflag:s14] =	ssyncset.done $0x0  }
0x24: {  	s15 =	simm.s32 $0x0;
	[sflag:s14] =	ssyncadd.s32 $0xFFFFD800  }
0x25: {  	[tilespmem:s17], [sflag:$0x1] =	stream.indirect.gather [hbm4b:s4+s16], $0x40, s15, s16, $0xb8;
	[tilespmem:$0x1F000] =	vst v63  }
0x26: {  	s8 =	simm.s32 $0x80  }
0x27: {  	[tilespmem:s18], [sflag:$0x2] =	stream.indirect.gather [hbm4b:s4+s16], $0x40, s8, s16, $0xb8;
	[tilespmem:$0x1F000] =	vst v63  }
0x28: {  	s9 =	simm.s32 $0x100  }
0x29: {  	[tilespmem:s19], [sflag:$0x3] =	stream.indirect.gather [hbm4b:s4+s16], $0x40, s9, s16, $0xb8;
	[tilespmem:$0x1F000] =	vst v63  }
0x2a: {  	s15 =	simm.s32 $0x180  }
0x2b: {  	[tilespmem:s20], [sflag:$0x4] =	stream.indirect.gather [hbm4b:s4+s16], $0x40, s15, s16, $0xb8;
	[tilespmem:$0x1F000] =	vst v63  }
0x2c: {  	s8 =	simm.s32 $0x200  }
0x2d: {  	[tilespmem:s21], [sflag:$0x5] =	stream.indirect.gather [hbm4b:s4+s16], $0x40, s8, s16, $0xb8;
	[tilespmem:$0x1F000] =	vst v63  }
0x2e: {  	s9 =	simm.s32 $0x280  }
0x2f: {  	[tilespmem:s22], [sflag:$0x6] =	stream.indirect.gather [hbm4b:s4+s16], $0x40, s9, s16, $0xb8;
	[tilespmem:$0x1F000] =	vst v63  }
0x30: {  	s15 =	simm.s32 $0x300  }
0x31: {  	[tilespmem:s23], [sflag:$0x7] =	stream.indirect.gather [hbm4b:s4+s16], $0x40, s15, s16, $0xb8;
	[tilespmem:$0x1F000] =	vst v63  }
0x32: {  	s8 =	simm.s32 $0x380  }
0x33: {  	[tilespmem:s24], [sflag:$0x8] =	stream.indirect.gather [hbm4b:s4+s16], $0x40, s8, s16, $0xb8;
	[tilespmem:$0x1F000] =	vst v63  }
0x34: {  	_ =	swait.ge [sflag:s25], $0x2000  }
0x35: {  	[sflag:s25] =	ssyncset.done $0x0  }
0x36: {  	s9 =	simm.s32 $0x2800;
	[sflag:s25] =	ssyncadd.s32 $0xFFFFE000  }
0x37: {  	[spmem:s2] =	stream.indirect.scatter.add.f32 [tilespmem:s17], [sflag:$0x9], $0x40, s9, s16, $0xb8;
	[tilespmem:$0x1F000] =	vst v63  }
0x38: {  	_ =	swait.ge [sflag:s26], $0x2000  }
0x39: {  	[sflag:s26] =	ssyncset.done $0x0  }
0x3a: {  	s15 =	simm.s32 $0x2880;
	[sflag:s26] =	ssyncadd.s32 $0xFFFFE000  }
0x3b: {  	[spmem:s2] =	stream.indirect.scatter.add.f32 [tilespmem:s18], [sflag:$0x9], $0x40, s15, s16, $0xb8;
	[tilespmem:$0x1F000] =	vst v63  }
0x3c: {  	_ =	swait.ge [sflag:s28], $0x2000  }
0x3d: {  	[sflag:s28] =	ssyncset.done $0x0  }
0x3e: {  	s8 =	simm.s32 $0x2900;
	[sflag:s28] =	ssyncadd.s32 $0xFFFFE000  }
0x3f: {  	[spmem:s2] =	stream.indirect.scatter.add.f32 [tilespmem:s19], [sflag:$0x9], $0x40, s8, s16, $0xb8;
	[tilespmem:$0x1F000] =	vst v63  }
0x40: {  	_ =	swait.ge [sflag:s29], $0x2000  }
0x41: {  	[sflag:s29] =	ssyncset.done $0x0  }
0x42: {  	s9 =	simm.s32 $0x2980;
	[sflag:s29] =	ssyncadd.s32 $0xFFFFE000  }
0x43: {  	[spmem:s2] =	stream.indirect.scatter.add.f32 [tilespmem:s20], [sflag:$0x9], $0x40, s9, s16, $0xb8;
	[tilespmem:$0x1F000] =	vst v63  }
0x44: {  	_ =	swait.ge [sflag:s30], $0x2000  }
0x45: {  	[sflag:s30] =	ssyncset.done $0x0  }
0x46: {  	s15 =	simm.s32 $0x2A00;
	[sflag:s30] =	ssyncadd.s32 $0xFFFFE000  }
0x47: {  	[spmem:s2] =	stream.indirect.scatter.add.f32 [tilespmem:s21], [sflag:$0x9], $0x40, s15, s16, $0xb8;
	[tilespmem:$0x1F000] =	vst v63  }
0x48: {  	_ =	swait.ge [sflag:s31], $0x2000  }
0x49: {  	[sflag:s31] =	ssyncset.done $0x0  }
0x4a: {  	s8 =	simm.s32 $0x2A80;
	[sflag:s31] =	ssyncadd.s32 $0xFFFFE000  }
0x4b: {  	[spmem:s2] =	stream.indirect.scatter.add.f32 [tilespmem:s22], [sflag:$0x9], $0x40, s8, s16, $0xb8;
	[tilespmem:$0x1F000] =	vst v63  }
0x4c: {  	_ =	swait.ge [sflag:s0], $0x2000  }
0x4d: {  	[sflag:s0] =	ssyncset.done $0x0  }
0x4e: {  	s9 =	simm.s32 $0x2B00;
	[sflag:s0] =	ssyncadd.s32 $0xFFFFE000  }
0x4f: {  	[spmem:s2] =	stream.indirect.scatter.add.f32 [tilespmem:s23], [sflag:$0x9], $0x40, s9, s16, $0xb8;
	[tilespmem:$0x1F000] =	vst v63  }
0x50: {  	_ =	swait.ge [sflag:s1], $0x2000  }
0x51: {  	[sflag:s1] =	ssyncset.done $0x0  }
0x52: {  	s15 =	simm.s32 $0x2B80;
	[sflag:s1] =	ssyncadd.s32 $0xFFFFE000  }
0x53: {  	[spmem:s2] =	stream.indirect.scatter.add.f32 [tilespmem:s24], [sflag:$0x9], $0x40, s15, s16, $0xb8;
	[tilespmem:$0x1F000] =	vst v63  }
0x54: {  	_ =	swait.ge [sflag:s3], $0x2000  }
0x55: {  	[sflag:s3] =	ssyncset.done $0x0  }
0x56: {  	[sflag:s3] =	ssyncadd.s32 $0xFFFFE000  }
0x57: {  	_ =	swait.ge [sflag:s3], $0x2000  }
0x58: {  	[sflag:s3] =	ssyncset.done $0x0  }
0x59: {  	[sflag:s3] =	ssyncadd.s32 $0xFFFFE000  }
0x5a: {  	_ =	swait.ge [sflag:s3], $0x2000  }
0x5b: {  	[sflag:s3] =	ssyncset.done $0x0  }
0x5c: {  	[sflag:s3] =	ssyncadd.s32 $0xFFFFE000  }
0x5d: {  	_ =	swait.ge [sflag:s3], $0x2000  }
0x5e: {  	[sflag:s3] =	ssyncset.done $0x0  }
0x5f: {  	[sflag:s3] =	ssyncadd.s32 $0xFFFFE000  }
0x60: {  	_ =	swait.ge [sflag:s3], $0x2000  }
0x61: {  	[sflag:s3] =	ssyncset.done $0x0  }
0x62: {  	[sflag:s3] =	ssyncadd.s32 $0xFFFFE000  }
0x63: {  	_ =	swait.ge [sflag:s3], $0x2000  }
0x64: {  	[sflag:s3] =	ssyncset.done $0x0  }
0x65: {  	[sflag:s3] =	ssyncadd.s32 $0xFFFFE000  }
0x66: {  	_ =	swait.ge [sflag:s3], $0x2000  }
0x67: {  	[sflag:s3] =	ssyncset.done $0x0  }
0x68: {  	[sflag:s3] =	ssyncadd.s32 $0xFFFFE000  }
0x69: {  	_ =	swait.ge [sflag:s3], $0x2000  }
0x6a: {  	s7 =	simm.s32 $0x2000;
	s15 =	simm.s32 $0x1000;
	[sflag:s3] =	ssyncset.done $0x0  }
.LBB2_2:
0x6b: {  	s8 =	sshra.s32 s15, $0x2  }
0x6c: {  	[sflag:s3] =	ssyncadd.s32 $0xFFFFE000;
	s15 =	smov.u32 s7;
	s9 =	sadd.s32 $0x1000, s7  }
0x6d: {  	[tilespmem:s17], [sflag:$0x1] =	stream.indirect.gather [hbm4b:s4+s16], $0x40, s8, s16, $0xb8;
	[tilespmem:$0x1F000] =	vst v63  }
0x6e: {  	p0 =	sne.s32 s7, $0x9000;
	s7 =	sadd.s32 $0x80, s8  }
0x6f: {  	[tilespmem:s18], [sflag:$0x2] =	stream.indirect.gather [hbm4b:s4+s16], $0x40, s7, s16, $0xb8;
	[tilespmem:$0x1F000] =	vst v63  }
0x70: {  	s7 =	sadd.s32 $0x100, s8  }
0x71: {  	[tilespmem:s19], [sflag:$0x3] =	stream.indirect.gather [hbm4b:s4+s16], $0x40, s7, s16, $0xb8;
	[tilespmem:$0x1F000] =	vst v63  }
0x72: {  	s7 =	sadd.s32 $0x180, s8  }
0x73: {  	[tilespmem:s20], [sflag:$0x4] =	stream.indirect.gather [hbm4b:s4+s16], $0x40, s7, s16, $0xb8;
	[tilespmem:$0x1F000] =	vst v63  }
0x74: {  	s7 =	sadd.s32 $0x200, s8  }
0x75: {  	[tilespmem:s21], [sflag:$0x5] =	stream.indirect.gather [hbm4b:s4+s16], $0x40, s7, s16, $0xb8;
	[tilespmem:$0x1F000] =	vst v63  }
0x76: {  	s7 =	sadd.s32 $0x280, s8  }
0x77: {  	[tilespmem:s22], [sflag:$0x6] =	stream.indirect.gather [hbm4b:s4+s16], $0x40, s7, s16, $0xb8;
	[tilespmem:$0x1F000] =	vst v63  }
0x78: {  	s7 =	sadd.s32 $0x300, s8  }
0x79: {  	[tilespmem:s23], [sflag:$0x7] =	stream.indirect.gather [hbm4b:s4+s16], $0x40, s7, s16, $0xb8;
	[tilespmem:$0x1F000] =	vst v63  }
0x7a: {  	s7 =	sadd.s32 $0x380, s8  }
0x7b: {  	[tilespmem:s24], [sflag:$0x8] =	stream.indirect.gather [hbm4b:s4+s16], $0x40, s7, s16, $0xb8;
	[tilespmem:$0x1F000] =	vst v63  }
0x7c: {  	_ =	swait.ge [sflag:s25], $0x2000  }
0x7d: {  	[sflag:s25] =	ssyncset.done $0x0  }
0x7e: {  	s7 =	sadd.s32 $0x2800, s8;
	[sflag:s25] =	ssyncadd.s32 $0xFFFFE000  }
0x7f: {  	[spmem:s2] =	stream.indirect.scatter.add.f32 [tilespmem:s17], [sflag:$0x9], $0x40, s7, s16, $0xb8;
	[tilespmem:$0x1F000] =	vst v63  }
0x80: {  	_ =	swait.ge [sflag:s26], $0x2000  }
0x81: {  	[sflag:s26] =	ssyncset.done $0x0  }
0x82: {  	s7 =	sadd.s32 $0x2880, s8;
	[sflag:s26] =	ssyncadd.s32 $0xFFFFE000  }
0x83: {  	[spmem:s2] =	stream.indirect.scatter.add.f32 [tilespmem:s18], [sflag:$0x9], $0x40, s7, s16, $0xb8;
	[tilespmem:$0x1F000] =	vst v63  }
0x84: {  	_ =	swait.ge [sflag:s28], $0x2000  }
0x85: {  	[sflag:s28] =	ssyncset.done $0x0  }
0x86: {  	s7 =	sadd.s32 $0x2900, s8;
	[sflag:s28] =	ssyncadd.s32 $0xFFFFE000  }
0x87: {  	[spmem:s2] =	stream.indirect.scatter.add.f32 [tilespmem:s19], [sflag:$0x9], $0x40, s7, s16, $0xb8;
	[tilespmem:$0x1F000] =	vst v63  }
0x88: {  	_ =	swait.ge [sflag:s29], $0x2000  }
0x89: {  	[sflag:s29] =	ssyncset.done $0x0  }
0x8a: {  	s7 =	sadd.s32 $0x2980, s8;
	[sflag:s29] =	ssyncadd.s32 $0xFFFFE000  }
0x8b: {  	[spmem:s2] =	stream.indirect.scatter.add.f32 [tilespmem:s20], [sflag:$0x9], $0x40, s7, s16, $0xb8;
	[tilespmem:$0x1F000] =	vst v63  }
0x8c: {  	_ =	swait.ge [sflag:s30], $0x2000  }
0x8d: {  	[sflag:s30] =	ssyncset.done $0x0  }
0x8e: {  	s7 =	sadd.s32 $0x2A00, s8;
	[sflag:s30] =	ssyncadd.s32 $0xFFFFE000  }
0x8f: {  	[spmem:s2] =	stream.indirect.scatter.add.f32 [tilespmem:s21], [sflag:$0x9], $0x40, s7, s16, $0xb8;
	[tilespmem:$0x1F000] =	vst v63  }
0x90: {  	_ =	swait.ge [sflag:s31], $0x2000  }
0x91: {  	[sflag:s31] =	ssyncset.done $0x0  }
0x92: {  	s7 =	sadd.s32 $0x2A80, s8;
	[sflag:s31] =	ssyncadd.s32 $0xFFFFE000  }
0x93: {  	[spmem:s2] =	stream.indirect.scatter.add.f32 [tilespmem:s22], [sflag:$0x9], $0x40, s7, s16, $0xb8;
	[tilespmem:$0x1F000] =	vst v63  }
0x94: {  	_ =	swait.ge [sflag:s0], $0x2000  }
0x95: {  	[sflag:s0] =	ssyncset.done $0x0  }
0x96: {  	s7 =	sadd.s32 $0x2B00, s8;
	[sflag:s0] =	ssyncadd.s32 $0xFFFFE000  }
0x97: {  	[spmem:s2] =	stream.indirect.scatter.add.f32 [tilespmem:s23], [sflag:$0x9], $0x40, s7, s16, $0xb8;
	[tilespmem:$0x1F000] =	vst v63  }
0x98: {  	_ =	swait.ge [sflag:s1], $0x2000  }
0x99: {  	[sflag:s1] =	ssyncset.done $0x0  }
0x9a: {  	s7 =	sadd.s32 $0x2B80, s8;
	[sflag:s1] =	ssyncadd.s32 $0xFFFFE000  }
0x9b: {  	[spmem:s2] =	stream.indirect.scatter.add.f32 [tilespmem:s24], [sflag:$0x9], $0x40, s7, s16, $0xb8;
	[tilespmem:$0x1F000] =	vst v63  }
0x9c: {  	_ =	swait.ge [sflag:s3], $0x2000  }
0x9d: {  	[sflag:s3] =	ssyncset.done $0x0  }
0x9e: {  	[sflag:s3] =	ssyncadd.s32 $0xFFFFE000  }
0x9f: {  	_ =	swait.ge [sflag:s3], $0x2000  }
0xa0: {  	[sflag:s3] =	ssyncset.done $0x0  }
0xa1: {  	[sflag:s3] =	ssyncadd.s32 $0xFFFFE000  }
0xa2: {  	_ =	swait.ge [sflag:s3], $0x2000  }
0xa3: {  	[sflag:s3] =	ssyncset.done $0x0  }
0xa4: {  	[sflag:s3] =	ssyncadd.s32 $0xFFFFE000  }
0xa5: {  	_ =	swait.ge [sflag:s3], $0x2000  }
0xa6: {  	[sflag:s3] =	ssyncset.done $0x0  }
0xa7: {  	[sflag:s3] =	ssyncadd.s32 $0xFFFFE000  }
0xa8: {  	_ =	swait.ge [sflag:s3], $0x2000  }
0xa9: {  	[sflag:s3] =	ssyncset.done $0x0  }
0xaa: {  	[sflag:s3] =	ssyncadd.s32 $0xFFFFE000  }
0xab: {  	_ =	swait.ge [sflag:s3], $0x2000  }
0xac: {  	[sflag:s3] =	ssyncset.done $0x0  }
0xad: {  	[sflag:s3] =	ssyncadd.s32 $0xFFFFE000  }
.Ltmp0:
0xae: {  	_ =	swait.ge [sflag:s3], $0x2000;
	(pc) =	sbr.rel @p0 .LBB2_2-.Ltmp0, $4  }
0xaf: {  	[sflag:s3] =	ssyncset.done $0x0  }
0xb0: {  	[sflag:s3] =	ssyncadd.s32 $0xFFFFE000  }
0xb1: {  	_ =	swait.ge [sflag:s3], $0x2000  }
0xb2: {  	s7 =	smov.u32 s9;
	[sflag:s3] =	ssyncset.done $0x0  }
0xb3: {  	s7 =	sshra.s32 s15, $0x2;
	[sflag:s3] =	ssyncadd.s32 $0xFFFFE000  }
0xb4: {  	[tilespmem:s17], [sflag:$0x1] =	stream.indirect.gather [hbm4b:s4+s16], $0x40, s7, s16, $0xb8;
	[tilespmem:$0x1F000] =	vst v63  }
0xb5: {  	s8 =	sadd.s32 $0x80, s7  }
0xb6: {  	[tilespmem:s18], [sflag:$0x2] =	stream.indirect.gather [hbm4b:s4+s16], $0x40, s8, s16, $0xb8;
	[tilespmem:$0x1F000] =	vst v63  }
0xb7: {  	s9 =	sadd.s32 $0x100, s7  }
0xb8: {  	[tilespmem:s19], [sflag:$0x3] =	stream.indirect.gather [hbm4b:s4+s16], $0x40, s9, s16, $0xb8;
	[tilespmem:$0x1F000] =	vst v63  }
0xb9: {  	s15 =	sadd.s32 $0x180, s7  }
0xba: {  	[tilespmem:s20], [sflag:$0x4] =	stream.indirect.gather [hbm4b:s4+s16], $0x40, s15, s16, $0xb8;
	[tilespmem:$0x1F000] =	vst v63  }
0xbb: {  	s9 =	sadd.s32 $0x200, s7  }
0xbc: {  	[tilespmem:s21], [sflag:$0x5] =	stream.indirect.gather [hbm4b:s4+s16], $0x40, s9, s16, $0xb8;
	[tilespmem:$0x1F000] =	vst v63  }
0xbd: {  	s15 =	sadd.s32 $0x280, s7  }
0xbe: {  	[tilespmem:s22], [sflag:$0x6] =	stream.indirect.gather [hbm4b:s4+s16], $0x40, s15, s16, $0xb8;
	[tilespmem:$0x1F000] =	vst v63  }
0xbf: {  	s9 =	sadd.s32 $0x300, s7  }
0xc0: {  	[tilespmem:s23], [sflag:$0x7] =	stream.indirect.gather [hbm4b:s4+s16], $0x40, s9, s16, $0xb8;
	[tilespmem:$0x1F000] =	vst v63  }
0xc1: {  	s15 =	sadd.s32 $0x380, s7  }
0xc2: {  	[tilespmem:s24], [sflag:$0x8] =	stream.indirect.gather [hbm4b:s4+s16], $0x40, s15, s16, $0xb8;
	[tilespmem:$0x1F000] =	vst v63  }
0xc3: {  	_ =	swait.ge [sflag:s25], $0x2000  }
0xc4: {  	[sflag:s25] =	ssyncset.done $0x0  }
0xc5: {  	s9 =	sadd.s32 $0x2800, s7;
	[sflag:s25] =	ssyncadd.s32 $0xFFFFE000  }
0xc6: {  	[spmem:s2] =	stream.indirect.scatter.add.f32 [tilespmem:s17], [sflag:$0x9], $0x40, s9, s16, $0xb8;
	[tilespmem:$0x1F000] =	vst v63  }
0xc7: {  	_ =	swait.ge [sflag:s26], $0x2000  }
0xc8: {  	[sflag:s26] =	ssyncset.done $0x0  }
0xc9: {  	s15 =	sadd.s32 $0x2880, s7;
	[sflag:s26] =	ssyncadd.s32 $0xFFFFE000  }
0xca: {  	[spmem:s2] =	stream.indirect.scatter.add.f32 [tilespmem:s18], [sflag:$0x9], $0x40, s15, s16, $0xb8;
	[tilespmem:$0x1F000] =	vst v63  }
0xcb: {  	_ =	swait.ge [sflag:s28], $0x2000  }
0xcc: {  	[sflag:s28] =	ssyncset.done $0x0  }
0xcd: {  	s9 =	sadd.s32 $0x2900, s7;
	[sflag:s28] =	ssyncadd.s32 $0xFFFFE000  }
0xce: {  	[spmem:s2] =	stream.indirect.scatter.add.f32 [tilespmem:s19], [sflag:$0x9], $0x40, s9, s16, $0xb8;
	[tilespmem:$0x1F000] =	vst v63  }
0xcf: {  	_ =	swait.ge [sflag:s29], $0x2000  }
0xd0: {  	[sflag:s29] =	ssyncset.done $0x0  }
0xd1: {  	s15 =	sadd.s32 $0x2980, s7;
	[sflag:s29] =	ssyncadd.s32 $0xFFFFE000  }
0xd2: {  	[spmem:s2] =	stream.indirect.scatter.add.f32 [tilespmem:s20], [sflag:$0x9], $0x40, s15, s16, $0xb8;
	[tilespmem:$0x1F000] =	vst v63  }
0xd3: {  	_ =	swait.ge [sflag:s30], $0x2000  }
0xd4: {  	[sflag:s30] =	ssyncset.done $0x0  }
0xd5: {  	s9 =	sadd.s32 $0x2A00, s7;
	[sflag:s30] =	ssyncadd.s32 $0xFFFFE000  }
0xd6: {  	[spmem:s2] =	stream.indirect.scatter.add.f32 [tilespmem:s21], [sflag:$0x9], $0x40, s9, s16, $0xb8;
	[tilespmem:$0x1F000] =	vst v63  }
0xd7: {  	_ =	swait.ge [sflag:s31], $0x2000  }
0xd8: {  	[sflag:s31] =	ssyncset.done $0x0  }
0xd9: {  	s15 =	sadd.s32 $0x2A80, s7;
	[sflag:s31] =	ssyncadd.s32 $0xFFFFE000  }
0xda: {  	[spmem:s2] =	stream.indirect.scatter.add.f32 [tilespmem:s22], [sflag:$0x9], $0x40, s15, s16, $0xb8;
	[tilespmem:$0x1F000] =	vst v63  }
0xdb: {  	_ =	swait.ge [sflag:s0], $0x2000  }
0xdc: {  	[sflag:s0] =	ssyncset.done $0x0  }
0xdd: {  	s9 =	sadd.s32 $0x2B00, s7;
	[sflag:s0] =	ssyncadd.s32 $0xFFFFE000  }
0xde: {  	[spmem:s2] =	stream.indirect.scatter.add.f32 [tilespmem:s23], [sflag:$0x9], $0x40, s9, s16, $0xb8;
	[tilespmem:$0x1F000] =	vst v63  }
0xdf: {  	_ =	swait.ge [sflag:s1], $0x2000  }
0xe0: {  	[sflag:s1] =	ssyncset.done $0x0  }
0xe1: {  	s7 =	sadd.s32 $0x2B80, s7;
	[sflag:s1] =	ssyncadd.s32 $0xFFFFE000  }
0xe2: {  	[spmem:s2] =	stream.indirect.scatter.add.f32 [tilespmem:s24], [sflag:$0x9], $0x40, s7, s16, $0xb8;
	[tilespmem:$0x1F000] =	vst v63  }
0xe3: {  	_ =	swait.ge [sflag:s3], $0x2000  }
0xe4: {  	[sflag:s3] =	ssyncset.done $0x0  }
0xe5: {  	[sflag:s3] =	ssyncadd.s32 $0xFFFFE000  }
0xe6: {  	_ =	swait.ge [sflag:s3], $0x2000  }
0xe7: {  	[sflag:s3] =	ssyncset.done $0x0  }
0xe8: {  	[sflag:s3] =	ssyncadd.s32 $0xFFFFE000  }
0xe9: {  	_ =	swait.ge [sflag:s3], $0x2000  }
0xea: {  	[sflag:s3] =	ssyncset.done $0x0  }
0xeb: {  	[sflag:s3] =	ssyncadd.s32 $0xFFFFE000  }
0xec: {  	_ =	swait.ge [sflag:s3], $0x2000  }
0xed: {  	[sflag:s3] =	ssyncset.done $0x0  }
0xee: {  	[sflag:s3] =	ssyncadd.s32 $0xFFFFE000  }
0xef: {  	_ =	swait.ge [sflag:s3], $0x2000  }
0xf0: {  	[sflag:s3] =	ssyncset.done $0x0  }
0xf1: {  	[sflag:s3] =	ssyncadd.s32 $0xFFFFE000  }
0xf2: {  	_ =	swait.ge [sflag:s3], $0x2000  }
0xf3: {  	[sflag:s3] =	ssyncset.done $0x0  }
0xf4: {  	[sflag:s3] =	ssyncadd.s32 $0xFFFFE000  }
0xf5: {  	_ =	swait.ge [sflag:s3], $0x2000  }
0xf6: {  	[sflag:s3] =	ssyncset.done $0x0  }
0xf7: {  	[sflag:s3] =	ssyncadd.s32 $0xFFFFE000  }
0xf8: {  	_ =	swait.ge [sflag:s3], $0x2000  }
0xf9: {  	[sflag:s3] =	ssyncset.done $0x0  }
0xfa: {  	s7 =	simm.s32 $0x0;
	s15 =	rddreg [dreg:$0x6];
	[sflag:s3] =	ssyncadd.s32 $0xFFFFE000  }
0xfb: {  	[tilespmem:s7], [sflag:$0xA] =	stream.linear.gather [hbm4b:s15+s7], $0x2800, $0x38;
	[tilespmem:$0x1F000] =	vst v63  }
0xfc: {  	_ =	swait.ge [sflag:s14], $0x2800  }
0xfd: {  	[sflag:s14] =	ssyncset.done $0x0  }
0xfe: {  	s9 =	simm.s32 $0x2800;
	[sflag:s14] =	ssyncadd.s32 $0xFFFFD800  }
0xff: {  	[tilespmem:s9], [sflag:$0xA] =	stream.linear.gather [hbm4b:s10+s7], $0x2800, $0x38;
	[tilespmem:$0x1F000] =	vst v63  }
0x100: {  	_ =	swait.ge [sflag:s14], $0x2800  }
0x101: {  	[sflag:s14] =	ssyncset.done $0x0  }
0x102: {  	s15 =	simm.s32 $0x0;
	[sflag:s14] =	ssyncadd.s32 $0xFFFFD800  }
0x103: {  	[tilespmem:s17], [sflag:$0x1] =	stream.indirect.gather [hbm4b:s4+s16], $0x40, s15, s16, $0xb8;
	[tilespmem:$0x1F000] =	vst v63  }
0x104: {  	s8 =	simm.s32 $0x80  }
0x105: {  	[tilespmem:s18], [sflag:$0x2] =	stream.indirect.gather [hbm4b:s4+s16], $0x40, s8, s16, $0xb8;
	[tilespmem:$0x1F000] =	vst v63  }
0x106: {  	s9 =	simm.s32 $0x100  }
0x107: {  	[tilespmem:s19], [sflag:$0x3] =	stream.indirect.gather [hbm4b:s4+s16], $0x40, s9, s16, $0xb8;
	[tilespmem:$0x1F000] =	vst v63  }
0x108: {  	s15 =	simm.s32 $0x180  }
0x109: {  	[tilespmem:s20], [sflag:$0x4] =	stream.indirect.gather [hbm4b:s4+s16], $0x40, s15, s16, $0xb8;
	[tilespmem:$0x1F000] =	vst v63  }
0x10a: {  	s8 =	simm.s32 $0x200  }
0x10b: {  	[tilespmem:s21], [sflag:$0x5] =	stream.indirect.gather [hbm4b:s4+s16], $0x40, s8, s16, $0xb8;
	[tilespmem:$0x1F000] =	vst v63  }
0x10c: {  	s9 =	simm.s32 $0x280  }
0x10d: {  	[tilespmem:s22], [sflag:$0x6] =	stream.indirect.gather [hbm4b:s4+s16], $0x40, s9, s16, $0xb8;
	[tilespmem:$0x1F000] =	vst v63  }
0x10e: {  	s15 =	simm.s32 $0x300  }
0x10f: {  	[tilespmem:s23], [sflag:$0x7] =	stream.indirect.gather [hbm4b:s4+s16], $0x40, s15, s16, $0xb8;
	[tilespmem:$0x1F000] =	vst v63  }
0x110: {  	s8 =	simm.s32 $0x380  }
0x111: {  	[tilespmem:s24], [sflag:$0x8] =	stream.indirect.gather [hbm4b:s4+s16], $0x40, s8, s16, $0xb8;
	[tilespmem:$0x1F000] =	vst v63  }
0x112: {  	_ =	swait.ge [sflag:s25], $0x2000  }
0x113: {  	[sflag:s25] =	ssyncset.done $0x0  }
0x114: {  	s9 =	simm.s32 $0x2800;
	[sflag:s25] =	ssyncadd.s32 $0xFFFFE000  }
0x115: {  	[spmem:s2] =	stream.indirect.scatter.add.f32 [tilespmem:s17], [sflag:$0x9], $0x40, s9, s16, $0xb8;
	[tilespmem:$0x1F000] =	vst v63  }
0x116: {  	_ =	swait.ge [sflag:s26], $0x2000  }
0x117: {  	[sflag:s26] =	ssyncset.done $0x0  }
0x118: {  	s15 =	simm.s32 $0x2880;
	[sflag:s26] =	ssyncadd.s32 $0xFFFFE000  }
0x119: {  	[spmem:s2] =	stream.indirect.scatter.add.f32 [tilespmem:s18], [sflag:$0x9], $0x40, s15, s16, $0xb8;
	[tilespmem:$0x1F000] =	vst v63  }
0x11a: {  	_ =	swait.ge [sflag:s28], $0x2000  }
0x11b: {  	[sflag:s28] =	ssyncset.done $0x0  }
0x11c: {  	s8 =	simm.s32 $0x2900;
	[sflag:s28] =	ssyncadd.s32 $0xFFFFE000  }
0x11d: {  	[spmem:s2] =	stream.indirect.scatter.add.f32 [tilespmem:s19], [sflag:$0x9], $0x40, s8, s16, $0xb8;
	[tilespmem:$0x1F000] =	vst v63  }
0x11e: {  	_ =	swait.ge [sflag:s29], $0x2000  }
0x11f: {  	[sflag:s29] =	ssyncset.done $0x0  }
0x120: {  	s9 =	simm.s32 $0x2980;
	[sflag:s29] =	ssyncadd.s32 $0xFFFFE000  }
0x121: {  	[spmem:s2] =	stream.indirect.scatter.add.f32 [tilespmem:s20], [sflag:$0x9], $0x40, s9, s16, $0xb8;
	[tilespmem:$0x1F000] =	vst v63  }
0x122: {  	_ =	swait.ge [sflag:s30], $0x2000  }
0x123: {  	[sflag:s30] =	ssyncset.done $0x0  }
0x124: {  	s15 =	simm.s32 $0x2A00;
	[sflag:s30] =	ssyncadd.s32 $0xFFFFE000  }
0x125: {  	[spmem:s2] =	stream.indirect.scatter.add.f32 [tilespmem:s21], [sflag:$0x9], $0x40, s15, s16, $0xb8;
	[tilespmem:$0x1F000] =	vst v63  }
0x126: {  	_ =	swait.ge [sflag:s31], $0x2000  }
0x127: {  	[sflag:s31] =	ssyncset.done $0x0  }
0x128: {  	s8 =	simm.s32 $0x2A80;
	[sflag:s31] =	ssyncadd.s32 $0xFFFFE000  }
0x129: {  	[spmem:s2] =	stream.indirect.scatter.add.f32 [tilespmem:s22], [sflag:$0x9], $0x40, s8, s16, $0xb8;
	[tilespmem:$0x1F000] =	vst v63  }
0x12a: {  	_ =	swait.ge [sflag:s0], $0x2000  }
0x12b: {  	[sflag:s0] =	ssyncset.done $0x0  }
0x12c: {  	s9 =	simm.s32 $0x2B00;
	[sflag:s0] =	ssyncadd.s32 $0xFFFFE000  }
0x12d: {  	[spmem:s2] =	stream.indirect.scatter.add.f32 [tilespmem:s23], [sflag:$0x9], $0x40, s9, s16, $0xb8;
	[tilespmem:$0x1F000] =	vst v63  }
0x12e: {  	_ =	swait.ge [sflag:s1], $0x2000  }
0x12f: {  	[sflag:s1] =	ssyncset.done $0x0  }
0x130: {  	s15 =	simm.s32 $0x2B80;
	[sflag:s1] =	ssyncadd.s32 $0xFFFFE000  }
0x131: {  	[spmem:s2] =	stream.indirect.scatter.add.f32 [tilespmem:s24], [sflag:$0x9], $0x40, s15, s16, $0xb8;
	[tilespmem:$0x1F000] =	vst v63  }
0x132: {  	_ =	swait.ge [sflag:s3], $0x2000  }
0x133: {  	[sflag:s3] =	ssyncset.done $0x0  }
0x134: {  	[sflag:s3] =	ssyncadd.s32 $0xFFFFE000  }
0x135: {  	_ =	swait.ge [sflag:s3], $0x2000  }
0x136: {  	[sflag:s3] =	ssyncset.done $0x0  }
0x137: {  	[sflag:s3] =	ssyncadd.s32 $0xFFFFE000  }
0x138: {  	_ =	swait.ge [sflag:s3], $0x2000  }
0x139: {  	[sflag:s3] =	ssyncset.done $0x0  }
0x13a: {  	[sflag:s3] =	ssyncadd.s32 $0xFFFFE000  }
0x13b: {  	_ =	swait.ge [sflag:s3], $0x2000  }
0x13c: {  	[sflag:s3] =	ssyncset.done $0x0  }
0x13d: {  	[sflag:s3] =	ssyncadd.s32 $0xFFFFE000  }
0x13e: {  	_ =	swait.ge [sflag:s3], $0x2000  }
0x13f: {  	[sflag:s3] =	ssyncset.done $0x0  }
0x140: {  	[sflag:s3] =	ssyncadd.s32 $0xFFFFE000  }
0x141: {  	_ =	swait.ge [sflag:s3], $0x2000  }
0x142: {  	[sflag:s3] =	ssyncset.done $0x0  }
0x143: {  	[sflag:s3] =	ssyncadd.s32 $0xFFFFE000  }
0x144: {  	_ =	swait.ge [sflag:s3], $0x2000  }
0x145: {  	[sflag:s3] =	ssyncset.done $0x0  }
0x146: {  	[sflag:s3] =	ssyncadd.s32 $0xFFFFE000  }
0x147: {  	_ =	swait.ge [sflag:s3], $0x2000  }
0x148: {  	s9 =	simm.s32 $0x2000;
	s15 =	simm.s32 $0x1000;
	[sflag:s3] =	ssyncset.done $0x0  }
.LBB2_4:
0x149: {  	s8 =	sshra.s32 s15, $0x2  }
0x14a: {  	[sflag:s3] =	ssyncadd.s32 $0xFFFFE000;
	s15 =	smov.u32 s9;
	s7 =	sadd.s32 $0x1000, s9  }
0x14b: {  	[tilespmem:s17], [sflag:$0x1] =	stream.indirect.gather [hbm4b:s4+s16], $0x40, s8, s16, $0xb8;
	[tilespmem:$0x1F000] =	vst v63  }
0x14c: {  	p0 =	sne.s32 s9, $0x9000;
	s9 =	sadd.s32 $0x80, s8  }
0x14d: {  	[tilespmem:s18], [sflag:$0x2] =	stream.indirect.gather [hbm4b:s4+s16], $0x40, s9, s16, $0xb8;
	[tilespmem:$0x1F000] =	vst v63  }
0x14e: {  	s9 =	sadd.s32 $0x100, s8  }
0x14f: {  	[tilespmem:s19], [sflag:$0x3] =	stream.indirect.gather [hbm4b:s4+s16], $0x40, s9, s16, $0xb8;
	[tilespmem:$0x1F000] =	vst v63  }
0x150: {  	s9 =	sadd.s32 $0x180, s8  }
0x151: {  	[tilespmem:s20], [sflag:$0x4] =	stream.indirect.gather [hbm4b:s4+s16], $0x40, s9, s16, $0xb8;
	[tilespmem:$0x1F000] =	vst v63  }
0x152: {  	s9 =	sadd.s32 $0x200, s8  }
0x153: {  	[tilespmem:s21], [sflag:$0x5] =	stream.indirect.gather [hbm4b:s4+s16], $0x40, s9, s16, $0xb8;
	[tilespmem:$0x1F000] =	vst v63  }
0x154: {  	s9 =	sadd.s32 $0x280, s8  }
0x155: {  	[tilespmem:s22], [sflag:$0x6] =	stream.indirect.gather [hbm4b:s4+s16], $0x40, s9, s16, $0xb8;
	[tilespmem:$0x1F000] =	vst v63  }
0x156: {  	s9 =	sadd.s32 $0x300, s8  }
0x157: {  	[tilespmem:s23], [sflag:$0x7] =	stream.indirect.gather [hbm4b:s4+s16], $0x40, s9, s16, $0xb8;
	[tilespmem:$0x1F000] =	vst v63  }
0x158: {  	s9 =	sadd.s32 $0x380, s8  }
0x159: {  	[tilespmem:s24], [sflag:$0x8] =	stream.indirect.gather [hbm4b:s4+s16], $0x40, s9, s16, $0xb8;
	[tilespmem:$0x1F000] =	vst v63  }
0x15a: {  	_ =	swait.ge [sflag:s25], $0x2000  }
0x15b: {  	[sflag:s25] =	ssyncset.done $0x0  }
0x15c: {  	s9 =	sadd.s32 $0x2800, s8;
	[sflag:s25] =	ssyncadd.s32 $0xFFFFE000  }
0x15d: {  	[spmem:s2] =	stream.indirect.scatter.add.f32 [tilespmem:s17], [sflag:$0x9], $0x40, s9, s16, $0xb8;
	[tilespmem:$0x1F000] =	vst v63  }
0x15e: {  	_ =	swait.ge [sflag:s26], $0x2000  }
0x15f: {  	[sflag:s26] =	ssyncset.done $0x0  }
0x160: {  	s9 =	sadd.s32 $0x2880, s8;
	[sflag:s26] =	ssyncadd.s32 $0xFFFFE000  }
0x161: {  	[spmem:s2] =	stream.indirect.scatter.add.f32 [tilespmem:s18], [sflag:$0x9], $0x40, s9, s16, $0xb8;
	[tilespmem:$0x1F000] =	vst v63  }
0x162: {  	_ =	swait.ge [sflag:s28], $0x2000  }
0x163: {  	[sflag:s28] =	ssyncset.done $0x0  }
0x164: {  	s9 =	sadd.s32 $0x2900, s8;
	[sflag:s28] =	ssyncadd.s32 $0xFFFFE000  }
0x165: {  	[spmem:s2] =	stream.indirect.scatter.add.f32 [tilespmem:s19], [sflag:$0x9], $0x40, s9, s16, $0xb8;
	[tilespmem:$0x1F000] =	vst v63  }
0x166: {  	_ =	swait.ge [sflag:s29], $0x2000  }
0x167: {  	[sflag:s29] =	ssyncset.done $0x0  }
0x168: {  	s9 =	sadd.s32 $0x2980, s8;
	[sflag:s29] =	ssyncadd.s32 $0xFFFFE000  }
0x169: {  	[spmem:s2] =	stream.indirect.scatter.add.f32 [tilespmem:s20], [sflag:$0x9], $0x40, s9, s16, $0xb8;
	[tilespmem:$0x1F000] =	vst v63  }
0x16a: {  	_ =	swait.ge [sflag:s30], $0x2000  }
0x16b: {  	[sflag:s30] =	ssyncset.done $0x0  }
0x16c: {  	s9 =	sadd.s32 $0x2A00, s8;
	[sflag:s30] =	ssyncadd.s32 $0xFFFFE000  }
0x16d: {  	[spmem:s2] =	stream.indirect.scatter.add.f32 [tilespmem:s21], [sflag:$0x9], $0x40, s9, s16, $0xb8;
	[tilespmem:$0x1F000] =	vst v63  }
0x16e: {  	_ =	swait.ge [sflag:s31], $0x2000  }
0x16f: {  	[sflag:s31] =	ssyncset.done $0x0  }
0x170: {  	s9 =	sadd.s32 $0x2A80, s8;
	[sflag:s31] =	ssyncadd.s32 $0xFFFFE000  }
0x171: {  	[spmem:s2] =	stream.indirect.scatter.add.f32 [tilespmem:s22], [sflag:$0x9], $0x40, s9, s16, $0xb8;
	[tilespmem:$0x1F000] =	vst v63  }
0x172: {  	_ =	swait.ge [sflag:s0], $0x2000  }
0x173: {  	[sflag:s0] =	ssyncset.done $0x0  }
0x174: {  	s9 =	sadd.s32 $0x2B00, s8;
	[sflag:s0] =	ssyncadd.s32 $0xFFFFE000  }
0x175: {  	[spmem:s2] =	stream.indirect.scatter.add.f32 [tilespmem:s23], [sflag:$0x9], $0x40, s9, s16, $0xb8;
	[tilespmem:$0x1F000] =	vst v63  }
0x176: {  	_ =	swait.ge [sflag:s1], $0x2000  }
0x177: {  	[sflag:s1] =	ssyncset.done $0x0  }
0x178: {  	s8 =	sadd.s32 $0x2B80, s8;
	[sflag:s1] =	ssyncadd.s32 $0xFFFFE000  }
0x179: {  	[spmem:s2] =	stream.indirect.scatter.add.f32 [tilespmem:s24], [sflag:$0x9], $0x40, s8, s16, $0xb8;
	[tilespmem:$0x1F000] =	vst v63  }
0x17a: {  	_ =	swait.ge [sflag:s3], $0x2000  }
0x17b: {  	[sflag:s3] =	ssyncset.done $0x0  }
0x17c: {  	[sflag:s3] =	ssyncadd.s32 $0xFFFFE000  }
0x17d: {  	_ =	swait.ge [sflag:s3], $0x2000  }
0x17e: {  	[sflag:s3] =	ssyncset.done $0x0  }
0x17f: {  	[sflag:s3] =	ssyncadd.s32 $0xFFFFE000  }
0x180: {  	_ =	swait.ge [sflag:s3], $0x2000  }
0x181: {  	[sflag:s3] =	ssyncset.done $0x0  }
0x182: {  	[sflag:s3] =	ssyncadd.s32 $0xFFFFE000  }
0x183: {  	_ =	swait.ge [sflag:s3], $0x2000  }
0x184: {  	[sflag:s3] =	ssyncset.done $0x0  }
0x185: {  	[sflag:s3] =	ssyncadd.s32 $0xFFFFE000  }
0x186: {  	_ =	swait.ge [sflag:s3], $0x2000  }
0x187: {  	[sflag:s3] =	ssyncset.done $0x0  }
0x188: {  	[sflag:s3] =	ssyncadd.s32 $0xFFFFE000  }
0x189: {  	_ =	swait.ge [sflag:s3], $0x2000  }
0x18a: {  	[sflag:s3] =	ssyncset.done $0x0  }
0x18b: {  	[sflag:s3] =	ssyncadd.s32 $0xFFFFE000  }
.Ltmp1:
0x18c: {  	_ =	swait.ge [sflag:s3], $0x2000;
	(pc) =	sbr.rel @p0 .LBB2_4-.Ltmp1, $4  }
0x18d: {  	[sflag:s3] =	ssyncset.done $0x0  }
0x18e: {  	[sflag:s3] =	ssyncadd.s32 $0xFFFFE000  }
0x18f: {  	_ =	swait.ge [sflag:s3], $0x2000  }
0x190: {  	s9 =	smov.u32 s7;
	[sflag:s3] =	ssyncset.done $0x0  }
0x191: {  	s7 =	sshra.s32 s15, $0x2;
	[sflag:s3] =	ssyncadd.s32 $0xFFFFE000  }
0x192: {  	[tilespmem:s17], [sflag:$0x1] =	stream.indirect.gather [hbm4b:s4+s16], $0x40, s7, s16, $0xb8;
	[tilespmem:$0x1F000] =	vst v63  }
0x193: {  	s8 =	sadd.s32 $0x80, s7  }
0x194: {  	[tilespmem:s18], [sflag:$0x2] =	stream.indirect.gather [hbm4b:s4+s16], $0x40, s8, s16, $0xb8;
	[tilespmem:$0x1F000] =	vst v63  }
0x195: {  	s15 =	sadd.s32 $0x100, s7  }
0x196: {  	[tilespmem:s19], [sflag:$0x3] =	stream.indirect.gather [hbm4b:s4+s16], $0x40, s15, s16, $0xb8;
	[tilespmem:$0x1F000] =	vst v63  }
0x197: {  	s9 =	sadd.s32 $0x180, s7  }
0x198: {  	[tilespmem:s20], [sflag:$0x4] =	stream.indirect.gather [hbm4b:s4+s16], $0x40, s9, s16, $0xb8;
	[tilespmem:$0x1F000] =	vst v63  }
0x199: {  	s15 =	sadd.s32 $0x200, s7  }
0x19a: {  	[tilespmem:s21], [sflag:$0x5] =	stream.indirect.gather [hbm4b:s4+s16], $0x40, s15, s16, $0xb8;
	[tilespmem:$0x1F000] =	vst v63  }
0x19b: {  	s9 =	sadd.s32 $0x280, s7  }
0x19c: {  	[tilespmem:s22], [sflag:$0x6] =	stream.indirect.gather [hbm4b:s4+s16], $0x40, s9, s16, $0xb8;
	[tilespmem:$0x1F000] =	vst v63  }
0x19d: {  	s15 =	sadd.s32 $0x300, s7  }
0x19e: {  	[tilespmem:s23], [sflag:$0x7] =	stream.indirect.gather [hbm4b:s4+s16], $0x40, s15, s16, $0xb8;
	[tilespmem:$0x1F000] =	vst v63  }
0x19f: {  	s9 =	sadd.s32 $0x380, s7  }
0x1a0: {  	[tilespmem:s24], [sflag:$0x8] =	stream.indirect.gather [hbm4b:s4+s16], $0x40, s9, s16, $0xb8;
	[tilespmem:$0x1F000] =	vst v63  }
0x1a1: {  	_ =	swait.ge [sflag:s25], $0x2000  }
0x1a2: {  	[sflag:s25] =	ssyncset.done $0x0  }
0x1a3: {  	s15 =	sadd.s32 $0x2800, s7;
	[sflag:s25] =	ssyncadd.s32 $0xFFFFE000  }
0x1a4: {  	[spmem:s2] =	stream.indirect.scatter.add.f32 [tilespmem:s17], [sflag:$0x9], $0x40, s15, s16, $0xb8;
	[tilespmem:$0x1F000] =	vst v63  }
0x1a5: {  	_ =	swait.ge [sflag:s26], $0x2000  }
0x1a6: {  	[sflag:s26] =	ssyncset.done $0x0  }
0x1a7: {  	s9 =	sadd.s32 $0x2880, s7;
	[sflag:s26] =	ssyncadd.s32 $0xFFFFE000  }
0x1a8: {  	[spmem:s2] =	stream.indirect.scatter.add.f32 [tilespmem:s18], [sflag:$0x9], $0x40, s9, s16, $0xb8;
	[tilespmem:$0x1F000] =	vst v63  }
0x1a9: {  	_ =	swait.ge [sflag:s28], $0x2000  }
0x1aa: {  	[sflag:s28] =	ssyncset.done $0x0  }
0x1ab: {  	s15 =	sadd.s32 $0x2900, s7;
	[sflag:s28] =	ssyncadd.s32 $0xFFFFE000  }
0x1ac: {  	[spmem:s2] =	stream.indirect.scatter.add.f32 [tilespmem:s19], [sflag:$0x9], $0x40, s15, s16, $0xb8;
	[tilespmem:$0x1F000] =	vst v63  }
0x1ad: {  	_ =	swait.ge [sflag:s29], $0x2000  }
0x1ae: {  	[sflag:s29] =	ssyncset.done $0x0  }
0x1af: {  	s9 =	sadd.s32 $0x2980, s7;
	[sflag:s29] =	ssyncadd.s32 $0xFFFFE000  }
0x1b0: {  	[spmem:s2] =	stream.indirect.scatter.add.f32 [tilespmem:s20], [sflag:$0x9], $0x40, s9, s16, $0xb8;
	[tilespmem:$0x1F000] =	vst v63  }
0x1b1: {  	_ =	swait.ge [sflag:s30], $0x2000  }
0x1b2: {  	[sflag:s30] =	ssyncset.done $0x0  }
0x1b3: {  	s15 =	sadd.s32 $0x2A00, s7;
	[sflag:s30] =	ssyncadd.s32 $0xFFFFE000  }
0x1b4: {  	[spmem:s2] =	stream.indirect.scatter.add.f32 [tilespmem:s21], [sflag:$0x9], $0x40, s15, s16, $0xb8;
	[tilespmem:$0x1F000] =	vst v63  }
0x1b5: {  	_ =	swait.ge [sflag:s31], $0x2000  }
0x1b6: {  	[sflag:s31] =	ssyncset.done $0x0  }
0x1b7: {  	s9 =	sadd.s32 $0x2A80, s7;
	[sflag:s31] =	ssyncadd.s32 $0xFFFFE000  }
0x1b8: {  	[spmem:s2] =	stream.indirect.scatter.add.f32 [tilespmem:s22], [sflag:$0x9], $0x40, s9, s16, $0xb8;
	[tilespmem:$0x1F000] =	vst v63  }
0x1b9: {  	_ =	swait.ge [sflag:s0], $0x2000  }
0x1ba: {  	[sflag:s0] =	ssyncset.done $0x0  }
0x1bb: {  	s15 =	sadd.s32 $0x2B00, s7;
	[sflag:s0] =	ssyncadd.s32 $0xFFFFE000  }
0x1bc: {  	[spmem:s2] =	stream.indirect.scatter.add.f32 [tilespmem:s23], [sflag:$0x9], $0x40, s15, s16, $0xb8;
	[tilespmem:$0x1F000] =	vst v63  }
0x1bd: {  	_ =	swait.ge [sflag:s1], $0x2000  }
0x1be: {  	[sflag:s1] =	ssyncset.done $0x0  }
0x1bf: {  	s7 =	sadd.s32 $0x2B80, s7;
	[sflag:s1] =	ssyncadd.s32 $0xFFFFE000  }
0x1c0: {  	[spmem:s2] =	stream.indirect.scatter.add.f32 [tilespmem:s24], [sflag:$0x9], $0x40, s7, s16, $0xb8;
	[tilespmem:$0x1F000] =	vst v63  }
0x1c1: {  	_ =	swait.ge [sflag:s3], $0x2000  }
0x1c2: {  	[sflag:s3] =	ssyncset.done $0x0  }
0x1c3: {  	[sflag:s3] =	ssyncadd.s32 $0xFFFFE000  }
0x1c4: {  	_ =	swait.ge [sflag:s3], $0x2000  }
0x1c5: {  	[sflag:s3] =	ssyncset.done $0x0  }
0x1c6: {  	[sflag:s3] =	ssyncadd.s32 $0xFFFFE000  }
0x1c7: {  	_ =	swait.ge [sflag:s3], $0x2000  }
0x1c8: {  	[sflag:s3] =	ssyncset.done $0x0  }
0x1c9: {  	[sflag:s3] =	ssyncadd.s32 $0xFFFFE000  }
0x1ca: {  	_ =	swait.ge [sflag:s3], $0x2000  }
0x1cb: {  	[sflag:s3] =	ssyncset.done $0x0  }
0x1cc: {  	[sflag:s3] =	ssyncadd.s32 $0xFFFFE000  }
0x1cd: {  	_ =	swait.ge [sflag:s3], $0x2000  }
0x1ce: {  	[sflag:s3] =	ssyncset.done $0x0  }
0x1cf: {  	[sflag:s3] =	ssyncadd.s32 $0xFFFFE000  }
0x1d0: {  	_ =	swait.ge [sflag:s3], $0x2000  }
0x1d1: {  	[sflag:s3] =	ssyncset.done $0x0  }
0x1d2: {  	[sflag:s3] =	ssyncadd.s32 $0xFFFFE000  }
0x1d3: {  	_ =	swait.ge [sflag:s3], $0x2000  }
0x1d4: {  	[sflag:s3] =	ssyncset.done $0x0  }
0x1d5: {  	[sflag:s3] =	ssyncadd.s32 $0xFFFFE000  }
0x1d6: {  	_ =	swait.ge [sflag:s3], $0x2000  }
0x1d7: {  	s5 =	sadd.s32 $0x1, s5;
	[sflag:s3] =	ssyncset.done $0x0  }
0x1d8: {  	p0 =	sne.s32 s5, s12;
	[sflag:s3] =	ssyncadd.s32 $0xFFFFE000  }
.Ltmp2:
0x1d9: {  	[bflag:$0x0] =	sbarrier.arrive $0xFFFF;
	(pc) =	sbr.rel @p0 .LBB2_1-.Ltmp2, $4  }
0x1da: {  	[hbm:s11], [sflag:s6] =	dma.local [spmem:s13], $0x1400  }
0x1db: {  	_ =	swait.ge [sflag:s14], $0x1400  }
0x1dc: {  	[sflag:s14] =	ssyncset.done $0x0  }
0x1dd: {  	[sflag:s14] =	ssyncadd.s32 $0xFFFFEC00  }
0x1de: {  	_ =	sfence.sel $0x180000  }
0x1df: {  	[bflag:$0x0] =	sbarrier.arrive $0xFFFF  }
0x1e0: {  	_ =	strace $0x9000004D  }
0x1e1: {  	s0 =	stileid.u32;
	[bflag:$0x2] =	sbarrier.arrive $0xFFFF  }
0x1e2: {  	p0 =	sne.s32 s0, $0x0;
	s0 =	rddreg [dreg:$0x2]  }
0x1e3: {  	s0 =	sadd.s32 @!p0 $0x100000, s0  }
0x1e4: {  	[sflag:s0] =	ssyncadd.tile.s32 @!p0 $0x1;
	_ =	shalt  }
.Lfunc_end2:
_tile_overlayer_lowered:
.L_overlay_start_2:
0x1e5: {  	(tag) =	ssettag $0x2  }
0x1e6: {  	s0 =	rddreg [dreg:$0x0];
	s2 =	stileid.u32  }
0x1e7: {  	s1 =	rddreg [dreg:$0x1];
	p0 =	sne.s32 s2, $0x0  }
0x1e8: {  	s3 =	rddreg [dreg:$0x2];
	[bflag:$0x3] =	sbarrier.arrive $0xFFFF;
	s2 =	simm.s32 @!p0 $0x1C0A  }
0x1e9: {  	[timem:s3], [sflag:s2] =	dma.local @!p0 [hbm:s0], s1  }
0x1ea: {  	s0 =	simm.s32 @!p0 $0xA  }
0x1eb: {  	_ =	swait.ge @!p0 [sflag:s0], s1  }
0x1ec: {  	s1 =	ssub.s32 @!p0 $0x0, s1;
	[sflag:s0] =	ssyncset.done @!p0 $0x0  }
0x1ed: {  	[sflag:s0] =	ssyncadd.s32 @!p0 s1  }
0x1ee: {  	[bflag:$0x3] =	sbarrier.arrive $0xFFFF  }
0x1ef: {  	_ =	shalt  }

// kernel: kernel.20.cloned.1.call-start
scs
__scs_entry_jumppad:
0x0: {  	(pc) =	sbr.rel $0x88, $3  }
0x1: {  	(tag) =	ssettag $0x0;
	lr =	simm.s32 $0x1  }
0x2: {  	[smem:$0x3F91] =	sst lr;
	_ =	strace $0xD0000000  }
0x3: {  	_ = 	snop  }
0x4: {  	_ = 	snop  }
0x5: {  	_ = 	snop  }
0x6: {  	_ = 	snop  }
0x7: {  	_ = 	snop  }
__scs_overlays_trampoline_lowered:
0x8: {  	[smem:$0x3FA0] =	sst s0  }
0x9: {  	[smem:$0x3FA1] =	sst s1  }
0xa: {  	[smem:$0x3FA2] =	sst s2  }
0xb: {  	[smem:$0x3FA3] =	sst s3  }
0xc: {  	[smem:$0x3FA4] =	sst s4  }
0xd: {  	[smem:$0x3FA5] =	sst s5  }
0xe: {  	[smem:$0x3FA6] =	sst s6  }
0xf: {  	[smem:$0x3FA7] =	sst s7  }
0x10: {  	[smem:$0x3FA8] =	sst s8  }
0x11: {  	[smem:$0x3FA9] =	sst s9;
	s0 =	simm.s32 @!p0 $0x0  }
0x12: {  	s1 =	sld [smem:$0x3F8F];
	s0 =	simm.s32 @p0 $0x1  }
0x13: {  	[smem:$0x3FAA] =	sst s0;
	s0 =	simm.s32 @!p1 $0x0  }
0x14: {  	s2 =	sld [smem:$0x3F8E];
	s0 =	simm.s32 @p1 $0x1  }
0x15: {  	[smem:$0x3FAB] =	sst s0;
	s0 =	simm.s32 @!p2 $0x0  }
0x16: {  	s3 =	sld [smem:$0x3FDB];
	s0 =	simm.s32 @p2 $0x1  }
0x17: {  	s4 =	simm.s32 $0x1BF5;
	[smem:$0x3FAD] =	sst s0  }
0x18: {  	s0 =	sld [smem:$0x3F90];
	_ =	swait.ge [sflag:s4], $0x0  }
0x19: {  	s7 =	sld [smem:$0x3F91]  }
0x1a: {  	s8 =	sadd.s32 $0xFFFFE003, lr  }
0x1b: {  	s9 =	sadd.s32 $0xFFFFFEF7, lr;
	s5 =	simm.s32 $0xFFFFFFFF;
	p2 =	slt.u32 s8, $0xFFFFF086  }
0x1c: {  	p1 =	slt.u32 s9, $0xF7A;
	s5 =	simm.s32 @!p2 $0x0  }
0x1d: {  	s5 =	simm.s32 @p1 $0x1;
	p0 =	seq.s32 s7, s2  }
0x1e: {  	s7 =	smul.u32 @!p0 $0xF7A, s2;
	p2 =	seq.s32 @!p0 s5, $0x0  }
0x1f: {  	s9 =	smul.u32 $0xF7A, s1;
	s8 =	simm.s32 @!p0 $0x1BF5;
	p2 =	por !p2, p0  }
0x20: {  	[sflag:s8] =	ssyncset.s32 @!p0 $0xFFFFF086;
	s6 =	sadd.s32 @!p0 s3, s7;
	s7 =	simm.s32 @!p0 $0x108  }
0x21: {  	s3 =	sadd.s32 s3, s9;
	s6 =	sadd.s32 @!p0 $0x88, s6;
	s7 =	simm.s32 @p2 $0x1082  }
0x22: {  	[simem:s7], [sflag:s8] =	dma.local @!p0 [hbm:s6], $0xF7A  }
0x23: {  	s9 =	sor.u32 $0xD0000000, s2;
	s6 =	simm.s32 $0x108;
	_ =	swait.ge @!p0 [sflag:s8], $0x0  }
0x24: {  	s3 =	sadd.s32 $0x88, s3;
	s6 =	simm.s32 @!p1 $0x1082;
	[sflag:s4] =	ssyncset.s32 $0xFFFFF086  }
0x25: {  	[simem:s6], [sflag:s4] =	dma.local [hbm:s3], $0xF7A  }
0x26: {  	[smem:$0x3F91] =	sst s1;
	(tag) =	ssettag s2;
	_ =	strace s9  }
0x27: {  	s1 =	sld [smem:$0x3FA1]  }
0x28: {  	s2 =	sld [smem:$0x3FA2]  }
0x29: {  	s4 =	sld [smem:$0x3FA4]  }
0x2a: {  	p0 =	seq.s32 s5, $0x0;
	s5 =	sld [smem:$0x3FA5]  }
0x2b: {  	s6 =	sld [smem:$0x3FA6]  }
0x2c: {  	s7 =	sld [smem:$0x3FA7]  }
0x2d: {  	s3 =	simm.s32 $0x108;
	s8 =	sld [smem:$0x3FA8]  }
0x2e: {  	s3 =	simm.s32 @!p0 $0x1082;
	s9 =	sld [smem:$0x3FA9]  }
0x2f: {  	lr =	sadd.s32 s0, s3;
	s0 =	sld [smem:$0x3FA0]  }
0x30: {  	s3 =	sld [smem:$0x3FA3]  }
0x31: {  	[smem:$0x3FAC] =	sst s10  }
0x32: {  	s10 =	sld [smem:$0x3FAA];
	_ =	sdelay $0x3  }
0x33: {  	p0 =	seq.s32 s10, $0x1;
	s10 =	sld [smem:$0x3FAC];
	_ =	sdelay $0x3  }
0x34: {  	[smem:$0x3FAC] =	sst s10  }
0x35: {  	s10 =	sld [smem:$0x3FAB];
	_ =	sdelay $0x3  }
0x36: {  	p1 =	seq.s32 s10, $0x1;
	s10 =	sld [smem:$0x3FAC];
	_ =	sdelay $0x3  }
0x37: {  	[smem:$0x3FAC] =	sst s10  }
0x38: {  	s10 =	sld [smem:$0x3FAD]  }
0x39: {  	_ = 	snop;
	(pc) =	sbr.ind lr, $3  }
0x3a: {  	_ = 	snop  }
0x3b: {  	_ = 	snop  }
0x3c: {  	p2 =	seq.s32 s10, $0x1;
	s10 =	sld [smem:$0x3FAC]  }
0x3d: {  	_ =	shalt  }
0x3e: {  	_ =	shalt  }
0x3f: {  	_ =	shalt  }
0x40: {  	_ =	shalt  }
0x41: {  	_ =	shalt  }
0x42: {  	_ =	shalt  }
0x43: {  	_ =	shalt  }
0x44: {  	_ =	shalt  }
0x45: {  	_ =	shalt  }
0x46: {  	_ =	shalt  }
0x47: {  	_ =	shalt  }
0x48: {  	_ =	shalt  }
0x49: {  	_ =	shalt  }
0x4a: {  	_ =	shalt  }
0x4b: {  	_ =	shalt  }
0x4c: {  	_ =	shalt  }
0x4d: {  	_ =	shalt  }
0x4e: {  	_ =	shalt  }
0x4f: {  	_ =	shalt  }
0x50: {  	_ =	shalt  }
0x51: {  	_ =	shalt  }
0x52: {  	_ =	shalt  }
0x53: {  	_ =	shalt  }
0x54: {  	_ =	shalt  }
0x55: {  	_ =	shalt  }
0x56: {  	_ =	shalt  }
0x57: {  	_ =	shalt  }
0x58: {  	_ =	shalt  }
0x59: {  	_ =	shalt  }
0x5a: {  	_ =	shalt  }
0x5b: {  	_ =	shalt  }
0x5c: {  	_ =	shalt  }
0x5d: {  	_ =	shalt  }
0x5e: {  	_ =	shalt  }
0x5f: {  	_ =	shalt  }
0x60: {  	_ =	shalt  }
0x61: {  	_ =	shalt  }
0x62: {  	_ =	shalt  }
0x63: {  	_ =	shalt  }
0x64: {  	_ =	shalt  }
0x65: {  	_ =	shalt  }
0x66: {  	_ =	shalt  }
0x67: {  	_ =	shalt  }
0x68: {  	_ =	shalt  }
0x69: {  	_ =	shalt  }
0x6a: {  	_ =	shalt  }
0x6b: {  	_ =	shalt  }
0x6c: {  	_ =	shalt  }
0x6d: {  	_ =	shalt  }
0x6e: {  	_ =	shalt  }
0x6f: {  	_ =	shalt  }
0x70: {  	_ =	shalt  }
0x71: {  	_ =	shalt  }
0x72: {  	_ =	shalt  }
0x73: {  	_ =	shalt  }
0x74: {  	_ =	shalt  }
0x75: {  	_ =	shalt  }
0x76: {  	_ =	shalt  }
0x77: {  	_ =	shalt  }
0x78: {  	_ =	shalt  }
0x79: {  	_ =	shalt  }
0x7a: {  	_ =	shalt  }
0x7b: {  	_ =	shalt  }
0x7c: {  	_ =	shalt  }
0x7d: {  	_ =	shalt  }
0x7e: {  	_ =	shalt  }
0x7f: {  	_ =	shalt  }
0x80: {  	_ =	shalt  }
0x81: {  	_ =	shalt  }
0x82: {  	_ =	shalt  }
0x83: {  	_ =	shalt  }
0x84: {  	_ =	shalt  }
0x85: {  	_ =	shalt  }
0x86: {  	_ =	shalt  }
0x87: {  	_ =	shalt  }
.Lfunc_end0:
.L_simem_size_0:
called_computation.3_lowered:
.L_overlay_start_0:
0x88: {  	s2 =	sld [smem:$0x3FD9]  }
0x89: {  	s3 =	sld [smem:$0x3FFE];
	_ =	sdelay $0x1  }
0x8a: {  	s1 =	srdreg.scid  }
0x8b: {  	s0 =	sand.u32 $0x1, s1  }
0x8c: {  	s16 =	sshll.u32 s0, $0xA;
	s2 =	sadd.s32 s3, s2  }
0x8d: {  	s2 =	sadd.s32 s2, s16  }
0x8e: {  	[smem:$0x3FB8] =	sst s2  }
0x8f: {  	_ = 	snop  }
0x90: {  	(tm) =	ssettm $0x1  }
0x91: {  	s17 =	sld [smem:$0x3FFB];
	_ =	sdelay $0x3  }
0x92: {  	_ =	strace s17  }
0x93: {  	s2 =	sld [smem:$0x3FFC];
	_ =	sdelay $0x3  }
0x94: {  	_ =	strace s2  }
0x95: {  	s2 =	sld [smem:$0x3FFD];
	_ =	sdelay $0x3  }
0x96: {  	_ =	strace s2  }
0x97: {  	_ =	strace $0x8FFFFFFF  }
0x98: {  	s18 =	sld [smem:$0x3FDB];
	_ =	sdelay $0x1  }
0x99: {  	s19 =	simm.s32 $_scs_section_size  }
0x9a: {  	s4 =	simm.s32 $_size__tile_overlayer_lowered;
	s5 =	simm.s32 $_tile_overlayer_lowered  }
0x9b: {  	s22 =	simm.s32 $0x1BFF;
	s21 =	sshll.u32 s5, $0x1;
	s2 =	sadd.s32 s19, s18  }
0x9c: {  	s6 =	simm.s32 $0x0;
	s20 =	sshll.u32 s4, $0x1;
	s4 =	sadd.s32 s21, s2  }
0x9d: {  	[timem:s6], [sflag:s22] =	dma.local [hbm:s4], s20  }
0x9e: {  	_ =	swait.ge [sflag:s22], s20  }
0x9f: {  	s3 =	ssub.s32 $0x0, s20;
	[sflag:s22] =	ssyncset.done $0x0  }
0xa0: {  	[sflag:s22] =	ssyncadd.s32 s3;
	_ =	sdelay $0x1  }
0xa1: {  	s23 =	simm.s32 $0x1B8B  }
0xa2: {  	_ =	swait.ge [sflag:s23], $0x1  }
0xa3: {  	[sflag:s23] =	ssyncset.done $0x0  }
0xa4: {  	s25 =	simm.s32 $0x1B8E;
	s24 =	sld [smem:$0x3FFE];
	[sflag:s23] =	ssyncadd.s32 $0xFFFFFFFF  }
0xa5: {  	s26 =	simm.s32 $execute0_lowered;
	[smem:$0x3FD2] =	sst s25  }
0xa6: {  	s4 =	sshll.u32 s26, $0x1;
	_ =	strace $0x8000004F;
	[dreg:$0x1] =	wrdreg $0xFFFFFFFF  }
0xa7: {  	s28 =	simm.s32 $_size_execute0_lowered;
	s2 =	sadd.s32 s2, s4;
	[dreg:$0x0] =	wrdreg $0x0  }
0xa8: {  	s4 =	sshll.u32 s28, $0x1;
	[dreg:$0x2] =	wrdreg s2  }
0xa9: {  	[dreg:$0x3] =	wrdreg s4  }
0xaa: {  	[dreg:$0x4] =	wrdreg $0xC0  }
0xab: {  	_ =	task [dreg:s6], $0x5FFFF  }
0xac: {  	[dreg:$0x1] =	wrdreg $0xFFFFFFFF  }
0xad: {  	[dreg:$0x0] =	wrdreg $0x60  }
0xae: {  	[dreg:$0x2] =	wrdreg s24  }
0xaf: {  	[dreg:$0x3] =	wrdreg $0x90000  }
0xb0: {  	[dreg:$0x4] =	wrdreg $0x9  }
0xb1: {  	_ =	task.clear_ibuf [dreg:s6], $0x5FFFF;
	_ =	strace $0x9000004F  }
0xb2: {  	s29 =	simm.s32 $0x9;
	_ =	strace $0x80000051  }
0xb3: {  	_ =	swait.ge [sflag:s29], $0x1  }
0xb4: {  	[sflag:s29] =	ssyncadd.s32 $0xFFFFFFFF  }
0xb5: {  	_ =	strace $0x90000051  }
0xb6: {  	_ =	sfence  }
0xb7: {  	s30 =	sld [smem:$0x0];
	_ =	sdelay $0x2  }
0xb8: {  	s31 =	sshll.u32 s1, $0xD;
	s1 =	sshrl.u32 s1, $0x2  }
0xb9: {  	s3 =	sand.u32 $0x4000, s31;
	s1 =	sadd.s32 s1, s30  }
0xba: {  	s0 =	sor.u32 s3, s0;
	s1 =	sshll.u32 s1, $0x11  }
0xbb: {  	s0 =	sor.u32 s1, s0  }
0xbc: {  	s0 =	sadd.s32 $0x8F2B, s0  }
0xbd: {  	[sflag:s0] =	ssyncadd.remote.s32 $0x1  }
0xbe: {  	_ =	sfence.sel $0xFFFF  }
0xbf: {  	[dreg:$0x0] =	wrdreg $0xFFFFFFFF;
	(pc) =	sbr.abs _section_cstart, $3  }
0xc0: {  	[dreg:$0x1] =	wrdreg $0xFFFFFFFF  }
0xc1: {  	_ =	task.clear_ibuf [dreg:s6], $0x2FFFF;
	_ =	strace $0x9FFFFFFF  }
0xc2: {  	(tm) =	ssettm $0x7FFFFFFF  }
0xc3: {  	_ =	shalt  }
tec
execute0_lowered:
.L_overlay_start_1:
0x0: {  	(tag) =	ssettag $0x1  }
0x1: {  	s0 =	rddreg [dreg:$0x0]  }
0x2: {  	s2 =	rddreg [dreg:$0x1]  }
0x3: {  	s4 =	simm.s32 $0x0;
	s1 =	srdreg.scid;
	s9 =	stileid.u32  }
0x4: {  	s12 =	simm.s32 $0x11;
	s14 =	simm.s32 $0x80;
	s15 =	simm.s32 $0x5000  }
0x5: {  	s16 =	simm.s32 $0x5800;
	s17 =	simm.s32 $0x6000;
	s18 =	simm.s32 $0x6800  }
0x6: {  	s19 =	simm.s32 $0x7000;
	s20 =	simm.s32 $0x7800;
	s21 =	simm.s32 $0x8000  }
0x7: {  	s28 =	simm.s32 $0x5;
	s29 =	simm.s32 $0x6;
	s30 =	simm.s32 $0x7  }
0x8: {  	s31 =	simm.s32 $0x8;
	s10 =	simm.s32 $0xB;
	s1 =	sand.u32 $0x1, s1  }
0x9: {  	s3 =	sshll.u32 s9, $0x1;
	s5 =	smul.u32 $0x2800, s9;
	[smem:$0x7FF] =	sst s4  }
0xa: {  	s4 =	sadd.s32 $0xCA00, s0;
	s25 =	sshll.u32 s9, $0x6;
	s9 =	simm.s32 $0x0  }
0xb: {  	s3 =	sor.u32 s1, s3;
	s6 =	smul.u32 $0x28000, s1;
	_ =	strace $0x80000050  }
0xc: {  	s1 =	ssub.s32 $0x2, s1;
	s11 =	sor.u32 $0x1C11, s25;
	s25 =	simm.s32 $0x3  }
0xd: {  	[dreg:$0xa] =	wrdreg s9;
	s3 =	smul.u32 $0x500, s3;
	s8 =	sshrl.u32 s1, $0x1  }
0xe: {  	s23 =	sadd.s32 s5, s2;
	[dreg:$0x8] =	wrdreg s11;
	s7 =	sadd.s32 s5, s6  }
0xf: {  	s1 =	ssub.s32 s1, s8;
	s6 =	sshrl.u32 s6, $0x3;
	s5 =	sshrl.u32 s5, $0x3  }
0x10: {  	s13 =	sshrl.u32 s23, $0x3;
	s23 =	simm.s32 $0x1;
	s8 =	simm.s32 $0x10  }
0x11: {  	s3 =	sadd.s32 s3, s0;
	s7 =	sshrl.u32 s7, $0x3;
	s6 =	sadd.s32 s4, s6  }
0x12: {  	s24 =	smax.u32 s1, $0x1;
	s1 =	simm.s32 $0xA;
	[dreg:$0x9] =	wrdreg s13  }
0x13: {  	s0 =	sadd.s32 s7, s0;
	s22 =	sadd.s32 $0x16A00, s3;
	s3 =	sadd.s32 $0x2A00, s3  }
0x14: {  	[dreg:$0x6] =	wrdreg s24;
	s26 =	sadd.s32 s5, s6;
	s24 =	simm.s32 $0x2  }
0x15: {  	s5 =	simm.s32 $0xD;
	s6 =	simm.s32 $0xE;
	[dreg:$0x3] =	wrdreg s22  }
0x16: {  	s7 =	simm.s32 $0xF;
	[dreg:$0x4] =	wrdreg s3;
	s0 =	sadd.s32 $0x20A00, s0  }
0x17: {  	[dreg:$0x7] =	wrdreg s26;
	s22 =	simm.s32 $0x8800;
	s26 =	simm.s32 $0x4  }
0x18: {  	s3 =	simm.s32 $0xC;
	[dreg:$0x5] =	wrdreg s0;
	s0 =	simm.s32 $0x9  }
.LBB2_1:
0x19: {  	s9 =	simm.s32 $0x0;
	s11 =	rddreg [dreg:$0x3]  }
0x1a: {  	[tilespmem:s9], [sflag:$0x11] =	stream.linear.gather [hbm4b:s11+s9], $0x2800, $0x38;
	[tilespmem:$0xB800] =	vst v63  }
0x1b: {  	_ =	swait.ge [sflag:s12], $0x2800  }
0x1c: {  	[sflag:s12] =	ssyncset.done $0x0  }
0x1d: {  	s13 =	simm.s32 $0x2800;
	s11 =	rddreg [dreg:$0x4];
	[sflag:s12] =	ssyncadd.s32 $0xFFFFD800  }
0x1e: {  	[tilespmem:s13], [sflag:$0x11] =	stream.linear.gather [hbm4b:s11+s9], $0x2800, $0x38;
	[tilespmem:$0xB800] =	vst v63  }
0x1f: {  	_ =	swait.ge [sflag:s12], $0x2800  }
0x20: {  	s9 =	rddreg [dreg:$0x7]  }
0x21: {  	[sflag:s12] =	ssyncset.done $0x0;
	s11 =	rddreg [dreg:$0x8]  }
0x22: {  	s13 =	rddreg [dreg:$0x9];
	[sflag:s12] =	ssyncadd.s32 $0xFFFFD800  }
0x23: {  	[spmem:s13], [sflag:s11] =	dma.local [hbm:s9], $0x500  }
0x24: {  	_ =	swait.ge [sflag:s12], $0x500  }
0x25: {  	[sflag:s12] =	ssyncset.done $0x0  }
0x26: {  	[sflag:s12] =	ssyncadd.s32 $0xFFFFFB00  }
0x27: {  	s13 =	simm.s32 $0x0;
	[bflag:$0x0] =	sbarrier.arrive $0xFFFF  }
0x28: {  	[tilespmem:s15], [sflag:$0x1] =	stream.indirect.gather [hbm4b:s4+s14], $0x10, s13, s14, $0xb8;
	[tilespmem:$0xB800] =	vst v63  }
0x29: {  	s11 =	simm.s32 $0x80  }
0x2a: {  	[tilespmem:s16], [sflag:$0x2] =	stream.indirect.gather [hbm4b:s4+s14], $0x10, s11, s14, $0xb8;
	[tilespmem:$0xB800] =	vst v63  }
0x2b: {  	s12 =	simm.s32 $0x100  }
0x2c: {  	[tilespmem:s17], [sflag:$0x3] =	stream.indirect.gather [hbm4b:s4+s14], $0x10, s12, s14, $0xb8;
	[tilespmem:$0xB800] =	vst v63  }
0x2d: {  	s13 =	simm.s32 $0x180  }
0x2e: {  	[tilespmem:s18], [sflag:$0x4] =	stream.indirect.gather [hbm4b:s4+s14], $0x10, s13, s14, $0xb8;
	[tilespmem:$0xB800] =	vst v63  }
0x2f: {  	s11 =	simm.s32 $0x200  }
0x30: {  	[tilespmem:s19], [sflag:$0x5] =	stream.indirect.gather [hbm4b:s4+s14], $0x10, s11, s14, $0xb8;
	[tilespmem:$0xB800] =	vst v63  }
0x31: {  	s12 =	simm.s32 $0x280  }
0x32: {  	[tilespmem:s20], [sflag:$0x6] =	stream.indirect.gather [hbm4b:s4+s14], $0x10, s12, s14, $0xb8;
	[tilespmem:$0xB800] =	vst v63  }
0x33: {  	s13 =	simm.s32 $0x300  }
0x34: {  	[tilespmem:s21], [sflag:$0x7] =	stream.indirect.gather [hbm4b:s4+s14], $0x10, s13, s14, $0xb8;
	[tilespmem:$0xB800] =	vst v63  }
0x35: {  	s11 =	simm.s32 $0x380  }
0x36: {  	[tilespmem:s22], [sflag:$0x8] =	stream.indirect.gather [hbm4b:s4+s14], $0x10, s11, s14, $0xb8;
	[tilespmem:$0xB800] =	vst v63  }
0x37: {  	_ =	swait.ge [sflag:s23], $0x800  }
0x38: {  	[sflag:s23] =	ssyncset.done $0x0  }
0x39: {  	s12 =	simm.s32 $0x2800;
	[sflag:s23] =	ssyncadd.s32 $0xFFFFF800  }
0x3a: {  	[spmem:s2] =	stream.indirect.scatter.add.f32 [tilespmem:s15], [sflag:$0x9], $0x10, s12, s14, $0xb8;
	[tilespmem:$0xB800] =	vst v63  }
0x3b: {  	_ =	swait.ge [sflag:s24], $0x800  }
0x3c: {  	[sflag:s24] =	ssyncset.done $0x0  }
0x3d: {  	s13 =	simm.s32 $0x2880;
	[sflag:s24] =	ssyncadd.s32 $0xFFFFF800  }
0x3e: {  	[spmem:s2] =	stream.indirect.scatter.add.f32 [tilespmem:s16], [sflag:$0xA], $0x10, s13, s14, $0xb8;
	[tilespmem:$0xB800] =	vst v63  }
0x3f: {  	_ =	swait.ge [sflag:s25], $0x800  }
0x40: {  	[sflag:s25] =	ssyncset.done $0x0  }
0x41: {  	s11 =	simm.s32 $0x2900;
	[sflag:s25] =	ssyncadd.s32 $0xFFFFF800  }
0x42: {  	[spmem:s2] =	stream.indirect.scatter.add.f32 [tilespmem:s17], [sflag:$0xB], $0x10, s11, s14, $0xb8;
	[tilespmem:$0xB800] =	vst v63  }
0x43: {  	_ =	swait.ge [sflag:s26], $0x800  }
0x44: {  	[sflag:s26] =	ssyncset.done $0x0  }
0x45: {  	s12 =	simm.s32 $0x2980;
	[sflag:s26] =	ssyncadd.s32 $0xFFFFF800  }
0x46: {  	[spmem:s2] =	stream.indirect.scatter.add.f32 [tilespmem:s18], [sflag:$0xC], $0x10, s12, s14, $0xb8;
	[tilespmem:$0xB800] =	vst v63  }
0x47: {  	_ =	swait.ge [sflag:s28], $0x800  }
0x48: {  	[sflag:s28] =	ssyncset.done $0x0  }
0x49: {  	s13 =	simm.s32 $0x2A00;
	[sflag:s28] =	ssyncadd.s32 $0xFFFFF800  }
0x4a: {  	[spmem:s2] =	stream.indirect.scatter.add.f32 [tilespmem:s19], [sflag:$0xD], $0x10, s13, s14, $0xb8;
	[tilespmem:$0xB800] =	vst v63  }
0x4b: {  	_ =	swait.ge [sflag:s29], $0x800  }
0x4c: {  	[sflag:s29] =	ssyncset.done $0x0  }
0x4d: {  	s11 =	simm.s32 $0x2A80;
	[sflag:s29] =	ssyncadd.s32 $0xFFFFF800  }
0x4e: {  	[spmem:s2] =	stream.indirect.scatter.add.f32 [tilespmem:s20], [sflag:$0xE], $0x10, s11, s14, $0xb8;
	[tilespmem:$0xB800] =	vst v63  }
0x4f: {  	_ =	swait.ge [sflag:s30], $0x800  }
0x50: {  	[sflag:s30] =	ssyncset.done $0x0  }
0x51: {  	s12 =	simm.s32 $0x2B00;
	[sflag:s30] =	ssyncadd.s32 $0xFFFFF800  }
0x52: {  	[spmem:s2] =	stream.indirect.scatter.add.f32 [tilespmem:s21], [sflag:$0xF], $0x10, s12, s14, $0xb8;
	[tilespmem:$0xB800] =	vst v63  }
0x53: {  	_ =	swait.ge [sflag:s31], $0x800  }
0x54: {  	[sflag:s31] =	ssyncset.done $0x0  }
0x55: {  	s13 =	simm.s32 $0x2B80;
	[sflag:s31] =	ssyncadd.s32 $0xFFFFF800  }
0x56: {  	[spmem:s2] =	stream.indirect.scatter.add.f32 [tilespmem:s22], [sflag:$0x10], $0x10, s13, s14, $0xb8;
	[tilespmem:$0xB800] =	vst v63  }
0x57: {  	_ =	swait.ge [sflag:s0], $0x800  }
0x58: {  	[sflag:s0] =	ssyncset.done $0x0  }
0x59: {  	[sflag:s0] =	ssyncadd.s32 $0xFFFFF800  }
0x5a: {  	_ =	swait.ge [sflag:s1], $0x800  }
0x5b: {  	[sflag:s1] =	ssyncset.done $0x0  }
0x5c: {  	[sflag:s1] =	ssyncadd.s32 $0xFFFFF800  }
0x5d: {  	_ =	swait.ge [sflag:s10], $0x800  }
0x5e: {  	[sflag:s10] =	ssyncset.done $0x0  }
0x5f: {  	[sflag:s10] =	ssyncadd.s32 $0xFFFFF800  }
0x60: {  	_ =	swait.ge [sflag:s3], $0x800  }
0x61: {  	[sflag:s3] =	ssyncset.done $0x0  }
0x62: {  	[sflag:s3] =	ssyncadd.s32 $0xFFFFF800  }
0x63: {  	_ =	swait.ge [sflag:s5], $0x800  }
0x64: {  	[sflag:s5] =	ssyncset.done $0x0  }
0x65: {  	[sflag:s5] =	ssyncadd.s32 $0xFFFFF800  }
0x66: {  	_ =	swait.ge [sflag:s6], $0x800  }
0x67: {  	[sflag:s6] =	ssyncset.done $0x0  }
0x68: {  	[sflag:s6] =	ssyncadd.s32 $0xFFFFF800  }
0x69: {  	_ =	swait.ge [sflag:s7], $0x800  }
0x6a: {  	[sflag:s7] =	ssyncset.done $0x0  }
0x6b: {  	[sflag:s7] =	ssyncadd.s32 $0xFFFFF800  }
0x6c: {  	_ =	swait.ge [sflag:s8], $0x800  }
0x6d: {  	s12 =	simm.s32 $0x1000;
	s13 =	simm.s32 $0x2000;
	[sflag:s8] =	ssyncset.done $0x0  }
.LBB2_2:
0x6e: {  	s9 =	sshra.s32 s12, $0x2  }
0x6f: {  	[sflag:s8] =	ssyncadd.s32 $0xFFFFF800;
	s12 =	smov.u32 s13;
	s11 =	sadd.s32 $0x1000, s13  }
0x70: {  	[tilespmem:s15], [sflag:$0x1] =	stream.indirect.gather [hbm4b:s4+s14], $0x10, s9, s14, $0xb8;
	[tilespmem:$0xB800] =	vst v63  }
0x71: {  	p0 =	sne.s32 s13, $0x9000;
	s13 =	sadd.s32 $0x80, s9  }
0x72: {  	[tilespmem:s16], [sflag:$0x2] =	stream.indirect.gather [hbm4b:s4+s14], $0x10, s13, s14, $0xb8;
	[tilespmem:$0xB800] =	vst v63  }
0x73: {  	s13 =	sadd.s32 $0x100, s9  }
0x74: {  	[tilespmem:s17], [sflag:$0x3] =	stream.indirect.gather [hbm4b:s4+s14], $0x10, s13, s14, $0xb8;
	[tilespmem:$0xB800] =	vst v63  }
0x75: {  	s13 =	sadd.s32 $0x180, s9  }
0x76: {  	[tilespmem:s18], [sflag:$0x4] =	stream.indirect.gather [hbm4b:s4+s14], $0x10, s13, s14, $0xb8;
	[tilespmem:$0xB800] =	vst v63  }
0x77: {  	s13 =	sadd.s32 $0x200, s9  }
0x78: {  	[tilespmem:s19], [sflag:$0x5] =	stream.indirect.gather [hbm4b:s4+s14], $0x10, s13, s14, $0xb8;
	[tilespmem:$0xB800] =	vst v63  }
0x79: {  	s13 =	sadd.s32 $0x280, s9  }
0x7a: {  	[tilespmem:s20], [sflag:$0x6] =	stream.indirect.gather [hbm4b:s4+s14], $0x10, s13, s14, $0xb8;
	[tilespmem:$0xB800] =	vst v63  }
0x7b: {  	s13 =	sadd.s32 $0x300, s9  }
0x7c: {  	[tilespmem:s21], [sflag:$0x7] =	stream.indirect.gather [hbm4b:s4+s14], $0x10, s13, s14, $0xb8;
	[tilespmem:$0xB800] =	vst v63  }
0x7d: {  	s13 =	sadd.s32 $0x380, s9  }
0x7e: {  	[tilespmem:s22], [sflag:$0x8] =	stream.indirect.gather [hbm4b:s4+s14], $0x10, s13, s14, $0xb8;
	[tilespmem:$0xB800] =	vst v63  }
0x7f: {  	_ =	swait.ge [sflag:s23], $0x800  }
0x80: {  	[sflag:s23] =	ssyncset.done $0x0  }
0x81: {  	s13 =	sadd.s32 $0x2800, s9;
	[sflag:s23] =	ssyncadd.s32 $0xFFFFF800  }
0x82: {  	[spmem:s2] =	stream.indirect.scatter.add.f32 [tilespmem:s15], [sflag:$0x9], $0x10, s13, s14, $0xb8;
	[tilespmem:$0xB800] =	vst v63  }
0x83: {  	_ =	swait.ge [sflag:s24], $0x800  }
0x84: {  	[sflag:s24] =	ssyncset.done $0x0  }
0x85: {  	s13 =	sadd.s32 $0x2880, s9;
	[sflag:s24] =	ssyncadd.s32 $0xFFFFF800  }
0x86: {  	[spmem:s2] =	stream.indirect.scatter.add.f32 [tilespmem:s16], [sflag:$0xA], $0x10, s13, s14, $0xb8;
	[tilespmem:$0xB800] =	vst v63  }
0x87: {  	_ =	swait.ge [sflag:s25], $0x800  }
0x88: {  	[sflag:s25] =	ssyncset.done $0x0  }
0x89: {  	s13 =	sadd.s32 $0x2900, s9;
	[sflag:s25] =	ssyncadd.s32 $0xFFFFF800  }
0x8a: {  	[spmem:s2] =	stream.indirect.scatter.add.f32 [tilespmem:s17], [sflag:$0xB], $0x10, s13, s14, $0xb8;
	[tilespmem:$0xB800] =	vst v63  }
0x8b: {  	_ =	swait.ge [sflag:s26], $0x800  }
0x8c: {  	[sflag:s26] =	ssyncset.done $0x0  }
0x8d: {  	s13 =	sadd.s32 $0x2980, s9;
	[sflag:s26] =	ssyncadd.s32 $0xFFFFF800  }
0x8e: {  	[spmem:s2] =	stream.indirect.scatter.add.f32 [tilespmem:s18], [sflag:$0xC], $0x10, s13, s14, $0xb8;
	[tilespmem:$0xB800] =	vst v63  }
0x8f: {  	_ =	swait.ge [sflag:s28], $0x800  }
0x90: {  	[sflag:s28] =	ssyncset.done $0x0  }
0x91: {  	s13 =	sadd.s32 $0x2A00, s9;
	[sflag:s28] =	ssyncadd.s32 $0xFFFFF800  }
0x92: {  	[spmem:s2] =	stream.indirect.scatter.add.f32 [tilespmem:s19], [sflag:$0xD], $0x10, s13, s14, $0xb8;
	[tilespmem:$0xB800] =	vst v63  }
0x93: {  	_ =	swait.ge [sflag:s29], $0x800  }
0x94: {  	[sflag:s29] =	ssyncset.done $0x0  }
0x95: {  	s13 =	sadd.s32 $0x2A80, s9;
	[sflag:s29] =	ssyncadd.s32 $0xFFFFF800  }
0x96: {  	[spmem:s2] =	stream.indirect.scatter.add.f32 [tilespmem:s20], [sflag:$0xE], $0x10, s13, s14, $0xb8;
	[tilespmem:$0xB800] =	vst v63  }
0x97: {  	_ =	swait.ge [sflag:s30], $0x800  }
0x98: {  	[sflag:s30] =	ssyncset.done $0x0  }
0x99: {  	s13 =	sadd.s32 $0x2B00, s9;
	[sflag:s30] =	ssyncadd.s32 $0xFFFFF800  }
0x9a: {  	[spmem:s2] =	stream.indirect.scatter.add.f32 [tilespmem:s21], [sflag:$0xF], $0x10, s13, s14, $0xb8;
	[tilespmem:$0xB800] =	vst v63  }
0x9b: {  	_ =	swait.ge [sflag:s31], $0x800  }
0x9c: {  	[sflag:s31] =	ssyncset.done $0x0  }
0x9d: {  	s9 =	sadd.s32 $0x2B80, s9;
	[sflag:s31] =	ssyncadd.s32 $0xFFFFF800  }
0x9e: {  	[spmem:s2] =	stream.indirect.scatter.add.f32 [tilespmem:s22], [sflag:$0x10], $0x10, s9, s14, $0xb8;
	[tilespmem:$0xB800] =	vst v63  }
0x9f: {  	_ =	swait.ge [sflag:s0], $0x800  }
0xa0: {  	[sflag:s0] =	ssyncset.done $0x0  }
0xa1: {  	[sflag:s0] =	ssyncadd.s32 $0xFFFFF800  }
0xa2: {  	_ =	swait.ge [sflag:s1], $0x800  }
0xa3: {  	[sflag:s1] =	ssyncset.done $0x0  }
0xa4: {  	[sflag:s1] =	ssyncadd.s32 $0xFFFFF800  }
0xa5: {  	_ =	swait.ge [sflag:s10], $0x800  }
0xa6: {  	[sflag:s10] =	ssyncset.done $0x0  }
0xa7: {  	[sflag:s10] =	ssyncadd.s32 $0xFFFFF800  }
0xa8: {  	_ =	swait.ge [sflag:s3], $0x800  }
0xa9: {  	[sflag:s3] =	ssyncset.done $0x0  }
0xaa: {  	[sflag:s3] =	ssyncadd.s32 $0xFFFFF800  }
0xab: {  	_ =	swait.ge [sflag:s5], $0x800  }
0xac: {  	[sflag:s5] =	ssyncset.done $0x0  }
0xad: {  	[sflag:s5] =	ssyncadd.s32 $0xFFFFF800  }
0xae: {  	_ =	swait.ge [sflag:s6], $0x800  }
0xaf: {  	[sflag:s6] =	ssyncset.done $0x0  }
0xb0: {  	[sflag:s6] =	ssyncadd.s32 $0xFFFFF800  }
.Ltmp0:
0xb1: {  	_ =	swait.ge [sflag:s7], $0x800;
	(pc) =	sbr.rel @p0 .LBB2_2-.Ltmp0, $4  }
0xb2: {  	[sflag:s7] =	ssyncset.done $0x0  }
0xb3: {  	[sflag:s7] =	ssyncadd.s32 $0xFFFFF800  }
0xb4: {  	_ =	swait.ge [sflag:s8], $0x800  }
0xb5: {  	s13 =	smov.u32 s11;
	[sflag:s8] =	ssyncset.done $0x0  }
0xb6: {  	s9 =	sshra.s32 s12, $0x2;
	[sflag:s8] =	ssyncadd.s32 $0xFFFFF800  }
0xb7: {  	[tilespmem:s15], [sflag:$0x1] =	stream.indirect.gather [hbm4b:s4+s14], $0x10, s9, s14, $0xb8;
	[tilespmem:$0xB800] =	vst v63  }
0xb8: {  	s11 =	sadd.s32 $0x80, s9  }
0xb9: {  	[tilespmem:s16], [sflag:$0x2] =	stream.indirect.gather [hbm4b:s4+s14], $0x10, s11, s14, $0xb8;
	[tilespmem:$0xB800] =	vst v63  }
0xba: {  	s13 =	sadd.s32 $0x100, s9  }
0xbb: {  	[tilespmem:s17], [sflag:$0x3] =	stream.indirect.gather [hbm4b:s4+s14], $0x10, s13, s14, $0xb8;
	[tilespmem:$0xB800] =	vst v63  }
0xbc: {  	s12 =	sadd.s32 $0x180, s9  }
0xbd: {  	[tilespmem:s18], [sflag:$0x4] =	stream.indirect.gather [hbm4b:s4+s14], $0x10, s12, s14, $0xb8;
	[tilespmem:$0xB800] =	vst v63  }
0xbe: {  	s13 =	sadd.s32 $0x200, s9  }
0xbf: {  	[tilespmem:s19], [sflag:$0x5] =	stream.indirect.gather [hbm4b:s4+s14], $0x10, s13, s14, $0xb8;
	[tilespmem:$0xB800] =	vst v63  }
0xc0: {  	s12 =	sadd.s32 $0x280, s9  }
0xc1: {  	[tilespmem:s20], [sflag:$0x6] =	stream.indirect.gather [hbm4b:s4+s14], $0x10, s12, s14, $0xb8;
	[tilespmem:$0xB800] =	vst v63  }
0xc2: {  	s13 =	sadd.s32 $0x300, s9  }
0xc3: {  	[tilespmem:s21], [sflag:$0x7] =	stream.indirect.gather [hbm4b:s4+s14], $0x10, s13, s14, $0xb8;
	[tilespmem:$0xB800] =	vst v63  }
0xc4: {  	s12 =	sadd.s32 $0x380, s9  }
0xc5: {  	[tilespmem:s22], [sflag:$0x8] =	stream.indirect.gather [hbm4b:s4+s14], $0x10, s12, s14, $0xb8;
	[tilespmem:$0xB800] =	vst v63  }
0xc6: {  	_ =	swait.ge [sflag:s23], $0x800  }
0xc7: {  	[sflag:s23] =	ssyncset.done $0x0  }
0xc8: {  	s13 =	sadd.s32 $0x2800, s9;
	[sflag:s23] =	ssyncadd.s32 $0xFFFFF800  }
0xc9: {  	[spmem:s2] =	stream.indirect.scatter.add.f32 [tilespmem:s15], [sflag:$0x9], $0x10, s13, s14, $0xb8;
	[tilespmem:$0xB800] =	vst v63  }
0xca: {  	_ =	swait.ge [sflag:s24], $0x800  }
0xcb: {  	[sflag:s24] =	ssyncset.done $0x0  }
0xcc: {  	s12 =	sadd.s32 $0x2880, s9;
	[sflag:s24] =	ssyncadd.s32 $0xFFFFF800  }
0xcd: {  	[spmem:s2] =	stream.indirect.scatter.add.f32 [tilespmem:s16], [sflag:$0xA], $0x10, s12, s14, $0xb8;
	[tilespmem:$0xB800] =	vst v63  }
0xce: {  	_ =	swait.ge [sflag:s25], $0x800  }
0xcf: {  	[sflag:s25] =	ssyncset.done $0x0  }
0xd0: {  	s13 =	sadd.s32 $0x2900, s9;
	[sflag:s25] =	ssyncadd.s32 $0xFFFFF800  }
0xd1: {  	[spmem:s2] =	stream.indirect.scatter.add.f32 [tilespmem:s17], [sflag:$0xB], $0x10, s13, s14, $0xb8;
	[tilespmem:$0xB800] =	vst v63  }
0xd2: {  	_ =	swait.ge [sflag:s26], $0x800  }
0xd3: {  	[sflag:s26] =	ssyncset.done $0x0  }
0xd4: {  	s12 =	sadd.s32 $0x2980, s9;
	[sflag:s26] =	ssyncadd.s32 $0xFFFFF800  }
0xd5: {  	[spmem:s2] =	stream.indirect.scatter.add.f32 [tilespmem:s18], [sflag:$0xC], $0x10, s12, s14, $0xb8;
	[tilespmem:$0xB800] =	vst v63  }
0xd6: {  	_ =	swait.ge [sflag:s28], $0x800  }
0xd7: {  	[sflag:s28] =	ssyncset.done $0x0  }
0xd8: {  	s13 =	sadd.s32 $0x2A00, s9;
	[sflag:s28] =	ssyncadd.s32 $0xFFFFF800  }
0xd9: {  	[spmem:s2] =	stream.indirect.scatter.add.f32 [tilespmem:s19], [sflag:$0xD], $0x10, s13, s14, $0xb8;
	[tilespmem:$0xB800] =	vst v63  }
0xda: {  	_ =	swait.ge [sflag:s29], $0x800  }
0xdb: {  	[sflag:s29] =	ssyncset.done $0x0  }
0xdc: {  	s12 =	sadd.s32 $0x2A80, s9;
	[sflag:s29] =	ssyncadd.s32 $0xFFFFF800  }
0xdd: {  	[spmem:s2] =	stream.indirect.scatter.add.f32 [tilespmem:s20], [sflag:$0xE], $0x10, s12, s14, $0xb8;
	[tilespmem:$0xB800] =	vst v63  }
0xde: {  	_ =	swait.ge [sflag:s30], $0x800  }
0xdf: {  	[sflag:s30] =	ssyncset.done $0x0  }
0xe0: {  	s13 =	sadd.s32 $0x2B00, s9;
	[sflag:s30] =	ssyncadd.s32 $0xFFFFF800  }
0xe1: {  	[spmem:s2] =	stream.indirect.scatter.add.f32 [tilespmem:s21], [sflag:$0xF], $0x10, s13, s14, $0xb8;
	[tilespmem:$0xB800] =	vst v63  }
0xe2: {  	_ =	swait.ge [sflag:s31], $0x800  }
0xe3: {  	[sflag:s31] =	ssyncset.done $0x0  }
0xe4: {  	s9 =	sadd.s32 $0x2B80, s9;
	[sflag:s31] =	ssyncadd.s32 $0xFFFFF800  }
0xe5: {  	[spmem:s2] =	stream.indirect.scatter.add.f32 [tilespmem:s22], [sflag:$0x10], $0x10, s9, s14, $0xb8;
	[tilespmem:$0xB800] =	vst v63  }
0xe6: {  	_ =	swait.ge [sflag:s0], $0x800  }
0xe7: {  	[sflag:s0] =	ssyncset.done $0x0  }
0xe8: {  	[sflag:s0] =	ssyncadd.s32 $0xFFFFF800  }
0xe9: {  	_ =	swait.ge [sflag:s1], $0x800  }
0xea: {  	[sflag:s1] =	ssyncset.done $0x0  }
0xeb: {  	[sflag:s1] =	ssyncadd.s32 $0xFFFFF800  }
0xec: {  	_ =	swait.ge [sflag:s10], $0x800  }
0xed: {  	[sflag:s10] =	ssyncset.done $0x0  }
0xee: {  	[sflag:s10] =	ssyncadd.s32 $0xFFFFF800  }
0xef: {  	_ =	swait.ge [sflag:s3], $0x800  }
0xf0: {  	[sflag:s3] =	ssyncset.done $0x0  }
0xf1: {  	[sflag:s3] =	ssyncadd.s32 $0xFFFFF800  }
0xf2: {  	_ =	swait.ge [sflag:s5], $0x800  }
0xf3: {  	[sflag:s5] =	ssyncset.done $0x0  }
0xf4: {  	[sflag:s5] =	ssyncadd.s32 $0xFFFFF800  }
0xf5: {  	_ =	swait.ge [sflag:s6], $0x800  }
0xf6: {  	[sflag:s6] =	ssyncset.done $0x0  }
0xf7: {  	[sflag:s6] =	ssyncadd.s32 $0xFFFFF800  }
0xf8: {  	_ =	swait.ge [sflag:s7], $0x800  }
0xf9: {  	[sflag:s7] =	ssyncset.done $0x0  }
0xfa: {  	[sflag:s7] =	ssyncadd.s32 $0xFFFFF800  }
0xfb: {  	_ =	swait.ge [sflag:s8], $0x800  }
0xfc: {  	[sflag:s8] =	ssyncset.done $0x0  }
0xfd: {  	[sflag:s8] =	ssyncadd.s32 $0xFFFFF800  }
0xfe: {  	[bflag:$0x0] =	sbarrier.arrive $0xFFFF  }
0xff: {  	s12 =	rddreg [dreg:$0x5]  }
0x100: {  	s11 =	rddreg [dreg:$0x8]  }
0x101: {  	s13 =	rddreg [dreg:$0x9]  }
0x102: {  	[hbm:s12], [sflag:s11] =	dma.local [spmem:s13], $0x500  }
0x103: {  	s12 =	simm.s32 $0x11  }
0x104: {  	_ =	swait.ge [sflag:s12], $0x500  }
0x105: {  	s13 =	rddreg [dreg:$0xa]  }
0x106: {  	s11 =	rddreg [dreg:$0x6];
	s13 =	sadd.s32 $0x1, s13  }
0x107: {  	p0 =	sne.s32 s13, s11  }
.Ltmp1:
0x108: {  	_ = 	snop;
	(pc) =	sbr.rel @p0 .LBB2_1-.Ltmp1, $3  }
0x109: {  	_ =	sdelay $0x1  }
0x10a: {  	[sflag:s12] =	ssyncset.done $0x0  }
0x10b: {  	[sflag:s12] =	ssyncadd.s32 $0xFFFFFB00;
	[dreg:$0xa] =	wrdreg s13  }
0x10c: {  	_ =	sfence.sel $0x180000  }
0x10d: {  	[bflag:$0x0] =	sbarrier.arrive $0xFFFF  }
0x10e: {  	_ =	strace $0x90000050  }
0x10f: {  	s0 =	stileid.u32;
	[bflag:$0x2] =	sbarrier.arrive $0xFFFF  }
0x110: {  	p0 =	sne.s32 s0, $0x0;
	s0 =	rddreg [dreg:$0x2]  }
0x111: {  	s0 =	sadd.s32 @!p0 $0x100000, s0  }
0x112: {  	[sflag:s0] =	ssyncadd.tile.s32 @!p0 $0x1;
	_ =	shalt  }
.Lfunc_end2:
_tile_overlayer_lowered:
.L_overlay_start_2:
0x113: {  	(tag) =	ssettag $0x2  }
0x114: {  	s0 =	rddreg [dreg:$0x0];
	s2 =	stileid.u32  }
0x115: {  	s1 =	rddreg [dreg:$0x1];
	p0 =	sne.s32 s2, $0x0  }
0x116: {  	s3 =	rddreg [dreg:$0x2];
	[bflag:$0x3] =	sbarrier.arrive $0xFFFF;
	s2 =	simm.s32 @!p0 $0x1C11  }
0x117: {  	[timem:s3], [sflag:s2] =	dma.local @!p0 [hbm:s0], s1  }
0x118: {  	s0 =	simm.s32 @!p0 $0x11  }
0x119: {  	_ =	swait.ge @!p0 [sflag:s0], s1  }
0x11a: {  	s1 =	ssub.s32 @!p0 $0x0, s1;
	[sflag:s0] =	ssyncset.done @!p0 $0x0  }
0x11b: {  	[sflag:s0] =	ssyncadd.s32 @!p0 s1  }
0x11c: {  	[bflag:$0x3] =	sbarrier.arrive $0xFFFF  }
0x11d: {  	_ =	shalt  }

</sc_bundles>
